<compile_context>
chip_gen: v7x
topology: tpu7x:2x2x1
jax: 0.10.2.dev20260603
libtpu: 0.0.44.dev20260713+nightly
codegen_flags: <defaults>
</compile_context>

<pallas_src>
import functools

import jax
import jax.numpy as jnp
from jax import lax
from jax.experimental import pallas as pl
from jax.experimental.pallas import tpu as pltpu
from jax.experimental.pallas import tpu_sc as plsc

N_ROWS = 16384
TABLE_ROWS = 1_000_000
BASIC = 16
LANES = 16
NFEAT = 15

NUM_CORES = 2
NUM_SUBCORES = 16
NUM_WORKERS = NUM_CORES * NUM_SUBCORES
TILES_SMALL = 244
BLOCK = 1024
NPAIR = 15
CAP = 1024
CAPC = CAP + LANES
GCHUNK = 128
NCHUNKS = CAP // GCHUNK
DCAP = 64


@jax.jit
def _scatter_table_t(ids, *planes):
    mesh = plsc.VectorSubcoreMesh(core_axis_name="core", subcore_axis_name="subcore")

    @functools.partial(
        pl.kernel,
        out_type=jax.ShapeDtypeStruct((BASIC, TABLE_ROWS), jnp.float32),
        mesh=mesh,
        compiler_params=pltpu.CompilerParams(needs_layout_passes=False,
                                             disable_bounds_checks=True),
        scratch_types=[
            pltpu.VMEM((N_ROWS,), jnp.int32),
            pltpu.VMEM((CAPC,), jnp.int32),
            pltpu.VMEM((CAPC,), jnp.int32),
            pltpu.VMEM((BASIC * CAPC,), jnp.float32),
            pltpu.VMEM((BASIC, BLOCK), jnp.float32),
            pltpu.VMEM((BASIC, BLOCK), jnp.float32),
            pltpu.VMEM((CAPC,), jnp.int32),
            pltpu.VMEM((CAPC,), jnp.int32),
            pltpu.VMEM((2 * DCAP + LANES,), jnp.int32),
            pltpu.SemaphoreType.DMA,
            pltpu.SemaphoreType.DMA,
            pltpu.SemaphoreType.DMA,
        ],
    )
    def run(ids_hbm, *rest):
        plane_hbm = rest[:NFEAT]
        out_hbm = rest[NFEAT]
        (ids_v, rows_l, ids_l, vals_v, stage_a, stage_b, subp_v, subid_v,
         dlist_v, sem_g, sem_a, sem_b) = rest[NFEAT + 1:]

        wid = lax.axis_index("subcore") * NUM_CORES + lax.axis_index("core")
        tile_lo = wid * TILES_SMALL + jnp.minimum(wid, 4)
        col_lo = pl.multiple_of(tile_lo * 128, 128)
        ntiles = jnp.where(wid < 4, TILES_SMALL + 1, TILES_SMALL)
        col_hi = col_lo + ntiles * 128
        mask_hi = jnp.where(wid == NUM_WORKERS - 1, TABLE_ROWS, col_hi)
        has_tail = (wid < 4) | (wid == NUM_WORKERS - 1)
        iota = lax.iota(jnp.int32, LANES)
        lane0 = iota == 0
        zrow = jnp.zeros((LANES,), jnp.float32)
        neg1 = jnp.full((LANES,), -1, jnp.int32)
        c17 = jnp.full((LANES,), 17.0, jnp.float32)

        ids_copy = pltpu.async_copy(ids_hbm, ids_v, sem_g)

        @pl.loop(0, CAPC // LANES)
        def _(i):
            rows_l[pl.ds(i * LANES, LANES)] = (iota + i * LANES) * 8
            ids_l[pl.ds(i * LANES, LANES)] = neg1
            vals_v[pl.ds((BASIC - 1) * CAPC + i * LANES, LANES)] = c17

        @pl.loop(0, BLOCK // LANES)
        def _(j):
            for r in range(BASIC):
                stage_a[r, pl.ds(j * LANES, LANES)] = zrow
                stage_b[r, pl.ds(j * LANES, LANES)] = zrow

        ids_copy.wait()

        def scan_body(b, cnt):
            idv0 = ids_v[pl.ds(2 * b * LANES, LANES)]
            idv1 = ids_v[pl.ds((2 * b + 1) * LANES, LANES)]
            m0 = (idv0 >= col_lo) & (idv0 < mask_hi)
            m1 = (idv1 >= col_lo) & (idv1 < mask_hi)
            s0 = plsc.all_reduce_population_count(m0)[0]
            s1 = plsc.all_reduce_population_count(m1)[0]
            plsc.store_compressed(rows_l.at[pl.ds(cnt, LANES)],
                                  iota + 2 * b * LANES, mask=m0)
            plsc.store_compressed(ids_l.at[pl.ds(cnt, LANES)], idv0, mask=m0)
            c1 = jnp.minimum(cnt + s0, CAP)
            plsc.store_compressed(rows_l.at[pl.ds(c1, LANES)],
                                  iota + (2 * b + 1) * LANES, mask=m1)
            plsc.store_compressed(ids_l.at[pl.ds(c1, LANES)], idv1, mask=m1)
            return jnp.minimum(c1 + s1, CAP)

        with jax.named_scope("p1_scan"):
            cnt = lax.fori_loop(0, N_ROWS // LANES // 2, scan_body, 0)

        with jax.named_scope("p2_gather"):
            for k in range(NCHUNKS):
                @pl.when(k * GCHUNK < cnt)
                def _():
                    idx = rows_l.at[pl.ds(k * GCHUNK, GCHUNK)]
                    for r in range(NFEAT):
                        pltpu.async_copy(
                            plane_hbm[r].at[idx],
                            vals_v.at[pl.ds(r * CAPC + k * GCHUNK, GCHUNK)],
                            sem_g)

            nact = (cnt + GCHUNK - 1) // GCHUNK

            def drain_g(i, _):
                pltpu.make_async_copy(
                    plane_hbm[0].at[rows_l.at[pl.ds(0, GCHUNK)]],
                    vals_v.at[pl.ds(0, GCHUNK)], sem_g).wait()
                return 0

            lax.fori_loop(0, nact * NFEAT, drain_g, 0)

        def rezero(stage, dslot, dcnt):
            def few(_):
                def zb(q, _):
                    cc = dlist_v[pl.ds(dslot * DCAP + q, LANES)][0]
                    plsc.store_scatter(stage,
                                       [iota, jnp.full((LANES,), cc, jnp.int32)],
                                       zrow)
                    return 0
                lax.fori_loop(0, dcnt, zb, 0)
                return 0

            def full(_):
                def zb(j, _):
                    for r in range(BASIC):
                        stage[r, pl.ds(j * LANES, LANES)] = zrow
                    return 0
                lax.fori_loop(0, BLOCK // LANES, zb, 0)
                return 0

            lax.cond(dcnt <= DCAP, few, full, 0)

        def fill_block(s, stage, dslot):
            base = col_lo + s * BLOCK

            def sb(i, sc):
                idv = ids_l[pl.ds(i * LANES, LANES)]
                m = (idv >= base) & (idv < base + BLOCK)
                s2 = plsc.all_reduce_population_count(m)[0]
                plsc.store_compressed(subp_v.at[pl.ds(sc, LANES)],
                                      iota + i * LANES, mask=m)
                plsc.store_compressed(subid_v.at[pl.ds(sc, LANES)], idv,
                                      mask=m)
                return sc + s2

            nb = lax.fori_loop(0, (cnt + LANES - 1) // LANES, sb, 0)

            def wb(q, d):
                sp = subp_v[pl.ds(q, LANES)][0]
                sid = subid_v[pl.ds(q, LANES)][0]
                cc = sid - base
                val = plsc.load_gather(vals_v,
                                       [iota * CAPC + jnp.full((LANES,), sp,
                                                               jnp.int32)])
                plsc.store_scatter(stage,
                                   [iota, jnp.full((LANES,), cc, jnp.int32)], val)
                plsc.store_scatter(
                    dlist_v,
                    [jnp.full((LANES,), dslot * DCAP + jnp.minimum(d, DCAP - 1),
                              jnp.int32)],
                    jnp.full((LANES,), cc, jnp.int32), mask=lane0)
                return d + 1

            return lax.fori_loop(0, nb, wb, 0)

        def issue(stage, s, width, sem):
            base = pl.multiple_of(col_lo + s * BLOCK, 128)
            return pltpu.async_copy(
                stage.at[:, pl.ds(0, width)],
                out_hbm.at[:, pl.ds(base, width)], sem)

        def drain(stage, width, sem):
            pltpu.make_async_copy(
                stage.at[:, pl.ds(0, width)],
                out_hbm.at[:, pl.ds(0, width)], sem).wait()

        def pair_body(g, carry):
            da, db = carry

            def one(s, stage, sem, dslot, d):
                @pl.when(g > 0)
                def _():
                    drain(stage, BLOCK, sem)
                    rezero(stage, dslot, d)
                d2 = fill_block(s, stage, dslot)
                issue(stage, s, BLOCK, sem)
                return d2

            da = one(2 * g, stage_a, sem_a, 0, da)
            db = one(2 * g + 1, stage_b, sem_b, 1, db)
            return da, db

        with jax.named_scope("p5_blocks"):
            da, db = lax.fori_loop(0, NPAIR, pair_body, (0, 0))

        drain(stage_a, BLOCK, sem_a)
        rezero(stage_a, 0, da)
        fill_block(30, stage_a, 0)

        @pl.when(has_tail)
        def _():
            issue(stage_a, 30, 640, sem_a)
            drain(stage_a, 640, sem_a)

        @pl.when(jnp.logical_not(has_tail))
        def _():
            issue(stage_a, 30, 512, sem_a)
            drain(stage_a, 512, sem_a)

        drain(stage_b, BLOCK, sem_b)

    return run(ids, *planes)


def kernel(risk_data):
    ids = risk_data[:, 16].astype(jnp.int32)
    planes = tuple(risk_data[:, c].astype(jnp.float32) for c in range(1, 16))
    out_t = _scatter_table_t(ids, *planes)
    return out_t.T

# --- scband reference (transcript-rebuilt; emitter-appended) ---
"""Pipeline reference for scband-risk-info-15393162788997 (READ-ONLY COPY).

The authoritative reference and input builder live on the scoring server;
editing this copy changes nothing except your own understanding.
"""

import jax, jax.numpy as jnp
import numpy as np

COMPANY_NUM = 1000000
BASIC = 16
N_ROWS = 16384


def setup_inputs(seed: int = 0) -> dict:
    key = jax.random.key(seed)
    risk_data = jax.random.randint(key, (N_ROWS, 17), 0, COMPANY_NUM).astype(jnp.int64)
    return {"risk_data": risk_data}


def reference(risk_data):
    # Original torch loop: for each line, basic_data = line[1:16] + [17] (list concat -> 16 values),
    # then com_emb[int(line[16])] = basic_data  (scatter-overwrite into [company_num, 16]).
    ids = risk_data[:, 16]
    feats = risk_data[:, 1:16].astype(jnp.float32)
    vals = jnp.concatenate(
        [feats, jnp.full((feats.shape[0], 1), 17.0, dtype=jnp.float32)], axis=1
    )
    com_emb = jnp.zeros((COMPANY_NUM, BASIC), dtype=jnp.float32)
    com_emb = com_emb.at[ids].set(vals)
    return com_emb

if __name__ == "__main__":
    import jax
    _d = setup_inputs()
    print(jax.jit(kernel)(*tuple(_d.values())))

</pallas_src>

<mosaic_0001>
#map = affine_map<(d0, d1) -> (0)>
#map1 = affine_map<(d0, d1) -> (0, 0)>
module attributes {stable_mosaic.version = 14 : i64} {
  func.func @run(%arg0: i32, %arg1: i32, %arg2: memref<16384xi32, #tpu.memory_space<hbm>>, %arg3: memref<16384xf32, #tpu.memory_space<hbm>>, %arg4: memref<16384xf32, #tpu.memory_space<hbm>>, %arg5: memref<16384xf32, #tpu.memory_space<hbm>>, %arg6: memref<16384xf32, #tpu.memory_space<hbm>>, %arg7: memref<16384xf32, #tpu.memory_space<hbm>>, %arg8: memref<16384xf32, #tpu.memory_space<hbm>>, %arg9: memref<16384xf32, #tpu.memory_space<hbm>>, %arg10: memref<16384xf32, #tpu.memory_space<hbm>>, %arg11: memref<16384xf32, #tpu.memory_space<hbm>>, %arg12: memref<16384xf32, #tpu.memory_space<hbm>>, %arg13: memref<16384xf32, #tpu.memory_space<hbm>>, %arg14: memref<16384xf32, #tpu.memory_space<hbm>>, %arg15: memref<16384xf32, #tpu.memory_space<hbm>>, %arg16: memref<16384xf32, #tpu.memory_space<hbm>>, %arg17: memref<16384xf32, #tpu.memory_space<hbm>>, %arg18: memref<16x1000000xf32, #tpu.memory_space<hbm>>, %arg19: memref<16384xi32, #tpu.memory_space<vmem>>, %arg20: memref<1040xi32, #tpu.memory_space<vmem>>, %arg21: memref<1040xi32, #tpu.memory_space<vmem>>, %arg22: memref<16640xf32, #tpu.memory_space<vmem>>, %arg23: memref<16x1024xf32, #tpu.memory_space<vmem>>, %arg24: memref<16x1024xf32, #tpu.memory_space<vmem>>, %arg25: memref<1040xi32, #tpu.memory_space<vmem>>, %arg26: memref<1040xi32, #tpu.memory_space<vmem>>, %arg27: memref<144xi32, #tpu.memory_space<vmem>>, %arg28: memref<!tpu.dma_semaphore, #tpu.memory_space<semaphore_mem>>, %arg29: memref<!tpu.dma_semaphore, #tpu.memory_space<semaphore_mem>>, %arg30: memref<!tpu.dma_semaphore, #tpu.memory_space<semaphore_mem>>) attributes {dimension_semantics = [#tpu.dimension_semantics<core_parallel>, #tpu.dimension_semantics<subcore_parallel>], iteration_bounds = array<i64: 2, 16>, scalar_prefetch = 0 : i64, scratch_operands = 12 : i64, tpu.core_type = #tpu.core_type<sc_vector_subcore>, window_params = [{transform_indices = #map}, {transform_indices = #map}, {transform_indices = #map}, {transform_indices = #map}, {transform_indices = #map}, {transform_indices = #map}, {transform_indices = #map}, {transform_indices = #map}, {transform_indices = #map}, {transform_indices = #map}, {transform_indices = #map}, {transform_indices = #map}, {transform_indices = #map}, {transform_indices = #map}, {transform_indices = #map}, {transform_indices = #map}, {transform_indices = #map1}]} {
    %mul3A = arith.constant 2 : i32
    %mul3A_0 = arith.muli %arg1, %mul3A : i32
    %add3A = arith.addi %mul3A_0, %arg0 : i32
    %mul3A_1 = arith.constant 244 : i32
    %mul3A_2 = arith.muli %add3A, %mul3A_1 : i32
    %min3A = arith.constant 4 : i32
    %min3A_3 = arith.minsi %add3A, %min3A : i32
    %add3A_4 = arith.addi %mul3A_2, %min3A_3 : i32
    %mul3A_5 = arith.constant 128 : i32
    %mul3A_6 = arith.muli %add3A_4, %mul3A_5 : i32
    %multiple_of3A = tpu.assume_multiple %mul3A_6, 128 : i32
    %lt3A = arith.constant 4 : i32
    %lt3A_7 = arith.cmpi slt, %add3A, %lt3A : i32
    %jit3A = arith.constant 245 : i32
    %jit3A_8 = arith.constant 244 : i32
    %select_n3A = arith.select %lt3A_7, %jit3A, %jit3A_8 : i32
    %mul3A_9 = arith.constant 128 : i32
    %mul3A_10 = arith.muli %select_n3A, %mul3A_9 : i32
    %add3A_11 = arith.addi %multiple_of3A, %mul3A_10 : i32
    %eq3A = arith.constant 31 : i32
    %eq3A_12 = arith.cmpi eq, %add3A, %eq3A : i32
    %jit3A_13 = arith.constant 1000000 : i32
    %select_n3A_14 = arith.select %eq3A_12, %jit3A_13, %add3A_11 : i32
    %lt3A_15 = arith.constant 4 : i32
    %lt3A_16 = arith.cmpi slt, %add3A, %lt3A_15 : i32
    %eq3A_17 = arith.constant 31 : i32
    %eq3A_18 = arith.cmpi eq, %add3A, %eq3A_17 : i32
    %or3A = arith.ori %lt3A_16, %eq3A_18 : i1
    %iota3A = tpu.iota {dimensions = array<i32: 0>} : vector<16xi32>
    %eq3A_19 = arith.constant 0 : i32
    %eq3A_20 = vector.broadcast %eq3A_19 : i32 to vector<16xi32>
    %eq3A_21 = arith.cmpi eq, %iota3A, %eq3A_20 : vector<16xi32>
    %broadcast_in_dim3A = arith.constant 0.000000e+00 : f32
    %broadcast_in_dim3A_22 = vector.broadcast %broadcast_in_dim3A : f32 to vector<16xf32>
    %broadcast_in_dim3A_23 = arith.constant -1 : i32
    %broadcast_in_dim3A_24 = vector.broadcast %broadcast_in_dim3A_23 : i32 to vector<16xi32>
    %broadcast_in_dim3A_25 = arith.constant 1.700000e+01 : f32
    %broadcast_in_dim3A_26 = vector.broadcast %broadcast_in_dim3A_25 : f32 to vector<16xf32>
    tpu.enqueue_dma source(%arg2 : memref<16384xi32, #tpu.memory_space<hbm>>) target(%arg19 : memref<16384xi32, #tpu.memory_space<vmem>>) target_semaphore(%arg28 : memref<!tpu.dma_semaphore, #tpu.memory_space<semaphore_mem>>)
    %scan3A = arith.constant 0 : i32
    %scan3A_27 = arith.constant 65 : i32
    %scan3A_28 = arith.addi %scan3A, %scan3A_27 : i32
    %scan3A_29 = arith.constant 1 : i32
    scf.for %scan3A_213 = %scan3A to %scan3A_28 step %scan3A_29  : i32 {
      %mul3A_214 = arith.constant 1 : i32
      %mul3A_215 = arith.muli %scan3A_213, %mul3A_214 : i32
      %add3A_216 = arith.constant 0 : i32
      %add3A_217 = arith.addi %add3A_216, %mul3A_215 : i32
      %mul3A_218 = arith.constant 16 : i32
      %mul3A_219 = arith.muli %add3A_217, %mul3A_218 : i32
      %add3A_220 = vector.broadcast %mul3A_219 : i32 to vector<16xi32>
      %add3A_221 = arith.addi %iota3A, %add3A_220 : vector<16xi32>
      %mul3A_222 = arith.constant 8 : i32
      %mul3A_223 = vector.broadcast %mul3A_222 : i32 to vector<16xi32>
      %mul3A_224 = arith.muli %add3A_221, %mul3A_223 : vector<16xi32>
      %mul3A_225 = arith.constant 16 : i32
      %mul3A_226 = arith.muli %add3A_217, %mul3A_225 : i32
      %swap3A = arith.index_cast %mul3A_226 : i32 to index
      %swap3A_227 = tpu.vector_load %arg20[%swap3A] {strides = array<i32>} : memref<1040xi32, #tpu.memory_space<vmem>>, vector<16xi32>,
      tpu.vector_store %arg20[%swap3A], %mul3A_224 {strides = array<i32>} : memref<1040xi32, #tpu.memory_space<vmem>>, vector<16xi32>,
      %mul3A_228 = arith.constant 16 : i32
      %mul3A_229 = arith.muli %add3A_217, %mul3A_228 : i32
      %swap3A_230 = arith.index_cast %mul3A_229 : i32 to index
      %swap3A_231 = tpu.vector_load %arg21[%swap3A_230] {strides = array<i32>} : memref<1040xi32, #tpu.memory_space<vmem>>, vector<16xi32>,
      tpu.vector_store %arg21[%swap3A_230], %broadcast_in_dim3A_24 {strides = array<i32>} : memref<1040xi32, #tpu.memory_space<vmem>>, vector<16xi32>,
      %mul3A_232 = arith.constant 16 : i32
      %mul3A_233 = arith.muli %add3A_217, %mul3A_232 : i32
      %add3A_234 = arith.constant 15600 : i32
      %add3A_235 = arith.addi %add3A_234, %mul3A_233 : i32
      %swap3A_236 = arith.index_cast %add3A_235 : i32 to index
      %swap3A_237 = tpu.vector_load %arg22[%swap3A_236] {strides = array<i32>} : memref<16640xf32, #tpu.memory_space<vmem>>, vector<16xf32>,
      tpu.vector_store %arg22[%swap3A_236], %broadcast_in_dim3A_26 {strides = array<i32>} : memref<16640xf32, #tpu.memory_space<vmem>>, vector<16xf32>,
    }
    %scan3A_30 = arith.constant 65 : i32
    %scan3A_31 = arith.constant 0 : i32
    %scan3A_32 = arith.constant 64 : i32
    %scan3A_33 = arith.addi %scan3A_31, %scan3A_32 : i32
    %scan3A_34 = arith.constant 1 : i32
    scf.for %scan3A_213 = %scan3A_31 to %scan3A_33 step %scan3A_34  : i32 {
      %mul3A_214 = arith.constant 1 : i32
      %mul3A_215 = arith.muli %scan3A_213, %mul3A_214 : i32
      %add3A_216 = arith.constant 0 : i32
      %add3A_217 = arith.addi %add3A_216, %mul3A_215 : i32
      %mul3A_218 = arith.constant 16 : i32
      %mul3A_219 = arith.muli %add3A_217, %mul3A_218 : i32
      %swap3A = arith.constant 0 : i32
      %swap3A_220 = arith.index_cast %swap3A : i32 to index
      %swap3A_221 = arith.index_cast %mul3A_219 : i32 to index
      %swap3A_222 = tpu.vector_load %arg23[%swap3A_220, %swap3A_221] {strides = array<i32>} : memref<16x1024xf32, #tpu.memory_space<vmem>>, vector<16xf32>,
      tpu.vector_store %arg23[%swap3A_220, %swap3A_221], %broadcast_in_dim3A_22 {strides = array<i32>} : memref<16x1024xf32, #tpu.memory_space<vmem>>, vector<16xf32>,
      %mul3A_223 = arith.constant 16 : i32
      %mul3A_224 = arith.muli %add3A_217, %mul3A_223 : i32
      %swap3A_225 = arith.constant 0 : i32
      %swap3A_226 = arith.index_cast %swap3A_225 : i32 to index
      %swap3A_227 = arith.index_cast %mul3A_224 : i32 to index
      %swap3A_228 = tpu.vector_load %arg24[%swap3A_226, %swap3A_227] {strides = array<i32>} : memref<16x1024xf32, #tpu.memory_space<vmem>>, vector<16xf32>,
      tpu.vector_store %arg24[%swap3A_226, %swap3A_227], %broadcast_in_dim3A_22 {strides = array<i32>} : memref<16x1024xf32, #tpu.memory_space<vmem>>, vector<16xf32>,
      %mul3A_229 = arith.constant 16 : i32
      %mul3A_230 = arith.muli %add3A_217, %mul3A_229 : i32
      %swap3A_231 = arith.constant 1 : i32
      %swap3A_232 = arith.index_cast %swap3A_231 : i32 to index
      %swap3A_233 = arith.index_cast %mul3A_230 : i32 to index
      %swap3A_234 = tpu.vector_load %arg23[%swap3A_232, %swap3A_233] {strides = array<i32>} : memref<16x1024xf32, #tpu.memory_space<vmem>>, vector<16xf32>,
      tpu.vector_store %arg23[%swap3A_232, %swap3A_233], %broadcast_in_dim3A_22 {strides = array<i32>} : memref<16x1024xf32, #tpu.memory_space<vmem>>, vector<16xf32>,
      %mul3A_235 = arith.constant 16 : i32
      %mul3A_236 = arith.muli %add3A_217, %mul3A_235 : i32
      %swap3A_237 = arith.constant 1 : i32
      %swap3A_238 = arith.index_cast %swap3A_237 : i32 to index
      %swap3A_239 = arith.index_cast %mul3A_236 : i32 to index
      %swap3A_240 = tpu.vector_load %arg24[%swap3A_238, %swap3A_239] {strides = array<i32>} : memref<16x1024xf32, #tpu.memory_space<vmem>>, vector<16xf32>,
      tpu.vector_store %arg24[%swap3A_238, %swap3A_239], %broadcast_in_dim3A_22 {strides = array<i32>} : memref<16x1024xf32, #tpu.memory_space<vmem>>, vector<16xf32>,
      %mul3A_241 = arith.constant 16 : i32
      %mul3A_242 = arith.muli %add3A_217, %mul3A_241 : i32
      %swap3A_243 = arith.constant 2 : i32
      %swap3A_244 = arith.index_cast %swap3A_243 : i32 to index
      %swap3A_245 = arith.index_cast %mul3A_242 : i32 to index
      %swap3A_246 = tpu.vector_load %arg23[%swap3A_244, %swap3A_245] {strides = array<i32>} : memref<16x1024xf32, #tpu.memory_space<vmem>>, vector<16xf32>,
      tpu.vector_store %arg23[%swap3A_244, %swap3A_245], %broadcast_in_dim3A_22 {strides = array<i32>} : memref<16x1024xf32, #tpu.memory_space<vmem>>, vector<16xf32>,
      %mul3A_247 = arith.constant 16 : i32
      %mul3A_248 = arith.muli %add3A_217, %mul3A_247 : i32
      %swap3A_249 = arith.constant 2 : i32
      %swap3A_250 = arith.index_cast %swap3A_249 : i32 to index
      %swap3A_251 = arith.index_cast %mul3A_248 : i32 to index
      %swap3A_252 = tpu.vector_load %arg24[%swap3A_250, %swap3A_251] {strides = array<i32>} : memref<16x1024xf32, #tpu.memory_space<vmem>>, vector<16xf32>,
      tpu.vector_store %arg24[%swap3A_250, %swap3A_251], %broadcast_in_dim3A_22 {strides = array<i32>} : memref<16x1024xf32, #tpu.memory_space<vmem>>, vector<16xf32>,
      %mul3A_253 = arith.constant 16 : i32
      %mul3A_254 = arith.muli %add3A_217, %mul3A_253 : i32
      %swap3A_255 = arith.constant 3 : i32
      %swap3A_256 = arith.index_cast %swap3A_255 : i32 to index
      %swap3A_257 = arith.index_cast %mul3A_254 : i32 to index
      %swap3A_258 = tpu.vector_load %arg23[%swap3A_256, %swap3A_257] {strides = array<i32>} : memref<16x1024xf32, #tpu.memory_space<vmem>>, vector<16xf32>,
      tpu.vector_store %arg23[%swap3A_256, %swap3A_257], %broadcast_in_dim3A_22 {strides = array<i32>} : memref<16x1024xf32, #tpu.memory_space<vmem>>, vector<16xf32>,
      %mul3A_259 = arith.constant 16 : i32
      %mul3A_260 = arith.muli %add3A_217, %mul3A_259 : i32
      %swap3A_261 = arith.constant 3 : i32
      %swap3A_262 = arith.index_cast %swap3A_261 : i32 to index
      %swap3A_263 = arith.index_cast %mul3A_260 : i32 to index
      %swap3A_264 = tpu.vector_load %arg24[%swap3A_262, %swap3A_263] {strides = array<i32>} : memref<16x1024xf32, #tpu.memory_space<vmem>>, vector<16xf32>,
      tpu.vector_store %arg24[%swap3A_262, %swap3A_263], %broadcast_in_dim3A_22 {strides = array<i32>} : memref<16x1024xf32, #tpu.memory_space<vmem>>, vector<16xf32>,
      %mul3A_265 = arith.constant 16 : i32
      %mul3A_266 = arith.muli %add3A_217, %mul3A_265 : i32
      %swap3A_267 = arith.constant 4 : i32
      %swap3A_268 = arith.index_cast %swap3A_267 : i32 to index
      %swap3A_269 = arith.index_cast %mul3A_266 : i32 to index
      %swap3A_270 = tpu.vector_load %arg23[%swap3A_268, %swap3A_269] {strides = array<i32>} : memref<16x1024xf32, #tpu.memory_space<vmem>>, vector<16xf32>,
      tpu.vector_store %arg23[%swap3A_268, %swap3A_269], %broadcast_in_dim3A_22 {strides = array<i32>} : memref<16x1024xf32, #tpu.memory_space<vmem>>, vector<16xf32>,
      %mul3A_271 = arith.constant 16 : i32
      %mul3A_272 = arith.muli %add3A_217, %mul3A_271 : i32
      %swap3A_273 = arith.constant 4 : i32
      %swap3A_274 = arith.index_cast %swap3A_273 : i32 to index
      %swap3A_275 = arith.index_cast %mul3A_272 : i32 to index
      %swap3A_276 = tpu.vector_load %arg24[%swap3A_274, %swap3A_275] {strides = array<i32>} : memref<16x1024xf32, #tpu.memory_space<vmem>>, vector<16xf32>,
      tpu.vector_store %arg24[%swap3A_274, %swap3A_275], %broadcast_in_dim3A_22 {strides = array<i32>} : memref<16x1024xf32, #tpu.memory_space<vmem>>, vector<16xf32>,
      %mul3A_277 = arith.constant 16 : i32
      %mul3A_278 = arith.muli %add3A_217, %mul3A_277 : i32
      %swap3A_279 = arith.constant 5 : i32
      %swap3A_280 = arith.index_cast %swap3A_279 : i32 to index
      %swap3A_281 = arith.index_cast %mul3A_278 : i32 to index
      %swap3A_282 = tpu.vector_load %arg23[%swap3A_280, %swap3A_281] {strides = array<i32>} : memref<16x1024xf32, #tpu.memory_space<vmem>>, vector<16xf32>,
      tpu.vector_store %arg23[%swap3A_280, %swap3A_281], %broadcast_in_dim3A_22 {strides = array<i32>} : memref<16x1024xf32, #tpu.memory_space<vmem>>, vector<16xf32>,
      %mul3A_283 = arith.constant 16 : i32
      %mul3A_284 = arith.muli %add3A_217, %mul3A_283 : i32
      %swap3A_285 = arith.constant 5 : i32
      %swap3A_286 = arith.index_cast %swap3A_285 : i32 to index
      %swap3A_287 = arith.index_cast %mul3A_284 : i32 to index
      %swap3A_288 = tpu.vector_load %arg24[%swap3A_286, %swap3A_287] {strides = array<i32>} : memref<16x1024xf32, #tpu.memory_space<vmem>>, vector<16xf32>,
      tpu.vector_store %arg24[%swap3A_286, %swap3A_287], %broadcast_in_dim3A_22 {strides = array<i32>} : memref<16x1024xf32, #tpu.memory_space<vmem>>, vector<16xf32>,
      %mul3A_289 = arith.constant 16 : i32
      %mul3A_290 = arith.muli %add3A_217, %mul3A_289 : i32
      %swap3A_291 = arith.constant 6 : i32
      %swap3A_292 = arith.index_cast %swap3A_291 : i32 to index
      %swap3A_293 = arith.index_cast %mul3A_290 : i32 to index
      %swap3A_294 = tpu.vector_load %arg23[%swap3A_292, %swap3A_293] {strides = array<i32>} : memref<16x1024xf32, #tpu.memory_space<vmem>>, vector<16xf32>,
      tpu.vector_store %arg23[%swap3A_292, %swap3A_293], %broadcast_in_dim3A_22 {strides = array<i32>} : memref<16x1024xf32, #tpu.memory_space<vmem>>, vector<16xf32>,
      %mul3A_295 = arith.constant 16 : i32
      %mul3A_296 = arith.muli %add3A_217, %mul3A_295 : i32
      %swap3A_297 = arith.constant 6 : i32
      %swap3A_298 = arith.index_cast %swap3A_297 : i32 to index
      %swap3A_299 = arith.index_cast %mul3A_296 : i32 to index
      %swap3A_300 = tpu.vector_load %arg24[%swap3A_298, %swap3A_299] {strides = array<i32>} : memref<16x1024xf32, #tpu.memory_space<vmem>>, vector<16xf32>,
      tpu.vector_store %arg24[%swap3A_298, %swap3A_299], %broadcast_in_dim3A_22 {strides = array<i32>} : memref<16x1024xf32, #tpu.memory_space<vmem>>, vector<16xf32>,
      %mul3A_301 = arith.constant 16 : i32
      %mul3A_302 = arith.muli %add3A_217, %mul3A_301 : i32
      %swap3A_303 = arith.constant 7 : i32
      %swap3A_304 = arith.index_cast %swap3A_303 : i32 to index
      %swap3A_305 = arith.index_cast %mul3A_302 : i32 to index
      %swap3A_306 = tpu.vector_load %arg23[%swap3A_304, %swap3A_305] {strides = array<i32>} : memref<16x1024xf32, #tpu.memory_space<vmem>>, vector<16xf32>,
      tpu.vector_store %arg23[%swap3A_304, %swap3A_305], %broadcast_in_dim3A_22 {strides = array<i32>} : memref<16x1024xf32, #tpu.memory_space<vmem>>, vector<16xf32>,
      %mul3A_307 = arith.constant 16 : i32
      %mul3A_308 = arith.muli %add3A_217, %mul3A_307 : i32
      %swap3A_309 = arith.constant 7 : i32
      %swap3A_310 = arith.index_cast %swap3A_309 : i32 to index
      %swap3A_311 = arith.index_cast %mul3A_308 : i32 to index
      %swap3A_312 = tpu.vector_load %arg24[%swap3A_310, %swap3A_311] {strides = array<i32>} : memref<16x1024xf32, #tpu.memory_space<vmem>>, vector<16xf32>,
      tpu.vector_store %arg24[%swap3A_310, %swap3A_311], %broadcast_in_dim3A_22 {strides = array<i32>} : memref<16x1024xf32, #tpu.memory_space<vmem>>, vector<16xf32>,
      %mul3A_313 = arith.constant 16 : i32
      %mul3A_314 = arith.muli %add3A_217, %mul3A_313 : i32
      %swap3A_315 = arith.constant 8 : i32
      %swap3A_316 = arith.index_cast %swap3A_315 : i32 to index
      %swap3A_317 = arith.index_cast %mul3A_314 : i32 to index
      %swap3A_318 = tpu.vector_load %arg23[%swap3A_316, %swap3A_317] {strides = array<i32>} : memref<16x1024xf32, #tpu.memory_space<vmem>>, vector<16xf32>,
      tpu.vector_store %arg23[%swap3A_316, %swap3A_317], %broadcast_in_dim3A_22 {strides = array<i32>} : memref<16x1024xf32, #tpu.memory_space<vmem>>, vector<16xf32>,
      %mul3A_319 = arith.constant 16 : i32
      %mul3A_320 = arith.muli %add3A_217, %mul3A_319 : i32
      %swap3A_321 = arith.constant 8 : i32
      %swap3A_322 = arith.index_cast %swap3A_321 : i32 to index
      %swap3A_323 = arith.index_cast %mul3A_320 : i32 to index
      %swap3A_324 = tpu.vector_load %arg24[%swap3A_322, %swap3A_323] {strides = array<i32>} : memref<16x1024xf32, #tpu.memory_space<vmem>>, vector<16xf32>,
      tpu.vector_store %arg24[%swap3A_322, %swap3A_323], %broadcast_in_dim3A_22 {strides = array<i32>} : memref<16x1024xf32, #tpu.memory_space<vmem>>, vector<16xf32>,
      %mul3A_325 = arith.constant 16 : i32
      %mul3A_326 = arith.muli %add3A_217, %mul3A_325 : i32
      %swap3A_327 = arith.constant 9 : i32
      %swap3A_328 = arith.index_cast %swap3A_327 : i32 to index
      %swap3A_329 = arith.index_cast %mul3A_326 : i32 to index
      %swap3A_330 = tpu.vector_load %arg23[%swap3A_328, %swap3A_329] {strides = array<i32>} : memref<16x1024xf32, #tpu.memory_space<vmem>>, vector<16xf32>,
      tpu.vector_store %arg23[%swap3A_328, %swap3A_329], %broadcast_in_dim3A_22 {strides = array<i32>} : memref<16x1024xf32, #tpu.memory_space<vmem>>, vector<16xf32>,
      %mul3A_331 = arith.constant 16 : i32
      %mul3A_332 = arith.muli %add3A_217, %mul3A_331 : i32
      %swap3A_333 = arith.constant 9 : i32
      %swap3A_334 = arith.index_cast %swap3A_333 : i32 to index
      %swap3A_335 = arith.index_cast %mul3A_332 : i32 to index
      %swap3A_336 = tpu.vector_load %arg24[%swap3A_334, %swap3A_335] {strides = array<i32>} : memref<16x1024xf32, #tpu.memory_space<vmem>>, vector<16xf32>,
      tpu.vector_store %arg24[%swap3A_334, %swap3A_335], %broadcast_in_dim3A_22 {strides = array<i32>} : memref<16x1024xf32, #tpu.memory_space<vmem>>, vector<16xf32>,
      %mul3A_337 = arith.constant 16 : i32
      %mul3A_338 = arith.muli %add3A_217, %mul3A_337 : i32
      %swap3A_339 = arith.constant 10 : i32
      %swap3A_340 = arith.index_cast %swap3A_339 : i32 to index
      %swap3A_341 = arith.index_cast %mul3A_338 : i32 to index
      %swap3A_342 = tpu.vector_load %arg23[%swap3A_340, %swap3A_341] {strides = array<i32>} : memref<16x1024xf32, #tpu.memory_space<vmem>>, vector<16xf32>,
      tpu.vector_store %arg23[%swap3A_340, %swap3A_341], %broadcast_in_dim3A_22 {strides = array<i32>} : memref<16x1024xf32, #tpu.memory_space<vmem>>, vector<16xf32>,
      %mul3A_343 = arith.constant 16 : i32
      %mul3A_344 = arith.muli %add3A_217, %mul3A_343 : i32
      %swap3A_345 = arith.constant 10 : i32
      %swap3A_346 = arith.index_cast %swap3A_345 : i32 to index
      %swap3A_347 = arith.index_cast %mul3A_344 : i32 to index
      %swap3A_348 = tpu.vector_load %arg24[%swap3A_346, %swap3A_347] {strides = array<i32>} : memref<16x1024xf32, #tpu.memory_space<vmem>>, vector<16xf32>,
      tpu.vector_store %arg24[%swap3A_346, %swap3A_347], %broadcast_in_dim3A_22 {strides = array<i32>} : memref<16x1024xf32, #tpu.memory_space<vmem>>, vector<16xf32>,
      %mul3A_349 = arith.constant 16 : i32
      %mul3A_350 = arith.muli %add3A_217, %mul3A_349 : i32
      %swap3A_351 = arith.constant 11 : i32
      %swap3A_352 = arith.index_cast %swap3A_351 : i32 to index
      %swap3A_353 = arith.index_cast %mul3A_350 : i32 to index
      %swap3A_354 = tpu.vector_load %arg23[%swap3A_352, %swap3A_353] {strides = array<i32>} : memref<16x1024xf32, #tpu.memory_space<vmem>>, vector<16xf32>,
      tpu.vector_store %arg23[%swap3A_352, %swap3A_353], %broadcast_in_dim3A_22 {strides = array<i32>} : memref<16x1024xf32, #tpu.memory_space<vmem>>, vector<16xf32>,
      %mul3A_355 = arith.constant 16 : i32
      %mul3A_356 = arith.muli %add3A_217, %mul3A_355 : i32
      %swap3A_357 = arith.constant 11 : i32
      %swap3A_358 = arith.index_cast %swap3A_357 : i32 to index
      %swap3A_359 = arith.index_cast %mul3A_356 : i32 to index
      %swap3A_360 = tpu.vector_load %arg24[%swap3A_358, %swap3A_359] {strides = array<i32>} : memref<16x1024xf32, #tpu.memory_space<vmem>>, vector<16xf32>,
      tpu.vector_store %arg24[%swap3A_358, %swap3A_359], %broadcast_in_dim3A_22 {strides = array<i32>} : memref<16x1024xf32, #tpu.memory_space<vmem>>, vector<16xf32>,
      %mul3A_361 = arith.constant 16 : i32
      %mul3A_362 = arith.muli %add3A_217, %mul3A_361 : i32
      %swap3A_363 = arith.constant 12 : i32
      %swap3A_364 = arith.index_cast %swap3A_363 : i32 to index
      %swap3A_365 = arith.index_cast %mul3A_362 : i32 to index
      %swap3A_366 = tpu.vector_load %arg23[%swap3A_364, %swap3A_365] {strides = array<i32>} : memref<16x1024xf32, #tpu.memory_space<vmem>>, vector<16xf32>,
      tpu.vector_store %arg23[%swap3A_364, %swap3A_365], %broadcast_in_dim3A_22 {strides = array<i32>} : memref<16x1024xf32, #tpu.memory_space<vmem>>, vector<16xf32>,
      %mul3A_367 = arith.constant 16 : i32
      %mul3A_368 = arith.muli %add3A_217, %mul3A_367 : i32
      %swap3A_369 = arith.constant 12 : i32
      %swap3A_370 = arith.index_cast %swap3A_369 : i32 to index
      %swap3A_371 = arith.index_cast %mul3A_368 : i32 to index
      %swap3A_372 = tpu.vector_load %arg24[%swap3A_370, %swap3A_371] {strides = array<i32>} : memref<16x1024xf32, #tpu.memory_space<vmem>>, vector<16xf32>,
      tpu.vector_store %arg24[%swap3A_370, %swap3A_371], %broadcast_in_dim3A_22 {strides = array<i32>} : memref<16x1024xf32, #tpu.memory_space<vmem>>, vector<16xf32>,
      %mul3A_373 = arith.constant 16 : i32
      %mul3A_374 = arith.muli %add3A_217, %mul3A_373 : i32
      %swap3A_375 = arith.constant 13 : i32
      %swap3A_376 = arith.index_cast %swap3A_375 : i32 to index
      %swap3A_377 = arith.index_cast %mul3A_374 : i32 to index
      %swap3A_378 = tpu.vector_load %arg23[%swap3A_376, %swap3A_377] {strides = array<i32>} : memref<16x1024xf32, #tpu.memory_space<vmem>>, vector<16xf32>,
      tpu.vector_store %arg23[%swap3A_376, %swap3A_377], %broadcast_in_dim3A_22 {strides = array<i32>} : memref<16x1024xf32, #tpu.memory_space<vmem>>, vector<16xf32>,
      %mul3A_379 = arith.constant 16 : i32
      %mul3A_380 = arith.muli %add3A_217, %mul3A_379 : i32
      %swap3A_381 = arith.constant 13 : i32
      %swap3A_382 = arith.index_cast %swap3A_381 : i32 to index
      %swap3A_383 = arith.index_cast %mul3A_380 : i32 to index
      %swap3A_384 = tpu.vector_load %arg24[%swap3A_382, %swap3A_383] {strides = array<i32>} : memref<16x1024xf32, #tpu.memory_space<vmem>>, vector<16xf32>,
      tpu.vector_store %arg24[%swap3A_382, %swap3A_383], %broadcast_in_dim3A_22 {strides = array<i32>} : memref<16x1024xf32, #tpu.memory_space<vmem>>, vector<16xf32>,
      %mul3A_385 = arith.constant 16 : i32
      %mul3A_386 = arith.muli %add3A_217, %mul3A_385 : i32
      %swap3A_387 = arith.constant 14 : i32
      %swap3A_388 = arith.index_cast %swap3A_387 : i32 to index
      %swap3A_389 = arith.index_cast %mul3A_386 : i32 to index
      %swap3A_390 = tpu.vector_load %arg23[%swap3A_388, %swap3A_389] {strides = array<i32>} : memref<16x1024xf32, #tpu.memory_space<vmem>>, vector<16xf32>,
      tpu.vector_store %arg23[%swap3A_388, %swap3A_389], %broadcast_in_dim3A_22 {strides = array<i32>} : memref<16x1024xf32, #tpu.memory_space<vmem>>, vector<16xf32>,
      %mul3A_391 = arith.constant 16 : i32
      %mul3A_392 = arith.muli %add3A_217, %mul3A_391 : i32
      %swap3A_393 = arith.constant 14 : i32
      %swap3A_394 = arith.index_cast %swap3A_393 : i32 to index
      %swap3A_395 = arith.index_cast %mul3A_392 : i32 to index
      %swap3A_396 = tpu.vector_load %arg24[%swap3A_394, %swap3A_395] {strides = array<i32>} : memref<16x1024xf32, #tpu.memory_space<vmem>>, vector<16xf32>,
      tpu.vector_store %arg24[%swap3A_394, %swap3A_395], %broadcast_in_dim3A_22 {strides = array<i32>} : memref<16x1024xf32, #tpu.memory_space<vmem>>, vector<16xf32>,
      %mul3A_397 = arith.constant 16 : i32
      %mul3A_398 = arith.muli %add3A_217, %mul3A_397 : i32
      %swap3A_399 = arith.constant 15 : i32
      %swap3A_400 = arith.index_cast %swap3A_399 : i32 to index
      %swap3A_401 = arith.index_cast %mul3A_398 : i32 to index
      %swap3A_402 = tpu.vector_load %arg23[%swap3A_400, %swap3A_401] {strides = array<i32>} : memref<16x1024xf32, #tpu.memory_space<vmem>>, vector<16xf32>,
      tpu.vector_store %arg23[%swap3A_400, %swap3A_401], %broadcast_in_dim3A_22 {strides = array<i32>} : memref<16x1024xf32, #tpu.memory_space<vmem>>, vector<16xf32>,
      %mul3A_403 = arith.constant 16 : i32
      %mul3A_404 = arith.muli %add3A_217, %mul3A_403 : i32
      %swap3A_405 = arith.constant 15 : i32
      %swap3A_406 = arith.index_cast %swap3A_405 : i32 to index
      %swap3A_407 = arith.index_cast %mul3A_404 : i32 to index
      %swap3A_408 = tpu.vector_load %arg24[%swap3A_406, %swap3A_407] {strides = array<i32>} : memref<16x1024xf32, #tpu.memory_space<vmem>>, vector<16xf32>,
      tpu.vector_store %arg24[%swap3A_406, %swap3A_407], %broadcast_in_dim3A_22 {strides = array<i32>} : memref<16x1024xf32, #tpu.memory_space<vmem>>, vector<16xf32>,
    }
    %scan3A_35 = arith.constant 64 : i32
    tpu.wait_dma2 semaphore(%arg28 : memref<!tpu.dma_semaphore, #tpu.memory_space<semaphore_mem>>) src(%arg2 : memref<16384xi32, #tpu.memory_space<hbm>>) dst(%arg19 : memref<16384xi32, #tpu.memory_space<vmem>>)
    "tpu.trace_start"() <{level = 10 : i32, message = "p1_scan"}> : () -> ()
    %scan3A_36 = arith.constant 0 : i32
    %scan3A_37 = arith.constant 0 : i32
    %scan3A_38 = arith.constant 512 : i32
    %scan3A_39 = arith.addi %scan3A_37, %scan3A_38 : i32
    %scan3A_40 = arith.constant 1 : i32
    %scan3A_41 = scf.for %scan3A_213 = %scan3A_37 to %scan3A_39 step %scan3A_40 iter_args(%scan3A_214 = %scan3A_36) -> (i32)  : i32 {
      %mul3A_215 = arith.constant 2 : i32
      %mul3A_216 = arith.muli %mul3A_215, %scan3A_213 : i32
      %mul3A_217 = arith.constant 16 : i32
      %mul3A_218 = arith.muli %mul3A_216, %mul3A_217 : i32
      %get3A = arith.index_cast %mul3A_218 : i32 to index
      %get3A_219 = tpu.vector_load %arg19[%get3A] {strides = array<i32>} : memref<16384xi32, #tpu.memory_space<vmem>>, vector<16xi32>,
      %mul3A_220 = arith.constant 2 : i32
      %mul3A_221 = arith.muli %mul3A_220, %scan3A_213 : i32
      %add3A_222 = arith.constant 1 : i32
      %add3A_223 = arith.addi %mul3A_221, %add3A_222 : i32
      %mul3A_224 = arith.constant 16 : i32
      %mul3A_225 = arith.muli %add3A_223, %mul3A_224 : i32
      %get3A_226 = arith.index_cast %mul3A_225 : i32 to index
      %get3A_227 = tpu.vector_load %arg19[%get3A_226] {strides = array<i32>} : memref<16384xi32, #tpu.memory_space<vmem>>, vector<16xi32>,
      %ge3A = vector.broadcast %multiple_of3A : i32 to vector<16xi32>
      %ge3A_228 = arith.cmpi sge, %get3A_219, %ge3A : vector<16xi32>
      %lt3A_229 = vector.broadcast %select_n3A_14 : i32 to vector<16xi32>
      %lt3A_230 = arith.cmpi slt, %get3A_219, %lt3A_229 : vector<16xi32>
      %and3A_231 = arith.andi %ge3A_228, %lt3A_230 : vector<16xi1>
      %ge3A_232 = vector.broadcast %multiple_of3A : i32 to vector<16xi32>
      %ge3A_233 = arith.cmpi sge, %get3A_227, %ge3A_232 : vector<16xi32>
      %lt3A_234 = vector.broadcast %select_n3A_14 : i32 to vector<16xi32>
      %lt3A_235 = arith.cmpi slt, %get3A_227, %lt3A_234 : vector<16xi32>
      %and3A_236 = arith.andi %ge3A_233, %lt3A_235 : vector<16xi1>
      %all_reduce_population_count3A = tpu.all_reduce %and3A_231 {dim = 0 : i64, kind = #tpu.reduction_kind<sum>} : vector<16xi1> -> vector<16xi32>
      %slice3A = vector.extract_strided_slice %all_reduce_population_count3A {offsets = [0], sizes = [1], strides = [1]} : vector<16xi32> to vector<1xi32>
      %squeeze3A = vector.extract %slice3A[0] : i32 from vector<1xi32>
      %all_reduce_population_count3A_237 = tpu.all_reduce %and3A_236 {dim = 0 : i64, kind = #tpu.reduction_kind<sum>} : vector<16xi1> -> vector<16xi32>
      %slice3A_238 = vector.extract_strided_slice %all_reduce_population_count3A_237 {offsets = [0], sizes = [1], strides = [1]} : vector<16xi32> to vector<1xi32>
      %squeeze3A_239 = vector.extract %slice3A_238[0] : i32 from vector<1xi32>
      %mul3A_240 = arith.constant 2 : i32
      %mul3A_241 = arith.muli %mul3A_240, %scan3A_213 : i32
      %mul3A_242 = arith.constant 16 : i32
      %mul3A_243 = arith.muli %mul3A_241, %mul3A_242 : i32
      %add3A_244 = vector.broadcast %mul3A_243 : i32 to vector<16xi32>
      %add3A_245 = arith.addi %iota3A, %add3A_244 : vector<16xi32>
      %swap3A = arith.index_cast %scan3A_214 : i32 to index
      %swap3A_246 = tpu.vector_load %arg20[%swap3A] masked %and3A_231 {strides = array<i32>} : memref<1040xi32, #tpu.memory_space<vmem>>, vector<16xi32>, vector<16xi1>
      tpu.vector_store %arg20[%swap3A], %add3A_245 masked %and3A_231 {strides = array<i32>} : memref<1040xi32, #tpu.memory_space<vmem>>, vector<16xi32>, vector<16xi1>
      %swap3A_247 = arith.index_cast %scan3A_214 : i32 to index
      %swap3A_248 = tpu.vector_load %arg21[%swap3A_247] masked %and3A_231 {strides = array<i32>} : memref<1040xi32, #tpu.memory_space<vmem>>, vector<16xi32>, vector<16xi1>
      tpu.vector_store %arg21[%swap3A_247], %get3A_219 masked %and3A_231 {strides = array<i32>} : memref<1040xi32, #tpu.memory_space<vmem>>, vector<16xi32>, vector<16xi1>
      %add3A_249 = arith.addi %scan3A_214, %squeeze3A : i32
      %min3A_250 = arith.constant 1024 : i32
      %min3A_251 = arith.minsi %add3A_249, %min3A_250 : i32
      %mul3A_252 = arith.constant 2 : i32
      %mul3A_253 = arith.muli %mul3A_252, %scan3A_213 : i32
      %add3A_254 = arith.constant 1 : i32
      %add3A_255 = arith.addi %mul3A_253, %add3A_254 : i32
      %mul3A_256 = arith.constant 16 : i32
      %mul3A_257 = arith.muli %add3A_255, %mul3A_256 : i32
      %add3A_258 = vector.broadcast %mul3A_257 : i32 to vector<16xi32>
      %add3A_259 = arith.addi %iota3A, %add3A_258 : vector<16xi32>
      %swap3A_260 = arith.index_cast %min3A_251 : i32 to index
      %swap3A_261 = tpu.vector_load %arg20[%swap3A_260] masked %and3A_236 {strides = array<i32>} : memref<1040xi32, #tpu.memory_space<vmem>>, vector<16xi32>, vector<16xi1>
      tpu.vector_store %arg20[%swap3A_260], %add3A_259 masked %and3A_236 {strides = array<i32>} : memref<1040xi32, #tpu.memory_space<vmem>>, vector<16xi32>, vector<16xi1>
      %swap3A_262 = arith.index_cast %min3A_251 : i32 to index
      %swap3A_263 = tpu.vector_load %arg21[%swap3A_262] masked %and3A_236 {strides = array<i32>} : memref<1040xi32, #tpu.memory_space<vmem>>, vector<16xi32>, vector<16xi1>
      tpu.vector_store %arg21[%swap3A_262], %get3A_227 masked %and3A_236 {strides = array<i32>} : memref<1040xi32, #tpu.memory_space<vmem>>, vector<16xi32>, vector<16xi1>
      %add3A_264 = arith.addi %min3A_251, %squeeze3A_239 : i32
      %min3A_265 = arith.constant 1024 : i32
      %min3A_266 = arith.minsi %add3A_264, %min3A_265 : i32
      scf.yield %min3A_266 : i32
    }
    %scan3A_42 = arith.constant 512 : i32
    %gt3A = arith.constant 0 : i32
    "tpu.trace_stop"() : () -> ()
    "tpu.trace_start"() <{level = 10 : i32, message = "p2_gather"}> : () -> ()
    %gt3A_43 = arith.cmpi sgt, %scan3A_41, %gt3A : i32
    %convert_element_type3A = arith.extui %gt3A_43 : i1 to i32
    %cond3A = arith.constant 0 : i32
    %cond3A_44 = arith.cmpi ne, %convert_element_type3A, %cond3A : i32
    scf.if %cond3A_44 {
      %dma_start3A = arith.constant 0 : i32
      %dma_start3A_213 = tpu.memref_slice %arg22[%dma_start3A] : memref<16640xf32, #tpu.memory_space<vmem>> -> memref<128xf32, #tpu.memory_space<vmem>>
      %dma_start3A_214 = arith.constant 0 : i32
      %dma_start3A_215 = tpu.memref_slice %arg20[%dma_start3A_214] : memref<1040xi32, #tpu.memory_space<vmem>> -> memref<128xi32, #tpu.memory_space<vmem>>
      %dma_start3A_216 = arith.constant 0 : i32
      %dma_start3A_217 = tpu.memref_slice %arg3[%dma_start3A_216] : memref<16384xf32, #tpu.memory_space<hbm>> -> memref<16384xf32, #tpu.memory_space<hbm>>
      tpu.enqueue_indirect_dma source(%dma_start3A_217 : memref<16384xf32, #tpu.memory_space<hbm>>) target(%dma_start3A_213 : memref<128xf32, #tpu.memory_space<vmem>>) offsets(%dma_start3A_215 : memref<128xi32, #tpu.memory_space<vmem>>) semaphore(%arg28 : memref<!tpu.dma_semaphore, #tpu.memory_space<semaphore_mem>>)
      %dma_start3A_218 = arith.constant 1040 : i32
      %dma_start3A_219 = tpu.memref_slice %arg22[%dma_start3A_218] : memref<16640xf32, #tpu.memory_space<vmem>> -> memref<128xf32, #tpu.memory_space<vmem>>
      %dma_start3A_220 = arith.constant 0 : i32
      %dma_start3A_221 = tpu.memref_slice %arg20[%dma_start3A_220] : memref<1040xi32, #tpu.memory_space<vmem>> -> memref<128xi32, #tpu.memory_space<vmem>>
      %dma_start3A_222 = arith.constant 0 : i32
      %dma_start3A_223 = tpu.memref_slice %arg4[%dma_start3A_222] : memref<16384xf32, #tpu.memory_space<hbm>> -> memref<16384xf32, #tpu.memory_space<hbm>>
      tpu.enqueue_indirect_dma source(%dma_start3A_223 : memref<16384xf32, #tpu.memory_space<hbm>>) target(%dma_start3A_219 : memref<128xf32, #tpu.memory_space<vmem>>) offsets(%dma_start3A_221 : memref<128xi32, #tpu.memory_space<vmem>>) semaphore(%arg28 : memref<!tpu.dma_semaphore, #tpu.memory_space<semaphore_mem>>)
      %dma_start3A_224 = arith.constant 2080 : i32
      %dma_start3A_225 = tpu.memref_slice %arg22[%dma_start3A_224] : memref<16640xf32, #tpu.memory_space<vmem>> -> memref<128xf32, #tpu.memory_space<vmem>>
      %dma_start3A_226 = arith.constant 0 : i32
      %dma_start3A_227 = tpu.memref_slice %arg20[%dma_start3A_226] : memref<1040xi32, #tpu.memory_space<vmem>> -> memref<128xi32, #tpu.memory_space<vmem>>
      %dma_start3A_228 = arith.constant 0 : i32
      %dma_start3A_229 = tpu.memref_slice %arg5[%dma_start3A_228] : memref<16384xf32, #tpu.memory_space<hbm>> -> memref<16384xf32, #tpu.memory_space<hbm>>
      tpu.enqueue_indirect_dma source(%dma_start3A_229 : memref<16384xf32, #tpu.memory_space<hbm>>) target(%dma_start3A_225 : memref<128xf32, #tpu.memory_space<vmem>>) offsets(%dma_start3A_227 : memref<128xi32, #tpu.memory_space<vmem>>) semaphore(%arg28 : memref<!tpu.dma_semaphore, #tpu.memory_space<semaphore_mem>>)
      %dma_start3A_230 = arith.constant 3120 : i32
      %dma_start3A_231 = tpu.memref_slice %arg22[%dma_start3A_230] : memref<16640xf32, #tpu.memory_space<vmem>> -> memref<128xf32, #tpu.memory_space<vmem>>
      %dma_start3A_232 = arith.constant 0 : i32
      %dma_start3A_233 = tpu.memref_slice %arg20[%dma_start3A_232] : memref<1040xi32, #tpu.memory_space<vmem>> -> memref<128xi32, #tpu.memory_space<vmem>>
      %dma_start3A_234 = arith.constant 0 : i32
      %dma_start3A_235 = tpu.memref_slice %arg6[%dma_start3A_234] : memref<16384xf32, #tpu.memory_space<hbm>> -> memref<16384xf32, #tpu.memory_space<hbm>>
      tpu.enqueue_indirect_dma source(%dma_start3A_235 : memref<16384xf32, #tpu.memory_space<hbm>>) target(%dma_start3A_231 : memref<128xf32, #tpu.memory_space<vmem>>) offsets(%dma_start3A_233 : memref<128xi32, #tpu.memory_space<vmem>>) semaphore(%arg28 : memref<!tpu.dma_semaphore, #tpu.memory_space<semaphore_mem>>)
      %dma_start3A_236 = arith.constant 4160 : i32
      %dma_start3A_237 = tpu.memref_slice %arg22[%dma_start3A_236] : memref<16640xf32, #tpu.memory_space<vmem>> -> memref<128xf32, #tpu.memory_space<vmem>>
      %dma_start3A_238 = arith.constant 0 : i32
      %dma_start3A_239 = tpu.memref_slice %arg20[%dma_start3A_238] : memref<1040xi32, #tpu.memory_space<vmem>> -> memref<128xi32, #tpu.memory_space<vmem>>
      %dma_start3A_240 = arith.constant 0 : i32
      %dma_start3A_241 = tpu.memref_slice %arg7[%dma_start3A_240] : memref<16384xf32, #tpu.memory_space<hbm>> -> memref<16384xf32, #tpu.memory_space<hbm>>
      tpu.enqueue_indirect_dma source(%dma_start3A_241 : memref<16384xf32, #tpu.memory_space<hbm>>) target(%dma_start3A_237 : memref<128xf32, #tpu.memory_space<vmem>>) offsets(%dma_start3A_239 : memref<128xi32, #tpu.memory_space<vmem>>) semaphore(%arg28 : memref<!tpu.dma_semaphore, #tpu.memory_space<semaphore_mem>>)
      %dma_start3A_242 = arith.constant 5200 : i32
      %dma_start3A_243 = tpu.memref_slice %arg22[%dma_start3A_242] : memref<16640xf32, #tpu.memory_space<vmem>> -> memref<128xf32, #tpu.memory_space<vmem>>
      %dma_start3A_244 = arith.constant 0 : i32
      %dma_start3A_245 = tpu.memref_slice %arg20[%dma_start3A_244] : memref<1040xi32, #tpu.memory_space<vmem>> -> memref<128xi32, #tpu.memory_space<vmem>>
      %dma_start3A_246 = arith.constant 0 : i32
      %dma_start3A_247 = tpu.memref_slice %arg8[%dma_start3A_246] : memref<16384xf32, #tpu.memory_space<hbm>> -> memref<16384xf32, #tpu.memory_space<hbm>>
      tpu.enqueue_indirect_dma source(%dma_start3A_247 : memref<16384xf32, #tpu.memory_space<hbm>>) target(%dma_start3A_243 : memref<128xf32, #tpu.memory_space<vmem>>) offsets(%dma_start3A_245 : memref<128xi32, #tpu.memory_space<vmem>>) semaphore(%arg28 : memref<!tpu.dma_semaphore, #tpu.memory_space<semaphore_mem>>)
      %dma_start3A_248 = arith.constant 6240 : i32
      %dma_start3A_249 = tpu.memref_slice %arg22[%dma_start3A_248] : memref<16640xf32, #tpu.memory_space<vmem>> -> memref<128xf32, #tpu.memory_space<vmem>>
      %dma_start3A_250 = arith.constant 0 : i32
      %dma_start3A_251 = tpu.memref_slice %arg20[%dma_start3A_250] : memref<1040xi32, #tpu.memory_space<vmem>> -> memref<128xi32, #tpu.memory_space<vmem>>
      %dma_start3A_252 = arith.constant 0 : i32
      %dma_start3A_253 = tpu.memref_slice %arg9[%dma_start3A_252] : memref<16384xf32, #tpu.memory_space<hbm>> -> memref<16384xf32, #tpu.memory_space<hbm>>
      tpu.enqueue_indirect_dma source(%dma_start3A_253 : memref<16384xf32, #tpu.memory_space<hbm>>) target(%dma_start3A_249 : memref<128xf32, #tpu.memory_space<vmem>>) offsets(%dma_start3A_251 : memref<128xi32, #tpu.memory_space<vmem>>) semaphore(%arg28 : memref<!tpu.dma_semaphore, #tpu.memory_space<semaphore_mem>>)
      %dma_start3A_254 = arith.constant 7280 : i32
      %dma_start3A_255 = tpu.memref_slice %arg22[%dma_start3A_254] : memref<16640xf32, #tpu.memory_space<vmem>> -> memref<128xf32, #tpu.memory_space<vmem>>
      %dma_start3A_256 = arith.constant 0 : i32
      %dma_start3A_257 = tpu.memref_slice %arg20[%dma_start3A_256] : memref<1040xi32, #tpu.memory_space<vmem>> -> memref<128xi32, #tpu.memory_space<vmem>>
      %dma_start3A_258 = arith.constant 0 : i32
      %dma_start3A_259 = tpu.memref_slice %arg10[%dma_start3A_258] : memref<16384xf32, #tpu.memory_space<hbm>> -> memref<16384xf32, #tpu.memory_space<hbm>>
      tpu.enqueue_indirect_dma source(%dma_start3A_259 : memref<16384xf32, #tpu.memory_space<hbm>>) target(%dma_start3A_255 : memref<128xf32, #tpu.memory_space<vmem>>) offsets(%dma_start3A_257 : memref<128xi32, #tpu.memory_space<vmem>>) semaphore(%arg28 : memref<!tpu.dma_semaphore, #tpu.memory_space<semaphore_mem>>)
      %dma_start3A_260 = arith.constant 8320 : i32
      %dma_start3A_261 = tpu.memref_slice %arg22[%dma_start3A_260] : memref<16640xf32, #tpu.memory_space<vmem>> -> memref<128xf32, #tpu.memory_space<vmem>>
      %dma_start3A_262 = arith.constant 0 : i32
      %dma_start3A_263 = tpu.memref_slice %arg20[%dma_start3A_262] : memref<1040xi32, #tpu.memory_space<vmem>> -> memref<128xi32, #tpu.memory_space<vmem>>
      %dma_start3A_264 = arith.constant 0 : i32
      %dma_start3A_265 = tpu.memref_slice %arg11[%dma_start3A_264] : memref<16384xf32, #tpu.memory_space<hbm>> -> memref<16384xf32, #tpu.memory_space<hbm>>
      tpu.enqueue_indirect_dma source(%dma_start3A_265 : memref<16384xf32, #tpu.memory_space<hbm>>) target(%dma_start3A_261 : memref<128xf32, #tpu.memory_space<vmem>>) offsets(%dma_start3A_263 : memref<128xi32, #tpu.memory_space<vmem>>) semaphore(%arg28 : memref<!tpu.dma_semaphore, #tpu.memory_space<semaphore_mem>>)
      %dma_start3A_266 = arith.constant 9360 : i32
      %dma_start3A_267 = tpu.memref_slice %arg22[%dma_start3A_266] : memref<16640xf32, #tpu.memory_space<vmem>> -> memref<128xf32, #tpu.memory_space<vmem>>
      %dma_start3A_268 = arith.constant 0 : i32
      %dma_start3A_269 = tpu.memref_slice %arg20[%dma_start3A_268] : memref<1040xi32, #tpu.memory_space<vmem>> -> memref<128xi32, #tpu.memory_space<vmem>>
      %dma_start3A_270 = arith.constant 0 : i32
      %dma_start3A_271 = tpu.memref_slice %arg12[%dma_start3A_270] : memref<16384xf32, #tpu.memory_space<hbm>> -> memref<16384xf32, #tpu.memory_space<hbm>>
      tpu.enqueue_indirect_dma source(%dma_start3A_271 : memref<16384xf32, #tpu.memory_space<hbm>>) target(%dma_start3A_267 : memref<128xf32, #tpu.memory_space<vmem>>) offsets(%dma_start3A_269 : memref<128xi32, #tpu.memory_space<vmem>>) semaphore(%arg28 : memref<!tpu.dma_semaphore, #tpu.memory_space<semaphore_mem>>)
      %dma_start3A_272 = arith.constant 10400 : i32
      %dma_start3A_273 = tpu.memref_slice %arg22[%dma_start3A_272] : memref<16640xf32, #tpu.memory_space<vmem>> -> memref<128xf32, #tpu.memory_space<vmem>>
      %dma_start3A_274 = arith.constant 0 : i32
      %dma_start3A_275 = tpu.memref_slice %arg20[%dma_start3A_274] : memref<1040xi32, #tpu.memory_space<vmem>> -> memref<128xi32, #tpu.memory_space<vmem>>
      %dma_start3A_276 = arith.constant 0 : i32
      %dma_start3A_277 = tpu.memref_slice %arg13[%dma_start3A_276] : memref<16384xf32, #tpu.memory_space<hbm>> -> memref<16384xf32, #tpu.memory_space<hbm>>
      tpu.enqueue_indirect_dma source(%dma_start3A_277 : memref<16384xf32, #tpu.memory_space<hbm>>) target(%dma_start3A_273 : memref<128xf32, #tpu.memory_space<vmem>>) offsets(%dma_start3A_275 : memref<128xi32, #tpu.memory_space<vmem>>) semaphore(%arg28 : memref<!tpu.dma_semaphore, #tpu.memory_space<semaphore_mem>>)
      %dma_start3A_278 = arith.constant 11440 : i32
      %dma_start3A_279 = tpu.memref_slice %arg22[%dma_start3A_278] : memref<16640xf32, #tpu.memory_space<vmem>> -> memref<128xf32, #tpu.memory_space<vmem>>
      %dma_start3A_280 = arith.constant 0 : i32
      %dma_start3A_281 = tpu.memref_slice %arg20[%dma_start3A_280] : memref<1040xi32, #tpu.memory_space<vmem>> -> memref<128xi32, #tpu.memory_space<vmem>>
      %dma_start3A_282 = arith.constant 0 : i32
      %dma_start3A_283 = tpu.memref_slice %arg14[%dma_start3A_282] : memref<16384xf32, #tpu.memory_space<hbm>> -> memref<16384xf32, #tpu.memory_space<hbm>>
      tpu.enqueue_indirect_dma source(%dma_start3A_283 : memref<16384xf32, #tpu.memory_space<hbm>>) target(%dma_start3A_279 : memref<128xf32, #tpu.memory_space<vmem>>) offsets(%dma_start3A_281 : memref<128xi32, #tpu.memory_space<vmem>>) semaphore(%arg28 : memref<!tpu.dma_semaphore, #tpu.memory_space<semaphore_mem>>)
      %dma_start3A_284 = arith.constant 12480 : i32
      %dma_start3A_285 = tpu.memref_slice %arg22[%dma_start3A_284] : memref<16640xf32, #tpu.memory_space<vmem>> -> memref<128xf32, #tpu.memory_space<vmem>>
      %dma_start3A_286 = arith.constant 0 : i32
      %dma_start3A_287 = tpu.memref_slice %arg20[%dma_start3A_286] : memref<1040xi32, #tpu.memory_space<vmem>> -> memref<128xi32, #tpu.memory_space<vmem>>
      %dma_start3A_288 = arith.constant 0 : i32
      %dma_start3A_289 = tpu.memref_slice %arg15[%dma_start3A_288] : memref<16384xf32, #tpu.memory_space<hbm>> -> memref<16384xf32, #tpu.memory_space<hbm>>
      tpu.enqueue_indirect_dma source(%dma_start3A_289 : memref<16384xf32, #tpu.memory_space<hbm>>) target(%dma_start3A_285 : memref<128xf32, #tpu.memory_space<vmem>>) offsets(%dma_start3A_287 : memref<128xi32, #tpu.memory_space<vmem>>) semaphore(%arg28 : memref<!tpu.dma_semaphore, #tpu.memory_space<semaphore_mem>>)
      %dma_start3A_290 = arith.constant 13520 : i32
      %dma_start3A_291 = tpu.memref_slice %arg22[%dma_start3A_290] : memref<16640xf32, #tpu.memory_space<vmem>> -> memref<128xf32, #tpu.memory_space<vmem>>
      %dma_start3A_292 = arith.constant 0 : i32
      %dma_start3A_293 = tpu.memref_slice %arg20[%dma_start3A_292] : memref<1040xi32, #tpu.memory_space<vmem>> -> memref<128xi32, #tpu.memory_space<vmem>>
      %dma_start3A_294 = arith.constant 0 : i32
      %dma_start3A_295 = tpu.memref_slice %arg16[%dma_start3A_294] : memref<16384xf32, #tpu.memory_space<hbm>> -> memref<16384xf32, #tpu.memory_space<hbm>>
      tpu.enqueue_indirect_dma source(%dma_start3A_295 : memref<16384xf32, #tpu.memory_space<hbm>>) target(%dma_start3A_291 : memref<128xf32, #tpu.memory_space<vmem>>) offsets(%dma_start3A_293 : memref<128xi32, #tpu.memory_space<vmem>>) semaphore(%arg28 : memref<!tpu.dma_semaphore, #tpu.memory_space<semaphore_mem>>)
      %dma_start3A_296 = arith.constant 14560 : i32
      %dma_start3A_297 = tpu.memref_slice %arg22[%dma_start3A_296] : memref<16640xf32, #tpu.memory_space<vmem>> -> memref<128xf32, #tpu.memory_space<vmem>>
      %dma_start3A_298 = arith.constant 0 : i32
      %dma_start3A_299 = tpu.memref_slice %arg20[%dma_start3A_298] : memref<1040xi32, #tpu.memory_space<vmem>> -> memref<128xi32, #tpu.memory_space<vmem>>
      %dma_start3A_300 = arith.constant 0 : i32
      %dma_start3A_301 = tpu.memref_slice %arg17[%dma_start3A_300] : memref<16384xf32, #tpu.memory_space<hbm>> -> memref<16384xf32, #tpu.memory_space<hbm>>
      tpu.enqueue_indirect_dma source(%dma_start3A_301 : memref<16384xf32, #tpu.memory_space<hbm>>) target(%dma_start3A_297 : memref<128xf32, #tpu.memory_space<vmem>>) offsets(%dma_start3A_299 : memref<128xi32, #tpu.memory_space<vmem>>) semaphore(%arg28 : memref<!tpu.dma_semaphore, #tpu.memory_space<semaphore_mem>>)
    } else {
    }
    %gt3A_45 = arith.constant 128 : i32
    %gt3A_46 = arith.cmpi sgt, %scan3A_41, %gt3A_45 : i32
    %convert_element_type3A_47 = arith.extui %gt3A_46 : i1 to i32
    %cond3A_48 = arith.constant 0 : i32
    %cond3A_49 = arith.cmpi ne, %convert_element_type3A_47, %cond3A_48 : i32
    scf.if %cond3A_49 {
      %dma_start3A = arith.constant 128 : i32
      %dma_start3A_213 = tpu.memref_slice %arg22[%dma_start3A] : memref<16640xf32, #tpu.memory_space<vmem>> -> memref<128xf32, #tpu.memory_space<vmem>>
      %dma_start3A_214 = arith.constant 128 : i32
      %dma_start3A_215 = tpu.memref_slice %arg20[%dma_start3A_214] : memref<1040xi32, #tpu.memory_space<vmem>> -> memref<128xi32, #tpu.memory_space<vmem>>
      %dma_start3A_216 = arith.constant 0 : i32
      %dma_start3A_217 = tpu.memref_slice %arg3[%dma_start3A_216] : memref<16384xf32, #tpu.memory_space<hbm>> -> memref<16384xf32, #tpu.memory_space<hbm>>
      tpu.enqueue_indirect_dma source(%dma_start3A_217 : memref<16384xf32, #tpu.memory_space<hbm>>) target(%dma_start3A_213 : memref<128xf32, #tpu.memory_space<vmem>>) offsets(%dma_start3A_215 : memref<128xi32, #tpu.memory_space<vmem>>) semaphore(%arg28 : memref<!tpu.dma_semaphore, #tpu.memory_space<semaphore_mem>>)
      %dma_start3A_218 = arith.constant 1168 : i32
      %dma_start3A_219 = tpu.memref_slice %arg22[%dma_start3A_218] : memref<16640xf32, #tpu.memory_space<vmem>> -> memref<128xf32, #tpu.memory_space<vmem>>
      %dma_start3A_220 = arith.constant 128 : i32
      %dma_start3A_221 = tpu.memref_slice %arg20[%dma_start3A_220] : memref<1040xi32, #tpu.memory_space<vmem>> -> memref<128xi32, #tpu.memory_space<vmem>>
      %dma_start3A_222 = arith.constant 0 : i32
      %dma_start3A_223 = tpu.memref_slice %arg4[%dma_start3A_222] : memref<16384xf32, #tpu.memory_space<hbm>> -> memref<16384xf32, #tpu.memory_space<hbm>>
      tpu.enqueue_indirect_dma source(%dma_start3A_223 : memref<16384xf32, #tpu.memory_space<hbm>>) target(%dma_start3A_219 : memref<128xf32, #tpu.memory_space<vmem>>) offsets(%dma_start3A_221 : memref<128xi32, #tpu.memory_space<vmem>>) semaphore(%arg28 : memref<!tpu.dma_semaphore, #tpu.memory_space<semaphore_mem>>)
      %dma_start3A_224 = arith.constant 2208 : i32
      %dma_start3A_225 = tpu.memref_slice %arg22[%dma_start3A_224] : memref<16640xf32, #tpu.memory_space<vmem>> -> memref<128xf32, #tpu.memory_space<vmem>>
      %dma_start3A_226 = arith.constant 128 : i32
      %dma_start3A_227 = tpu.memref_slice %arg20[%dma_start3A_226] : memref<1040xi32, #tpu.memory_space<vmem>> -> memref<128xi32, #tpu.memory_space<vmem>>
      %dma_start3A_228 = arith.constant 0 : i32
      %dma_start3A_229 = tpu.memref_slice %arg5[%dma_start3A_228] : memref<16384xf32, #tpu.memory_space<hbm>> -> memref<16384xf32, #tpu.memory_space<hbm>>
      tpu.enqueue_indirect_dma source(%dma_start3A_229 : memref<16384xf32, #tpu.memory_space<hbm>>) target(%dma_start3A_225 : memref<128xf32, #tpu.memory_space<vmem>>) offsets(%dma_start3A_227 : memref<128xi32, #tpu.memory_space<vmem>>) semaphore(%arg28 : memref<!tpu.dma_semaphore, #tpu.memory_space<semaphore_mem>>)
      %dma_start3A_230 = arith.constant 3248 : i32
      %dma_start3A_231 = tpu.memref_slice %arg22[%dma_start3A_230] : memref<16640xf32, #tpu.memory_space<vmem>> -> memref<128xf32, #tpu.memory_space<vmem>>
      %dma_start3A_232 = arith.constant 128 : i32
      %dma_start3A_233 = tpu.memref_slice %arg20[%dma_start3A_232] : memref<1040xi32, #tpu.memory_space<vmem>> -> memref<128xi32, #tpu.memory_space<vmem>>
      %dma_start3A_234 = arith.constant 0 : i32
      %dma_start3A_235 = tpu.memref_slice %arg6[%dma_start3A_234] : memref<16384xf32, #tpu.memory_space<hbm>> -> memref<16384xf32, #tpu.memory_space<hbm>>
      tpu.enqueue_indirect_dma source(%dma_start3A_235 : memref<16384xf32, #tpu.memory_space<hbm>>) target(%dma_start3A_231 : memref<128xf32, #tpu.memory_space<vmem>>) offsets(%dma_start3A_233 : memref<128xi32, #tpu.memory_space<vmem>>) semaphore(%arg28 : memref<!tpu.dma_semaphore, #tpu.memory_space<semaphore_mem>>)
      %dma_start3A_236 = arith.constant 4288 : i32
      %dma_start3A_237 = tpu.memref_slice %arg22[%dma_start3A_236] : memref<16640xf32, #tpu.memory_space<vmem>> -> memref<128xf32, #tpu.memory_space<vmem>>
      %dma_start3A_238 = arith.constant 128 : i32
      %dma_start3A_239 = tpu.memref_slice %arg20[%dma_start3A_238] : memref<1040xi32, #tpu.memory_space<vmem>> -> memref<128xi32, #tpu.memory_space<vmem>>
      %dma_start3A_240 = arith.constant 0 : i32
      %dma_start3A_241 = tpu.memref_slice %arg7[%dma_start3A_240] : memref<16384xf32, #tpu.memory_space<hbm>> -> memref<16384xf32, #tpu.memory_space<hbm>>
      tpu.enqueue_indirect_dma source(%dma_start3A_241 : memref<16384xf32, #tpu.memory_space<hbm>>) target(%dma_start3A_237 : memref<128xf32, #tpu.memory_space<vmem>>) offsets(%dma_start3A_239 : memref<128xi32, #tpu.memory_space<vmem>>) semaphore(%arg28 : memref<!tpu.dma_semaphore, #tpu.memory_space<semaphore_mem>>)
      %dma_start3A_242 = arith.constant 5328 : i32
      %dma_start3A_243 = tpu.memref_slice %arg22[%dma_start3A_242] : memref<16640xf32, #tpu.memory_space<vmem>> -> memref<128xf32, #tpu.memory_space<vmem>>
      %dma_start3A_244 = arith.constant 128 : i32
      %dma_start3A_245 = tpu.memref_slice %arg20[%dma_start3A_244] : memref<1040xi32, #tpu.memory_space<vmem>> -> memref<128xi32, #tpu.memory_space<vmem>>
      %dma_start3A_246 = arith.constant 0 : i32
      %dma_start3A_247 = tpu.memref_slice %arg8[%dma_start3A_246] : memref<16384xf32, #tpu.memory_space<hbm>> -> memref<16384xf32, #tpu.memory_space<hbm>>
      tpu.enqueue_indirect_dma source(%dma_start3A_247 : memref<16384xf32, #tpu.memory_space<hbm>>) target(%dma_start3A_243 : memref<128xf32, #tpu.memory_space<vmem>>) offsets(%dma_start3A_245 : memref<128xi32, #tpu.memory_space<vmem>>) semaphore(%arg28 : memref<!tpu.dma_semaphore, #tpu.memory_space<semaphore_mem>>)
      %dma_start3A_248 = arith.constant 6368 : i32
      %dma_start3A_249 = tpu.memref_slice %arg22[%dma_start3A_248] : memref<16640xf32, #tpu.memory_space<vmem>> -> memref<128xf32, #tpu.memory_space<vmem>>
      %dma_start3A_250 = arith.constant 128 : i32
      %dma_start3A_251 = tpu.memref_slice %arg20[%dma_start3A_250] : memref<1040xi32, #tpu.memory_space<vmem>> -> memref<128xi32, #tpu.memory_space<vmem>>
      %dma_start3A_252 = arith.constant 0 : i32
      %dma_start3A_253 = tpu.memref_slice %arg9[%dma_start3A_252] : memref<16384xf32, #tpu.memory_space<hbm>> -> memref<16384xf32, #tpu.memory_space<hbm>>
      tpu.enqueue_indirect_dma source(%dma_start3A_253 : memref<16384xf32, #tpu.memory_space<hbm>>) target(%dma_start3A_249 : memref<128xf32, #tpu.memory_space<vmem>>) offsets(%dma_start3A_251 : memref<128xi32, #tpu.memory_space<vmem>>) semaphore(%arg28 : memref<!tpu.dma_semaphore, #tpu.memory_space<semaphore_mem>>)
      %dma_start3A_254 = arith.constant 7408 : i32
      %dma_start3A_255 = tpu.memref_slice %arg22[%dma_start3A_254] : memref<16640xf32, #tpu.memory_space<vmem>> -> memref<128xf32, #tpu.memory_space<vmem>>
      %dma_start3A_256 = arith.constant 128 : i32
      %dma_start3A_257 = tpu.memref_slice %arg20[%dma_start3A_256] : memref<1040xi32, #tpu.memory_space<vmem>> -> memref<128xi32, #tpu.memory_space<vmem>>
      %dma_start3A_258 = arith.constant 0 : i32
      %dma_start3A_259 = tpu.memref_slice %arg10[%dma_start3A_258] : memref<16384xf32, #tpu.memory_space<hbm>> -> memref<16384xf32, #tpu.memory_space<hbm>>
      tpu.enqueue_indirect_dma source(%dma_start3A_259 : memref<16384xf32, #tpu.memory_space<hbm>>) target(%dma_start3A_255 : memref<128xf32, #tpu.memory_space<vmem>>) offsets(%dma_start3A_257 : memref<128xi32, #tpu.memory_space<vmem>>) semaphore(%arg28 : memref<!tpu.dma_semaphore, #tpu.memory_space<semaphore_mem>>)
      %dma_start3A_260 = arith.constant 8448 : i32
      %dma_start3A_261 = tpu.memref_slice %arg22[%dma_start3A_260] : memref<16640xf32, #tpu.memory_space<vmem>> -> memref<128xf32, #tpu.memory_space<vmem>>
      %dma_start3A_262 = arith.constant 128 : i32
      %dma_start3A_263 = tpu.memref_slice %arg20[%dma_start3A_262] : memref<1040xi32, #tpu.memory_space<vmem>> -> memref<128xi32, #tpu.memory_space<vmem>>
      %dma_start3A_264 = arith.constant 0 : i32
      %dma_start3A_265 = tpu.memref_slice %arg11[%dma_start3A_264] : memref<16384xf32, #tpu.memory_space<hbm>> -> memref<16384xf32, #tpu.memory_space<hbm>>
      tpu.enqueue_indirect_dma source(%dma_start3A_265 : memref<16384xf32, #tpu.memory_space<hbm>>) target(%dma_start3A_261 : memref<128xf32, #tpu.memory_space<vmem>>) offsets(%dma_start3A_263 : memref<128xi32, #tpu.memory_space<vmem>>) semaphore(%arg28 : memref<!tpu.dma_semaphore, #tpu.memory_space<semaphore_mem>>)
      %dma_start3A_266 = arith.constant 9488 : i32
      %dma_start3A_267 = tpu.memref_slice %arg22[%dma_start3A_266] : memref<16640xf32, #tpu.memory_space<vmem>> -> memref<128xf32, #tpu.memory_space<vmem>>
      %dma_start3A_268 = arith.constant 128 : i32
      %dma_start3A_269 = tpu.memref_slice %arg20[%dma_start3A_268] : memref<1040xi32, #tpu.memory_space<vmem>> -> memref<128xi32, #tpu.memory_space<vmem>>
      %dma_start3A_270 = arith.constant 0 : i32
      %dma_start3A_271 = tpu.memref_slice %arg12[%dma_start3A_270] : memref<16384xf32, #tpu.memory_space<hbm>> -> memref<16384xf32, #tpu.memory_space<hbm>>
      tpu.enqueue_indirect_dma source(%dma_start3A_271 : memref<16384xf32, #tpu.memory_space<hbm>>) target(%dma_start3A_267 : memref<128xf32, #tpu.memory_space<vmem>>) offsets(%dma_start3A_269 : memref<128xi32, #tpu.memory_space<vmem>>) semaphore(%arg28 : memref<!tpu.dma_semaphore, #tpu.memory_space<semaphore_mem>>)
      %dma_start3A_272 = arith.constant 10528 : i32
      %dma_start3A_273 = tpu.memref_slice %arg22[%dma_start3A_272] : memref<16640xf32, #tpu.memory_space<vmem>> -> memref<128xf32, #tpu.memory_space<vmem>>
      %dma_start3A_274 = arith.constant 128 : i32
      %dma_start3A_275 = tpu.memref_slice %arg20[%dma_start3A_274] : memref<1040xi32, #tpu.memory_space<vmem>> -> memref<128xi32, #tpu.memory_space<vmem>>
      %dma_start3A_276 = arith.constant 0 : i32
      %dma_start3A_277 = tpu.memref_slice %arg13[%dma_start3A_276] : memref<16384xf32, #tpu.memory_space<hbm>> -> memref<16384xf32, #tpu.memory_space<hbm>>
      tpu.enqueue_indirect_dma source(%dma_start3A_277 : memref<16384xf32, #tpu.memory_space<hbm>>) target(%dma_start3A_273 : memref<128xf32, #tpu.memory_space<vmem>>) offsets(%dma_start3A_275 : memref<128xi32, #tpu.memory_space<vmem>>) semaphore(%arg28 : memref<!tpu.dma_semaphore, #tpu.memory_space<semaphore_mem>>)
      %dma_start3A_278 = arith.constant 11568 : i32
      %dma_start3A_279 = tpu.memref_slice %arg22[%dma_start3A_278] : memref<16640xf32, #tpu.memory_space<vmem>> -> memref<128xf32, #tpu.memory_space<vmem>>
      %dma_start3A_280 = arith.constant 128 : i32
      %dma_start3A_281 = tpu.memref_slice %arg20[%dma_start3A_280] : memref<1040xi32, #tpu.memory_space<vmem>> -> memref<128xi32, #tpu.memory_space<vmem>>
      %dma_start3A_282 = arith.constant 0 : i32
      %dma_start3A_283 = tpu.memref_slice %arg14[%dma_start3A_282] : memref<16384xf32, #tpu.memory_space<hbm>> -> memref<16384xf32, #tpu.memory_space<hbm>>
      tpu.enqueue_indirect_dma source(%dma_start3A_283 : memref<16384xf32, #tpu.memory_space<hbm>>) target(%dma_start3A_279 : memref<128xf32, #tpu.memory_space<vmem>>) offsets(%dma_start3A_281 : memref<128xi32, #tpu.memory_space<vmem>>) semaphore(%arg28 : memref<!tpu.dma_semaphore, #tpu.memory_space<semaphore_mem>>)
      %dma_start3A_284 = arith.constant 12608 : i32
      %dma_start3A_285 = tpu.memref_slice %arg22[%dma_start3A_284] : memref<16640xf32, #tpu.memory_space<vmem>> -> memref<128xf32, #tpu.memory_space<vmem>>
      %dma_start3A_286 = arith.constant 128 : i32
      %dma_start3A_287 = tpu.memref_slice %arg20[%dma_start3A_286] : memref<1040xi32, #tpu.memory_space<vmem>> -> memref<128xi32, #tpu.memory_space<vmem>>
      %dma_start3A_288 = arith.constant 0 : i32
      %dma_start3A_289 = tpu.memref_slice %arg15[%dma_start3A_288] : memref<16384xf32, #tpu.memory_space<hbm>> -> memref<16384xf32, #tpu.memory_space<hbm>>
      tpu.enqueue_indirect_dma source(%dma_start3A_289 : memref<16384xf32, #tpu.memory_space<hbm>>) target(%dma_start3A_285 : memref<128xf32, #tpu.memory_space<vmem>>) offsets(%dma_start3A_287 : memref<128xi32, #tpu.memory_space<vmem>>) semaphore(%arg28 : memref<!tpu.dma_semaphore, #tpu.memory_space<semaphore_mem>>)
      %dma_start3A_290 = arith.constant 13648 : i32
      %dma_start3A_291 = tpu.memref_slice %arg22[%dma_start3A_290] : memref<16640xf32, #tpu.memory_space<vmem>> -> memref<128xf32, #tpu.memory_space<vmem>>
      %dma_start3A_292 = arith.constant 128 : i32
      %dma_start3A_293 = tpu.memref_slice %arg20[%dma_start3A_292] : memref<1040xi32, #tpu.memory_space<vmem>> -> memref<128xi32, #tpu.memory_space<vmem>>
      %dma_start3A_294 = arith.constant 0 : i32
      %dma_start3A_295 = tpu.memref_slice %arg16[%dma_start3A_294] : memref<16384xf32, #tpu.memory_space<hbm>> -> memref<16384xf32, #tpu.memory_space<hbm>>
      tpu.enqueue_indirect_dma source(%dma_start3A_295 : memref<16384xf32, #tpu.memory_space<hbm>>) target(%dma_start3A_291 : memref<128xf32, #tpu.memory_space<vmem>>) offsets(%dma_start3A_293 : memref<128xi32, #tpu.memory_space<vmem>>) semaphore(%arg28 : memref<!tpu.dma_semaphore, #tpu.memory_space<semaphore_mem>>)
      %dma_start3A_296 = arith.constant 14688 : i32
      %dma_start3A_297 = tpu.memref_slice %arg22[%dma_start3A_296] : memref<16640xf32, #tpu.memory_space<vmem>> -> memref<128xf32, #tpu.memory_space<vmem>>
      %dma_start3A_298 = arith.constant 128 : i32
      %dma_start3A_299 = tpu.memref_slice %arg20[%dma_start3A_298] : memref<1040xi32, #tpu.memory_space<vmem>> -> memref<128xi32, #tpu.memory_space<vmem>>
      %dma_start3A_300 = arith.constant 0 : i32
      %dma_start3A_301 = tpu.memref_slice %arg17[%dma_start3A_300] : memref<16384xf32, #tpu.memory_space<hbm>> -> memref<16384xf32, #tpu.memory_space<hbm>>
      tpu.enqueue_indirect_dma source(%dma_start3A_301 : memref<16384xf32, #tpu.memory_space<hbm>>) target(%dma_start3A_297 : memref<128xf32, #tpu.memory_space<vmem>>) offsets(%dma_start3A_299 : memref<128xi32, #tpu.memory_space<vmem>>) semaphore(%arg28 : memref<!tpu.dma_semaphore, #tpu.memory_space<semaphore_mem>>)
    } else {
    }
    %gt3A_50 = arith.constant 256 : i32
    %gt3A_51 = arith.cmpi sgt, %scan3A_41, %gt3A_50 : i32
    %convert_element_type3A_52 = arith.extui %gt3A_51 : i1 to i32
    %cond3A_53 = arith.constant 0 : i32
    %cond3A_54 = arith.cmpi ne, %convert_element_type3A_52, %cond3A_53 : i32
    scf.if %cond3A_54 {
      %dma_start3A = arith.constant 256 : i32
      %dma_start3A_213 = tpu.memref_slice %arg22[%dma_start3A] : memref<16640xf32, #tpu.memory_space<vmem>> -> memref<128xf32, #tpu.memory_space<vmem>>
      %dma_start3A_214 = arith.constant 256 : i32
      %dma_start3A_215 = tpu.memref_slice %arg20[%dma_start3A_214] : memref<1040xi32, #tpu.memory_space<vmem>> -> memref<128xi32, #tpu.memory_space<vmem>>
      %dma_start3A_216 = arith.constant 0 : i32
      %dma_start3A_217 = tpu.memref_slice %arg3[%dma_start3A_216] : memref<16384xf32, #tpu.memory_space<hbm>> -> memref<16384xf32, #tpu.memory_space<hbm>>
      tpu.enqueue_indirect_dma source(%dma_start3A_217 : memref<16384xf32, #tpu.memory_space<hbm>>) target(%dma_start3A_213 : memref<128xf32, #tpu.memory_space<vmem>>) offsets(%dma_start3A_215 : memref<128xi32, #tpu.memory_space<vmem>>) semaphore(%arg28 : memref<!tpu.dma_semaphore, #tpu.memory_space<semaphore_mem>>)
      %dma_start3A_218 = arith.constant 1296 : i32
      %dma_start3A_219 = tpu.memref_slice %arg22[%dma_start3A_218] : memref<16640xf32, #tpu.memory_space<vmem>> -> memref<128xf32, #tpu.memory_space<vmem>>
      %dma_start3A_220 = arith.constant 256 : i32
      %dma_start3A_221 = tpu.memref_slice %arg20[%dma_start3A_220] : memref<1040xi32, #tpu.memory_space<vmem>> -> memref<128xi32, #tpu.memory_space<vmem>>
      %dma_start3A_222 = arith.constant 0 : i32
      %dma_start3A_223 = tpu.memref_slice %arg4[%dma_start3A_222] : memref<16384xf32, #tpu.memory_space<hbm>> -> memref<16384xf32, #tpu.memory_space<hbm>>
      tpu.enqueue_indirect_dma source(%dma_start3A_223 : memref<16384xf32, #tpu.memory_space<hbm>>) target(%dma_start3A_219 : memref<128xf32, #tpu.memory_space<vmem>>) offsets(%dma_start3A_221 : memref<128xi32, #tpu.memory_space<vmem>>) semaphore(%arg28 : memref<!tpu.dma_semaphore, #tpu.memory_space<semaphore_mem>>)
      %dma_start3A_224 = arith.constant 2336 : i32
      %dma_start3A_225 = tpu.memref_slice %arg22[%dma_start3A_224] : memref<16640xf32, #tpu.memory_space<vmem>> -> memref<128xf32, #tpu.memory_space<vmem>>
      %dma_start3A_226 = arith.constant 256 : i32
      %dma_start3A_227 = tpu.memref_slice %arg20[%dma_start3A_226] : memref<1040xi32, #tpu.memory_space<vmem>> -> memref<128xi32, #tpu.memory_space<vmem>>
      %dma_start3A_228 = arith.constant 0 : i32
      %dma_start3A_229 = tpu.memref_slice %arg5[%dma_start3A_228] : memref<16384xf32, #tpu.memory_space<hbm>> -> memref<16384xf32, #tpu.memory_space<hbm>>
      tpu.enqueue_indirect_dma source(%dma_start3A_229 : memref<16384xf32, #tpu.memory_space<hbm>>) target(%dma_start3A_225 : memref<128xf32, #tpu.memory_space<vmem>>) offsets(%dma_start3A_227 : memref<128xi32, #tpu.memory_space<vmem>>) semaphore(%arg28 : memref<!tpu.dma_semaphore, #tpu.memory_space<semaphore_mem>>)
      %dma_start3A_230 = arith.constant 3376 : i32
      %dma_start3A_231 = tpu.memref_slice %arg22[%dma_start3A_230] : memref<16640xf32, #tpu.memory_space<vmem>> -> memref<128xf32, #tpu.memory_space<vmem>>
      %dma_start3A_232 = arith.constant 256 : i32
      %dma_start3A_233 = tpu.memref_slice %arg20[%dma_start3A_232] : memref<1040xi32, #tpu.memory_space<vmem>> -> memref<128xi32, #tpu.memory_space<vmem>>
      %dma_start3A_234 = arith.constant 0 : i32
      %dma_start3A_235 = tpu.memref_slice %arg6[%dma_start3A_234] : memref<16384xf32, #tpu.memory_space<hbm>> -> memref<16384xf32, #tpu.memory_space<hbm>>
      tpu.enqueue_indirect_dma source(%dma_start3A_235 : memref<16384xf32, #tpu.memory_space<hbm>>) target(%dma_start3A_231 : memref<128xf32, #tpu.memory_space<vmem>>) offsets(%dma_start3A_233 : memref<128xi32, #tpu.memory_space<vmem>>) semaphore(%arg28 : memref<!tpu.dma_semaphore, #tpu.memory_space<semaphore_mem>>)
      %dma_start3A_236 = arith.constant 4416 : i32
      %dma_start3A_237 = tpu.memref_slice %arg22[%dma_start3A_236] : memref<16640xf32, #tpu.memory_space<vmem>> -> memref<128xf32, #tpu.memory_space<vmem>>
      %dma_start3A_238 = arith.constant 256 : i32
      %dma_start3A_239 = tpu.memref_slice %arg20[%dma_start3A_238] : memref<1040xi32, #tpu.memory_space<vmem>> -> memref<128xi32, #tpu.memory_space<vmem>>
      %dma_start3A_240 = arith.constant 0 : i32
      %dma_start3A_241 = tpu.memref_slice %arg7[%dma_start3A_240] : memref<16384xf32, #tpu.memory_space<hbm>> -> memref<16384xf32, #tpu.memory_space<hbm>>
      tpu.enqueue_indirect_dma source(%dma_start3A_241 : memref<16384xf32, #tpu.memory_space<hbm>>) target(%dma_start3A_237 : memref<128xf32, #tpu.memory_space<vmem>>) offsets(%dma_start3A_239 : memref<128xi32, #tpu.memory_space<vmem>>) semaphore(%arg28 : memref<!tpu.dma_semaphore, #tpu.memory_space<semaphore_mem>>)
      %dma_start3A_242 = arith.constant 5456 : i32
      %dma_start3A_243 = tpu.memref_slice %arg22[%dma_start3A_242] : memref<16640xf32, #tpu.memory_space<vmem>> -> memref<128xf32, #tpu.memory_space<vmem>>
      %dma_start3A_244 = arith.constant 256 : i32
      %dma_start3A_245 = tpu.memref_slice %arg20[%dma_start3A_244] : memref<1040xi32, #tpu.memory_space<vmem>> -> memref<128xi32, #tpu.memory_space<vmem>>
      %dma_start3A_246 = arith.constant 0 : i32
      %dma_start3A_247 = tpu.memref_slice %arg8[%dma_start3A_246] : memref<16384xf32, #tpu.memory_space<hbm>> -> memref<16384xf32, #tpu.memory_space<hbm>>
      tpu.enqueue_indirect_dma source(%dma_start3A_247 : memref<16384xf32, #tpu.memory_space<hbm>>) target(%dma_start3A_243 : memref<128xf32, #tpu.memory_space<vmem>>) offsets(%dma_start3A_245 : memref<128xi32, #tpu.memory_space<vmem>>) semaphore(%arg28 : memref<!tpu.dma_semaphore, #tpu.memory_space<semaphore_mem>>)
      %dma_start3A_248 = arith.constant 6496 : i32
      %dma_start3A_249 = tpu.memref_slice %arg22[%dma_start3A_248] : memref<16640xf32, #tpu.memory_space<vmem>> -> memref<128xf32, #tpu.memory_space<vmem>>
      %dma_start3A_250 = arith.constant 256 : i32
      %dma_start3A_251 = tpu.memref_slice %arg20[%dma_start3A_250] : memref<1040xi32, #tpu.memory_space<vmem>> -> memref<128xi32, #tpu.memory_space<vmem>>
      %dma_start3A_252 = arith.constant 0 : i32
      %dma_start3A_253 = tpu.memref_slice %arg9[%dma_start3A_252] : memref<16384xf32, #tpu.memory_space<hbm>> -> memref<16384xf32, #tpu.memory_space<hbm>>
      tpu.enqueue_indirect_dma source(%dma_start3A_253 : memref<16384xf32, #tpu.memory_space<hbm>>) target(%dma_start3A_249 : memref<128xf32, #tpu.memory_space<vmem>>) offsets(%dma_start3A_251 : memref<128xi32, #tpu.memory_space<vmem>>) semaphore(%arg28 : memref<!tpu.dma_semaphore, #tpu.memory_space<semaphore_mem>>)
      %dma_start3A_254 = arith.constant 7536 : i32
      %dma_start3A_255 = tpu.memref_slice %arg22[%dma_start3A_254] : memref<16640xf32, #tpu.memory_space<vmem>> -> memref<128xf32, #tpu.memory_space<vmem>>
      %dma_start3A_256 = arith.constant 256 : i32
      %dma_start3A_257 = tpu.memref_slice %arg20[%dma_start3A_256] : memref<1040xi32, #tpu.memory_space<vmem>> -> memref<128xi32, #tpu.memory_space<vmem>>
      %dma_start3A_258 = arith.constant 0 : i32
      %dma_start3A_259 = tpu.memref_slice %arg10[%dma_start3A_258] : memref<16384xf32, #tpu.memory_space<hbm>> -> memref<16384xf32, #tpu.memory_space<hbm>>
      tpu.enqueue_indirect_dma source(%dma_start3A_259 : memref<16384xf32, #tpu.memory_space<hbm>>) target(%dma_start3A_255 : memref<128xf32, #tpu.memory_space<vmem>>) offsets(%dma_start3A_257 : memref<128xi32, #tpu.memory_space<vmem>>) semaphore(%arg28 : memref<!tpu.dma_semaphore, #tpu.memory_space<semaphore_mem>>)
      %dma_start3A_260 = arith.constant 8576 : i32
      %dma_start3A_261 = tpu.memref_slice %arg22[%dma_start3A_260] : memref<16640xf32, #tpu.memory_space<vmem>> -> memref<128xf32, #tpu.memory_space<vmem>>
      %dma_start3A_262 = arith.constant 256 : i32
      %dma_start3A_263 = tpu.memref_slice %arg20[%dma_start3A_262] : memref<1040xi32, #tpu.memory_space<vmem>> -> memref<128xi32, #tpu.memory_space<vmem>>
      %dma_start3A_264 = arith.constant 0 : i32
      %dma_start3A_265 = tpu.memref_slice %arg11[%dma_start3A_264] : memref<16384xf32, #tpu.memory_space<hbm>> -> memref<16384xf32, #tpu.memory_space<hbm>>
      tpu.enqueue_indirect_dma source(%dma_start3A_265 : memref<16384xf32, #tpu.memory_space<hbm>>) target(%dma_start3A_261 : memref<128xf32, #tpu.memory_space<vmem>>) offsets(%dma_start3A_263 : memref<128xi32, #tpu.memory_space<vmem>>) semaphore(%arg28 : memref<!tpu.dma_semaphore, #tpu.memory_space<semaphore_mem>>)
      %dma_start3A_266 = arith.constant 9616 : i32
      %dma_start3A_267 = tpu.memref_slice %arg22[%dma_start3A_266] : memref<16640xf32, #tpu.memory_space<vmem>> -> memref<128xf32, #tpu.memory_space<vmem>>
      %dma_start3A_268 = arith.constant 256 : i32
      %dma_start3A_269 = tpu.memref_slice %arg20[%dma_start3A_268] : memref<1040xi32, #tpu.memory_space<vmem>> -> memref<128xi32, #tpu.memory_space<vmem>>
      %dma_start3A_270 = arith.constant 0 : i32
      %dma_start3A_271 = tpu.memref_slice %arg12[%dma_start3A_270] : memref<16384xf32, #tpu.memory_space<hbm>> -> memref<16384xf32, #tpu.memory_space<hbm>>
      tpu.enqueue_indirect_dma source(%dma_start3A_271 : memref<16384xf32, #tpu.memory_space<hbm>>) target(%dma_start3A_267 : memref<128xf32, #tpu.memory_space<vmem>>) offsets(%dma_start3A_269 : memref<128xi32, #tpu.memory_space<vmem>>) semaphore(%arg28 : memref<!tpu.dma_semaphore, #tpu.memory_space<semaphore_mem>>)
      %dma_start3A_272 = arith.constant 10656 : i32
      %dma_start3A_273 = tpu.memref_slice %arg22[%dma_start3A_272] : memref<16640xf32, #tpu.memory_space<vmem>> -> memref<128xf32, #tpu.memory_space<vmem>>
      %dma_start3A_274 = arith.constant 256 : i32
      %dma_start3A_275 = tpu.memref_slice %arg20[%dma_start3A_274] : memref<1040xi32, #tpu.memory_space<vmem>> -> memref<128xi32, #tpu.memory_space<vmem>>
      %dma_start3A_276 = arith.constant 0 : i32
      %dma_start3A_277 = tpu.memref_slice %arg13[%dma_start3A_276] : memref<16384xf32, #tpu.memory_space<hbm>> -> memref<16384xf32, #tpu.memory_space<hbm>>
      tpu.enqueue_indirect_dma source(%dma_start3A_277 : memref<16384xf32, #tpu.memory_space<hbm>>) target(%dma_start3A_273 : memref<128xf32, #tpu.memory_space<vmem>>) offsets(%dma_start3A_275 : memref<128xi32, #tpu.memory_space<vmem>>) semaphore(%arg28 : memref<!tpu.dma_semaphore, #tpu.memory_space<semaphore_mem>>)
      %dma_start3A_278 = arith.constant 11696 : i32
      %dma_start3A_279 = tpu.memref_slice %arg22[%dma_start3A_278] : memref<16640xf32, #tpu.memory_space<vmem>> -> memref<128xf32, #tpu.memory_space<vmem>>
      %dma_start3A_280 = arith.constant 256 : i32
      %dma_start3A_281 = tpu.memref_slice %arg20[%dma_start3A_280] : memref<1040xi32, #tpu.memory_space<vmem>> -> memref<128xi32, #tpu.memory_space<vmem>>
      %dma_start3A_282 = arith.constant 0 : i32
      %dma_start3A_283 = tpu.memref_slice %arg14[%dma_start3A_282] : memref<16384xf32, #tpu.memory_space<hbm>> -> memref<16384xf32, #tpu.memory_space<hbm>>
      tpu.enqueue_indirect_dma source(%dma_start3A_283 : memref<16384xf32, #tpu.memory_space<hbm>>) target(%dma_start3A_279 : memref<128xf32, #tpu.memory_space<vmem>>) offsets(%dma_start3A_281 : memref<128xi32, #tpu.memory_space<vmem>>) semaphore(%arg28 : memref<!tpu.dma_semaphore, #tpu.memory_space<semaphore_mem>>)
      %dma_start3A_284 = arith.constant 12736 : i32
      %dma_start3A_285 = tpu.memref_slice %arg22[%dma_start3A_284] : memref<16640xf32, #tpu.memory_space<vmem>> -> memref<128xf32, #tpu.memory_space<vmem>>
      %dma_start3A_286 = arith.constant 256 : i32
      %dma_start3A_287 = tpu.memref_slice %arg20[%dma_start3A_286] : memref<1040xi32, #tpu.memory_space<vmem>> -> memref<128xi32, #tpu.memory_space<vmem>>
      %dma_start3A_288 = arith.constant 0 : i32
      %dma_start3A_289 = tpu.memref_slice %arg15[%dma_start3A_288] : memref<16384xf32, #tpu.memory_space<hbm>> -> memref<16384xf32, #tpu.memory_space<hbm>>
      tpu.enqueue_indirect_dma source(%dma_start3A_289 : memref<16384xf32, #tpu.memory_space<hbm>>) target(%dma_start3A_285 : memref<128xf32, #tpu.memory_space<vmem>>) offsets(%dma_start3A_287 : memref<128xi32, #tpu.memory_space<vmem>>) semaphore(%arg28 : memref<!tpu.dma_semaphore, #tpu.memory_space<semaphore_mem>>)
      %dma_start3A_290 = arith.constant 13776 : i32
      %dma_start3A_291 = tpu.memref_slice %arg22[%dma_start3A_290] : memref<16640xf32, #tpu.memory_space<vmem>> -> memref<128xf32, #tpu.memory_space<vmem>>
      %dma_start3A_292 = arith.constant 256 : i32
      %dma_start3A_293 = tpu.memref_slice %arg20[%dma_start3A_292] : memref<1040xi32, #tpu.memory_space<vmem>> -> memref<128xi32, #tpu.memory_space<vmem>>
      %dma_start3A_294 = arith.constant 0 : i32
      %dma_start3A_295 = tpu.memref_slice %arg16[%dma_start3A_294] : memref<16384xf32, #tpu.memory_space<hbm>> -> memref<16384xf32, #tpu.memory_space<hbm>>
      tpu.enqueue_indirect_dma source(%dma_start3A_295 : memref<16384xf32, #tpu.memory_space<hbm>>) target(%dma_start3A_291 : memref<128xf32, #tpu.memory_space<vmem>>) offsets(%dma_start3A_293 : memref<128xi32, #tpu.memory_space<vmem>>) semaphore(%arg28 : memref<!tpu.dma_semaphore, #tpu.memory_space<semaphore_mem>>)
      %dma_start3A_296 = arith.constant 14816 : i32
      %dma_start3A_297 = tpu.memref_slice %arg22[%dma_start3A_296] : memref<16640xf32, #tpu.memory_space<vmem>> -> memref<128xf32, #tpu.memory_space<vmem>>
      %dma_start3A_298 = arith.constant 256 : i32
      %dma_start3A_299 = tpu.memref_slice %arg20[%dma_start3A_298] : memref<1040xi32, #tpu.memory_space<vmem>> -> memref<128xi32, #tpu.memory_space<vmem>>
      %dma_start3A_300 = arith.constant 0 : i32
      %dma_start3A_301 = tpu.memref_slice %arg17[%dma_start3A_300] : memref<16384xf32, #tpu.memory_space<hbm>> -> memref<16384xf32, #tpu.memory_space<hbm>>
      tpu.enqueue_indirect_dma source(%dma_start3A_301 : memref<16384xf32, #tpu.memory_space<hbm>>) target(%dma_start3A_297 : memref<128xf32, #tpu.memory_space<vmem>>) offsets(%dma_start3A_299 : memref<128xi32, #tpu.memory_space<vmem>>) semaphore(%arg28 : memref<!tpu.dma_semaphore, #tpu.memory_space<semaphore_mem>>)
    } else {
    }
    %gt3A_55 = arith.constant 384 : i32
    %gt3A_56 = arith.cmpi sgt, %scan3A_41, %gt3A_55 : i32
    %convert_element_type3A_57 = arith.extui %gt3A_56 : i1 to i32
    %cond3A_58 = arith.constant 0 : i32
    %cond3A_59 = arith.cmpi ne, %convert_element_type3A_57, %cond3A_58 : i32
    scf.if %cond3A_59 {
      %dma_start3A = arith.constant 384 : i32
      %dma_start3A_213 = tpu.memref_slice %arg22[%dma_start3A] : memref<16640xf32, #tpu.memory_space<vmem>> -> memref<128xf32, #tpu.memory_space<vmem>>
      %dma_start3A_214 = arith.constant 384 : i32
      %dma_start3A_215 = tpu.memref_slice %arg20[%dma_start3A_214] : memref<1040xi32, #tpu.memory_space<vmem>> -> memref<128xi32, #tpu.memory_space<vmem>>
      %dma_start3A_216 = arith.constant 0 : i32
      %dma_start3A_217 = tpu.memref_slice %arg3[%dma_start3A_216] : memref<16384xf32, #tpu.memory_space<hbm>> -> memref<16384xf32, #tpu.memory_space<hbm>>
      tpu.enqueue_indirect_dma source(%dma_start3A_217 : memref<16384xf32, #tpu.memory_space<hbm>>) target(%dma_start3A_213 : memref<128xf32, #tpu.memory_space<vmem>>) offsets(%dma_start3A_215 : memref<128xi32, #tpu.memory_space<vmem>>) semaphore(%arg28 : memref<!tpu.dma_semaphore, #tpu.memory_space<semaphore_mem>>)
      %dma_start3A_218 = arith.constant 1424 : i32
      %dma_start3A_219 = tpu.memref_slice %arg22[%dma_start3A_218] : memref<16640xf32, #tpu.memory_space<vmem>> -> memref<128xf32, #tpu.memory_space<vmem>>
      %dma_start3A_220 = arith.constant 384 : i32
      %dma_start3A_221 = tpu.memref_slice %arg20[%dma_start3A_220] : memref<1040xi32, #tpu.memory_space<vmem>> -> memref<128xi32, #tpu.memory_space<vmem>>
      %dma_start3A_222 = arith.constant 0 : i32
      %dma_start3A_223 = tpu.memref_slice %arg4[%dma_start3A_222] : memref<16384xf32, #tpu.memory_space<hbm>> -> memref<16384xf32, #tpu.memory_space<hbm>>
      tpu.enqueue_indirect_dma source(%dma_start3A_223 : memref<16384xf32, #tpu.memory_space<hbm>>) target(%dma_start3A_219 : memref<128xf32, #tpu.memory_space<vmem>>) offsets(%dma_start3A_221 : memref<128xi32, #tpu.memory_space<vmem>>) semaphore(%arg28 : memref<!tpu.dma_semaphore, #tpu.memory_space<semaphore_mem>>)
      %dma_start3A_224 = arith.constant 2464 : i32
      %dma_start3A_225 = tpu.memref_slice %arg22[%dma_start3A_224] : memref<16640xf32, #tpu.memory_space<vmem>> -> memref<128xf32, #tpu.memory_space<vmem>>
      %dma_start3A_226 = arith.constant 384 : i32
      %dma_start3A_227 = tpu.memref_slice %arg20[%dma_start3A_226] : memref<1040xi32, #tpu.memory_space<vmem>> -> memref<128xi32, #tpu.memory_space<vmem>>
      %dma_start3A_228 = arith.constant 0 : i32
      %dma_start3A_229 = tpu.memref_slice %arg5[%dma_start3A_228] : memref<16384xf32, #tpu.memory_space<hbm>> -> memref<16384xf32, #tpu.memory_space<hbm>>
      tpu.enqueue_indirect_dma source(%dma_start3A_229 : memref<16384xf32, #tpu.memory_space<hbm>>) target(%dma_start3A_225 : memref<128xf32, #tpu.memory_space<vmem>>) offsets(%dma_start3A_227 : memref<128xi32, #tpu.memory_space<vmem>>) semaphore(%arg28 : memref<!tpu.dma_semaphore, #tpu.memory_space<semaphore_mem>>)
      %dma_start3A_230 = arith.constant 3504 : i32
      %dma_start3A_231 = tpu.memref_slice %arg22[%dma_start3A_230] : memref<16640xf32, #tpu.memory_space<vmem>> -> memref<128xf32, #tpu.memory_space<vmem>>
      %dma_start3A_232 = arith.constant 384 : i32
      %dma_start3A_233 = tpu.memref_slice %arg20[%dma_start3A_232] : memref<1040xi32, #tpu.memory_space<vmem>> -> memref<128xi32, #tpu.memory_space<vmem>>
      %dma_start3A_234 = arith.constant 0 : i32
      %dma_start3A_235 = tpu.memref_slice %arg6[%dma_start3A_234] : memref<16384xf32, #tpu.memory_space<hbm>> -> memref<16384xf32, #tpu.memory_space<hbm>>
      tpu.enqueue_indirect_dma source(%dma_start3A_235 : memref<16384xf32, #tpu.memory_space<hbm>>) target(%dma_start3A_231 : memref<128xf32, #tpu.memory_space<vmem>>) offsets(%dma_start3A_233 : memref<128xi32, #tpu.memory_space<vmem>>) semaphore(%arg28 : memref<!tpu.dma_semaphore, #tpu.memory_space<semaphore_mem>>)
      %dma_start3A_236 = arith.constant 4544 : i32
      %dma_start3A_237 = tpu.memref_slice %arg22[%dma_start3A_236] : memref<16640xf32, #tpu.memory_space<vmem>> -> memref<128xf32, #tpu.memory_space<vmem>>
      %dma_start3A_238 = arith.constant 384 : i32
      %dma_start3A_239 = tpu.memref_slice %arg20[%dma_start3A_238] : memref<1040xi32, #tpu.memory_space<vmem>> -> memref<128xi32, #tpu.memory_space<vmem>>
      %dma_start3A_240 = arith.constant 0 : i32
      %dma_start3A_241 = tpu.memref_slice %arg7[%dma_start3A_240] : memref<16384xf32, #tpu.memory_space<hbm>> -> memref<16384xf32, #tpu.memory_space<hbm>>
      tpu.enqueue_indirect_dma source(%dma_start3A_241 : memref<16384xf32, #tpu.memory_space<hbm>>) target(%dma_start3A_237 : memref<128xf32, #tpu.memory_space<vmem>>) offsets(%dma_start3A_239 : memref<128xi32, #tpu.memory_space<vmem>>) semaphore(%arg28 : memref<!tpu.dma_semaphore, #tpu.memory_space<semaphore_mem>>)
      %dma_start3A_242 = arith.constant 5584 : i32
      %dma_start3A_243 = tpu.memref_slice %arg22[%dma_start3A_242] : memref<16640xf32, #tpu.memory_space<vmem>> -> memref<128xf32, #tpu.memory_space<vmem>>
      %dma_start3A_244 = arith.constant 384 : i32
      %dma_start3A_245 = tpu.memref_slice %arg20[%dma_start3A_244] : memref<1040xi32, #tpu.memory_space<vmem>> -> memref<128xi32, #tpu.memory_space<vmem>>
      %dma_start3A_246 = arith.constant 0 : i32
      %dma_start3A_247 = tpu.memref_slice %arg8[%dma_start3A_246] : memref<16384xf32, #tpu.memory_space<hbm>> -> memref<16384xf32, #tpu.memory_space<hbm>>
      tpu.enqueue_indirect_dma source(%dma_start3A_247 : memref<16384xf32, #tpu.memory_space<hbm>>) target(%dma_start3A_243 : memref<128xf32, #tpu.memory_space<vmem>>) offsets(%dma_start3A_245 : memref<128xi32, #tpu.memory_space<vmem>>) semaphore(%arg28 : memref<!tpu.dma_semaphore, #tpu.memory_space<semaphore_mem>>)
      %dma_start3A_248 = arith.constant 6624 : i32
      %dma_start3A_249 = tpu.memref_slice %arg22[%dma_start3A_248] : memref<16640xf32, #tpu.memory_space<vmem>> -> memref<128xf32, #tpu.memory_space<vmem>>
      %dma_start3A_250 = arith.constant 384 : i32
      %dma_start3A_251 = tpu.memref_slice %arg20[%dma_start3A_250] : memref<1040xi32, #tpu.memory_space<vmem>> -> memref<128xi32, #tpu.memory_space<vmem>>
      %dma_start3A_252 = arith.constant 0 : i32
      %dma_start3A_253 = tpu.memref_slice %arg9[%dma_start3A_252] : memref<16384xf32, #tpu.memory_space<hbm>> -> memref<16384xf32, #tpu.memory_space<hbm>>
      tpu.enqueue_indirect_dma source(%dma_start3A_253 : memref<16384xf32, #tpu.memory_space<hbm>>) target(%dma_start3A_249 : memref<128xf32, #tpu.memory_space<vmem>>) offsets(%dma_start3A_251 : memref<128xi32, #tpu.memory_space<vmem>>) semaphore(%arg28 : memref<!tpu.dma_semaphore, #tpu.memory_space<semaphore_mem>>)
      %dma_start3A_254 = arith.constant 7664 : i32
      %dma_start3A_255 = tpu.memref_slice %arg22[%dma_start3A_254] : memref<16640xf32, #tpu.memory_space<vmem>> -> memref<128xf32, #tpu.memory_space<vmem>>
      %dma_start3A_256 = arith.constant 384 : i32
      %dma_start3A_257 = tpu.memref_slice %arg20[%dma_start3A_256] : memref<1040xi32, #tpu.memory_space<vmem>> -> memref<128xi32, #tpu.memory_space<vmem>>
      %dma_start3A_258 = arith.constant 0 : i32
      %dma_start3A_259 = tpu.memref_slice %arg10[%dma_start3A_258] : memref<16384xf32, #tpu.memory_space<hbm>> -> memref<16384xf32, #tpu.memory_space<hbm>>
      tpu.enqueue_indirect_dma source(%dma_start3A_259 : memref<16384xf32, #tpu.memory_space<hbm>>) target(%dma_start3A_255 : memref<128xf32, #tpu.memory_space<vmem>>) offsets(%dma_start3A_257 : memref<128xi32, #tpu.memory_space<vmem>>) semaphore(%arg28 : memref<!tpu.dma_semaphore, #tpu.memory_space<semaphore_mem>>)
      %dma_start3A_260 = arith.constant 8704 : i32
      %dma_start3A_261 = tpu.memref_slice %arg22[%dma_start3A_260] : memref<16640xf32, #tpu.memory_space<vmem>> -> memref<128xf32, #tpu.memory_space<vmem>>
      %dma_start3A_262 = arith.constant 384 : i32
      %dma_start3A_263 = tpu.memref_slice %arg20[%dma_start3A_262] : memref<1040xi32, #tpu.memory_space<vmem>> -> memref<128xi32, #tpu.memory_space<vmem>>
      %dma_start3A_264 = arith.constant 0 : i32
      %dma_start3A_265 = tpu.memref_slice %arg11[%dma_start3A_264] : memref<16384xf32, #tpu.memory_space<hbm>> -> memref<16384xf32, #tpu.memory_space<hbm>>
      tpu.enqueue_indirect_dma source(%dma_start3A_265 : memref<16384xf32, #tpu.memory_space<hbm>>) target(%dma_start3A_261 : memref<128xf32, #tpu.memory_space<vmem>>) offsets(%dma_start3A_263 : memref<128xi32, #tpu.memory_space<vmem>>) semaphore(%arg28 : memref<!tpu.dma_semaphore, #tpu.memory_space<semaphore_mem>>)
      %dma_start3A_266 = arith.constant 9744 : i32
      %dma_start3A_267 = tpu.memref_slice %arg22[%dma_start3A_266] : memref<16640xf32, #tpu.memory_space<vmem>> -> memref<128xf32, #tpu.memory_space<vmem>>
      %dma_start3A_268 = arith.constant 384 : i32
      %dma_start3A_269 = tpu.memref_slice %arg20[%dma_start3A_268] : memref<1040xi32, #tpu.memory_space<vmem>> -> memref<128xi32, #tpu.memory_space<vmem>>
      %dma_start3A_270 = arith.constant 0 : i32
      %dma_start3A_271 = tpu.memref_slice %arg12[%dma_start3A_270] : memref<16384xf32, #tpu.memory_space<hbm>> -> memref<16384xf32, #tpu.memory_space<hbm>>
      tpu.enqueue_indirect_dma source(%dma_start3A_271 : memref<16384xf32, #tpu.memory_space<hbm>>) target(%dma_start3A_267 : memref<128xf32, #tpu.memory_space<vmem>>) offsets(%dma_start3A_269 : memref<128xi32, #tpu.memory_space<vmem>>) semaphore(%arg28 : memref<!tpu.dma_semaphore, #tpu.memory_space<semaphore_mem>>)
      %dma_start3A_272 = arith.constant 10784 : i32
      %dma_start3A_273 = tpu.memref_slice %arg22[%dma_start3A_272] : memref<16640xf32, #tpu.memory_space<vmem>> -> memref<128xf32, #tpu.memory_space<vmem>>
      %dma_start3A_274 = arith.constant 384 : i32
      %dma_start3A_275 = tpu.memref_slice %arg20[%dma_start3A_274] : memref<1040xi32, #tpu.memory_space<vmem>> -> memref<128xi32, #tpu.memory_space<vmem>>
      %dma_start3A_276 = arith.constant 0 : i32
      %dma_start3A_277 = tpu.memref_slice %arg13[%dma_start3A_276] : memref<16384xf32, #tpu.memory_space<hbm>> -> memref<16384xf32, #tpu.memory_space<hbm>>
      tpu.enqueue_indirect_dma source(%dma_start3A_277 : memref<16384xf32, #tpu.memory_space<hbm>>) target(%dma_start3A_273 : memref<128xf32, #tpu.memory_space<vmem>>) offsets(%dma_start3A_275 : memref<128xi32, #tpu.memory_space<vmem>>) semaphore(%arg28 : memref<!tpu.dma_semaphore, #tpu.memory_space<semaphore_mem>>)
      %dma_start3A_278 = arith.constant 11824 : i32
      %dma_start3A_279 = tpu.memref_slice %arg22[%dma_start3A_278] : memref<16640xf32, #tpu.memory_space<vmem>> -> memref<128xf32, #tpu.memory_space<vmem>>
      %dma_start3A_280 = arith.constant 384 : i32
      %dma_start3A_281 = tpu.memref_slice %arg20[%dma_start3A_280] : memref<1040xi32, #tpu.memory_space<vmem>> -> memref<128xi32, #tpu.memory_space<vmem>>
      %dma_start3A_282 = arith.constant 0 : i32
      %dma_start3A_283 = tpu.memref_slice %arg14[%dma_start3A_282] : memref<16384xf32, #tpu.memory_space<hbm>> -> memref<16384xf32, #tpu.memory_space<hbm>>
      tpu.enqueue_indirect_dma source(%dma_start3A_283 : memref<16384xf32, #tpu.memory_space<hbm>>) target(%dma_start3A_279 : memref<128xf32, #tpu.memory_space<vmem>>) offsets(%dma_start3A_281 : memref<128xi32, #tpu.memory_space<vmem>>) semaphore(%arg28 : memref<!tpu.dma_semaphore, #tpu.memory_space<semaphore_mem>>)
      %dma_start3A_284 = arith.constant 12864 : i32
      %dma_start3A_285 = tpu.memref_slice %arg22[%dma_start3A_284] : memref<16640xf32, #tpu.memory_space<vmem>> -> memref<128xf32, #tpu.memory_space<vmem>>
      %dma_start3A_286 = arith.constant 384 : i32
      %dma_start3A_287 = tpu.memref_slice %arg20[%dma_start3A_286] : memref<1040xi32, #tpu.memory_space<vmem>> -> memref<128xi32, #tpu.memory_space<vmem>>
      %dma_start3A_288 = arith.constant 0 : i32
      %dma_start3A_289 = tpu.memref_slice %arg15[%dma_start3A_288] : memref<16384xf32, #tpu.memory_space<hbm>> -> memref<16384xf32, #tpu.memory_space<hbm>>
      tpu.enqueue_indirect_dma source(%dma_start3A_289 : memref<16384xf32, #tpu.memory_space<hbm>>) target(%dma_start3A_285 : memref<128xf32, #tpu.memory_space<vmem>>) offsets(%dma_start3A_287 : memref<128xi32, #tpu.memory_space<vmem>>) semaphore(%arg28 : memref<!tpu.dma_semaphore, #tpu.memory_space<semaphore_mem>>)
      %dma_start3A_290 = arith.constant 13904 : i32
      %dma_start3A_291 = tpu.memref_slice %arg22[%dma_start3A_290] : memref<16640xf32, #tpu.memory_space<vmem>> -> memref<128xf32, #tpu.memory_space<vmem>>
      %dma_start3A_292 = arith.constant 384 : i32
      %dma_start3A_293 = tpu.memref_slice %arg20[%dma_start3A_292] : memref<1040xi32, #tpu.memory_space<vmem>> -> memref<128xi32, #tpu.memory_space<vmem>>
      %dma_start3A_294 = arith.constant 0 : i32
      %dma_start3A_295 = tpu.memref_slice %arg16[%dma_start3A_294] : memref<16384xf32, #tpu.memory_space<hbm>> -> memref<16384xf32, #tpu.memory_space<hbm>>
      tpu.enqueue_indirect_dma source(%dma_start3A_295 : memref<16384xf32, #tpu.memory_space<hbm>>) target(%dma_start3A_291 : memref<128xf32, #tpu.memory_space<vmem>>) offsets(%dma_start3A_293 : memref<128xi32, #tpu.memory_space<vmem>>) semaphore(%arg28 : memref<!tpu.dma_semaphore, #tpu.memory_space<semaphore_mem>>)
      %dma_start3A_296 = arith.constant 14944 : i32
      %dma_start3A_297 = tpu.memref_slice %arg22[%dma_start3A_296] : memref<16640xf32, #tpu.memory_space<vmem>> -> memref<128xf32, #tpu.memory_space<vmem>>
      %dma_start3A_298 = arith.constant 384 : i32
      %dma_start3A_299 = tpu.memref_slice %arg20[%dma_start3A_298] : memref<1040xi32, #tpu.memory_space<vmem>> -> memref<128xi32, #tpu.memory_space<vmem>>
      %dma_start3A_300 = arith.constant 0 : i32
      %dma_start3A_301 = tpu.memref_slice %arg17[%dma_start3A_300] : memref<16384xf32, #tpu.memory_space<hbm>> -> memref<16384xf32, #tpu.memory_space<hbm>>
      tpu.enqueue_indirect_dma source(%dma_start3A_301 : memref<16384xf32, #tpu.memory_space<hbm>>) target(%dma_start3A_297 : memref<128xf32, #tpu.memory_space<vmem>>) offsets(%dma_start3A_299 : memref<128xi32, #tpu.memory_space<vmem>>) semaphore(%arg28 : memref<!tpu.dma_semaphore, #tpu.memory_space<semaphore_mem>>)
    } else {
    }
    %gt3A_60 = arith.constant 512 : i32
    %gt3A_61 = arith.cmpi sgt, %scan3A_41, %gt3A_60 : i32
    %convert_element_type3A_62 = arith.extui %gt3A_61 : i1 to i32
    %cond3A_63 = arith.constant 0 : i32
    %cond3A_64 = arith.cmpi ne, %convert_element_type3A_62, %cond3A_63 : i32
    scf.if %cond3A_64 {
      %dma_start3A = arith.constant 512 : i32
      %dma_start3A_213 = tpu.memref_slice %arg22[%dma_start3A] : memref<16640xf32, #tpu.memory_space<vmem>> -> memref<128xf32, #tpu.memory_space<vmem>>
      %dma_start3A_214 = arith.constant 512 : i32
      %dma_start3A_215 = tpu.memref_slice %arg20[%dma_start3A_214] : memref<1040xi32, #tpu.memory_space<vmem>> -> memref<128xi32, #tpu.memory_space<vmem>>
      %dma_start3A_216 = arith.constant 0 : i32
      %dma_start3A_217 = tpu.memref_slice %arg3[%dma_start3A_216] : memref<16384xf32, #tpu.memory_space<hbm>> -> memref<16384xf32, #tpu.memory_space<hbm>>
      tpu.enqueue_indirect_dma source(%dma_start3A_217 : memref<16384xf32, #tpu.memory_space<hbm>>) target(%dma_start3A_213 : memref<128xf32, #tpu.memory_space<vmem>>) offsets(%dma_start3A_215 : memref<128xi32, #tpu.memory_space<vmem>>) semaphore(%arg28 : memref<!tpu.dma_semaphore, #tpu.memory_space<semaphore_mem>>)
      %dma_start3A_218 = arith.constant 1552 : i32
      %dma_start3A_219 = tpu.memref_slice %arg22[%dma_start3A_218] : memref<16640xf32, #tpu.memory_space<vmem>> -> memref<128xf32, #tpu.memory_space<vmem>>
      %dma_start3A_220 = arith.constant 512 : i32
      %dma_start3A_221 = tpu.memref_slice %arg20[%dma_start3A_220] : memref<1040xi32, #tpu.memory_space<vmem>> -> memref<128xi32, #tpu.memory_space<vmem>>
      %dma_start3A_222 = arith.constant 0 : i32
      %dma_start3A_223 = tpu.memref_slice %arg4[%dma_start3A_222] : memref<16384xf32, #tpu.memory_space<hbm>> -> memref<16384xf32, #tpu.memory_space<hbm>>
      tpu.enqueue_indirect_dma source(%dma_start3A_223 : memref<16384xf32, #tpu.memory_space<hbm>>) target(%dma_start3A_219 : memref<128xf32, #tpu.memory_space<vmem>>) offsets(%dma_start3A_221 : memref<128xi32, #tpu.memory_space<vmem>>) semaphore(%arg28 : memref<!tpu.dma_semaphore, #tpu.memory_space<semaphore_mem>>)
      %dma_start3A_224 = arith.constant 2592 : i32
      %dma_start3A_225 = tpu.memref_slice %arg22[%dma_start3A_224] : memref<16640xf32, #tpu.memory_space<vmem>> -> memref<128xf32, #tpu.memory_space<vmem>>
      %dma_start3A_226 = arith.constant 512 : i32
      %dma_start3A_227 = tpu.memref_slice %arg20[%dma_start3A_226] : memref<1040xi32, #tpu.memory_space<vmem>> -> memref<128xi32, #tpu.memory_space<vmem>>
      %dma_start3A_228 = arith.constant 0 : i32
      %dma_start3A_229 = tpu.memref_slice %arg5[%dma_start3A_228] : memref<16384xf32, #tpu.memory_space<hbm>> -> memref<16384xf32, #tpu.memory_space<hbm>>
      tpu.enqueue_indirect_dma source(%dma_start3A_229 : memref<16384xf32, #tpu.memory_space<hbm>>) target(%dma_start3A_225 : memref<128xf32, #tpu.memory_space<vmem>>) offsets(%dma_start3A_227 : memref<128xi32, #tpu.memory_space<vmem>>) semaphore(%arg28 : memref<!tpu.dma_semaphore, #tpu.memory_space<semaphore_mem>>)
      %dma_start3A_230 = arith.constant 3632 : i32
      %dma_start3A_231 = tpu.memref_slice %arg22[%dma_start3A_230] : memref<16640xf32, #tpu.memory_space<vmem>> -> memref<128xf32, #tpu.memory_space<vmem>>
      %dma_start3A_232 = arith.constant 512 : i32
      %dma_start3A_233 = tpu.memref_slice %arg20[%dma_start3A_232] : memref<1040xi32, #tpu.memory_space<vmem>> -> memref<128xi32, #tpu.memory_space<vmem>>
      %dma_start3A_234 = arith.constant 0 : i32
      %dma_start3A_235 = tpu.memref_slice %arg6[%dma_start3A_234] : memref<16384xf32, #tpu.memory_space<hbm>> -> memref<16384xf32, #tpu.memory_space<hbm>>
      tpu.enqueue_indirect_dma source(%dma_start3A_235 : memref<16384xf32, #tpu.memory_space<hbm>>) target(%dma_start3A_231 : memref<128xf32, #tpu.memory_space<vmem>>) offsets(%dma_start3A_233 : memref<128xi32, #tpu.memory_space<vmem>>) semaphore(%arg28 : memref<!tpu.dma_semaphore, #tpu.memory_space<semaphore_mem>>)
      %dma_start3A_236 = arith.constant 4672 : i32
      %dma_start3A_237 = tpu.memref_slice %arg22[%dma_start3A_236] : memref<16640xf32, #tpu.memory_space<vmem>> -> memref<128xf32, #tpu.memory_space<vmem>>
      %dma_start3A_238 = arith.constant 512 : i32
      %dma_start3A_239 = tpu.memref_slice %arg20[%dma_start3A_238] : memref<1040xi32, #tpu.memory_space<vmem>> -> memref<128xi32, #tpu.memory_space<vmem>>
      %dma_start3A_240 = arith.constant 0 : i32
      %dma_start3A_241 = tpu.memref_slice %arg7[%dma_start3A_240] : memref<16384xf32, #tpu.memory_space<hbm>> -> memref<16384xf32, #tpu.memory_space<hbm>>
      tpu.enqueue_indirect_dma source(%dma_start3A_241 : memref<16384xf32, #tpu.memory_space<hbm>>) target(%dma_start3A_237 : memref<128xf32, #tpu.memory_space<vmem>>) offsets(%dma_start3A_239 : memref<128xi32, #tpu.memory_space<vmem>>) semaphore(%arg28 : memref<!tpu.dma_semaphore, #tpu.memory_space<semaphore_mem>>)
      %dma_start3A_242 = arith.constant 5712 : i32
      %dma_start3A_243 = tpu.memref_slice %arg22[%dma_start3A_242] : memref<16640xf32, #tpu.memory_space<vmem>> -> memref<128xf32, #tpu.memory_space<vmem>>
      %dma_start3A_244 = arith.constant 512 : i32
      %dma_start3A_245 = tpu.memref_slice %arg20[%dma_start3A_244] : memref<1040xi32, #tpu.memory_space<vmem>> -> memref<128xi32, #tpu.memory_space<vmem>>
      %dma_start3A_246 = arith.constant 0 : i32
      %dma_start3A_247 = tpu.memref_slice %arg8[%dma_start3A_246] : memref<16384xf32, #tpu.memory_space<hbm>> -> memref<16384xf32, #tpu.memory_space<hbm>>
      tpu.enqueue_indirect_dma source(%dma_start3A_247 : memref<16384xf32, #tpu.memory_space<hbm>>) target(%dma_start3A_243 : memref<128xf32, #tpu.memory_space<vmem>>) offsets(%dma_start3A_245 : memref<128xi32, #tpu.memory_space<vmem>>) semaphore(%arg28 : memref<!tpu.dma_semaphore, #tpu.memory_space<semaphore_mem>>)
      %dma_start3A_248 = arith.constant 6752 : i32
      %dma_start3A_249 = tpu.memref_slice %arg22[%dma_start3A_248] : memref<16640xf32, #tpu.memory_space<vmem>> -> memref<128xf32, #tpu.memory_space<vmem>>
      %dma_start3A_250 = arith.constant 512 : i32
      %dma_start3A_251 = tpu.memref_slice %arg20[%dma_start3A_250] : memref<1040xi32, #tpu.memory_space<vmem>> -> memref<128xi32, #tpu.memory_space<vmem>>
      %dma_start3A_252 = arith.constant 0 : i32
      %dma_start3A_253 = tpu.memref_slice %arg9[%dma_start3A_252] : memref<16384xf32, #tpu.memory_space<hbm>> -> memref<16384xf32, #tpu.memory_space<hbm>>
      tpu.enqueue_indirect_dma source(%dma_start3A_253 : memref<16384xf32, #tpu.memory_space<hbm>>) target(%dma_start3A_249 : memref<128xf32, #tpu.memory_space<vmem>>) offsets(%dma_start3A_251 : memref<128xi32, #tpu.memory_space<vmem>>) semaphore(%arg28 : memref<!tpu.dma_semaphore, #tpu.memory_space<semaphore_mem>>)
      %dma_start3A_254 = arith.constant 7792 : i32
      %dma_start3A_255 = tpu.memref_slice %arg22[%dma_start3A_254] : memref<16640xf32, #tpu.memory_space<vmem>> -> memref<128xf32, #tpu.memory_space<vmem>>
      %dma_start3A_256 = arith.constant 512 : i32
      %dma_start3A_257 = tpu.memref_slice %arg20[%dma_start3A_256] : memref<1040xi32, #tpu.memory_space<vmem>> -> memref<128xi32, #tpu.memory_space<vmem>>
      %dma_start3A_258 = arith.constant 0 : i32
      %dma_start3A_259 = tpu.memref_slice %arg10[%dma_start3A_258] : memref<16384xf32, #tpu.memory_space<hbm>> -> memref<16384xf32, #tpu.memory_space<hbm>>
      tpu.enqueue_indirect_dma source(%dma_start3A_259 : memref<16384xf32, #tpu.memory_space<hbm>>) target(%dma_start3A_255 : memref<128xf32, #tpu.memory_space<vmem>>) offsets(%dma_start3A_257 : memref<128xi32, #tpu.memory_space<vmem>>) semaphore(%arg28 : memref<!tpu.dma_semaphore, #tpu.memory_space<semaphore_mem>>)
      %dma_start3A_260 = arith.constant 8832 : i32
      %dma_start3A_261 = tpu.memref_slice %arg22[%dma_start3A_260] : memref<16640xf32, #tpu.memory_space<vmem>> -> memref<128xf32, #tpu.memory_space<vmem>>
      %dma_start3A_262 = arith.constant 512 : i32
      %dma_start3A_263 = tpu.memref_slice %arg20[%dma_start3A_262] : memref<1040xi32, #tpu.memory_space<vmem>> -> memref<128xi32, #tpu.memory_space<vmem>>
      %dma_start3A_264 = arith.constant 0 : i32
      %dma_start3A_265 = tpu.memref_slice %arg11[%dma_start3A_264] : memref<16384xf32, #tpu.memory_space<hbm>> -> memref<16384xf32, #tpu.memory_space<hbm>>
      tpu.enqueue_indirect_dma source(%dma_start3A_265 : memref<16384xf32, #tpu.memory_space<hbm>>) target(%dma_start3A_261 : memref<128xf32, #tpu.memory_space<vmem>>) offsets(%dma_start3A_263 : memref<128xi32, #tpu.memory_space<vmem>>) semaphore(%arg28 : memref<!tpu.dma_semaphore, #tpu.memory_space<semaphore_mem>>)
      %dma_start3A_266 = arith.constant 9872 : i32
      %dma_start3A_267 = tpu.memref_slice %arg22[%dma_start3A_266] : memref<16640xf32, #tpu.memory_space<vmem>> -> memref<128xf32, #tpu.memory_space<vmem>>
      %dma_start3A_268 = arith.constant 512 : i32
      %dma_start3A_269 = tpu.memref_slice %arg20[%dma_start3A_268] : memref<1040xi32, #tpu.memory_space<vmem>> -> memref<128xi32, #tpu.memory_space<vmem>>
      %dma_start3A_270 = arith.constant 0 : i32
      %dma_start3A_271 = tpu.memref_slice %arg12[%dma_start3A_270] : memref<16384xf32, #tpu.memory_space<hbm>> -> memref<16384xf32, #tpu.memory_space<hbm>>
      tpu.enqueue_indirect_dma source(%dma_start3A_271 : memref<16384xf32, #tpu.memory_space<hbm>>) target(%dma_start3A_267 : memref<128xf32, #tpu.memory_space<vmem>>) offsets(%dma_start3A_269 : memref<128xi32, #tpu.memory_space<vmem>>) semaphore(%arg28 : memref<!tpu.dma_semaphore, #tpu.memory_space<semaphore_mem>>)
      %dma_start3A_272 = arith.constant 10912 : i32
      %dma_start3A_273 = tpu.memref_slice %arg22[%dma_start3A_272] : memref<16640xf32, #tpu.memory_space<vmem>> -> memref<128xf32, #tpu.memory_space<vmem>>
      %dma_start3A_274 = arith.constant 512 : i32
      %dma_start3A_275 = tpu.memref_slice %arg20[%dma_start3A_274] : memref<1040xi32, #tpu.memory_space<vmem>> -> memref<128xi32, #tpu.memory_space<vmem>>
      %dma_start3A_276 = arith.constant 0 : i32
      %dma_start3A_277 = tpu.memref_slice %arg13[%dma_start3A_276] : memref<16384xf32, #tpu.memory_space<hbm>> -> memref<16384xf32, #tpu.memory_space<hbm>>
      tpu.enqueue_indirect_dma source(%dma_start3A_277 : memref<16384xf32, #tpu.memory_space<hbm>>) target(%dma_start3A_273 : memref<128xf32, #tpu.memory_space<vmem>>) offsets(%dma_start3A_275 : memref<128xi32, #tpu.memory_space<vmem>>) semaphore(%arg28 : memref<!tpu.dma_semaphore, #tpu.memory_space<semaphore_mem>>)
      %dma_start3A_278 = arith.constant 11952 : i32
      %dma_start3A_279 = tpu.memref_slice %arg22[%dma_start3A_278] : memref<16640xf32, #tpu.memory_space<vmem>> -> memref<128xf32, #tpu.memory_space<vmem>>
      %dma_start3A_280 = arith.constant 512 : i32
      %dma_start3A_281 = tpu.memref_slice %arg20[%dma_start3A_280] : memref<1040xi32, #tpu.memory_space<vmem>> -> memref<128xi32, #tpu.memory_space<vmem>>
      %dma_start3A_282 = arith.constant 0 : i32
      %dma_start3A_283 = tpu.memref_slice %arg14[%dma_start3A_282] : memref<16384xf32, #tpu.memory_space<hbm>> -> memref<16384xf32, #tpu.memory_space<hbm>>
      tpu.enqueue_indirect_dma source(%dma_start3A_283 : memref<16384xf32, #tpu.memory_space<hbm>>) target(%dma_start3A_279 : memref<128xf32, #tpu.memory_space<vmem>>) offsets(%dma_start3A_281 : memref<128xi32, #tpu.memory_space<vmem>>) semaphore(%arg28 : memref<!tpu.dma_semaphore, #tpu.memory_space<semaphore_mem>>)
      %dma_start3A_284 = arith.constant 12992 : i32
      %dma_start3A_285 = tpu.memref_slice %arg22[%dma_start3A_284] : memref<16640xf32, #tpu.memory_space<vmem>> -> memref<128xf32, #tpu.memory_space<vmem>>
      %dma_start3A_286 = arith.constant 512 : i32
      %dma_start3A_287 = tpu.memref_slice %arg20[%dma_start3A_286] : memref<1040xi32, #tpu.memory_space<vmem>> -> memref<128xi32, #tpu.memory_space<vmem>>
      %dma_start3A_288 = arith.constant 0 : i32
      %dma_start3A_289 = tpu.memref_slice %arg15[%dma_start3A_288] : memref<16384xf32, #tpu.memory_space<hbm>> -> memref<16384xf32, #tpu.memory_space<hbm>>
      tpu.enqueue_indirect_dma source(%dma_start3A_289 : memref<16384xf32, #tpu.memory_space<hbm>>) target(%dma_start3A_285 : memref<128xf32, #tpu.memory_space<vmem>>) offsets(%dma_start3A_287 : memref<128xi32, #tpu.memory_space<vmem>>) semaphore(%arg28 : memref<!tpu.dma_semaphore, #tpu.memory_space<semaphore_mem>>)
      %dma_start3A_290 = arith.constant 14032 : i32
      %dma_start3A_291 = tpu.memref_slice %arg22[%dma_start3A_290] : memref<16640xf32, #tpu.memory_space<vmem>> -> memref<128xf32, #tpu.memory_space<vmem>>
      %dma_start3A_292 = arith.constant 512 : i32
      %dma_start3A_293 = tpu.memref_slice %arg20[%dma_start3A_292] : memref<1040xi32, #tpu.memory_space<vmem>> -> memref<128xi32, #tpu.memory_space<vmem>>
      %dma_start3A_294 = arith.constant 0 : i32
      %dma_start3A_295 = tpu.memref_slice %arg16[%dma_start3A_294] : memref<16384xf32, #tpu.memory_space<hbm>> -> memref<16384xf32, #tpu.memory_space<hbm>>
      tpu.enqueue_indirect_dma source(%dma_start3A_295 : memref<16384xf32, #tpu.memory_space<hbm>>) target(%dma_start3A_291 : memref<128xf32, #tpu.memory_space<vmem>>) offsets(%dma_start3A_293 : memref<128xi32, #tpu.memory_space<vmem>>) semaphore(%arg28 : memref<!tpu.dma_semaphore, #tpu.memory_space<semaphore_mem>>)
      %dma_start3A_296 = arith.constant 15072 : i32
      %dma_start3A_297 = tpu.memref_slice %arg22[%dma_start3A_296] : memref<16640xf32, #tpu.memory_space<vmem>> -> memref<128xf32, #tpu.memory_space<vmem>>
      %dma_start3A_298 = arith.constant 512 : i32
      %dma_start3A_299 = tpu.memref_slice %arg20[%dma_start3A_298] : memref<1040xi32, #tpu.memory_space<vmem>> -> memref<128xi32, #tpu.memory_space<vmem>>
      %dma_start3A_300 = arith.constant 0 : i32
      %dma_start3A_301 = tpu.memref_slice %arg17[%dma_start3A_300] : memref<16384xf32, #tpu.memory_space<hbm>> -> memref<16384xf32, #tpu.memory_space<hbm>>
      tpu.enqueue_indirect_dma source(%dma_start3A_301 : memref<16384xf32, #tpu.memory_space<hbm>>) target(%dma_start3A_297 : memref<128xf32, #tpu.memory_space<vmem>>) offsets(%dma_start3A_299 : memref<128xi32, #tpu.memory_space<vmem>>) semaphore(%arg28 : memref<!tpu.dma_semaphore, #tpu.memory_space<semaphore_mem>>)
    } else {
    }
    %gt3A_65 = arith.constant 640 : i32
    %gt3A_66 = arith.cmpi sgt, %scan3A_41, %gt3A_65 : i32
    %convert_element_type3A_67 = arith.extui %gt3A_66 : i1 to i32
    %cond3A_68 = arith.constant 0 : i32
    %cond3A_69 = arith.cmpi ne, %convert_element_type3A_67, %cond3A_68 : i32
    scf.if %cond3A_69 {
      %dma_start3A = arith.constant 640 : i32
      %dma_start3A_213 = tpu.memref_slice %arg22[%dma_start3A] : memref<16640xf32, #tpu.memory_space<vmem>> -> memref<128xf32, #tpu.memory_space<vmem>>
      %dma_start3A_214 = arith.constant 640 : i32
      %dma_start3A_215 = tpu.memref_slice %arg20[%dma_start3A_214] : memref<1040xi32, #tpu.memory_space<vmem>> -> memref<128xi32, #tpu.memory_space<vmem>>
      %dma_start3A_216 = arith.constant 0 : i32
      %dma_start3A_217 = tpu.memref_slice %arg3[%dma_start3A_216] : memref<16384xf32, #tpu.memory_space<hbm>> -> memref<16384xf32, #tpu.memory_space<hbm>>
      tpu.enqueue_indirect_dma source(%dma_start3A_217 : memref<16384xf32, #tpu.memory_space<hbm>>) target(%dma_start3A_213 : memref<128xf32, #tpu.memory_space<vmem>>) offsets(%dma_start3A_215 : memref<128xi32, #tpu.memory_space<vmem>>) semaphore(%arg28 : memref<!tpu.dma_semaphore, #tpu.memory_space<semaphore_mem>>)
      %dma_start3A_218 = arith.constant 1680 : i32
      %dma_start3A_219 = tpu.memref_slice %arg22[%dma_start3A_218] : memref<16640xf32, #tpu.memory_space<vmem>> -> memref<128xf32, #tpu.memory_space<vmem>>
      %dma_start3A_220 = arith.constant 640 : i32
      %dma_start3A_221 = tpu.memref_slice %arg20[%dma_start3A_220] : memref<1040xi32, #tpu.memory_space<vmem>> -> memref<128xi32, #tpu.memory_space<vmem>>
      %dma_start3A_222 = arith.constant 0 : i32
      %dma_start3A_223 = tpu.memref_slice %arg4[%dma_start3A_222] : memref<16384xf32, #tpu.memory_space<hbm>> -> memref<16384xf32, #tpu.memory_space<hbm>>
      tpu.enqueue_indirect_dma source(%dma_start3A_223 : memref<16384xf32, #tpu.memory_space<hbm>>) target(%dma_start3A_219 : memref<128xf32, #tpu.memory_space<vmem>>) offsets(%dma_start3A_221 : memref<128xi32, #tpu.memory_space<vmem>>) semaphore(%arg28 : memref<!tpu.dma_semaphore, #tpu.memory_space<semaphore_mem>>)
      %dma_start3A_224 = arith.constant 2720 : i32
      %dma_start3A_225 = tpu.memref_slice %arg22[%dma_start3A_224] : memref<16640xf32, #tpu.memory_space<vmem>> -> memref<128xf32, #tpu.memory_space<vmem>>
      %dma_start3A_226 = arith.constant 640 : i32
      %dma_start3A_227 = tpu.memref_slice %arg20[%dma_start3A_226] : memref<1040xi32, #tpu.memory_space<vmem>> -> memref<128xi32, #tpu.memory_space<vmem>>
      %dma_start3A_228 = arith.constant 0 : i32
      %dma_start3A_229 = tpu.memref_slice %arg5[%dma_start3A_228] : memref<16384xf32, #tpu.memory_space<hbm>> -> memref<16384xf32, #tpu.memory_space<hbm>>
      tpu.enqueue_indirect_dma source(%dma_start3A_229 : memref<16384xf32, #tpu.memory_space<hbm>>) target(%dma_start3A_225 : memref<128xf32, #tpu.memory_space<vmem>>) offsets(%dma_start3A_227 : memref<128xi32, #tpu.memory_space<vmem>>) semaphore(%arg28 : memref<!tpu.dma_semaphore, #tpu.memory_space<semaphore_mem>>)
      %dma_start3A_230 = arith.constant 3760 : i32
      %dma_start3A_231 = tpu.memref_slice %arg22[%dma_start3A_230] : memref<16640xf32, #tpu.memory_space<vmem>> -> memref<128xf32, #tpu.memory_space<vmem>>
      %dma_start3A_232 = arith.constant 640 : i32
      %dma_start3A_233 = tpu.memref_slice %arg20[%dma_start3A_232] : memref<1040xi32, #tpu.memory_space<vmem>> -> memref<128xi32, #tpu.memory_space<vmem>>
      %dma_start3A_234 = arith.constant 0 : i32
      %dma_start3A_235 = tpu.memref_slice %arg6[%dma_start3A_234] : memref<16384xf32, #tpu.memory_space<hbm>> -> memref<16384xf32, #tpu.memory_space<hbm>>
      tpu.enqueue_indirect_dma source(%dma_start3A_235 : memref<16384xf32, #tpu.memory_space<hbm>>) target(%dma_start3A_231 : memref<128xf32, #tpu.memory_space<vmem>>) offsets(%dma_start3A_233 : memref<128xi32, #tpu.memory_space<vmem>>) semaphore(%arg28 : memref<!tpu.dma_semaphore, #tpu.memory_space<semaphore_mem>>)
      %dma_start3A_236 = arith.constant 4800 : i32
      %dma_start3A_237 = tpu.memref_slice %arg22[%dma_start3A_236] : memref<16640xf32, #tpu.memory_space<vmem>> -> memref<128xf32, #tpu.memory_space<vmem>>
      %dma_start3A_238 = arith.constant 640 : i32
      %dma_start3A_239 = tpu.memref_slice %arg20[%dma_start3A_238] : memref<1040xi32, #tpu.memory_space<vmem>> -> memref<128xi32, #tpu.memory_space<vmem>>
      %dma_start3A_240 = arith.constant 0 : i32
      %dma_start3A_241 = tpu.memref_slice %arg7[%dma_start3A_240] : memref<16384xf32, #tpu.memory_space<hbm>> -> memref<16384xf32, #tpu.memory_space<hbm>>
      tpu.enqueue_indirect_dma source(%dma_start3A_241 : memref<16384xf32, #tpu.memory_space<hbm>>) target(%dma_start3A_237 : memref<128xf32, #tpu.memory_space<vmem>>) offsets(%dma_start3A_239 : memref<128xi32, #tpu.memory_space<vmem>>) semaphore(%arg28 : memref<!tpu.dma_semaphore, #tpu.memory_space<semaphore_mem>>)
      %dma_start3A_242 = arith.constant 5840 : i32
      %dma_start3A_243 = tpu.memref_slice %arg22[%dma_start3A_242] : memref<16640xf32, #tpu.memory_space<vmem>> -> memref<128xf32, #tpu.memory_space<vmem>>
      %dma_start3A_244 = arith.constant 640 : i32
      %dma_start3A_245 = tpu.memref_slice %arg20[%dma_start3A_244] : memref<1040xi32, #tpu.memory_space<vmem>> -> memref<128xi32, #tpu.memory_space<vmem>>
      %dma_start3A_246 = arith.constant 0 : i32
      %dma_start3A_247 = tpu.memref_slice %arg8[%dma_start3A_246] : memref<16384xf32, #tpu.memory_space<hbm>> -> memref<16384xf32, #tpu.memory_space<hbm>>
      tpu.enqueue_indirect_dma source(%dma_start3A_247 : memref<16384xf32, #tpu.memory_space<hbm>>) target(%dma_start3A_243 : memref<128xf32, #tpu.memory_space<vmem>>) offsets(%dma_start3A_245 : memref<128xi32, #tpu.memory_space<vmem>>) semaphore(%arg28 : memref<!tpu.dma_semaphore, #tpu.memory_space<semaphore_mem>>)
      %dma_start3A_248 = arith.constant 6880 : i32
      %dma_start3A_249 = tpu.memref_slice %arg22[%dma_start3A_248] : memref<16640xf32, #tpu.memory_space<vmem>> -> memref<128xf32, #tpu.memory_space<vmem>>
      %dma_start3A_250 = arith.constant 640 : i32
      %dma_start3A_251 = tpu.memref_slice %arg20[%dma_start3A_250] : memref<1040xi32, #tpu.memory_space<vmem>> -> memref<128xi32, #tpu.memory_space<vmem>>
      %dma_start3A_252 = arith.constant 0 : i32
      %dma_start3A_253 = tpu.memref_slice %arg9[%dma_start3A_252] : memref<16384xf32, #tpu.memory_space<hbm>> -> memref<16384xf32, #tpu.memory_space<hbm>>
      tpu.enqueue_indirect_dma source(%dma_start3A_253 : memref<16384xf32, #tpu.memory_space<hbm>>) target(%dma_start3A_249 : memref<128xf32, #tpu.memory_space<vmem>>) offsets(%dma_start3A_251 : memref<128xi32, #tpu.memory_space<vmem>>) semaphore(%arg28 : memref<!tpu.dma_semaphore, #tpu.memory_space<semaphore_mem>>)
      %dma_start3A_254 = arith.constant 7920 : i32
      %dma_start3A_255 = tpu.memref_slice %arg22[%dma_start3A_254] : memref<16640xf32, #tpu.memory_space<vmem>> -> memref<128xf32, #tpu.memory_space<vmem>>
      %dma_start3A_256 = arith.constant 640 : i32
      %dma_start3A_257 = tpu.memref_slice %arg20[%dma_start3A_256] : memref<1040xi32, #tpu.memory_space<vmem>> -> memref<128xi32, #tpu.memory_space<vmem>>
      %dma_start3A_258 = arith.constant 0 : i32
      %dma_start3A_259 = tpu.memref_slice %arg10[%dma_start3A_258] : memref<16384xf32, #tpu.memory_space<hbm>> -> memref<16384xf32, #tpu.memory_space<hbm>>
      tpu.enqueue_indirect_dma source(%dma_start3A_259 : memref<16384xf32, #tpu.memory_space<hbm>>) target(%dma_start3A_255 : memref<128xf32, #tpu.memory_space<vmem>>) offsets(%dma_start3A_257 : memref<128xi32, #tpu.memory_space<vmem>>) semaphore(%arg28 : memref<!tpu.dma_semaphore, #tpu.memory_space<semaphore_mem>>)
      %dma_start3A_260 = arith.constant 8960 : i32
      %dma_start3A_261 = tpu.memref_slice %arg22[%dma_start3A_260] : memref<16640xf32, #tpu.memory_space<vmem>> -> memref<128xf32, #tpu.memory_space<vmem>>
      %dma_start3A_262 = arith.constant 640 : i32
      %dma_start3A_263 = tpu.memref_slice %arg20[%dma_start3A_262] : memref<1040xi32, #tpu.memory_space<vmem>> -> memref<128xi32, #tpu.memory_space<vmem>>
      %dma_start3A_264 = arith.constant 0 : i32
      %dma_start3A_265 = tpu.memref_slice %arg11[%dma_start3A_264] : memref<16384xf32, #tpu.memory_space<hbm>> -> memref<16384xf32, #tpu.memory_space<hbm>>
      tpu.enqueue_indirect_dma source(%dma_start3A_265 : memref<16384xf32, #tpu.memory_space<hbm>>) target(%dma_start3A_261 : memref<128xf32, #tpu.memory_space<vmem>>) offsets(%dma_start3A_263 : memref<128xi32, #tpu.memory_space<vmem>>) semaphore(%arg28 : memref<!tpu.dma_semaphore, #tpu.memory_space<semaphore_mem>>)
      %dma_start3A_266 = arith.constant 10000 : i32
      %dma_start3A_267 = tpu.memref_slice %arg22[%dma_start3A_266] : memref<16640xf32, #tpu.memory_space<vmem>> -> memref<128xf32, #tpu.memory_space<vmem>>
      %dma_start3A_268 = arith.constant 640 : i32
      %dma_start3A_269 = tpu.memref_slice %arg20[%dma_start3A_268] : memref<1040xi32, #tpu.memory_space<vmem>> -> memref<128xi32, #tpu.memory_space<vmem>>
      %dma_start3A_270 = arith.constant 0 : i32
      %dma_start3A_271 = tpu.memref_slice %arg12[%dma_start3A_270] : memref<16384xf32, #tpu.memory_space<hbm>> -> memref<16384xf32, #tpu.memory_space<hbm>>
      tpu.enqueue_indirect_dma source(%dma_start3A_271 : memref<16384xf32, #tpu.memory_space<hbm>>) target(%dma_start3A_267 : memref<128xf32, #tpu.memory_space<vmem>>) offsets(%dma_start3A_269 : memref<128xi32, #tpu.memory_space<vmem>>) semaphore(%arg28 : memref<!tpu.dma_semaphore, #tpu.memory_space<semaphore_mem>>)
      %dma_start3A_272 = arith.constant 11040 : i32
      %dma_start3A_273 = tpu.memref_slice %arg22[%dma_start3A_272] : memref<16640xf32, #tpu.memory_space<vmem>> -> memref<128xf32, #tpu.memory_space<vmem>>
      %dma_start3A_274 = arith.constant 640 : i32
      %dma_start3A_275 = tpu.memref_slice %arg20[%dma_start3A_274] : memref<1040xi32, #tpu.memory_space<vmem>> -> memref<128xi32, #tpu.memory_space<vmem>>
      %dma_start3A_276 = arith.constant 0 : i32
      %dma_start3A_277 = tpu.memref_slice %arg13[%dma_start3A_276] : memref<16384xf32, #tpu.memory_space<hbm>> -> memref<16384xf32, #tpu.memory_space<hbm>>
      tpu.enqueue_indirect_dma source(%dma_start3A_277 : memref<16384xf32, #tpu.memory_space<hbm>>) target(%dma_start3A_273 : memref<128xf32, #tpu.memory_space<vmem>>) offsets(%dma_start3A_275 : memref<128xi32, #tpu.memory_space<vmem>>) semaphore(%arg28 : memref<!tpu.dma_semaphore, #tpu.memory_space<semaphore_mem>>)
      %dma_start3A_278 = arith.constant 12080 : i32
      %dma_start3A_279 = tpu.memref_slice %arg22[%dma_start3A_278] : memref<16640xf32, #tpu.memory_space<vmem>> -> memref<128xf32, #tpu.memory_space<vmem>>
      %dma_start3A_280 = arith.constant 640 : i32
      %dma_start3A_281 = tpu.memref_slice %arg20[%dma_start3A_280] : memref<1040xi32, #tpu.memory_space<vmem>> -> memref<128xi32, #tpu.memory_space<vmem>>
      %dma_start3A_282 = arith.constant 0 : i32
      %dma_start3A_283 = tpu.memref_slice %arg14[%dma_start3A_282] : memref<16384xf32, #tpu.memory_space<hbm>> -> memref<16384xf32, #tpu.memory_space<hbm>>
      tpu.enqueue_indirect_dma source(%dma_start3A_283 : memref<16384xf32, #tpu.memory_space<hbm>>) target(%dma_start3A_279 : memref<128xf32, #tpu.memory_space<vmem>>) offsets(%dma_start3A_281 : memref<128xi32, #tpu.memory_space<vmem>>) semaphore(%arg28 : memref<!tpu.dma_semaphore, #tpu.memory_space<semaphore_mem>>)
      %dma_start3A_284 = arith.constant 13120 : i32
      %dma_start3A_285 = tpu.memref_slice %arg22[%dma_start3A_284] : memref<16640xf32, #tpu.memory_space<vmem>> -> memref<128xf32, #tpu.memory_space<vmem>>
      %dma_start3A_286 = arith.constant 640 : i32
      %dma_start3A_287 = tpu.memref_slice %arg20[%dma_start3A_286] : memref<1040xi32, #tpu.memory_space<vmem>> -> memref<128xi32, #tpu.memory_space<vmem>>
      %dma_start3A_288 = arith.constant 0 : i32
      %dma_start3A_289 = tpu.memref_slice %arg15[%dma_start3A_288] : memref<16384xf32, #tpu.memory_space<hbm>> -> memref<16384xf32, #tpu.memory_space<hbm>>
      tpu.enqueue_indirect_dma source(%dma_start3A_289 : memref<16384xf32, #tpu.memory_space<hbm>>) target(%dma_start3A_285 : memref<128xf32, #tpu.memory_space<vmem>>) offsets(%dma_start3A_287 : memref<128xi32, #tpu.memory_space<vmem>>) semaphore(%arg28 : memref<!tpu.dma_semaphore, #tpu.memory_space<semaphore_mem>>)
      %dma_start3A_290 = arith.constant 14160 : i32
      %dma_start3A_291 = tpu.memref_slice %arg22[%dma_start3A_290] : memref<16640xf32, #tpu.memory_space<vmem>> -> memref<128xf32, #tpu.memory_space<vmem>>
      %dma_start3A_292 = arith.constant 640 : i32
      %dma_start3A_293 = tpu.memref_slice %arg20[%dma_start3A_292] : memref<1040xi32, #tpu.memory_space<vmem>> -> memref<128xi32, #tpu.memory_space<vmem>>
      %dma_start3A_294 = arith.constant 0 : i32
      %dma_start3A_295 = tpu.memref_slice %arg16[%dma_start3A_294] : memref<16384xf32, #tpu.memory_space<hbm>> -> memref<16384xf32, #tpu.memory_space<hbm>>
      tpu.enqueue_indirect_dma source(%dma_start3A_295 : memref<16384xf32, #tpu.memory_space<hbm>>) target(%dma_start3A_291 : memref<128xf32, #tpu.memory_space<vmem>>) offsets(%dma_start3A_293 : memref<128xi32, #tpu.memory_space<vmem>>) semaphore(%arg28 : memref<!tpu.dma_semaphore, #tpu.memory_space<semaphore_mem>>)
      %dma_start3A_296 = arith.constant 15200 : i32
      %dma_start3A_297 = tpu.memref_slice %arg22[%dma_start3A_296] : memref<16640xf32, #tpu.memory_space<vmem>> -> memref<128xf32, #tpu.memory_space<vmem>>
      %dma_start3A_298 = arith.constant 640 : i32
      %dma_start3A_299 = tpu.memref_slice %arg20[%dma_start3A_298] : memref<1040xi32, #tpu.memory_space<vmem>> -> memref<128xi32, #tpu.memory_space<vmem>>
      %dma_start3A_300 = arith.constant 0 : i32
      %dma_start3A_301 = tpu.memref_slice %arg17[%dma_start3A_300] : memref<16384xf32, #tpu.memory_space<hbm>> -> memref<16384xf32, #tpu.memory_space<hbm>>
      tpu.enqueue_indirect_dma source(%dma_start3A_301 : memref<16384xf32, #tpu.memory_space<hbm>>) target(%dma_start3A_297 : memref<128xf32, #tpu.memory_space<vmem>>) offsets(%dma_start3A_299 : memref<128xi32, #tpu.memory_space<vmem>>) semaphore(%arg28 : memref<!tpu.dma_semaphore, #tpu.memory_space<semaphore_mem>>)
    } else {
    }
    %gt3A_70 = arith.constant 768 : i32
    %gt3A_71 = arith.cmpi sgt, %scan3A_41, %gt3A_70 : i32
    %convert_element_type3A_72 = arith.extui %gt3A_71 : i1 to i32
    %cond3A_73 = arith.constant 0 : i32
    %cond3A_74 = arith.cmpi ne, %convert_element_type3A_72, %cond3A_73 : i32
    scf.if %cond3A_74 {
      %dma_start3A = arith.constant 768 : i32
      %dma_start3A_213 = tpu.memref_slice %arg22[%dma_start3A] : memref<16640xf32, #tpu.memory_space<vmem>> -> memref<128xf32, #tpu.memory_space<vmem>>
      %dma_start3A_214 = arith.constant 768 : i32
      %dma_start3A_215 = tpu.memref_slice %arg20[%dma_start3A_214] : memref<1040xi32, #tpu.memory_space<vmem>> -> memref<128xi32, #tpu.memory_space<vmem>>
      %dma_start3A_216 = arith.constant 0 : i32
      %dma_start3A_217 = tpu.memref_slice %arg3[%dma_start3A_216] : memref<16384xf32, #tpu.memory_space<hbm>> -> memref<16384xf32, #tpu.memory_space<hbm>>
      tpu.enqueue_indirect_dma source(%dma_start3A_217 : memref<16384xf32, #tpu.memory_space<hbm>>) target(%dma_start3A_213 : memref<128xf32, #tpu.memory_space<vmem>>) offsets(%dma_start3A_215 : memref<128xi32, #tpu.memory_space<vmem>>) semaphore(%arg28 : memref<!tpu.dma_semaphore, #tpu.memory_space<semaphore_mem>>)
      %dma_start3A_218 = arith.constant 1808 : i32
      %dma_start3A_219 = tpu.memref_slice %arg22[%dma_start3A_218] : memref<16640xf32, #tpu.memory_space<vmem>> -> memref<128xf32, #tpu.memory_space<vmem>>
      %dma_start3A_220 = arith.constant 768 : i32
      %dma_start3A_221 = tpu.memref_slice %arg20[%dma_start3A_220] : memref<1040xi32, #tpu.memory_space<vmem>> -> memref<128xi32, #tpu.memory_space<vmem>>
      %dma_start3A_222 = arith.constant 0 : i32
      %dma_start3A_223 = tpu.memref_slice %arg4[%dma_start3A_222] : memref<16384xf32, #tpu.memory_space<hbm>> -> memref<16384xf32, #tpu.memory_space<hbm>>
      tpu.enqueue_indirect_dma source(%dma_start3A_223 : memref<16384xf32, #tpu.memory_space<hbm>>) target(%dma_start3A_219 : memref<128xf32, #tpu.memory_space<vmem>>) offsets(%dma_start3A_221 : memref<128xi32, #tpu.memory_space<vmem>>) semaphore(%arg28 : memref<!tpu.dma_semaphore, #tpu.memory_space<semaphore_mem>>)
      %dma_start3A_224 = arith.constant 2848 : i32
      %dma_start3A_225 = tpu.memref_slice %arg22[%dma_start3A_224] : memref<16640xf32, #tpu.memory_space<vmem>> -> memref<128xf32, #tpu.memory_space<vmem>>
      %dma_start3A_226 = arith.constant 768 : i32
      %dma_start3A_227 = tpu.memref_slice %arg20[%dma_start3A_226] : memref<1040xi32, #tpu.memory_space<vmem>> -> memref<128xi32, #tpu.memory_space<vmem>>
      %dma_start3A_228 = arith.constant 0 : i32
      %dma_start3A_229 = tpu.memref_slice %arg5[%dma_start3A_228] : memref<16384xf32, #tpu.memory_space<hbm>> -> memref<16384xf32, #tpu.memory_space<hbm>>
      tpu.enqueue_indirect_dma source(%dma_start3A_229 : memref<16384xf32, #tpu.memory_space<hbm>>) target(%dma_start3A_225 : memref<128xf32, #tpu.memory_space<vmem>>) offsets(%dma_start3A_227 : memref<128xi32, #tpu.memory_space<vmem>>) semaphore(%arg28 : memref<!tpu.dma_semaphore, #tpu.memory_space<semaphore_mem>>)
      %dma_start3A_230 = arith.constant 3888 : i32
      %dma_start3A_231 = tpu.memref_slice %arg22[%dma_start3A_230] : memref<16640xf32, #tpu.memory_space<vmem>> -> memref<128xf32, #tpu.memory_space<vmem>>
      %dma_start3A_232 = arith.constant 768 : i32
      %dma_start3A_233 = tpu.memref_slice %arg20[%dma_start3A_232] : memref<1040xi32, #tpu.memory_space<vmem>> -> memref<128xi32, #tpu.memory_space<vmem>>
      %dma_start3A_234 = arith.constant 0 : i32
      %dma_start3A_235 = tpu.memref_slice %arg6[%dma_start3A_234] : memref<16384xf32, #tpu.memory_space<hbm>> -> memref<16384xf32, #tpu.memory_space<hbm>>
      tpu.enqueue_indirect_dma source(%dma_start3A_235 : memref<16384xf32, #tpu.memory_space<hbm>>) target(%dma_start3A_231 : memref<128xf32, #tpu.memory_space<vmem>>) offsets(%dma_start3A_233 : memref<128xi32, #tpu.memory_space<vmem>>) semaphore(%arg28 : memref<!tpu.dma_semaphore, #tpu.memory_space<semaphore_mem>>)
      %dma_start3A_236 = arith.constant 4928 : i32
      %dma_start3A_237 = tpu.memref_slice %arg22[%dma_start3A_236] : memref<16640xf32, #tpu.memory_space<vmem>> -> memref<128xf32, #tpu.memory_space<vmem>>
      %dma_start3A_238 = arith.constant 768 : i32
      %dma_start3A_239 = tpu.memref_slice %arg20[%dma_start3A_238] : memref<1040xi32, #tpu.memory_space<vmem>> -> memref<128xi32, #tpu.memory_space<vmem>>
      %dma_start3A_240 = arith.constant 0 : i32
      %dma_start3A_241 = tpu.memref_slice %arg7[%dma_start3A_240] : memref<16384xf32, #tpu.memory_space<hbm>> -> memref<16384xf32, #tpu.memory_space<hbm>>
      tpu.enqueue_indirect_dma source(%dma_start3A_241 : memref<16384xf32, #tpu.memory_space<hbm>>) target(%dma_start3A_237 : memref<128xf32, #tpu.memory_space<vmem>>) offsets(%dma_start3A_239 : memref<128xi32, #tpu.memory_space<vmem>>) semaphore(%arg28 : memref<!tpu.dma_semaphore, #tpu.memory_space<semaphore_mem>>)
      %dma_start3A_242 = arith.constant 5968 : i32
      %dma_start3A_243 = tpu.memref_slice %arg22[%dma_start3A_242] : memref<16640xf32, #tpu.memory_space<vmem>> -> memref<128xf32, #tpu.memory_space<vmem>>
      %dma_start3A_244 = arith.constant 768 : i32
      %dma_start3A_245 = tpu.memref_slice %arg20[%dma_start3A_244] : memref<1040xi32, #tpu.memory_space<vmem>> -> memref<128xi32, #tpu.memory_space<vmem>>
      %dma_start3A_246 = arith.constant 0 : i32
      %dma_start3A_247 = tpu.memref_slice %arg8[%dma_start3A_246] : memref<16384xf32, #tpu.memory_space<hbm>> -> memref<16384xf32, #tpu.memory_space<hbm>>
      tpu.enqueue_indirect_dma source(%dma_start3A_247 : memref<16384xf32, #tpu.memory_space<hbm>>) target(%dma_start3A_243 : memref<128xf32, #tpu.memory_space<vmem>>) offsets(%dma_start3A_245 : memref<128xi32, #tpu.memory_space<vmem>>) semaphore(%arg28 : memref<!tpu.dma_semaphore, #tpu.memory_space<semaphore_mem>>)
      %dma_start3A_248 = arith.constant 7008 : i32
      %dma_start3A_249 = tpu.memref_slice %arg22[%dma_start3A_248] : memref<16640xf32, #tpu.memory_space<vmem>> -> memref<128xf32, #tpu.memory_space<vmem>>
      %dma_start3A_250 = arith.constant 768 : i32
      %dma_start3A_251 = tpu.memref_slice %arg20[%dma_start3A_250] : memref<1040xi32, #tpu.memory_space<vmem>> -> memref<128xi32, #tpu.memory_space<vmem>>
      %dma_start3A_252 = arith.constant 0 : i32
      %dma_start3A_253 = tpu.memref_slice %arg9[%dma_start3A_252] : memref<16384xf32, #tpu.memory_space<hbm>> -> memref<16384xf32, #tpu.memory_space<hbm>>
      tpu.enqueue_indirect_dma source(%dma_start3A_253 : memref<16384xf32, #tpu.memory_space<hbm>>) target(%dma_start3A_249 : memref<128xf32, #tpu.memory_space<vmem>>) offsets(%dma_start3A_251 : memref<128xi32, #tpu.memory_space<vmem>>) semaphore(%arg28 : memref<!tpu.dma_semaphore, #tpu.memory_space<semaphore_mem>>)
      %dma_start3A_254 = arith.constant 8048 : i32
      %dma_start3A_255 = tpu.memref_slice %arg22[%dma_start3A_254] : memref<16640xf32, #tpu.memory_space<vmem>> -> memref<128xf32, #tpu.memory_space<vmem>>
      %dma_start3A_256 = arith.constant 768 : i32
      %dma_start3A_257 = tpu.memref_slice %arg20[%dma_start3A_256] : memref<1040xi32, #tpu.memory_space<vmem>> -> memref<128xi32, #tpu.memory_space<vmem>>
      %dma_start3A_258 = arith.constant 0 : i32
      %dma_start3A_259 = tpu.memref_slice %arg10[%dma_start3A_258] : memref<16384xf32, #tpu.memory_space<hbm>> -> memref<16384xf32, #tpu.memory_space<hbm>>
      tpu.enqueue_indirect_dma source(%dma_start3A_259 : memref<16384xf32, #tpu.memory_space<hbm>>) target(%dma_start3A_255 : memref<128xf32, #tpu.memory_space<vmem>>) offsets(%dma_start3A_257 : memref<128xi32, #tpu.memory_space<vmem>>) semaphore(%arg28 : memref<!tpu.dma_semaphore, #tpu.memory_space<semaphore_mem>>)
      %dma_start3A_260 = arith.constant 9088 : i32
      %dma_start3A_261 = tpu.memref_slice %arg22[%dma_start3A_260] : memref<16640xf32, #tpu.memory_space<vmem>> -> memref<128xf32, #tpu.memory_space<vmem>>
      %dma_start3A_262 = arith.constant 768 : i32
      %dma_start3A_263 = tpu.memref_slice %arg20[%dma_start3A_262] : memref<1040xi32, #tpu.memory_space<vmem>> -> memref<128xi32, #tpu.memory_space<vmem>>
      %dma_start3A_264 = arith.constant 0 : i32
      %dma_start3A_265 = tpu.memref_slice %arg11[%dma_start3A_264] : memref<16384xf32, #tpu.memory_space<hbm>> -> memref<16384xf32, #tpu.memory_space<hbm>>
      tpu.enqueue_indirect_dma source(%dma_start3A_265 : memref<16384xf32, #tpu.memory_space<hbm>>) target(%dma_start3A_261 : memref<128xf32, #tpu.memory_space<vmem>>) offsets(%dma_start3A_263 : memref<128xi32, #tpu.memory_space<vmem>>) semaphore(%arg28 : memref<!tpu.dma_semaphore, #tpu.memory_space<semaphore_mem>>)
      %dma_start3A_266 = arith.constant 10128 : i32
      %dma_start3A_267 = tpu.memref_slice %arg22[%dma_start3A_266] : memref<16640xf32, #tpu.memory_space<vmem>> -> memref<128xf32, #tpu.memory_space<vmem>>
      %dma_start3A_268 = arith.constant 768 : i32
      %dma_start3A_269 = tpu.memref_slice %arg20[%dma_start3A_268] : memref<1040xi32, #tpu.memory_space<vmem>> -> memref<128xi32, #tpu.memory_space<vmem>>
      %dma_start3A_270 = arith.constant 0 : i32
      %dma_start3A_271 = tpu.memref_slice %arg12[%dma_start3A_270] : memref<16384xf32, #tpu.memory_space<hbm>> -> memref<16384xf32, #tpu.memory_space<hbm>>
      tpu.enqueue_indirect_dma source(%dma_start3A_271 : memref<16384xf32, #tpu.memory_space<hbm>>) target(%dma_start3A_267 : memref<128xf32, #tpu.memory_space<vmem>>) offsets(%dma_start3A_269 : memref<128xi32, #tpu.memory_space<vmem>>) semaphore(%arg28 : memref<!tpu.dma_semaphore, #tpu.memory_space<semaphore_mem>>)
      %dma_start3A_272 = arith.constant 11168 : i32
      %dma_start3A_273 = tpu.memref_slice %arg22[%dma_start3A_272] : memref<16640xf32, #tpu.memory_space<vmem>> -> memref<128xf32, #tpu.memory_space<vmem>>
      %dma_start3A_274 = arith.constant 768 : i32
      %dma_start3A_275 = tpu.memref_slice %arg20[%dma_start3A_274] : memref<1040xi32, #tpu.memory_space<vmem>> -> memref<128xi32, #tpu.memory_space<vmem>>
      %dma_start3A_276 = arith.constant 0 : i32
      %dma_start3A_277 = tpu.memref_slice %arg13[%dma_start3A_276] : memref<16384xf32, #tpu.memory_space<hbm>> -> memref<16384xf32, #tpu.memory_space<hbm>>
      tpu.enqueue_indirect_dma source(%dma_start3A_277 : memref<16384xf32, #tpu.memory_space<hbm>>) target(%dma_start3A_273 : memref<128xf32, #tpu.memory_space<vmem>>) offsets(%dma_start3A_275 : memref<128xi32, #tpu.memory_space<vmem>>) semaphore(%arg28 : memref<!tpu.dma_semaphore, #tpu.memory_space<semaphore_mem>>)
      %dma_start3A_278 = arith.constant 12208 : i32
      %dma_start3A_279 = tpu.memref_slice %arg22[%dma_start3A_278] : memref<16640xf32, #tpu.memory_space<vmem>> -> memref<128xf32, #tpu.memory_space<vmem>>
      %dma_start3A_280 = arith.constant 768 : i32
      %dma_start3A_281 = tpu.memref_slice %arg20[%dma_start3A_280] : memref<1040xi32, #tpu.memory_space<vmem>> -> memref<128xi32, #tpu.memory_space<vmem>>
      %dma_start3A_282 = arith.constant 0 : i32
      %dma_start3A_283 = tpu.memref_slice %arg14[%dma_start3A_282] : memref<16384xf32, #tpu.memory_space<hbm>> -> memref<16384xf32, #tpu.memory_space<hbm>>
      tpu.enqueue_indirect_dma source(%dma_start3A_283 : memref<16384xf32, #tpu.memory_space<hbm>>) target(%dma_start3A_279 : memref<128xf32, #tpu.memory_space<vmem>>) offsets(%dma_start3A_281 : memref<128xi32, #tpu.memory_space<vmem>>) semaphore(%arg28 : memref<!tpu.dma_semaphore, #tpu.memory_space<semaphore_mem>>)
      %dma_start3A_284 = arith.constant 13248 : i32
      %dma_start3A_285 = tpu.memref_slice %arg22[%dma_start3A_284] : memref<16640xf32, #tpu.memory_space<vmem>> -> memref<128xf32, #tpu.memory_space<vmem>>
      %dma_start3A_286 = arith.constant 768 : i32
      %dma_start3A_287 = tpu.memref_slice %arg20[%dma_start3A_286] : memref<1040xi32, #tpu.memory_space<vmem>> -> memref<128xi32, #tpu.memory_space<vmem>>
      %dma_start3A_288 = arith.constant 0 : i32
      %dma_start3A_289 = tpu.memref_slice %arg15[%dma_start3A_288] : memref<16384xf32, #tpu.memory_space<hbm>> -> memref<16384xf32, #tpu.memory_space<hbm>>
      tpu.enqueue_indirect_dma source(%dma_start3A_289 : memref<16384xf32, #tpu.memory_space<hbm>>) target(%dma_start3A_285 : memref<128xf32, #tpu.memory_space<vmem>>) offsets(%dma_start3A_287 : memref<128xi32, #tpu.memory_space<vmem>>) semaphore(%arg28 : memref<!tpu.dma_semaphore, #tpu.memory_space<semaphore_mem>>)
      %dma_start3A_290 = arith.constant 14288 : i32
      %dma_start3A_291 = tpu.memref_slice %arg22[%dma_start3A_290] : memref<16640xf32, #tpu.memory_space<vmem>> -> memref<128xf32, #tpu.memory_space<vmem>>
      %dma_start3A_292 = arith.constant 768 : i32
      %dma_start3A_293 = tpu.memref_slice %arg20[%dma_start3A_292] : memref<1040xi32, #tpu.memory_space<vmem>> -> memref<128xi32, #tpu.memory_space<vmem>>
      %dma_start3A_294 = arith.constant 0 : i32
      %dma_start3A_295 = tpu.memref_slice %arg16[%dma_start3A_294] : memref<16384xf32, #tpu.memory_space<hbm>> -> memref<16384xf32, #tpu.memory_space<hbm>>
      tpu.enqueue_indirect_dma source(%dma_start3A_295 : memref<16384xf32, #tpu.memory_space<hbm>>) target(%dma_start3A_291 : memref<128xf32, #tpu.memory_space<vmem>>) offsets(%dma_start3A_293 : memref<128xi32, #tpu.memory_space<vmem>>) semaphore(%arg28 : memref<!tpu.dma_semaphore, #tpu.memory_space<semaphore_mem>>)
      %dma_start3A_296 = arith.constant 15328 : i32
      %dma_start3A_297 = tpu.memref_slice %arg22[%dma_start3A_296] : memref<16640xf32, #tpu.memory_space<vmem>> -> memref<128xf32, #tpu.memory_space<vmem>>
      %dma_start3A_298 = arith.constant 768 : i32
      %dma_start3A_299 = tpu.memref_slice %arg20[%dma_start3A_298] : memref<1040xi32, #tpu.memory_space<vmem>> -> memref<128xi32, #tpu.memory_space<vmem>>
      %dma_start3A_300 = arith.constant 0 : i32
      %dma_start3A_301 = tpu.memref_slice %arg17[%dma_start3A_300] : memref<16384xf32, #tpu.memory_space<hbm>> -> memref<16384xf32, #tpu.memory_space<hbm>>
      tpu.enqueue_indirect_dma source(%dma_start3A_301 : memref<16384xf32, #tpu.memory_space<hbm>>) target(%dma_start3A_297 : memref<128xf32, #tpu.memory_space<vmem>>) offsets(%dma_start3A_299 : memref<128xi32, #tpu.memory_space<vmem>>) semaphore(%arg28 : memref<!tpu.dma_semaphore, #tpu.memory_space<semaphore_mem>>)
    } else {
    }
    %gt3A_75 = arith.constant 896 : i32
    %gt3A_76 = arith.cmpi sgt, %scan3A_41, %gt3A_75 : i32
    %convert_element_type3A_77 = arith.extui %gt3A_76 : i1 to i32
    %cond3A_78 = arith.constant 0 : i32
    %cond3A_79 = arith.cmpi ne, %convert_element_type3A_77, %cond3A_78 : i32
    scf.if %cond3A_79 {
      %dma_start3A = arith.constant 896 : i32
      %dma_start3A_213 = tpu.memref_slice %arg22[%dma_start3A] : memref<16640xf32, #tpu.memory_space<vmem>> -> memref<128xf32, #tpu.memory_space<vmem>>
      %dma_start3A_214 = arith.constant 896 : i32
      %dma_start3A_215 = tpu.memref_slice %arg20[%dma_start3A_214] : memref<1040xi32, #tpu.memory_space<vmem>> -> memref<128xi32, #tpu.memory_space<vmem>>
      %dma_start3A_216 = arith.constant 0 : i32
      %dma_start3A_217 = tpu.memref_slice %arg3[%dma_start3A_216] : memref<16384xf32, #tpu.memory_space<hbm>> -> memref<16384xf32, #tpu.memory_space<hbm>>
      tpu.enqueue_indirect_dma source(%dma_start3A_217 : memref<16384xf32, #tpu.memory_space<hbm>>) target(%dma_start3A_213 : memref<128xf32, #tpu.memory_space<vmem>>) offsets(%dma_start3A_215 : memref<128xi32, #tpu.memory_space<vmem>>) semaphore(%arg28 : memref<!tpu.dma_semaphore, #tpu.memory_space<semaphore_mem>>)
      %dma_start3A_218 = arith.constant 1936 : i32
      %dma_start3A_219 = tpu.memref_slice %arg22[%dma_start3A_218] : memref<16640xf32, #tpu.memory_space<vmem>> -> memref<128xf32, #tpu.memory_space<vmem>>
      %dma_start3A_220 = arith.constant 896 : i32
      %dma_start3A_221 = tpu.memref_slice %arg20[%dma_start3A_220] : memref<1040xi32, #tpu.memory_space<vmem>> -> memref<128xi32, #tpu.memory_space<vmem>>
      %dma_start3A_222 = arith.constant 0 : i32
      %dma_start3A_223 = tpu.memref_slice %arg4[%dma_start3A_222] : memref<16384xf32, #tpu.memory_space<hbm>> -> memref<16384xf32, #tpu.memory_space<hbm>>
      tpu.enqueue_indirect_dma source(%dma_start3A_223 : memref<16384xf32, #tpu.memory_space<hbm>>) target(%dma_start3A_219 : memref<128xf32, #tpu.memory_space<vmem>>) offsets(%dma_start3A_221 : memref<128xi32, #tpu.memory_space<vmem>>) semaphore(%arg28 : memref<!tpu.dma_semaphore, #tpu.memory_space<semaphore_mem>>)
      %dma_start3A_224 = arith.constant 2976 : i32
      %dma_start3A_225 = tpu.memref_slice %arg22[%dma_start3A_224] : memref<16640xf32, #tpu.memory_space<vmem>> -> memref<128xf32, #tpu.memory_space<vmem>>
      %dma_start3A_226 = arith.constant 896 : i32
      %dma_start3A_227 = tpu.memref_slice %arg20[%dma_start3A_226] : memref<1040xi32, #tpu.memory_space<vmem>> -> memref<128xi32, #tpu.memory_space<vmem>>
      %dma_start3A_228 = arith.constant 0 : i32
      %dma_start3A_229 = tpu.memref_slice %arg5[%dma_start3A_228] : memref<16384xf32, #tpu.memory_space<hbm>> -> memref<16384xf32, #tpu.memory_space<hbm>>
      tpu.enqueue_indirect_dma source(%dma_start3A_229 : memref<16384xf32, #tpu.memory_space<hbm>>) target(%dma_start3A_225 : memref<128xf32, #tpu.memory_space<vmem>>) offsets(%dma_start3A_227 : memref<128xi32, #tpu.memory_space<vmem>>) semaphore(%arg28 : memref<!tpu.dma_semaphore, #tpu.memory_space<semaphore_mem>>)
      %dma_start3A_230 = arith.constant 4016 : i32
      %dma_start3A_231 = tpu.memref_slice %arg22[%dma_start3A_230] : memref<16640xf32, #tpu.memory_space<vmem>> -> memref<128xf32, #tpu.memory_space<vmem>>
      %dma_start3A_232 = arith.constant 896 : i32
      %dma_start3A_233 = tpu.memref_slice %arg20[%dma_start3A_232] : memref<1040xi32, #tpu.memory_space<vmem>> -> memref<128xi32, #tpu.memory_space<vmem>>
      %dma_start3A_234 = arith.constant 0 : i32
      %dma_start3A_235 = tpu.memref_slice %arg6[%dma_start3A_234] : memref<16384xf32, #tpu.memory_space<hbm>> -> memref<16384xf32, #tpu.memory_space<hbm>>
      tpu.enqueue_indirect_dma source(%dma_start3A_235 : memref<16384xf32, #tpu.memory_space<hbm>>) target(%dma_start3A_231 : memref<128xf32, #tpu.memory_space<vmem>>) offsets(%dma_start3A_233 : memref<128xi32, #tpu.memory_space<vmem>>) semaphore(%arg28 : memref<!tpu.dma_semaphore, #tpu.memory_space<semaphore_mem>>)
      %dma_start3A_236 = arith.constant 5056 : i32
      %dma_start3A_237 = tpu.memref_slice %arg22[%dma_start3A_236] : memref<16640xf32, #tpu.memory_space<vmem>> -> memref<128xf32, #tpu.memory_space<vmem>>
      %dma_start3A_238 = arith.constant 896 : i32
      %dma_start3A_239 = tpu.memref_slice %arg20[%dma_start3A_238] : memref<1040xi32, #tpu.memory_space<vmem>> -> memref<128xi32, #tpu.memory_space<vmem>>
      %dma_start3A_240 = arith.constant 0 : i32
      %dma_start3A_241 = tpu.memref_slice %arg7[%dma_start3A_240] : memref<16384xf32, #tpu.memory_space<hbm>> -> memref<16384xf32, #tpu.memory_space<hbm>>
      tpu.enqueue_indirect_dma source(%dma_start3A_241 : memref<16384xf32, #tpu.memory_space<hbm>>) target(%dma_start3A_237 : memref<128xf32, #tpu.memory_space<vmem>>) offsets(%dma_start3A_239 : memref<128xi32, #tpu.memory_space<vmem>>) semaphore(%arg28 : memref<!tpu.dma_semaphore, #tpu.memory_space<semaphore_mem>>)
      %dma_start3A_242 = arith.constant 6096 : i32
      %dma_start3A_243 = tpu.memref_slice %arg22[%dma_start3A_242] : memref<16640xf32, #tpu.memory_space<vmem>> -> memref<128xf32, #tpu.memory_space<vmem>>
      %dma_start3A_244 = arith.constant 896 : i32
      %dma_start3A_245 = tpu.memref_slice %arg20[%dma_start3A_244] : memref<1040xi32, #tpu.memory_space<vmem>> -> memref<128xi32, #tpu.memory_space<vmem>>
      %dma_start3A_246 = arith.constant 0 : i32
      %dma_start3A_247 = tpu.memref_slice %arg8[%dma_start3A_246] : memref<16384xf32, #tpu.memory_space<hbm>> -> memref<16384xf32, #tpu.memory_space<hbm>>
      tpu.enqueue_indirect_dma source(%dma_start3A_247 : memref<16384xf32, #tpu.memory_space<hbm>>) target(%dma_start3A_243 : memref<128xf32, #tpu.memory_space<vmem>>) offsets(%dma_start3A_245 : memref<128xi32, #tpu.memory_space<vmem>>) semaphore(%arg28 : memref<!tpu.dma_semaphore, #tpu.memory_space<semaphore_mem>>)
      %dma_start3A_248 = arith.constant 7136 : i32
      %dma_start3A_249 = tpu.memref_slice %arg22[%dma_start3A_248] : memref<16640xf32, #tpu.memory_space<vmem>> -> memref<128xf32, #tpu.memory_space<vmem>>
      %dma_start3A_250 = arith.constant 896 : i32
      %dma_start3A_251 = tpu.memref_slice %arg20[%dma_start3A_250] : memref<1040xi32, #tpu.memory_space<vmem>> -> memref<128xi32, #tpu.memory_space<vmem>>
      %dma_start3A_252 = arith.constant 0 : i32
      %dma_start3A_253 = tpu.memref_slice %arg9[%dma_start3A_252] : memref<16384xf32, #tpu.memory_space<hbm>> -> memref<16384xf32, #tpu.memory_space<hbm>>
      tpu.enqueue_indirect_dma source(%dma_start3A_253 : memref<16384xf32, #tpu.memory_space<hbm>>) target(%dma_start3A_249 : memref<128xf32, #tpu.memory_space<vmem>>) offsets(%dma_start3A_251 : memref<128xi32, #tpu.memory_space<vmem>>) semaphore(%arg28 : memref<!tpu.dma_semaphore, #tpu.memory_space<semaphore_mem>>)
      %dma_start3A_254 = arith.constant 8176 : i32
      %dma_start3A_255 = tpu.memref_slice %arg22[%dma_start3A_254] : memref<16640xf32, #tpu.memory_space<vmem>> -> memref<128xf32, #tpu.memory_space<vmem>>
      %dma_start3A_256 = arith.constant 896 : i32
      %dma_start3A_257 = tpu.memref_slice %arg20[%dma_start3A_256] : memref<1040xi32, #tpu.memory_space<vmem>> -> memref<128xi32, #tpu.memory_space<vmem>>
      %dma_start3A_258 = arith.constant 0 : i32
      %dma_start3A_259 = tpu.memref_slice %arg10[%dma_start3A_258] : memref<16384xf32, #tpu.memory_space<hbm>> -> memref<16384xf32, #tpu.memory_space<hbm>>
      tpu.enqueue_indirect_dma source(%dma_start3A_259 : memref<16384xf32, #tpu.memory_space<hbm>>) target(%dma_start3A_255 : memref<128xf32, #tpu.memory_space<vmem>>) offsets(%dma_start3A_257 : memref<128xi32, #tpu.memory_space<vmem>>) semaphore(%arg28 : memref<!tpu.dma_semaphore, #tpu.memory_space<semaphore_mem>>)
      %dma_start3A_260 = arith.constant 9216 : i32
      %dma_start3A_261 = tpu.memref_slice %arg22[%dma_start3A_260] : memref<16640xf32, #tpu.memory_space<vmem>> -> memref<128xf32, #tpu.memory_space<vmem>>
      %dma_start3A_262 = arith.constant 896 : i32
      %dma_start3A_263 = tpu.memref_slice %arg20[%dma_start3A_262] : memref<1040xi32, #tpu.memory_space<vmem>> -> memref<128xi32, #tpu.memory_space<vmem>>
      %dma_start3A_264 = arith.constant 0 : i32
      %dma_start3A_265 = tpu.memref_slice %arg11[%dma_start3A_264] : memref<16384xf32, #tpu.memory_space<hbm>> -> memref<16384xf32, #tpu.memory_space<hbm>>
      tpu.enqueue_indirect_dma source(%dma_start3A_265 : memref<16384xf32, #tpu.memory_space<hbm>>) target(%dma_start3A_261 : memref<128xf32, #tpu.memory_space<vmem>>) offsets(%dma_start3A_263 : memref<128xi32, #tpu.memory_space<vmem>>) semaphore(%arg28 : memref<!tpu.dma_semaphore, #tpu.memory_space<semaphore_mem>>)
      %dma_start3A_266 = arith.constant 10256 : i32
      %dma_start3A_267 = tpu.memref_slice %arg22[%dma_start3A_266] : memref<16640xf32, #tpu.memory_space<vmem>> -> memref<128xf32, #tpu.memory_space<vmem>>
      %dma_start3A_268 = arith.constant 896 : i32
      %dma_start3A_269 = tpu.memref_slice %arg20[%dma_start3A_268] : memref<1040xi32, #tpu.memory_space<vmem>> -> memref<128xi32, #tpu.memory_space<vmem>>
      %dma_start3A_270 = arith.constant 0 : i32
      %dma_start3A_271 = tpu.memref_slice %arg12[%dma_start3A_270] : memref<16384xf32, #tpu.memory_space<hbm>> -> memref<16384xf32, #tpu.memory_space<hbm>>
      tpu.enqueue_indirect_dma source(%dma_start3A_271 : memref<16384xf32, #tpu.memory_space<hbm>>) target(%dma_start3A_267 : memref<128xf32, #tpu.memory_space<vmem>>) offsets(%dma_start3A_269 : memref<128xi32, #tpu.memory_space<vmem>>) semaphore(%arg28 : memref<!tpu.dma_semaphore, #tpu.memory_space<semaphore_mem>>)
      %dma_start3A_272 = arith.constant 11296 : i32
      %dma_start3A_273 = tpu.memref_slice %arg22[%dma_start3A_272] : memref<16640xf32, #tpu.memory_space<vmem>> -> memref<128xf32, #tpu.memory_space<vmem>>
      %dma_start3A_274 = arith.constant 896 : i32
      %dma_start3A_275 = tpu.memref_slice %arg20[%dma_start3A_274] : memref<1040xi32, #tpu.memory_space<vmem>> -> memref<128xi32, #tpu.memory_space<vmem>>
      %dma_start3A_276 = arith.constant 0 : i32
      %dma_start3A_277 = tpu.memref_slice %arg13[%dma_start3A_276] : memref<16384xf32, #tpu.memory_space<hbm>> -> memref<16384xf32, #tpu.memory_space<hbm>>
      tpu.enqueue_indirect_dma source(%dma_start3A_277 : memref<16384xf32, #tpu.memory_space<hbm>>) target(%dma_start3A_273 : memref<128xf32, #tpu.memory_space<vmem>>) offsets(%dma_start3A_275 : memref<128xi32, #tpu.memory_space<vmem>>) semaphore(%arg28 : memref<!tpu.dma_semaphore, #tpu.memory_space<semaphore_mem>>)
      %dma_start3A_278 = arith.constant 12336 : i32
      %dma_start3A_279 = tpu.memref_slice %arg22[%dma_start3A_278] : memref<16640xf32, #tpu.memory_space<vmem>> -> memref<128xf32, #tpu.memory_space<vmem>>
      %dma_start3A_280 = arith.constant 896 : i32
      %dma_start3A_281 = tpu.memref_slice %arg20[%dma_start3A_280] : memref<1040xi32, #tpu.memory_space<vmem>> -> memref<128xi32, #tpu.memory_space<vmem>>
      %dma_start3A_282 = arith.constant 0 : i32
      %dma_start3A_283 = tpu.memref_slice %arg14[%dma_start3A_282] : memref<16384xf32, #tpu.memory_space<hbm>> -> memref<16384xf32, #tpu.memory_space<hbm>>
      tpu.enqueue_indirect_dma source(%dma_start3A_283 : memref<16384xf32, #tpu.memory_space<hbm>>) target(%dma_start3A_279 : memref<128xf32, #tpu.memory_space<vmem>>) offsets(%dma_start3A_281 : memref<128xi32, #tpu.memory_space<vmem>>) semaphore(%arg28 : memref<!tpu.dma_semaphore, #tpu.memory_space<semaphore_mem>>)
      %dma_start3A_284 = arith.constant 13376 : i32
      %dma_start3A_285 = tpu.memref_slice %arg22[%dma_start3A_284] : memref<16640xf32, #tpu.memory_space<vmem>> -> memref<128xf32, #tpu.memory_space<vmem>>
      %dma_start3A_286 = arith.constant 896 : i32
      %dma_start3A_287 = tpu.memref_slice %arg20[%dma_start3A_286] : memref<1040xi32, #tpu.memory_space<vmem>> -> memref<128xi32, #tpu.memory_space<vmem>>
      %dma_start3A_288 = arith.constant 0 : i32
      %dma_start3A_289 = tpu.memref_slice %arg15[%dma_start3A_288] : memref<16384xf32, #tpu.memory_space<hbm>> -> memref<16384xf32, #tpu.memory_space<hbm>>
      tpu.enqueue_indirect_dma source(%dma_start3A_289 : memref<16384xf32, #tpu.memory_space<hbm>>) target(%dma_start3A_285 : memref<128xf32, #tpu.memory_space<vmem>>) offsets(%dma_start3A_287 : memref<128xi32, #tpu.memory_space<vmem>>) semaphore(%arg28 : memref<!tpu.dma_semaphore, #tpu.memory_space<semaphore_mem>>)
      %dma_start3A_290 = arith.constant 14416 : i32
      %dma_start3A_291 = tpu.memref_slice %arg22[%dma_start3A_290] : memref<16640xf32, #tpu.memory_space<vmem>> -> memref<128xf32, #tpu.memory_space<vmem>>
      %dma_start3A_292 = arith.constant 896 : i32
      %dma_start3A_293 = tpu.memref_slice %arg20[%dma_start3A_292] : memref<1040xi32, #tpu.memory_space<vmem>> -> memref<128xi32, #tpu.memory_space<vmem>>
      %dma_start3A_294 = arith.constant 0 : i32
      %dma_start3A_295 = tpu.memref_slice %arg16[%dma_start3A_294] : memref<16384xf32, #tpu.memory_space<hbm>> -> memref<16384xf32, #tpu.memory_space<hbm>>
      tpu.enqueue_indirect_dma source(%dma_start3A_295 : memref<16384xf32, #tpu.memory_space<hbm>>) target(%dma_start3A_291 : memref<128xf32, #tpu.memory_space<vmem>>) offsets(%dma_start3A_293 : memref<128xi32, #tpu.memory_space<vmem>>) semaphore(%arg28 : memref<!tpu.dma_semaphore, #tpu.memory_space<semaphore_mem>>)
      %dma_start3A_296 = arith.constant 15456 : i32
      %dma_start3A_297 = tpu.memref_slice %arg22[%dma_start3A_296] : memref<16640xf32, #tpu.memory_space<vmem>> -> memref<128xf32, #tpu.memory_space<vmem>>
      %dma_start3A_298 = arith.constant 896 : i32
      %dma_start3A_299 = tpu.memref_slice %arg20[%dma_start3A_298] : memref<1040xi32, #tpu.memory_space<vmem>> -> memref<128xi32, #tpu.memory_space<vmem>>
      %dma_start3A_300 = arith.constant 0 : i32
      %dma_start3A_301 = tpu.memref_slice %arg17[%dma_start3A_300] : memref<16384xf32, #tpu.memory_space<hbm>> -> memref<16384xf32, #tpu.memory_space<hbm>>
      tpu.enqueue_indirect_dma source(%dma_start3A_301 : memref<16384xf32, #tpu.memory_space<hbm>>) target(%dma_start3A_297 : memref<128xf32, #tpu.memory_space<vmem>>) offsets(%dma_start3A_299 : memref<128xi32, #tpu.memory_space<vmem>>) semaphore(%arg28 : memref<!tpu.dma_semaphore, #tpu.memory_space<semaphore_mem>>)
    } else {
    }
    %add3A_80 = arith.constant 128 : i32
    %add3A_81 = arith.addi %scan3A_41, %add3A_80 : i32
    %sub3A = arith.constant 1 : i32
    %sub3A_82 = arith.subi %add3A_81, %sub3A : i32
    %jit3A_83 = arith.constant 128 : i32
    %div3A = arith.divsi %sub3A_82, %jit3A_83 : i32
    %sign3A = arith.constant 0 : i32
    %sign3A_84 = arith.cmpi sgt, %sub3A_82, %sign3A : i32
    %sign3A_85 = arith.extui %sign3A_84 : i1 to i32
    %sign3A_86 = arith.constant 0 : i32
    %sign3A_87 = arith.cmpi slt, %sub3A_82, %sign3A_86 : i32
    %sign3A_88 = arith.extui %sign3A_87 : i1 to i32
    %sign3A_89 = arith.subi %sign3A_85, %sign3A_88 : i32
    %sign3A_90 = arith.constant 0 : i32
    %sign3A_91 = arith.cmpi sgt, %jit3A_83, %sign3A_90 : i32
    %sign3A_92 = arith.extui %sign3A_91 : i1 to i32
    %sign3A_93 = arith.constant 0 : i32
    %sign3A_94 = arith.cmpi slt, %jit3A_83, %sign3A_93 : i32
    %sign3A_95 = arith.extui %sign3A_94 : i1 to i32
    %sign3A_96 = arith.subi %sign3A_92, %sign3A_95 : i32
    %ne3A = arith.cmpi ne, %sign3A_89, %sign3A_96 : i32
    %rem3A = arith.remsi %sub3A_82, %jit3A_83 : i32
    %ne3A_97 = arith.constant 0 : i32
    %ne3A_98 = arith.cmpi ne, %rem3A, %ne3A_97 : i32
    %and3A = arith.andi %ne3A, %ne3A_98 : i1
    %sub3A_99 = arith.constant 1 : i32
    %sub3A_100 = arith.subi %div3A, %sub3A_99 : i32
    %select_n3A_101 = arith.select %and3A, %sub3A_100, %div3A : i32
    %mul3A_102 = arith.constant 15 : i32
    %mul3A_103 = arith.muli %select_n3A_101, %mul3A_102 : i32
    %while3A = arith.constant 0 : i32
    %while3A_104 = arith.constant 0 : i32
    %while3A_105 = arith.subi %mul3A_103, %while3A : i32
    %while3A_106 = arith.addi %while3A, %while3A_105 : i32
    %while3A_107 = arith.constant 1 : i32
    %while3A_108 = arith.divsi %while3A_105, %while3A_107 : i32
    %while3A_109 = arith.muli %while3A_108, %while3A_107 : i32
    %while3A_110 = arith.addi %while3A, %while3A_109 : i32
    %while3A_111 = arith.constant 1 : i32
    %while3A_112 = scf.for %while3A_213 = %while3A to %while3A_110 step %while3A_111 iter_args(%while3A_214 = %while3A_104) -> (i32)  : i32 {
      %dma_wait3A_215 = arith.constant 0 : i32
      %dma_wait3A_216 = tpu.memref_slice %arg22[%dma_wait3A_215] : memref<16640xf32, #tpu.memory_space<vmem>> -> memref<128xf32, #tpu.memory_space<vmem>>
      %dma_wait3A_217 = arith.constant 0 : i32
      %dma_wait3A_218 = tpu.memref_slice %arg20[%dma_wait3A_217] : memref<1040xi32, #tpu.memory_space<vmem>> -> memref<128xi32, #tpu.memory_space<vmem>>
      %dma_wait3A_219 = arith.constant 0 : i32
      %dma_wait3A_220 = tpu.memref_slice %arg3[%dma_wait3A_219] : memref<16384xf32, #tpu.memory_space<hbm>> -> memref<16384xf32, #tpu.memory_space<hbm>>
      tpu.wait_indirect_dma semaphore(%arg28 : memref<!tpu.dma_semaphore, #tpu.memory_space<semaphore_mem>>) src(%dma_wait3A_220 : memref<16384xf32, #tpu.memory_space<hbm>>) dst(%dma_wait3A_216 : memref<128xf32, #tpu.memory_space<vmem>>)
      %while3A_221 = arith.constant 0 : i32
      scf.yield %while3A_221 : i32
    }
    %while3A_113 = arith.constant 1 : i32
    %while3A_114 = scf.for %while3A_213 = %while3A_110 to %while3A_106 step %while3A_113 iter_args(%while3A_214 = %while3A_112) -> (i32)  : i32 {
      %dma_wait3A_215 = arith.constant 0 : i32
      %dma_wait3A_216 = tpu.memref_slice %arg22[%dma_wait3A_215] : memref<16640xf32, #tpu.memory_space<vmem>> -> memref<128xf32, #tpu.memory_space<vmem>>
      %dma_wait3A_217 = arith.constant 0 : i32
      %dma_wait3A_218 = tpu.memref_slice %arg20[%dma_wait3A_217] : memref<1040xi32, #tpu.memory_space<vmem>> -> memref<128xi32, #tpu.memory_space<vmem>>
      %dma_wait3A_219 = arith.constant 0 : i32
      %dma_wait3A_220 = tpu.memref_slice %arg3[%dma_wait3A_219] : memref<16384xf32, #tpu.memory_space<hbm>> -> memref<16384xf32, #tpu.memory_space<hbm>>
      tpu.wait_indirect_dma semaphore(%arg28 : memref<!tpu.dma_semaphore, #tpu.memory_space<semaphore_mem>>) src(%dma_wait3A_220 : memref<16384xf32, #tpu.memory_space<hbm>>) dst(%dma_wait3A_216 : memref<128xf32, #tpu.memory_space<vmem>>)
      %while3A_221 = arith.constant 0 : i32
      scf.yield %while3A_221 : i32
    }
    "tpu.trace_stop"() : () -> ()
    "tpu.trace_start"() <{level = 10 : i32, message = "p5_blocks"}> : () -> ()
    %scan3A_115 = arith.constant 0 : i32
    %scan3A_116 = arith.constant 0 : i32
    %scan3A_117 = arith.constant 0 : i32
    %scan3A_118 = arith.constant 15 : i32
    %scan3A_119 = arith.addi %scan3A_117, %scan3A_118 : i32
    %scan3A_120 = arith.constant 1 : i32
    %scan3A_121:2 = scf.for %scan3A_213 = %scan3A_117 to %scan3A_119 step %scan3A_120 iter_args(%scan3A_214 = %scan3A_115, %scan3A_215 = %scan3A_116) -> (i32, i32)  : i32 {
      %mul3A_216 = arith.constant 2 : i32
      %mul3A_217 = arith.muli %mul3A_216, %scan3A_213 : i32
      %gt3A_218 = arith.constant 0 : i32
      %gt3A_219 = arith.cmpi sgt, %scan3A_213, %gt3A_218 : i32
      %convert_element_type3A_220 = arith.extui %gt3A_219 : i1 to i32
      %cond3A_221 = arith.constant 0 : i32
      %cond3A_222 = arith.cmpi ne, %convert_element_type3A_220, %cond3A_221 : i32
      scf.if %cond3A_222 {
        %dma_wait3A_369 = arith.constant 0 : i32
        %dma_wait3A_370 = arith.constant 0 : i32
        %dma_wait3A_371 = tpu.memref_slice %arg23[%dma_wait3A_369, %dma_wait3A_370] : memref<16x1024xf32, #tpu.memory_space<vmem>> -> memref<16x1024xf32, #tpu.memory_space<vmem>>
        %dma_wait3A_372 = arith.constant 0 : i32
        %dma_wait3A_373 = arith.constant 0 : i32
        %dma_wait3A_374 = tpu.memref_slice %arg18[%dma_wait3A_372, %dma_wait3A_373] : memref<16x1000000xf32, #tpu.memory_space<hbm>> -> memref<16x1024xf32, #tpu.memory_space<hbm>>
        %dma_wait3A_375 = arith.constant 0 : i32
        %dma_wait3A_376 = arith.constant 0 : i32
        %dma_wait3A_377 = tpu.memref_slice %arg18[%dma_wait3A_375, %dma_wait3A_376] : memref<16x1000000xf32, #tpu.memory_space<hbm>> -> memref<16x1024xf32, #tpu.memory_space<hbm>>
        %dma_wait3A_378 = arith.constant 0 : i32
        %dma_wait3A_379 = arith.constant 0 : i32
        %dma_wait3A_380 = tpu.memref_slice %arg23[%dma_wait3A_378, %dma_wait3A_379] : memref<16x1024xf32, #tpu.memory_space<vmem>> -> memref<16x1024xf32, #tpu.memory_space<vmem>>
        tpu.wait_dma2 semaphore(%arg29 : memref<!tpu.dma_semaphore, #tpu.memory_space<semaphore_mem>>) src(%dma_wait3A_380 : memref<16x1024xf32, #tpu.memory_space<vmem>>) dst(%dma_wait3A_377 : memref<16x1024xf32, #tpu.memory_space<hbm>>)
        %le3A_381 = arith.constant 64 : i32
        %le3A_382 = arith.cmpi sle, %scan3A_214, %le3A_381 : i32
        %convert_element_type3A_383 = arith.extui %le3A_382 : i1 to i32
        %cond3A_384 = arith.constant 0 : i32
        %cond3A_385 = arith.constant 0 : i32
        %cond3A_386 = arith.cmpi ne, %convert_element_type3A_383, %cond3A_385 : i32
        %cond3A_387 = scf.if %cond3A_386 -> (i32) {
          %while3A_388 = arith.constant 0 : i32
          %while3A_389 = arith.constant 0 : i32
          %while3A_390 = arith.subi %scan3A_214, %while3A_388 : i32
          %while3A_391 = arith.addi %while3A_388, %while3A_390 : i32
          %while3A_392 = arith.constant 1 : i32
          %while3A_393 = arith.divsi %while3A_390, %while3A_392 : i32
          %while3A_394 = arith.muli %while3A_393, %while3A_392 : i32
          %while3A_395 = arith.addi %while3A_388, %while3A_394 : i32
          %while3A_396 = arith.constant 1 : i32
          %while3A_397 = scf.for %while3A_401 = %while3A_388 to %while3A_395 step %while3A_396 iter_args(%while3A_402 = %while3A_389) -> (i32)  : i32 {
            %add3A_403 = arith.constant 0 : i32
            %add3A_404 = arith.addi %add3A_403, %while3A_401 : i32
            %get3A = arith.index_cast %add3A_404 : i32 to index
            %get3A_405 = tpu.vector_load %arg27[%get3A] {strides = array<i32>} : memref<144xi32, #tpu.memory_space<vmem>>, vector<16xi32>,
            %slice3A = vector.extract_strided_slice %get3A_405 {offsets = [0], sizes = [1], strides = [1]} : vector<16xi32> to vector<1xi32>
            %squeeze3A = vector.extract %slice3A[0] : i32 from vector<1xi32>
            %broadcast_in_dim3A_406 = vector.broadcast %squeeze3A : i32 to vector<16xi32>
            tpu.vector_store_idx %arg23[%iota3A, %broadcast_in_dim3A_406], %broadcast_in_dim3A_22 : memref<16x1024xf32, #tpu.memory_space<vmem>>[vector<16xi32>, vector<16xi32>], vector<16xf32>,
            %while3A_407 = arith.constant 0 : i32
            scf.yield %while3A_407 : i32
          }
          %while3A_398 = arith.constant 1 : i32
          %while3A_399 = scf.for %while3A_401 = %while3A_395 to %while3A_391 step %while3A_398 iter_args(%while3A_402 = %while3A_397) -> (i32)  : i32 {
            %add3A_403 = arith.constant 0 : i32
            %add3A_404 = arith.addi %add3A_403, %while3A_401 : i32
            %get3A = arith.index_cast %add3A_404 : i32 to index
            %get3A_405 = tpu.vector_load %arg27[%get3A] {strides = array<i32>} : memref<144xi32, #tpu.memory_space<vmem>>, vector<16xi32>,
            %slice3A = vector.extract_strided_slice %get3A_405 {offsets = [0], sizes = [1], strides = [1]} : vector<16xi32> to vector<1xi32>
            %squeeze3A = vector.extract %slice3A[0] : i32 from vector<1xi32>
            %broadcast_in_dim3A_406 = vector.broadcast %squeeze3A : i32 to vector<16xi32>
            tpu.vector_store_idx %arg23[%iota3A, %broadcast_in_dim3A_406], %broadcast_in_dim3A_22 : memref<16x1024xf32, #tpu.memory_space<vmem>>[vector<16xi32>, vector<16xi32>], vector<16xf32>,
            %while3A_407 = arith.constant 0 : i32
            scf.yield %while3A_407 : i32
          }
          %cond3A_400 = arith.constant 0 : i32
          scf.yield %cond3A_400 : i32
        } else {
          %scan3A_388 = arith.constant 0 : i32
          %scan3A_389 = arith.constant 0 : i32
          %scan3A_390 = arith.constant 64 : i32
          %scan3A_391 = arith.addi %scan3A_389, %scan3A_390 : i32
          %scan3A_392 = arith.constant 1 : i32
          %scan3A_393 = scf.for %scan3A_396 = %scan3A_389 to %scan3A_391 step %scan3A_392 iter_args(%scan3A_397 = %scan3A_388) -> (i32)  : i32 {
            %mul3A_398 = arith.constant 16 : i32
            %mul3A_399 = arith.muli %scan3A_396, %mul3A_398 : i32
            %swap3A = arith.constant 0 : i32
            %swap3A_400 = arith.index_cast %swap3A : i32 to index
            %swap3A_401 = arith.index_cast %mul3A_399 : i32 to index
            %swap3A_402 = tpu.vector_load %arg23[%swap3A_400, %swap3A_401] {strides = array<i32>} : memref<16x1024xf32, #tpu.memory_space<vmem>>, vector<16xf32>,
            tpu.vector_store %arg23[%swap3A_400, %swap3A_401], %broadcast_in_dim3A_22 {strides = array<i32>} : memref<16x1024xf32, #tpu.memory_space<vmem>>, vector<16xf32>,
            %mul3A_403 = arith.constant 16 : i32
            %mul3A_404 = arith.muli %scan3A_396, %mul3A_403 : i32
            %swap3A_405 = arith.constant 1 : i32
            %swap3A_406 = arith.index_cast %swap3A_405 : i32 to index
            %swap3A_407 = arith.index_cast %mul3A_404 : i32 to index
            %swap3A_408 = tpu.vector_load %arg23[%swap3A_406, %swap3A_407] {strides = array<i32>} : memref<16x1024xf32, #tpu.memory_space<vmem>>, vector<16xf32>,
            tpu.vector_store %arg23[%swap3A_406, %swap3A_407], %broadcast_in_dim3A_22 {strides = array<i32>} : memref<16x1024xf32, #tpu.memory_space<vmem>>, vector<16xf32>,
            %mul3A_409 = arith.constant 16 : i32
            %mul3A_410 = arith.muli %scan3A_396, %mul3A_409 : i32
            %swap3A_411 = arith.constant 2 : i32
            %swap3A_412 = arith.index_cast %swap3A_411 : i32 to index
            %swap3A_413 = arith.index_cast %mul3A_410 : i32 to index
            %swap3A_414 = tpu.vector_load %arg23[%swap3A_412, %swap3A_413] {strides = array<i32>} : memref<16x1024xf32, #tpu.memory_space<vmem>>, vector<16xf32>,
            tpu.vector_store %arg23[%swap3A_412, %swap3A_413], %broadcast_in_dim3A_22 {strides = array<i32>} : memref<16x1024xf32, #tpu.memory_space<vmem>>, vector<16xf32>,
            %mul3A_415 = arith.constant 16 : i32
            %mul3A_416 = arith.muli %scan3A_396, %mul3A_415 : i32
            %swap3A_417 = arith.constant 3 : i32
            %swap3A_418 = arith.index_cast %swap3A_417 : i32 to index
            %swap3A_419 = arith.index_cast %mul3A_416 : i32 to index
            %swap3A_420 = tpu.vector_load %arg23[%swap3A_418, %swap3A_419] {strides = array<i32>} : memref<16x1024xf32, #tpu.memory_space<vmem>>, vector<16xf32>,
            tpu.vector_store %arg23[%swap3A_418, %swap3A_419], %broadcast_in_dim3A_22 {strides = array<i32>} : memref<16x1024xf32, #tpu.memory_space<vmem>>, vector<16xf32>,
            %mul3A_421 = arith.constant 16 : i32
            %mul3A_422 = arith.muli %scan3A_396, %mul3A_421 : i32
            %swap3A_423 = arith.constant 4 : i32
            %swap3A_424 = arith.index_cast %swap3A_423 : i32 to index
            %swap3A_425 = arith.index_cast %mul3A_422 : i32 to index
            %swap3A_426 = tpu.vector_load %arg23[%swap3A_424, %swap3A_425] {strides = array<i32>} : memref<16x1024xf32, #tpu.memory_space<vmem>>, vector<16xf32>,
            tpu.vector_store %arg23[%swap3A_424, %swap3A_425], %broadcast_in_dim3A_22 {strides = array<i32>} : memref<16x1024xf32, #tpu.memory_space<vmem>>, vector<16xf32>,
            %mul3A_427 = arith.constant 16 : i32
            %mul3A_428 = arith.muli %scan3A_396, %mul3A_427 : i32
            %swap3A_429 = arith.constant 5 : i32
            %swap3A_430 = arith.index_cast %swap3A_429 : i32 to index
            %swap3A_431 = arith.index_cast %mul3A_428 : i32 to index
            %swap3A_432 = tpu.vector_load %arg23[%swap3A_430, %swap3A_431] {strides = array<i32>} : memref<16x1024xf32, #tpu.memory_space<vmem>>, vector<16xf32>,
            tpu.vector_store %arg23[%swap3A_430, %swap3A_431], %broadcast_in_dim3A_22 {strides = array<i32>} : memref<16x1024xf32, #tpu.memory_space<vmem>>, vector<16xf32>,
            %mul3A_433 = arith.constant 16 : i32
            %mul3A_434 = arith.muli %scan3A_396, %mul3A_433 : i32
            %swap3A_435 = arith.constant 6 : i32
            %swap3A_436 = arith.index_cast %swap3A_435 : i32 to index
            %swap3A_437 = arith.index_cast %mul3A_434 : i32 to index
            %swap3A_438 = tpu.vector_load %arg23[%swap3A_436, %swap3A_437] {strides = array<i32>} : memref<16x1024xf32, #tpu.memory_space<vmem>>, vector<16xf32>,
            tpu.vector_store %arg23[%swap3A_436, %swap3A_437], %broadcast_in_dim3A_22 {strides = array<i32>} : memref<16x1024xf32, #tpu.memory_space<vmem>>, vector<16xf32>,
            %mul3A_439 = arith.constant 16 : i32
            %mul3A_440 = arith.muli %scan3A_396, %mul3A_439 : i32
            %swap3A_441 = arith.constant 7 : i32
            %swap3A_442 = arith.index_cast %swap3A_441 : i32 to index
            %swap3A_443 = arith.index_cast %mul3A_440 : i32 to index
            %swap3A_444 = tpu.vector_load %arg23[%swap3A_442, %swap3A_443] {strides = array<i32>} : memref<16x1024xf32, #tpu.memory_space<vmem>>, vector<16xf32>,
            tpu.vector_store %arg23[%swap3A_442, %swap3A_443], %broadcast_in_dim3A_22 {strides = array<i32>} : memref<16x1024xf32, #tpu.memory_space<vmem>>, vector<16xf32>,
            %mul3A_445 = arith.constant 16 : i32
            %mul3A_446 = arith.muli %scan3A_396, %mul3A_445 : i32
            %swap3A_447 = arith.constant 8 : i32
            %swap3A_448 = arith.index_cast %swap3A_447 : i32 to index
            %swap3A_449 = arith.index_cast %mul3A_446 : i32 to index
            %swap3A_450 = tpu.vector_load %arg23[%swap3A_448, %swap3A_449] {strides = array<i32>} : memref<16x1024xf32, #tpu.memory_space<vmem>>, vector<16xf32>,
            tpu.vector_store %arg23[%swap3A_448, %swap3A_449], %broadcast_in_dim3A_22 {strides = array<i32>} : memref<16x1024xf32, #tpu.memory_space<vmem>>, vector<16xf32>,
            %mul3A_451 = arith.constant 16 : i32
            %mul3A_452 = arith.muli %scan3A_396, %mul3A_451 : i32
            %swap3A_453 = arith.constant 9 : i32
            %swap3A_454 = arith.index_cast %swap3A_453 : i32 to index
            %swap3A_455 = arith.index_cast %mul3A_452 : i32 to index
            %swap3A_456 = tpu.vector_load %arg23[%swap3A_454, %swap3A_455] {strides = array<i32>} : memref<16x1024xf32, #tpu.memory_space<vmem>>, vector<16xf32>,
            tpu.vector_store %arg23[%swap3A_454, %swap3A_455], %broadcast_in_dim3A_22 {strides = array<i32>} : memref<16x1024xf32, #tpu.memory_space<vmem>>, vector<16xf32>,
            %mul3A_457 = arith.constant 16 : i32
            %mul3A_458 = arith.muli %scan3A_396, %mul3A_457 : i32
            %swap3A_459 = arith.constant 10 : i32
            %swap3A_460 = arith.index_cast %swap3A_459 : i32 to index
            %swap3A_461 = arith.index_cast %mul3A_458 : i32 to index
            %swap3A_462 = tpu.vector_load %arg23[%swap3A_460, %swap3A_461] {strides = array<i32>} : memref<16x1024xf32, #tpu.memory_space<vmem>>, vector<16xf32>,
            tpu.vector_store %arg23[%swap3A_460, %swap3A_461], %broadcast_in_dim3A_22 {strides = array<i32>} : memref<16x1024xf32, #tpu.memory_space<vmem>>, vector<16xf32>,
            %mul3A_463 = arith.constant 16 : i32
            %mul3A_464 = arith.muli %scan3A_396, %mul3A_463 : i32
            %swap3A_465 = arith.constant 11 : i32
            %swap3A_466 = arith.index_cast %swap3A_465 : i32 to index
            %swap3A_467 = arith.index_cast %mul3A_464 : i32 to index
            %swap3A_468 = tpu.vector_load %arg23[%swap3A_466, %swap3A_467] {strides = array<i32>} : memref<16x1024xf32, #tpu.memory_space<vmem>>, vector<16xf32>,
            tpu.vector_store %arg23[%swap3A_466, %swap3A_467], %broadcast_in_dim3A_22 {strides = array<i32>} : memref<16x1024xf32, #tpu.memory_space<vmem>>, vector<16xf32>,
            %mul3A_469 = arith.constant 16 : i32
            %mul3A_470 = arith.muli %scan3A_396, %mul3A_469 : i32
            %swap3A_471 = arith.constant 12 : i32
            %swap3A_472 = arith.index_cast %swap3A_471 : i32 to index
            %swap3A_473 = arith.index_cast %mul3A_470 : i32 to index
            %swap3A_474 = tpu.vector_load %arg23[%swap3A_472, %swap3A_473] {strides = array<i32>} : memref<16x1024xf32, #tpu.memory_space<vmem>>, vector<16xf32>,
            tpu.vector_store %arg23[%swap3A_472, %swap3A_473], %broadcast_in_dim3A_22 {strides = array<i32>} : memref<16x1024xf32, #tpu.memory_space<vmem>>, vector<16xf32>,
            %mul3A_475 = arith.constant 16 : i32
            %mul3A_476 = arith.muli %scan3A_396, %mul3A_475 : i32
            %swap3A_477 = arith.constant 13 : i32
            %swap3A_478 = arith.index_cast %swap3A_477 : i32 to index
            %swap3A_479 = arith.index_cast %mul3A_476 : i32 to index
            %swap3A_480 = tpu.vector_load %arg23[%swap3A_478, %swap3A_479] {strides = array<i32>} : memref<16x1024xf32, #tpu.memory_space<vmem>>, vector<16xf32>,
            tpu.vector_store %arg23[%swap3A_478, %swap3A_479], %broadcast_in_dim3A_22 {strides = array<i32>} : memref<16x1024xf32, #tpu.memory_space<vmem>>, vector<16xf32>,
            %mul3A_481 = arith.constant 16 : i32
            %mul3A_482 = arith.muli %scan3A_396, %mul3A_481 : i32
            %swap3A_483 = arith.constant 14 : i32
            %swap3A_484 = arith.index_cast %swap3A_483 : i32 to index
            %swap3A_485 = arith.index_cast %mul3A_482 : i32 to index
            %swap3A_486 = tpu.vector_load %arg23[%swap3A_484, %swap3A_485] {strides = array<i32>} : memref<16x1024xf32, #tpu.memory_space<vmem>>, vector<16xf32>,
            tpu.vector_store %arg23[%swap3A_484, %swap3A_485], %broadcast_in_dim3A_22 {strides = array<i32>} : memref<16x1024xf32, #tpu.memory_space<vmem>>, vector<16xf32>,
            %mul3A_487 = arith.constant 16 : i32
            %mul3A_488 = arith.muli %scan3A_396, %mul3A_487 : i32
            %swap3A_489 = arith.constant 15 : i32
            %swap3A_490 = arith.index_cast %swap3A_489 : i32 to index
            %swap3A_491 = arith.index_cast %mul3A_488 : i32 to index
            %swap3A_492 = tpu.vector_load %arg23[%swap3A_490, %swap3A_491] {strides = array<i32>} : memref<16x1024xf32, #tpu.memory_space<vmem>>, vector<16xf32>,
            tpu.vector_store %arg23[%swap3A_490, %swap3A_491], %broadcast_in_dim3A_22 {strides = array<i32>} : memref<16x1024xf32, #tpu.memory_space<vmem>>, vector<16xf32>,
            %scan3A_493 = arith.constant 0 : i32
            scf.yield %scan3A_493 : i32
          }
          %scan3A_394 = arith.constant 64 : i32
          %cond3A_395 = arith.constant 0 : i32
          scf.yield %cond3A_395 : i32
        }
      } else {
      }
      %mul3A_223 = arith.constant 1024 : i32
      %mul3A_224 = arith.muli %mul3A_217, %mul3A_223 : i32
      %add3A_225 = arith.addi %multiple_of3A, %mul3A_224 : i32
      %add3A_226 = arith.constant 16 : i32
      %add3A_227 = arith.addi %scan3A_41, %add3A_226 : i32
      %sub3A_228 = arith.constant 1 : i32
      %sub3A_229 = arith.subi %add3A_227, %sub3A_228 : i32
      %jit3A_230 = arith.constant 16 : i32
      %div3A_231 = arith.divsi %sub3A_229, %jit3A_230 : i32
      %sign3A_232 = arith.constant 0 : i32
      %sign3A_233 = arith.cmpi sgt, %sub3A_229, %sign3A_232 : i32
      %sign3A_234 = arith.extui %sign3A_233 : i1 to i32
      %sign3A_235 = arith.constant 0 : i32
      %sign3A_236 = arith.cmpi slt, %sub3A_229, %sign3A_235 : i32
      %sign3A_237 = arith.extui %sign3A_236 : i1 to i32
      %sign3A_238 = arith.subi %sign3A_234, %sign3A_237 : i32
      %sign3A_239 = arith.constant 0 : i32
      %sign3A_240 = arith.cmpi sgt, %jit3A_230, %sign3A_239 : i32
      %sign3A_241 = arith.extui %sign3A_240 : i1 to i32
      %sign3A_242 = arith.constant 0 : i32
      %sign3A_243 = arith.cmpi slt, %jit3A_230, %sign3A_242 : i32
      %sign3A_244 = arith.extui %sign3A_243 : i1 to i32
      %sign3A_245 = arith.subi %sign3A_241, %sign3A_244 : i32
      %ne3A_246 = arith.cmpi ne, %sign3A_238, %sign3A_245 : i32
      %rem3A_247 = arith.remsi %sub3A_229, %jit3A_230 : i32
      %ne3A_248 = arith.constant 0 : i32
      %ne3A_249 = arith.cmpi ne, %rem3A_247, %ne3A_248 : i32
      %and3A_250 = arith.andi %ne3A_246, %ne3A_249 : i1
      %sub3A_251 = arith.constant 1 : i32
      %sub3A_252 = arith.subi %div3A_231, %sub3A_251 : i32
      %select_n3A_253 = arith.select %and3A_250, %sub3A_252, %div3A_231 : i32
      %while3A_254 = arith.constant 0 : i32
      %while3A_255 = arith.constant 0 : i32
      %while3A_256 = arith.subi %select_n3A_253, %while3A_254 : i32
      %while3A_257 = arith.addi %while3A_254, %while3A_256 : i32
      %while3A_258 = arith.constant 1 : i32
      %while3A_259 = arith.divsi %while3A_256, %while3A_258 : i32
      %while3A_260 = arith.muli %while3A_259, %while3A_258 : i32
      %while3A_261 = arith.addi %while3A_254, %while3A_260 : i32
      %while3A_262 = arith.constant 1 : i32
      %while3A_263 = scf.for %while3A_369 = %while3A_254 to %while3A_261 step %while3A_262 iter_args(%while3A_370 = %while3A_255) -> (i32)  : i32 {
        %mul3A_371 = arith.constant 16 : i32
        %mul3A_372 = arith.muli %while3A_369, %mul3A_371 : i32
        %get3A = arith.index_cast %mul3A_372 : i32 to index
        %get3A_373 = tpu.vector_load %arg21[%get3A] {strides = array<i32>} : memref<1040xi32, #tpu.memory_space<vmem>>, vector<16xi32>,
        %ge3A = vector.broadcast %add3A_225 : i32 to vector<16xi32>
        %ge3A_374 = arith.cmpi sge, %get3A_373, %ge3A : vector<16xi32>
        %add3A_375 = arith.constant 1024 : i32
        %add3A_376 = arith.addi %add3A_225, %add3A_375 : i32
        %lt3A_377 = vector.broadcast %add3A_376 : i32 to vector<16xi32>
        %lt3A_378 = arith.cmpi slt, %get3A_373, %lt3A_377 : vector<16xi32>
        %and3A_379 = arith.andi %ge3A_374, %lt3A_378 : vector<16xi1>
        %all_reduce_population_count3A = tpu.all_reduce %and3A_379 {dim = 0 : i64, kind = #tpu.reduction_kind<sum>} : vector<16xi1> -> vector<16xi32>
        %slice3A = vector.extract_strided_slice %all_reduce_population_count3A {offsets = [0], sizes = [1], strides = [1]} : vector<16xi32> to vector<1xi32>
        %squeeze3A = vector.extract %slice3A[0] : i32 from vector<1xi32>
        %mul3A_380 = arith.constant 16 : i32
        %mul3A_381 = arith.muli %while3A_369, %mul3A_380 : i32
        %add3A_382 = vector.broadcast %mul3A_381 : i32 to vector<16xi32>
        %add3A_383 = arith.addi %iota3A, %add3A_382 : vector<16xi32>
        %swap3A = arith.index_cast %while3A_370 : i32 to index
        %swap3A_384 = tpu.vector_load %arg25[%swap3A] masked %and3A_379 {strides = array<i32>} : memref<1040xi32, #tpu.memory_space<vmem>>, vector<16xi32>, vector<16xi1>
        tpu.vector_store %arg25[%swap3A], %add3A_383 masked %and3A_379 {strides = array<i32>} : memref<1040xi32, #tpu.memory_space<vmem>>, vector<16xi32>, vector<16xi1>
        %swap3A_385 = arith.index_cast %while3A_370 : i32 to index
        %swap3A_386 = tpu.vector_load %arg26[%swap3A_385] masked %and3A_379 {strides = array<i32>} : memref<1040xi32, #tpu.memory_space<vmem>>, vector<16xi32>, vector<16xi1>
        tpu.vector_store %arg26[%swap3A_385], %get3A_373 masked %and3A_379 {strides = array<i32>} : memref<1040xi32, #tpu.memory_space<vmem>>, vector<16xi32>, vector<16xi1>
        %add3A_387 = arith.addi %while3A_370, %squeeze3A : i32
        scf.yield %add3A_387 : i32
      }
      %while3A_264 = arith.constant 1 : i32
      %while3A_265 = scf.for %while3A_369 = %while3A_261 to %while3A_257 step %while3A_264 iter_args(%while3A_370 = %while3A_263) -> (i32)  : i32 {
        %mul3A_371 = arith.constant 16 : i32
        %mul3A_372 = arith.muli %while3A_369, %mul3A_371 : i32
        %get3A = arith.index_cast %mul3A_372 : i32 to index
        %get3A_373 = tpu.vector_load %arg21[%get3A] {strides = array<i32>} : memref<1040xi32, #tpu.memory_space<vmem>>, vector<16xi32>,
        %ge3A = vector.broadcast %add3A_225 : i32 to vector<16xi32>
        %ge3A_374 = arith.cmpi sge, %get3A_373, %ge3A : vector<16xi32>
        %add3A_375 = arith.constant 1024 : i32
        %add3A_376 = arith.addi %add3A_225, %add3A_375 : i32
        %lt3A_377 = vector.broadcast %add3A_376 : i32 to vector<16xi32>
        %lt3A_378 = arith.cmpi slt, %get3A_373, %lt3A_377 : vector<16xi32>
        %and3A_379 = arith.andi %ge3A_374, %lt3A_378 : vector<16xi1>
        %all_reduce_population_count3A = tpu.all_reduce %and3A_379 {dim = 0 : i64, kind = #tpu.reduction_kind<sum>} : vector<16xi1> -> vector<16xi32>
        %slice3A = vector.extract_strided_slice %all_reduce_population_count3A {offsets = [0], sizes = [1], strides = [1]} : vector<16xi32> to vector<1xi32>
        %squeeze3A = vector.extract %slice3A[0] : i32 from vector<1xi32>
        %mul3A_380 = arith.constant 16 : i32
        %mul3A_381 = arith.muli %while3A_369, %mul3A_380 : i32
        %add3A_382 = vector.broadcast %mul3A_381 : i32 to vector<16xi32>
        %add3A_383 = arith.addi %iota3A, %add3A_382 : vector<16xi32>
        %swap3A = arith.index_cast %while3A_370 : i32 to index
        %swap3A_384 = tpu.vector_load %arg25[%swap3A] masked %and3A_379 {strides = array<i32>} : memref<1040xi32, #tpu.memory_space<vmem>>, vector<16xi32>, vector<16xi1>
        tpu.vector_store %arg25[%swap3A], %add3A_383 masked %and3A_379 {strides = array<i32>} : memref<1040xi32, #tpu.memory_space<vmem>>, vector<16xi32>, vector<16xi1>
        %swap3A_385 = arith.index_cast %while3A_370 : i32 to index
        %swap3A_386 = tpu.vector_load %arg26[%swap3A_385] masked %and3A_379 {strides = array<i32>} : memref<1040xi32, #tpu.memory_space<vmem>>, vector<16xi32>, vector<16xi1>
        tpu.vector_store %arg26[%swap3A_385], %get3A_373 masked %and3A_379 {strides = array<i32>} : memref<1040xi32, #tpu.memory_space<vmem>>, vector<16xi32>, vector<16xi1>
        %add3A_387 = arith.addi %while3A_370, %squeeze3A : i32
        scf.yield %add3A_387 : i32
      }
      %while3A_266 = arith.constant 0 : i32
      %while3A_267 = arith.constant 0 : i32
      %while3A_268 = arith.subi %while3A_265, %while3A_266 : i32
      %while3A_269 = arith.addi %while3A_266, %while3A_268 : i32
      %while3A_270 = arith.constant 1 : i32
      %while3A_271 = arith.divsi %while3A_268, %while3A_270 : i32
      %while3A_272 = arith.muli %while3A_271, %while3A_270 : i32
      %while3A_273 = arith.addi %while3A_266, %while3A_272 : i32
      %while3A_274 = arith.constant 1 : i32
      %while3A_275 = scf.for %while3A_369 = %while3A_266 to %while3A_273 step %while3A_274 iter_args(%while3A_370 = %while3A_267) -> (i32)  : i32 {
        %get3A = arith.index_cast %while3A_369 : i32 to index
        %get3A_371 = tpu.vector_load %arg25[%get3A] {strides = array<i32>} : memref<1040xi32, #tpu.memory_space<vmem>>, vector<16xi32>,
        %slice3A = vector.extract_strided_slice %get3A_371 {offsets = [0], sizes = [1], strides = [1]} : vector<16xi32> to vector<1xi32>
        %squeeze3A = vector.extract %slice3A[0] : i32 from vector<1xi32>
        %get3A_372 = arith.index_cast %while3A_369 : i32 to index
        %get3A_373 = tpu.vector_load %arg26[%get3A_372] {strides = array<i32>} : memref<1040xi32, #tpu.memory_space<vmem>>, vector<16xi32>,
        %slice3A_374 = vector.extract_strided_slice %get3A_373 {offsets = [0], sizes = [1], strides = [1]} : vector<16xi32> to vector<1xi32>
        %squeeze3A_375 = vector.extract %slice3A_374[0] : i32 from vector<1xi32>
        %sub3A_376 = arith.subi %squeeze3A_375, %add3A_225 : i32
        %mul3A_377 = arith.constant 1040 : i32
        %mul3A_378 = vector.broadcast %mul3A_377 : i32 to vector<16xi32>
        %mul3A_379 = arith.muli %iota3A, %mul3A_378 : vector<16xi32>
        %broadcast_in_dim3A_380 = vector.broadcast %squeeze3A : i32 to vector<16xi32>
        %add3A_381 = arith.addi %mul3A_379, %broadcast_in_dim3A_380 : vector<16xi32>
        %gather3A = tpu.vector_load_idx %arg22[%add3A_381] : memref<16640xf32, #tpu.memory_space<vmem>>[vector<16xi32>], vector<16xf32>,
        %broadcast_in_dim3A_382 = vector.broadcast %sub3A_376 : i32 to vector<16xi32>
        tpu.vector_store_idx %arg23[%iota3A, %broadcast_in_dim3A_382], %gather3A : memref<16x1024xf32, #tpu.memory_space<vmem>>[vector<16xi32>, vector<16xi32>], vector<16xf32>,
        %min3A_383 = arith.constant 63 : i32
        %min3A_384 = arith.minsi %while3A_370, %min3A_383 : i32
        %add3A_385 = arith.constant 0 : i32
        %add3A_386 = arith.addi %add3A_385, %min3A_384 : i32
        %broadcast_in_dim3A_387 = vector.broadcast %add3A_386 : i32 to vector<16xi32>
        %broadcast_in_dim3A_388 = vector.broadcast %sub3A_376 : i32 to vector<16xi32>
        tpu.vector_store_idx %arg27[%broadcast_in_dim3A_387], %broadcast_in_dim3A_388 masked %eq3A_21 : memref<144xi32, #tpu.memory_space<vmem>>[vector<16xi32>], vector<16xi32>, vector<16xi1>
        %add3A_389 = arith.constant 1 : i32
        %add3A_390 = arith.addi %while3A_370, %add3A_389 : i32
        scf.yield %add3A_390 : i32
      }
      %while3A_276 = arith.constant 1 : i32
      %while3A_277 = scf.for %while3A_369 = %while3A_273 to %while3A_269 step %while3A_276 iter_args(%while3A_370 = %while3A_275) -> (i32)  : i32 {
        %get3A = arith.index_cast %while3A_369 : i32 to index
        %get3A_371 = tpu.vector_load %arg25[%get3A] {strides = array<i32>} : memref<1040xi32, #tpu.memory_space<vmem>>, vector<16xi32>,
        %slice3A = vector.extract_strided_slice %get3A_371 {offsets = [0], sizes = [1], strides = [1]} : vector<16xi32> to vector<1xi32>
        %squeeze3A = vector.extract %slice3A[0] : i32 from vector<1xi32>
        %get3A_372 = arith.index_cast %while3A_369 : i32 to index
        %get3A_373 = tpu.vector_load %arg26[%get3A_372] {strides = array<i32>} : memref<1040xi32, #tpu.memory_space<vmem>>, vector<16xi32>,
        %slice3A_374 = vector.extract_strided_slice %get3A_373 {offsets = [0], sizes = [1], strides = [1]} : vector<16xi32> to vector<1xi32>
        %squeeze3A_375 = vector.extract %slice3A_374[0] : i32 from vector<1xi32>
        %sub3A_376 = arith.subi %squeeze3A_375, %add3A_225 : i32
        %mul3A_377 = arith.constant 1040 : i32
        %mul3A_378 = vector.broadcast %mul3A_377 : i32 to vector<16xi32>
        %mul3A_379 = arith.muli %iota3A, %mul3A_378 : vector<16xi32>
        %broadcast_in_dim3A_380 = vector.broadcast %squeeze3A : i32 to vector<16xi32>
        %add3A_381 = arith.addi %mul3A_379, %broadcast_in_dim3A_380 : vector<16xi32>
        %gather3A = tpu.vector_load_idx %arg22[%add3A_381] : memref<16640xf32, #tpu.memory_space<vmem>>[vector<16xi32>], vector<16xf32>,
        %broadcast_in_dim3A_382 = vector.broadcast %sub3A_376 : i32 to vector<16xi32>
        tpu.vector_store_idx %arg23[%iota3A, %broadcast_in_dim3A_382], %gather3A : memref<16x1024xf32, #tpu.memory_space<vmem>>[vector<16xi32>, vector<16xi32>], vector<16xf32>,
        %min3A_383 = arith.constant 63 : i32
        %min3A_384 = arith.minsi %while3A_370, %min3A_383 : i32
        %add3A_385 = arith.constant 0 : i32
        %add3A_386 = arith.addi %add3A_385, %min3A_384 : i32
        %broadcast_in_dim3A_387 = vector.broadcast %add3A_386 : i32 to vector<16xi32>
        %broadcast_in_dim3A_388 = vector.broadcast %sub3A_376 : i32 to vector<16xi32>
        tpu.vector_store_idx %arg27[%broadcast_in_dim3A_387], %broadcast_in_dim3A_388 masked %eq3A_21 : memref<144xi32, #tpu.memory_space<vmem>>[vector<16xi32>], vector<16xi32>, vector<16xi1>
        %add3A_389 = arith.constant 1 : i32
        %add3A_390 = arith.addi %while3A_370, %add3A_389 : i32
        scf.yield %add3A_390 : i32
      }
      %mul3A_278 = arith.constant 1024 : i32
      %mul3A_279 = arith.muli %mul3A_217, %mul3A_278 : i32
      %add3A_280 = arith.addi %multiple_of3A, %mul3A_279 : i32
      %multiple_of3A_281 = tpu.assume_multiple %add3A_280, 128 : i32
      %dma_start3A = arith.constant 0 : i32
      %dma_start3A_282 = arith.constant 0 : i32
      %dma_start3A_283 = tpu.memref_slice %arg23[%dma_start3A, %dma_start3A_282] : memref<16x1024xf32, #tpu.memory_space<vmem>> -> memref<16x1024xf32, #tpu.memory_space<vmem>>
      %dma_start3A_284 = arith.constant 0 : i32
      %dma_start3A_285 = tpu.memref_slice %arg18[%dma_start3A_284, %multiple_of3A_281] : memref<16x1000000xf32, #tpu.memory_space<hbm>> -> memref<16x1024xf32, #tpu.memory_space<hbm>>
      %dma_start3A_286 = arith.constant 0 : i32
      %dma_start3A_287 = tpu.memref_slice %arg18[%dma_start3A_286, %multiple_of3A_281] : memref<16x1000000xf32, #tpu.memory_space<hbm>> -> memref<16x1024xf32, #tpu.memory_space<hbm>>
      %dma_start3A_288 = arith.constant 0 : i32
      %dma_start3A_289 = arith.constant 0 : i32
      %dma_start3A_290 = tpu.memref_slice %arg23[%dma_start3A_288, %dma_start3A_289] : memref<16x1024xf32, #tpu.memory_space<vmem>> -> memref<16x1024xf32, #tpu.memory_space<vmem>>
      tpu.enqueue_dma source(%dma_start3A_290 : memref<16x1024xf32, #tpu.memory_space<vmem>>) target(%dma_start3A_287 : memref<16x1024xf32, #tpu.memory_space<hbm>>) target_semaphore(%arg29 : memref<!tpu.dma_semaphore, #tpu.memory_space<semaphore_mem>>)
      %mul3A_291 = arith.constant 2 : i32
      %mul3A_292 = arith.muli %mul3A_291, %scan3A_213 : i32
      %add3A_293 = arith.constant 1 : i32
      %add3A_294 = arith.addi %mul3A_292, %add3A_293 : i32
      %gt3A_295 = arith.constant 0 : i32
      %gt3A_296 = arith.cmpi sgt, %scan3A_213, %gt3A_295 : i32
      %convert_element_type3A_297 = arith.extui %gt3A_296 : i1 to i32
      %cond3A_298 = arith.constant 0 : i32
      %cond3A_299 = arith.cmpi ne, %convert_element_type3A_297, %cond3A_298 : i32
      scf.if %cond3A_299 {
        %dma_wait3A_369 = arith.constant 0 : i32
        %dma_wait3A_370 = arith.constant 0 : i32
        %dma_wait3A_371 = tpu.memref_slice %arg24[%dma_wait3A_369, %dma_wait3A_370] : memref<16x1024xf32, #tpu.memory_space<vmem>> -> memref<16x1024xf32, #tpu.memory_space<vmem>>
        %dma_wait3A_372 = arith.constant 0 : i32
        %dma_wait3A_373 = arith.constant 0 : i32
        %dma_wait3A_374 = tpu.memref_slice %arg18[%dma_wait3A_372, %dma_wait3A_373] : memref<16x1000000xf32, #tpu.memory_space<hbm>> -> memref<16x1024xf32, #tpu.memory_space<hbm>>
        %dma_wait3A_375 = arith.constant 0 : i32
        %dma_wait3A_376 = arith.constant 0 : i32
        %dma_wait3A_377 = tpu.memref_slice %arg18[%dma_wait3A_375, %dma_wait3A_376] : memref<16x1000000xf32, #tpu.memory_space<hbm>> -> memref<16x1024xf32, #tpu.memory_space<hbm>>
        %dma_wait3A_378 = arith.constant 0 : i32
        %dma_wait3A_379 = arith.constant 0 : i32
        %dma_wait3A_380 = tpu.memref_slice %arg24[%dma_wait3A_378, %dma_wait3A_379] : memref<16x1024xf32, #tpu.memory_space<vmem>> -> memref<16x1024xf32, #tpu.memory_space<vmem>>
        tpu.wait_dma2 semaphore(%arg30 : memref<!tpu.dma_semaphore, #tpu.memory_space<semaphore_mem>>) src(%dma_wait3A_380 : memref<16x1024xf32, #tpu.memory_space<vmem>>) dst(%dma_wait3A_377 : memref<16x1024xf32, #tpu.memory_space<hbm>>)
        %le3A_381 = arith.constant 64 : i32
        %le3A_382 = arith.cmpi sle, %scan3A_215, %le3A_381 : i32
        %convert_element_type3A_383 = arith.extui %le3A_382 : i1 to i32
        %cond3A_384 = arith.constant 0 : i32
        %cond3A_385 = arith.constant 0 : i32
        %cond3A_386 = arith.cmpi ne, %convert_element_type3A_383, %cond3A_385 : i32
        %cond3A_387 = scf.if %cond3A_386 -> (i32) {
          %while3A_388 = arith.constant 0 : i32
          %while3A_389 = arith.constant 0 : i32
          %while3A_390 = arith.subi %scan3A_215, %while3A_388 : i32
          %while3A_391 = arith.addi %while3A_388, %while3A_390 : i32
          %while3A_392 = arith.constant 1 : i32
          %while3A_393 = arith.divsi %while3A_390, %while3A_392 : i32
          %while3A_394 = arith.muli %while3A_393, %while3A_392 : i32
          %while3A_395 = arith.addi %while3A_388, %while3A_394 : i32
          %while3A_396 = arith.constant 1 : i32
          %while3A_397 = scf.for %while3A_401 = %while3A_388 to %while3A_395 step %while3A_396 iter_args(%while3A_402 = %while3A_389) -> (i32)  : i32 {
            %add3A_403 = arith.constant 64 : i32
            %add3A_404 = arith.addi %add3A_403, %while3A_401 : i32
            %get3A = arith.index_cast %add3A_404 : i32 to index
            %get3A_405 = tpu.vector_load %arg27[%get3A] {strides = array<i32>} : memref<144xi32, #tpu.memory_space<vmem>>, vector<16xi32>,
            %slice3A = vector.extract_strided_slice %get3A_405 {offsets = [0], sizes = [1], strides = [1]} : vector<16xi32> to vector<1xi32>
            %squeeze3A = vector.extract %slice3A[0] : i32 from vector<1xi32>
            %broadcast_in_dim3A_406 = vector.broadcast %squeeze3A : i32 to vector<16xi32>
            tpu.vector_store_idx %arg24[%iota3A, %broadcast_in_dim3A_406], %broadcast_in_dim3A_22 : memref<16x1024xf32, #tpu.memory_space<vmem>>[vector<16xi32>, vector<16xi32>], vector<16xf32>,
            %while3A_407 = arith.constant 0 : i32
            scf.yield %while3A_407 : i32
          }
          %while3A_398 = arith.constant 1 : i32
          %while3A_399 = scf.for %while3A_401 = %while3A_395 to %while3A_391 step %while3A_398 iter_args(%while3A_402 = %while3A_397) -> (i32)  : i32 {
            %add3A_403 = arith.constant 64 : i32
            %add3A_404 = arith.addi %add3A_403, %while3A_401 : i32
            %get3A = arith.index_cast %add3A_404 : i32 to index
            %get3A_405 = tpu.vector_load %arg27[%get3A] {strides = array<i32>} : memref<144xi32, #tpu.memory_space<vmem>>, vector<16xi32>,
            %slice3A = vector.extract_strided_slice %get3A_405 {offsets = [0], sizes = [1], strides = [1]} : vector<16xi32> to vector<1xi32>
            %squeeze3A = vector.extract %slice3A[0] : i32 from vector<1xi32>
            %broadcast_in_dim3A_406 = vector.broadcast %squeeze3A : i32 to vector<16xi32>
            tpu.vector_store_idx %arg24[%iota3A, %broadcast_in_dim3A_406], %broadcast_in_dim3A_22 : memref<16x1024xf32, #tpu.memory_space<vmem>>[vector<16xi32>, vector<16xi32>], vector<16xf32>,
            %while3A_407 = arith.constant 0 : i32
            scf.yield %while3A_407 : i32
          }
          %cond3A_400 = arith.constant 0 : i32
          scf.yield %cond3A_400 : i32
        } else {
          %scan3A_388 = arith.constant 0 : i32
          %scan3A_389 = arith.constant 0 : i32
          %scan3A_390 = arith.constant 64 : i32
          %scan3A_391 = arith.addi %scan3A_389, %scan3A_390 : i32
          %scan3A_392 = arith.constant 1 : i32
          %scan3A_393 = scf.for %scan3A_396 = %scan3A_389 to %scan3A_391 step %scan3A_392 iter_args(%scan3A_397 = %scan3A_388) -> (i32)  : i32 {
            %mul3A_398 = arith.constant 16 : i32
            %mul3A_399 = arith.muli %scan3A_396, %mul3A_398 : i32
            %swap3A = arith.constant 0 : i32
            %swap3A_400 = arith.index_cast %swap3A : i32 to index
            %swap3A_401 = arith.index_cast %mul3A_399 : i32 to index
            %swap3A_402 = tpu.vector_load %arg24[%swap3A_400, %swap3A_401] {strides = array<i32>} : memref<16x1024xf32, #tpu.memory_space<vmem>>, vector<16xf32>,
            tpu.vector_store %arg24[%swap3A_400, %swap3A_401], %broadcast_in_dim3A_22 {strides = array<i32>} : memref<16x1024xf32, #tpu.memory_space<vmem>>, vector<16xf32>,
            %mul3A_403 = arith.constant 16 : i32
            %mul3A_404 = arith.muli %scan3A_396, %mul3A_403 : i32
            %swap3A_405 = arith.constant 1 : i32
            %swap3A_406 = arith.index_cast %swap3A_405 : i32 to index
            %swap3A_407 = arith.index_cast %mul3A_404 : i32 to index
            %swap3A_408 = tpu.vector_load %arg24[%swap3A_406, %swap3A_407] {strides = array<i32>} : memref<16x1024xf32, #tpu.memory_space<vmem>>, vector<16xf32>,
            tpu.vector_store %arg24[%swap3A_406, %swap3A_407], %broadcast_in_dim3A_22 {strides = array<i32>} : memref<16x1024xf32, #tpu.memory_space<vmem>>, vector<16xf32>,
            %mul3A_409 = arith.constant 16 : i32
            %mul3A_410 = arith.muli %scan3A_396, %mul3A_409 : i32
            %swap3A_411 = arith.constant 2 : i32
            %swap3A_412 = arith.index_cast %swap3A_411 : i32 to index
            %swap3A_413 = arith.index_cast %mul3A_410 : i32 to index
            %swap3A_414 = tpu.vector_load %arg24[%swap3A_412, %swap3A_413] {strides = array<i32>} : memref<16x1024xf32, #tpu.memory_space<vmem>>, vector<16xf32>,
            tpu.vector_store %arg24[%swap3A_412, %swap3A_413], %broadcast_in_dim3A_22 {strides = array<i32>} : memref<16x1024xf32, #tpu.memory_space<vmem>>, vector<16xf32>,
            %mul3A_415 = arith.constant 16 : i32
            %mul3A_416 = arith.muli %scan3A_396, %mul3A_415 : i32
            %swap3A_417 = arith.constant 3 : i32
            %swap3A_418 = arith.index_cast %swap3A_417 : i32 to index
            %swap3A_419 = arith.index_cast %mul3A_416 : i32 to index
            %swap3A_420 = tpu.vector_load %arg24[%swap3A_418, %swap3A_419] {strides = array<i32>} : memref<16x1024xf32, #tpu.memory_space<vmem>>, vector<16xf32>,
            tpu.vector_store %arg24[%swap3A_418, %swap3A_419], %broadcast_in_dim3A_22 {strides = array<i32>} : memref<16x1024xf32, #tpu.memory_space<vmem>>, vector<16xf32>,
            %mul3A_421 = arith.constant 16 : i32
            %mul3A_422 = arith.muli %scan3A_396, %mul3A_421 : i32
            %swap3A_423 = arith.constant 4 : i32
            %swap3A_424 = arith.index_cast %swap3A_423 : i32 to index
            %swap3A_425 = arith.index_cast %mul3A_422 : i32 to index
            %swap3A_426 = tpu.vector_load %arg24[%swap3A_424, %swap3A_425] {strides = array<i32>} : memref<16x1024xf32, #tpu.memory_space<vmem>>, vector<16xf32>,
            tpu.vector_store %arg24[%swap3A_424, %swap3A_425], %broadcast_in_dim3A_22 {strides = array<i32>} : memref<16x1024xf32, #tpu.memory_space<vmem>>, vector<16xf32>,
            %mul3A_427 = arith.constant 16 : i32
            %mul3A_428 = arith.muli %scan3A_396, %mul3A_427 : i32
            %swap3A_429 = arith.constant 5 : i32
            %swap3A_430 = arith.index_cast %swap3A_429 : i32 to index
            %swap3A_431 = arith.index_cast %mul3A_428 : i32 to index
            %swap3A_432 = tpu.vector_load %arg24[%swap3A_430, %swap3A_431] {strides = array<i32>} : memref<16x1024xf32, #tpu.memory_space<vmem>>, vector<16xf32>,
            tpu.vector_store %arg24[%swap3A_430, %swap3A_431], %broadcast_in_dim3A_22 {strides = array<i32>} : memref<16x1024xf32, #tpu.memory_space<vmem>>, vector<16xf32>,
            %mul3A_433 = arith.constant 16 : i32
            %mul3A_434 = arith.muli %scan3A_396, %mul3A_433 : i32
            %swap3A_435 = arith.constant 6 : i32
            %swap3A_436 = arith.index_cast %swap3A_435 : i32 to index
            %swap3A_437 = arith.index_cast %mul3A_434 : i32 to index
            %swap3A_438 = tpu.vector_load %arg24[%swap3A_436, %swap3A_437] {strides = array<i32>} : memref<16x1024xf32, #tpu.memory_space<vmem>>, vector<16xf32>,
            tpu.vector_store %arg24[%swap3A_436, %swap3A_437], %broadcast_in_dim3A_22 {strides = array<i32>} : memref<16x1024xf32, #tpu.memory_space<vmem>>, vector<16xf32>,
            %mul3A_439 = arith.constant 16 : i32
            %mul3A_440 = arith.muli %scan3A_396, %mul3A_439 : i32
            %swap3A_441 = arith.constant 7 : i32
            %swap3A_442 = arith.index_cast %swap3A_441 : i32 to index
            %swap3A_443 = arith.index_cast %mul3A_440 : i32 to index
            %swap3A_444 = tpu.vector_load %arg24[%swap3A_442, %swap3A_443] {strides = array<i32>} : memref<16x1024xf32, #tpu.memory_space<vmem>>, vector<16xf32>,
            tpu.vector_store %arg24[%swap3A_442, %swap3A_443], %broadcast_in_dim3A_22 {strides = array<i32>} : memref<16x1024xf32, #tpu.memory_space<vmem>>, vector<16xf32>,
            %mul3A_445 = arith.constant 16 : i32
            %mul3A_446 = arith.muli %scan3A_396, %mul3A_445 : i32
            %swap3A_447 = arith.constant 8 : i32
            %swap3A_448 = arith.index_cast %swap3A_447 : i32 to index
            %swap3A_449 = arith.index_cast %mul3A_446 : i32 to index
            %swap3A_450 = tpu.vector_load %arg24[%swap3A_448, %swap3A_449] {strides = array<i32>} : memref<16x1024xf32, #tpu.memory_space<vmem>>, vector<16xf32>,
            tpu.vector_store %arg24[%swap3A_448, %swap3A_449], %broadcast_in_dim3A_22 {strides = array<i32>} : memref<16x1024xf32, #tpu.memory_space<vmem>>, vector<16xf32>,
            %mul3A_451 = arith.constant 16 : i32
            %mul3A_452 = arith.muli %scan3A_396, %mul3A_451 : i32
            %swap3A_453 = arith.constant 9 : i32
            %swap3A_454 = arith.index_cast %swap3A_453 : i32 to index
            %swap3A_455 = arith.index_cast %mul3A_452 : i32 to index
            %swap3A_456 = tpu.vector_load %arg24[%swap3A_454, %swap3A_455] {strides = array<i32>} : memref<16x1024xf32, #tpu.memory_space<vmem>>, vector<16xf32>,
            tpu.vector_store %arg24[%swap3A_454, %swap3A_455], %broadcast_in_dim3A_22 {strides = array<i32>} : memref<16x1024xf32, #tpu.memory_space<vmem>>, vector<16xf32>,
            %mul3A_457 = arith.constant 16 : i32
            %mul3A_458 = arith.muli %scan3A_396, %mul3A_457 : i32
            %swap3A_459 = arith.constant 10 : i32
            %swap3A_460 = arith.index_cast %swap3A_459 : i32 to index
            %swap3A_461 = arith.index_cast %mul3A_458 : i32 to index
            %swap3A_462 = tpu.vector_load %arg24[%swap3A_460, %swap3A_461] {strides = array<i32>} : memref<16x1024xf32, #tpu.memory_space<vmem>>, vector<16xf32>,
            tpu.vector_store %arg24[%swap3A_460, %swap3A_461], %broadcast_in_dim3A_22 {strides = array<i32>} : memref<16x1024xf32, #tpu.memory_space<vmem>>, vector<16xf32>,
            %mul3A_463 = arith.constant 16 : i32
            %mul3A_464 = arith.muli %scan3A_396, %mul3A_463 : i32
            %swap3A_465 = arith.constant 11 : i32
            %swap3A_466 = arith.index_cast %swap3A_465 : i32 to index
            %swap3A_467 = arith.index_cast %mul3A_464 : i32 to index
            %swap3A_468 = tpu.vector_load %arg24[%swap3A_466, %swap3A_467] {strides = array<i32>} : memref<16x1024xf32, #tpu.memory_space<vmem>>, vector<16xf32>,
            tpu.vector_store %arg24[%swap3A_466, %swap3A_467], %broadcast_in_dim3A_22 {strides = array<i32>} : memref<16x1024xf32, #tpu.memory_space<vmem>>, vector<16xf32>,
            %mul3A_469 = arith.constant 16 : i32
            %mul3A_470 = arith.muli %scan3A_396, %mul3A_469 : i32
            %swap3A_471 = arith.constant 12 : i32
            %swap3A_472 = arith.index_cast %swap3A_471 : i32 to index
            %swap3A_473 = arith.index_cast %mul3A_470 : i32 to index
            %swap3A_474 = tpu.vector_load %arg24[%swap3A_472, %swap3A_473] {strides = array<i32>} : memref<16x1024xf32, #tpu.memory_space<vmem>>, vector<16xf32>,
            tpu.vector_store %arg24[%swap3A_472, %swap3A_473], %broadcast_in_dim3A_22 {strides = array<i32>} : memref<16x1024xf32, #tpu.memory_space<vmem>>, vector<16xf32>,
            %mul3A_475 = arith.constant 16 : i32
            %mul3A_476 = arith.muli %scan3A_396, %mul3A_475 : i32
            %swap3A_477 = arith.constant 13 : i32
            %swap3A_478 = arith.index_cast %swap3A_477 : i32 to index
            %swap3A_479 = arith.index_cast %mul3A_476 : i32 to index
            %swap3A_480 = tpu.vector_load %arg24[%swap3A_478, %swap3A_479] {strides = array<i32>} : memref<16x1024xf32, #tpu.memory_space<vmem>>, vector<16xf32>,
            tpu.vector_store %arg24[%swap3A_478, %swap3A_479], %broadcast_in_dim3A_22 {strides = array<i32>} : memref<16x1024xf32, #tpu.memory_space<vmem>>, vector<16xf32>,
            %mul3A_481 = arith.constant 16 : i32
            %mul3A_482 = arith.muli %scan3A_396, %mul3A_481 : i32
            %swap3A_483 = arith.constant 14 : i32
            %swap3A_484 = arith.index_cast %swap3A_483 : i32 to index
            %swap3A_485 = arith.index_cast %mul3A_482 : i32 to index
            %swap3A_486 = tpu.vector_load %arg24[%swap3A_484, %swap3A_485] {strides = array<i32>} : memref<16x1024xf32, #tpu.memory_space<vmem>>, vector<16xf32>,
            tpu.vector_store %arg24[%swap3A_484, %swap3A_485], %broadcast_in_dim3A_22 {strides = array<i32>} : memref<16x1024xf32, #tpu.memory_space<vmem>>, vector<16xf32>,
            %mul3A_487 = arith.constant 16 : i32
            %mul3A_488 = arith.muli %scan3A_396, %mul3A_487 : i32
            %swap3A_489 = arith.constant 15 : i32
            %swap3A_490 = arith.index_cast %swap3A_489 : i32 to index
            %swap3A_491 = arith.index_cast %mul3A_488 : i32 to index
            %swap3A_492 = tpu.vector_load %arg24[%swap3A_490, %swap3A_491] {strides = array<i32>} : memref<16x1024xf32, #tpu.memory_space<vmem>>, vector<16xf32>,
            tpu.vector_store %arg24[%swap3A_490, %swap3A_491], %broadcast_in_dim3A_22 {strides = array<i32>} : memref<16x1024xf32, #tpu.memory_space<vmem>>, vector<16xf32>,
            %scan3A_493 = arith.constant 0 : i32
            scf.yield %scan3A_493 : i32
          }
          %scan3A_394 = arith.constant 64 : i32
          %cond3A_395 = arith.constant 0 : i32
          scf.yield %cond3A_395 : i32
        }
      } else {
      }
      %mul3A_300 = arith.constant 1024 : i32
      %mul3A_301 = arith.muli %add3A_294, %mul3A_300 : i32
      %add3A_302 = arith.addi %multiple_of3A, %mul3A_301 : i32
      %add3A_303 = arith.constant 16 : i32
      %add3A_304 = arith.addi %scan3A_41, %add3A_303 : i32
      %sub3A_305 = arith.constant 1 : i32
      %sub3A_306 = arith.subi %add3A_304, %sub3A_305 : i32
      %jit3A_307 = arith.constant 16 : i32
      %div3A_308 = arith.divsi %sub3A_306, %jit3A_307 : i32
      %sign3A_309 = arith.constant 0 : i32
      %sign3A_310 = arith.cmpi sgt, %sub3A_306, %sign3A_309 : i32
      %sign3A_311 = arith.extui %sign3A_310 : i1 to i32
      %sign3A_312 = arith.constant 0 : i32
      %sign3A_313 = arith.cmpi slt, %sub3A_306, %sign3A_312 : i32
      %sign3A_314 = arith.extui %sign3A_313 : i1 to i32
      %sign3A_315 = arith.subi %sign3A_311, %sign3A_314 : i32
      %sign3A_316 = arith.constant 0 : i32
      %sign3A_317 = arith.cmpi sgt, %jit3A_307, %sign3A_316 : i32
      %sign3A_318 = arith.extui %sign3A_317 : i1 to i32
      %sign3A_319 = arith.constant 0 : i32
      %sign3A_320 = arith.cmpi slt, %jit3A_307, %sign3A_319 : i32
      %sign3A_321 = arith.extui %sign3A_320 : i1 to i32
      %sign3A_322 = arith.subi %sign3A_318, %sign3A_321 : i32
      %ne3A_323 = arith.cmpi ne, %sign3A_315, %sign3A_322 : i32
      %rem3A_324 = arith.remsi %sub3A_306, %jit3A_307 : i32
      %ne3A_325 = arith.constant 0 : i32
      %ne3A_326 = arith.cmpi ne, %rem3A_324, %ne3A_325 : i32
      %and3A_327 = arith.andi %ne3A_323, %ne3A_326 : i1
      %sub3A_328 = arith.constant 1 : i32
      %sub3A_329 = arith.subi %div3A_308, %sub3A_328 : i32
      %select_n3A_330 = arith.select %and3A_327, %sub3A_329, %div3A_308 : i32
      %while3A_331 = arith.constant 0 : i32
      %while3A_332 = arith.constant 0 : i32
      %while3A_333 = arith.subi %select_n3A_330, %while3A_331 : i32
      %while3A_334 = arith.addi %while3A_331, %while3A_333 : i32
      %while3A_335 = arith.constant 1 : i32
      %while3A_336 = arith.divsi %while3A_333, %while3A_335 : i32
      %while3A_337 = arith.muli %while3A_336, %while3A_335 : i32
      %while3A_338 = arith.addi %while3A_331, %while3A_337 : i32
      %while3A_339 = arith.constant 1 : i32
      %while3A_340 = scf.for %while3A_369 = %while3A_331 to %while3A_338 step %while3A_339 iter_args(%while3A_370 = %while3A_332) -> (i32)  : i32 {
        %mul3A_371 = arith.constant 16 : i32
        %mul3A_372 = arith.muli %while3A_369, %mul3A_371 : i32
        %get3A = arith.index_cast %mul3A_372 : i32 to index
        %get3A_373 = tpu.vector_load %arg21[%get3A] {strides = array<i32>} : memref<1040xi32, #tpu.memory_space<vmem>>, vector<16xi32>,
        %ge3A = vector.broadcast %add3A_302 : i32 to vector<16xi32>
        %ge3A_374 = arith.cmpi sge, %get3A_373, %ge3A : vector<16xi32>
        %add3A_375 = arith.constant 1024 : i32
        %add3A_376 = arith.addi %add3A_302, %add3A_375 : i32
        %lt3A_377 = vector.broadcast %add3A_376 : i32 to vector<16xi32>
        %lt3A_378 = arith.cmpi slt, %get3A_373, %lt3A_377 : vector<16xi32>
        %and3A_379 = arith.andi %ge3A_374, %lt3A_378 : vector<16xi1>
        %all_reduce_population_count3A = tpu.all_reduce %and3A_379 {dim = 0 : i64, kind = #tpu.reduction_kind<sum>} : vector<16xi1> -> vector<16xi32>
        %slice3A = vector.extract_strided_slice %all_reduce_population_count3A {offsets = [0], sizes = [1], strides = [1]} : vector<16xi32> to vector<1xi32>
        %squeeze3A = vector.extract %slice3A[0] : i32 from vector<1xi32>
        %mul3A_380 = arith.constant 16 : i32
        %mul3A_381 = arith.muli %while3A_369, %mul3A_380 : i32
        %add3A_382 = vector.broadcast %mul3A_381 : i32 to vector<16xi32>
        %add3A_383 = arith.addi %iota3A, %add3A_382 : vector<16xi32>
        %swap3A = arith.index_cast %while3A_370 : i32 to index
        %swap3A_384 = tpu.vector_load %arg25[%swap3A] masked %and3A_379 {strides = array<i32>} : memref<1040xi32, #tpu.memory_space<vmem>>, vector<16xi32>, vector<16xi1>
        tpu.vector_store %arg25[%swap3A], %add3A_383 masked %and3A_379 {strides = array<i32>} : memref<1040xi32, #tpu.memory_space<vmem>>, vector<16xi32>, vector<16xi1>
        %swap3A_385 = arith.index_cast %while3A_370 : i32 to index
        %swap3A_386 = tpu.vector_load %arg26[%swap3A_385] masked %and3A_379 {strides = array<i32>} : memref<1040xi32, #tpu.memory_space<vmem>>, vector<16xi32>, vector<16xi1>
        tpu.vector_store %arg26[%swap3A_385], %get3A_373 masked %and3A_379 {strides = array<i32>} : memref<1040xi32, #tpu.memory_space<vmem>>, vector<16xi32>, vector<16xi1>
        %add3A_387 = arith.addi %while3A_370, %squeeze3A : i32
        scf.yield %add3A_387 : i32
      }
      %while3A_341 = arith.constant 1 : i32
      %while3A_342 = scf.for %while3A_369 = %while3A_338 to %while3A_334 step %while3A_341 iter_args(%while3A_370 = %while3A_340) -> (i32)  : i32 {
        %mul3A_371 = arith.constant 16 : i32
        %mul3A_372 = arith.muli %while3A_369, %mul3A_371 : i32
        %get3A = arith.index_cast %mul3A_372 : i32 to index
        %get3A_373 = tpu.vector_load %arg21[%get3A] {strides = array<i32>} : memref<1040xi32, #tpu.memory_space<vmem>>, vector<16xi32>,
        %ge3A = vector.broadcast %add3A_302 : i32 to vector<16xi32>
        %ge3A_374 = arith.cmpi sge, %get3A_373, %ge3A : vector<16xi32>
        %add3A_375 = arith.constant 1024 : i32
        %add3A_376 = arith.addi %add3A_302, %add3A_375 : i32
        %lt3A_377 = vector.broadcast %add3A_376 : i32 to vector<16xi32>
        %lt3A_378 = arith.cmpi slt, %get3A_373, %lt3A_377 : vector<16xi32>
        %and3A_379 = arith.andi %ge3A_374, %lt3A_378 : vector<16xi1>
        %all_reduce_population_count3A = tpu.all_reduce %and3A_379 {dim = 0 : i64, kind = #tpu.reduction_kind<sum>} : vector<16xi1> -> vector<16xi32>
        %slice3A = vector.extract_strided_slice %all_reduce_population_count3A {offsets = [0], sizes = [1], strides = [1]} : vector<16xi32> to vector<1xi32>
        %squeeze3A = vector.extract %slice3A[0] : i32 from vector<1xi32>
        %mul3A_380 = arith.constant 16 : i32
        %mul3A_381 = arith.muli %while3A_369, %mul3A_380 : i32
        %add3A_382 = vector.broadcast %mul3A_381 : i32 to vector<16xi32>
        %add3A_383 = arith.addi %iota3A, %add3A_382 : vector<16xi32>
        %swap3A = arith.index_cast %while3A_370 : i32 to index
        %swap3A_384 = tpu.vector_load %arg25[%swap3A] masked %and3A_379 {strides = array<i32>} : memref<1040xi32, #tpu.memory_space<vmem>>, vector<16xi32>, vector<16xi1>
        tpu.vector_store %arg25[%swap3A], %add3A_383 masked %and3A_379 {strides = array<i32>} : memref<1040xi32, #tpu.memory_space<vmem>>, vector<16xi32>, vector<16xi1>
        %swap3A_385 = arith.index_cast %while3A_370 : i32 to index
        %swap3A_386 = tpu.vector_load %arg26[%swap3A_385] masked %and3A_379 {strides = array<i32>} : memref<1040xi32, #tpu.memory_space<vmem>>, vector<16xi32>, vector<16xi1>
        tpu.vector_store %arg26[%swap3A_385], %get3A_373 masked %and3A_379 {strides = array<i32>} : memref<1040xi32, #tpu.memory_space<vmem>>, vector<16xi32>, vector<16xi1>
        %add3A_387 = arith.addi %while3A_370, %squeeze3A : i32
        scf.yield %add3A_387 : i32
      }
      %while3A_343 = arith.constant 0 : i32
      %while3A_344 = arith.constant 0 : i32
      %while3A_345 = arith.subi %while3A_342, %while3A_343 : i32
      %while3A_346 = arith.addi %while3A_343, %while3A_345 : i32
      %while3A_347 = arith.constant 1 : i32
      %while3A_348 = arith.divsi %while3A_345, %while3A_347 : i32
      %while3A_349 = arith.muli %while3A_348, %while3A_347 : i32
      %while3A_350 = arith.addi %while3A_343, %while3A_349 : i32
      %while3A_351 = arith.constant 1 : i32
      %while3A_352 = scf.for %while3A_369 = %while3A_343 to %while3A_350 step %while3A_351 iter_args(%while3A_370 = %while3A_344) -> (i32)  : i32 {
        %get3A = arith.index_cast %while3A_369 : i32 to index
        %get3A_371 = tpu.vector_load %arg25[%get3A] {strides = array<i32>} : memref<1040xi32, #tpu.memory_space<vmem>>, vector<16xi32>,
        %slice3A = vector.extract_strided_slice %get3A_371 {offsets = [0], sizes = [1], strides = [1]} : vector<16xi32> to vector<1xi32>
        %squeeze3A = vector.extract %slice3A[0] : i32 from vector<1xi32>
        %get3A_372 = arith.index_cast %while3A_369 : i32 to index
        %get3A_373 = tpu.vector_load %arg26[%get3A_372] {strides = array<i32>} : memref<1040xi32, #tpu.memory_space<vmem>>, vector<16xi32>,
        %slice3A_374 = vector.extract_strided_slice %get3A_373 {offsets = [0], sizes = [1], strides = [1]} : vector<16xi32> to vector<1xi32>
        %squeeze3A_375 = vector.extract %slice3A_374[0] : i32 from vector<1xi32>
        %sub3A_376 = arith.subi %squeeze3A_375, %add3A_302 : i32
        %mul3A_377 = arith.constant 1040 : i32
        %mul3A_378 = vector.broadcast %mul3A_377 : i32 to vector<16xi32>
        %mul3A_379 = arith.muli %iota3A, %mul3A_378 : vector<16xi32>
        %broadcast_in_dim3A_380 = vector.broadcast %squeeze3A : i32 to vector<16xi32>
        %add3A_381 = arith.addi %mul3A_379, %broadcast_in_dim3A_380 : vector<16xi32>
        %gather3A = tpu.vector_load_idx %arg22[%add3A_381] : memref<16640xf32, #tpu.memory_space<vmem>>[vector<16xi32>], vector<16xf32>,
        %broadcast_in_dim3A_382 = vector.broadcast %sub3A_376 : i32 to vector<16xi32>
        tpu.vector_store_idx %arg24[%iota3A, %broadcast_in_dim3A_382], %gather3A : memref<16x1024xf32, #tpu.memory_space<vmem>>[vector<16xi32>, vector<16xi32>], vector<16xf32>,
        %min3A_383 = arith.constant 63 : i32
        %min3A_384 = arith.minsi %while3A_370, %min3A_383 : i32
        %add3A_385 = arith.constant 64 : i32
        %add3A_386 = arith.addi %add3A_385, %min3A_384 : i32
        %broadcast_in_dim3A_387 = vector.broadcast %add3A_386 : i32 to vector<16xi32>
        %broadcast_in_dim3A_388 = vector.broadcast %sub3A_376 : i32 to vector<16xi32>
        tpu.vector_store_idx %arg27[%broadcast_in_dim3A_387], %broadcast_in_dim3A_388 masked %eq3A_21 : memref<144xi32, #tpu.memory_space<vmem>>[vector<16xi32>], vector<16xi32>, vector<16xi1>
        %add3A_389 = arith.constant 1 : i32
        %add3A_390 = arith.addi %while3A_370, %add3A_389 : i32
        scf.yield %add3A_390 : i32
      }
      %while3A_353 = arith.constant 1 : i32
      %while3A_354 = scf.for %while3A_369 = %while3A_350 to %while3A_346 step %while3A_353 iter_args(%while3A_370 = %while3A_352) -> (i32)  : i32 {
        %get3A = arith.index_cast %while3A_369 : i32 to index
        %get3A_371 = tpu.vector_load %arg25[%get3A] {strides = array<i32>} : memref<1040xi32, #tpu.memory_space<vmem>>, vector<16xi32>,
        %slice3A = vector.extract_strided_slice %get3A_371 {offsets = [0], sizes = [1], strides = [1]} : vector<16xi32> to vector<1xi32>
        %squeeze3A = vector.extract %slice3A[0] : i32 from vector<1xi32>
        %get3A_372 = arith.index_cast %while3A_369 : i32 to index
        %get3A_373 = tpu.vector_load %arg26[%get3A_372] {strides = array<i32>} : memref<1040xi32, #tpu.memory_space<vmem>>, vector<16xi32>,
        %slice3A_374 = vector.extract_strided_slice %get3A_373 {offsets = [0], sizes = [1], strides = [1]} : vector<16xi32> to vector<1xi32>
        %squeeze3A_375 = vector.extract %slice3A_374[0] : i32 from vector<1xi32>
        %sub3A_376 = arith.subi %squeeze3A_375, %add3A_302 : i32
        %mul3A_377 = arith.constant 1040 : i32
        %mul3A_378 = vector.broadcast %mul3A_377 : i32 to vector<16xi32>
        %mul3A_379 = arith.muli %iota3A, %mul3A_378 : vector<16xi32>
        %broadcast_in_dim3A_380 = vector.broadcast %squeeze3A : i32 to vector<16xi32>
        %add3A_381 = arith.addi %mul3A_379, %broadcast_in_dim3A_380 : vector<16xi32>
        %gather3A = tpu.vector_load_idx %arg22[%add3A_381] : memref<16640xf32, #tpu.memory_space<vmem>>[vector<16xi32>], vector<16xf32>,
        %broadcast_in_dim3A_382 = vector.broadcast %sub3A_376 : i32 to vector<16xi32>
        tpu.vector_store_idx %arg24[%iota3A, %broadcast_in_dim3A_382], %gather3A : memref<16x1024xf32, #tpu.memory_space<vmem>>[vector<16xi32>, vector<16xi32>], vector<16xf32>,
        %min3A_383 = arith.constant 63 : i32
        %min3A_384 = arith.minsi %while3A_370, %min3A_383 : i32
        %add3A_385 = arith.constant 64 : i32
        %add3A_386 = arith.addi %add3A_385, %min3A_384 : i32
        %broadcast_in_dim3A_387 = vector.broadcast %add3A_386 : i32 to vector<16xi32>
        %broadcast_in_dim3A_388 = vector.broadcast %sub3A_376 : i32 to vector<16xi32>
        tpu.vector_store_idx %arg27[%broadcast_in_dim3A_387], %broadcast_in_dim3A_388 masked %eq3A_21 : memref<144xi32, #tpu.memory_space<vmem>>[vector<16xi32>], vector<16xi32>, vector<16xi1>
        %add3A_389 = arith.constant 1 : i32
        %add3A_390 = arith.addi %while3A_370, %add3A_389 : i32
        scf.yield %add3A_390 : i32
      }
      %mul3A_355 = arith.constant 1024 : i32
      %mul3A_356 = arith.muli %add3A_294, %mul3A_355 : i32
      %add3A_357 = arith.addi %multiple_of3A, %mul3A_356 : i32
      %multiple_of3A_358 = tpu.assume_multiple %add3A_357, 128 : i32
      %dma_start3A_359 = arith.constant 0 : i32
      %dma_start3A_360 = arith.constant 0 : i32
      %dma_start3A_361 = tpu.memref_slice %arg24[%dma_start3A_359, %dma_start3A_360] : memref<16x1024xf32, #tpu.memory_space<vmem>> -> memref<16x1024xf32, #tpu.memory_space<vmem>>
      %dma_start3A_362 = arith.constant 0 : i32
      %dma_start3A_363 = tpu.memref_slice %arg18[%dma_start3A_362, %multiple_of3A_358] : memref<16x1000000xf32, #tpu.memory_space<hbm>> -> memref<16x1024xf32, #tpu.memory_space<hbm>>
      %dma_start3A_364 = arith.constant 0 : i32
      %dma_start3A_365 = tpu.memref_slice %arg18[%dma_start3A_364, %multiple_of3A_358] : memref<16x1000000xf32, #tpu.memory_space<hbm>> -> memref<16x1024xf32, #tpu.memory_space<hbm>>
      %dma_start3A_366 = arith.constant 0 : i32
      %dma_start3A_367 = arith.constant 0 : i32
      %dma_start3A_368 = tpu.memref_slice %arg24[%dma_start3A_366, %dma_start3A_367] : memref<16x1024xf32, #tpu.memory_space<vmem>> -> memref<16x1024xf32, #tpu.memory_space<vmem>>
      tpu.enqueue_dma source(%dma_start3A_368 : memref<16x1024xf32, #tpu.memory_space<vmem>>) target(%dma_start3A_365 : memref<16x1024xf32, #tpu.memory_space<hbm>>) target_semaphore(%arg30 : memref<!tpu.dma_semaphore, #tpu.memory_space<semaphore_mem>>)
      scf.yield %while3A_277, %while3A_354 : i32, i32
    }
    %scan3A_122 = arith.constant 15 : i32
    "tpu.trace_stop"() : () -> ()
    %dma_wait3A = arith.constant 0 : i32
    %dma_wait3A_123 = arith.constant 0 : i32
    %dma_wait3A_124 = tpu.memref_slice %arg23[%dma_wait3A, %dma_wait3A_123] : memref<16x1024xf32, #tpu.memory_space<vmem>> -> memref<16x1024xf32, #tpu.memory_space<vmem>>
    %dma_wait3A_125 = arith.constant 0 : i32
    %dma_wait3A_126 = arith.constant 0 : i32
    %dma_wait3A_127 = tpu.memref_slice %arg18[%dma_wait3A_125, %dma_wait3A_126] : memref<16x1000000xf32, #tpu.memory_space<hbm>> -> memref<16x1024xf32, #tpu.memory_space<hbm>>
    %dma_wait3A_128 = arith.constant 0 : i32
    %dma_wait3A_129 = arith.constant 0 : i32
    %dma_wait3A_130 = tpu.memref_slice %arg18[%dma_wait3A_128, %dma_wait3A_129] : memref<16x1000000xf32, #tpu.memory_space<hbm>> -> memref<16x1024xf32, #tpu.memory_space<hbm>>
    %dma_wait3A_131 = arith.constant 0 : i32
    %dma_wait3A_132 = arith.constant 0 : i32
    %dma_wait3A_133 = tpu.memref_slice %arg23[%dma_wait3A_131, %dma_wait3A_132] : memref<16x1024xf32, #tpu.memory_space<vmem>> -> memref<16x1024xf32, #tpu.memory_space<vmem>>
    tpu.wait_dma2 semaphore(%arg29 : memref<!tpu.dma_semaphore, #tpu.memory_space<semaphore_mem>>) src(%dma_wait3A_133 : memref<16x1024xf32, #tpu.memory_space<vmem>>) dst(%dma_wait3A_130 : memref<16x1024xf32, #tpu.memory_space<hbm>>)
    %le3A = arith.constant 64 : i32
    %le3A_134 = arith.cmpi sle, %scan3A_121#0, %le3A : i32
    %convert_element_type3A_135 = arith.extui %le3A_134 : i1 to i32
    %cond3A_136 = arith.constant 0 : i32
    %cond3A_137 = arith.constant 0 : i32
    %cond3A_138 = arith.cmpi ne, %convert_element_type3A_135, %cond3A_137 : i32
    %cond3A_139 = scf.if %cond3A_138 -> (i32) {
      %while3A_213 = arith.constant 0 : i32
      %while3A_214 = arith.constant 0 : i32
      %while3A_215 = arith.subi %scan3A_121#0, %while3A_213 : i32
      %while3A_216 = arith.addi %while3A_213, %while3A_215 : i32
      %while3A_217 = arith.constant 1 : i32
      %while3A_218 = arith.divsi %while3A_215, %while3A_217 : i32
      %while3A_219 = arith.muli %while3A_218, %while3A_217 : i32
      %while3A_220 = arith.addi %while3A_213, %while3A_219 : i32
      %while3A_221 = arith.constant 1 : i32
      %while3A_222 = scf.for %while3A_226 = %while3A_213 to %while3A_220 step %while3A_221 iter_args(%while3A_227 = %while3A_214) -> (i32)  : i32 {
        %add3A_228 = arith.constant 0 : i32
        %add3A_229 = arith.addi %add3A_228, %while3A_226 : i32
        %get3A = arith.index_cast %add3A_229 : i32 to index
        %get3A_230 = tpu.vector_load %arg27[%get3A] {strides = array<i32>} : memref<144xi32, #tpu.memory_space<vmem>>, vector<16xi32>,
        %slice3A = vector.extract_strided_slice %get3A_230 {offsets = [0], sizes = [1], strides = [1]} : vector<16xi32> to vector<1xi32>
        %squeeze3A = vector.extract %slice3A[0] : i32 from vector<1xi32>
        %broadcast_in_dim3A_231 = vector.broadcast %squeeze3A : i32 to vector<16xi32>
        tpu.vector_store_idx %arg23[%iota3A, %broadcast_in_dim3A_231], %broadcast_in_dim3A_22 : memref<16x1024xf32, #tpu.memory_space<vmem>>[vector<16xi32>, vector<16xi32>], vector<16xf32>,
        %while3A_232 = arith.constant 0 : i32
        scf.yield %while3A_232 : i32
      }
      %while3A_223 = arith.constant 1 : i32
      %while3A_224 = scf.for %while3A_226 = %while3A_220 to %while3A_216 step %while3A_223 iter_args(%while3A_227 = %while3A_222) -> (i32)  : i32 {
        %add3A_228 = arith.constant 0 : i32
        %add3A_229 = arith.addi %add3A_228, %while3A_226 : i32
        %get3A = arith.index_cast %add3A_229 : i32 to index
        %get3A_230 = tpu.vector_load %arg27[%get3A] {strides = array<i32>} : memref<144xi32, #tpu.memory_space<vmem>>, vector<16xi32>,
        %slice3A = vector.extract_strided_slice %get3A_230 {offsets = [0], sizes = [1], strides = [1]} : vector<16xi32> to vector<1xi32>
        %squeeze3A = vector.extract %slice3A[0] : i32 from vector<1xi32>
        %broadcast_in_dim3A_231 = vector.broadcast %squeeze3A : i32 to vector<16xi32>
        tpu.vector_store_idx %arg23[%iota3A, %broadcast_in_dim3A_231], %broadcast_in_dim3A_22 : memref<16x1024xf32, #tpu.memory_space<vmem>>[vector<16xi32>, vector<16xi32>], vector<16xf32>,
        %while3A_232 = arith.constant 0 : i32
        scf.yield %while3A_232 : i32
      }
      %cond3A_225 = arith.constant 0 : i32
      scf.yield %cond3A_225 : i32
    } else {
      %scan3A_213 = arith.constant 0 : i32
      %scan3A_214 = arith.constant 0 : i32
      %scan3A_215 = arith.constant 64 : i32
      %scan3A_216 = arith.addi %scan3A_214, %scan3A_215 : i32
      %scan3A_217 = arith.constant 1 : i32
      %scan3A_218 = scf.for %scan3A_221 = %scan3A_214 to %scan3A_216 step %scan3A_217 iter_args(%scan3A_222 = %scan3A_213) -> (i32)  : i32 {
        %mul3A_223 = arith.constant 16 : i32
        %mul3A_224 = arith.muli %scan3A_221, %mul3A_223 : i32
        %swap3A = arith.constant 0 : i32
        %swap3A_225 = arith.index_cast %swap3A : i32 to index
        %swap3A_226 = arith.index_cast %mul3A_224 : i32 to index
        %swap3A_227 = tpu.vector_load %arg23[%swap3A_225, %swap3A_226] {strides = array<i32>} : memref<16x1024xf32, #tpu.memory_space<vmem>>, vector<16xf32>,
        tpu.vector_store %arg23[%swap3A_225, %swap3A_226], %broadcast_in_dim3A_22 {strides = array<i32>} : memref<16x1024xf32, #tpu.memory_space<vmem>>, vector<16xf32>,
        %mul3A_228 = arith.constant 16 : i32
        %mul3A_229 = arith.muli %scan3A_221, %mul3A_228 : i32
        %swap3A_230 = arith.constant 1 : i32
        %swap3A_231 = arith.index_cast %swap3A_230 : i32 to index
        %swap3A_232 = arith.index_cast %mul3A_229 : i32 to index
        %swap3A_233 = tpu.vector_load %arg23[%swap3A_231, %swap3A_232] {strides = array<i32>} : memref<16x1024xf32, #tpu.memory_space<vmem>>, vector<16xf32>,
        tpu.vector_store %arg23[%swap3A_231, %swap3A_232], %broadcast_in_dim3A_22 {strides = array<i32>} : memref<16x1024xf32, #tpu.memory_space<vmem>>, vector<16xf32>,
        %mul3A_234 = arith.constant 16 : i32
        %mul3A_235 = arith.muli %scan3A_221, %mul3A_234 : i32
        %swap3A_236 = arith.constant 2 : i32
        %swap3A_237 = arith.index_cast %swap3A_236 : i32 to index
        %swap3A_238 = arith.index_cast %mul3A_235 : i32 to index
        %swap3A_239 = tpu.vector_load %arg23[%swap3A_237, %swap3A_238] {strides = array<i32>} : memref<16x1024xf32, #tpu.memory_space<vmem>>, vector<16xf32>,
        tpu.vector_store %arg23[%swap3A_237, %swap3A_238], %broadcast_in_dim3A_22 {strides = array<i32>} : memref<16x1024xf32, #tpu.memory_space<vmem>>, vector<16xf32>,
        %mul3A_240 = arith.constant 16 : i32
        %mul3A_241 = arith.muli %scan3A_221, %mul3A_240 : i32
        %swap3A_242 = arith.constant 3 : i32
        %swap3A_243 = arith.index_cast %swap3A_242 : i32 to index
        %swap3A_244 = arith.index_cast %mul3A_241 : i32 to index
        %swap3A_245 = tpu.vector_load %arg23[%swap3A_243, %swap3A_244] {strides = array<i32>} : memref<16x1024xf32, #tpu.memory_space<vmem>>, vector<16xf32>,
        tpu.vector_store %arg23[%swap3A_243, %swap3A_244], %broadcast_in_dim3A_22 {strides = array<i32>} : memref<16x1024xf32, #tpu.memory_space<vmem>>, vector<16xf32>,
        %mul3A_246 = arith.constant 16 : i32
        %mul3A_247 = arith.muli %scan3A_221, %mul3A_246 : i32
        %swap3A_248 = arith.constant 4 : i32
        %swap3A_249 = arith.index_cast %swap3A_248 : i32 to index
        %swap3A_250 = arith.index_cast %mul3A_247 : i32 to index
        %swap3A_251 = tpu.vector_load %arg23[%swap3A_249, %swap3A_250] {strides = array<i32>} : memref<16x1024xf32, #tpu.memory_space<vmem>>, vector<16xf32>,
        tpu.vector_store %arg23[%swap3A_249, %swap3A_250], %broadcast_in_dim3A_22 {strides = array<i32>} : memref<16x1024xf32, #tpu.memory_space<vmem>>, vector<16xf32>,
        %mul3A_252 = arith.constant 16 : i32
        %mul3A_253 = arith.muli %scan3A_221, %mul3A_252 : i32
        %swap3A_254 = arith.constant 5 : i32
        %swap3A_255 = arith.index_cast %swap3A_254 : i32 to index
        %swap3A_256 = arith.index_cast %mul3A_253 : i32 to index
        %swap3A_257 = tpu.vector_load %arg23[%swap3A_255, %swap3A_256] {strides = array<i32>} : memref<16x1024xf32, #tpu.memory_space<vmem>>, vector<16xf32>,
        tpu.vector_store %arg23[%swap3A_255, %swap3A_256], %broadcast_in_dim3A_22 {strides = array<i32>} : memref<16x1024xf32, #tpu.memory_space<vmem>>, vector<16xf32>,
        %mul3A_258 = arith.constant 16 : i32
        %mul3A_259 = arith.muli %scan3A_221, %mul3A_258 : i32
        %swap3A_260 = arith.constant 6 : i32
        %swap3A_261 = arith.index_cast %swap3A_260 : i32 to index
        %swap3A_262 = arith.index_cast %mul3A_259 : i32 to index
        %swap3A_263 = tpu.vector_load %arg23[%swap3A_261, %swap3A_262] {strides = array<i32>} : memref<16x1024xf32, #tpu.memory_space<vmem>>, vector<16xf32>,
        tpu.vector_store %arg23[%swap3A_261, %swap3A_262], %broadcast_in_dim3A_22 {strides = array<i32>} : memref<16x1024xf32, #tpu.memory_space<vmem>>, vector<16xf32>,
        %mul3A_264 = arith.constant 16 : i32
        %mul3A_265 = arith.muli %scan3A_221, %mul3A_264 : i32
        %swap3A_266 = arith.constant 7 : i32
        %swap3A_267 = arith.index_cast %swap3A_266 : i32 to index
        %swap3A_268 = arith.index_cast %mul3A_265 : i32 to index
        %swap3A_269 = tpu.vector_load %arg23[%swap3A_267, %swap3A_268] {strides = array<i32>} : memref<16x1024xf32, #tpu.memory_space<vmem>>, vector<16xf32>,
        tpu.vector_store %arg23[%swap3A_267, %swap3A_268], %broadcast_in_dim3A_22 {strides = array<i32>} : memref<16x1024xf32, #tpu.memory_space<vmem>>, vector<16xf32>,
        %mul3A_270 = arith.constant 16 : i32
        %mul3A_271 = arith.muli %scan3A_221, %mul3A_270 : i32
        %swap3A_272 = arith.constant 8 : i32
        %swap3A_273 = arith.index_cast %swap3A_272 : i32 to index
        %swap3A_274 = arith.index_cast %mul3A_271 : i32 to index
        %swap3A_275 = tpu.vector_load %arg23[%swap3A_273, %swap3A_274] {strides = array<i32>} : memref<16x1024xf32, #tpu.memory_space<vmem>>, vector<16xf32>,
        tpu.vector_store %arg23[%swap3A_273, %swap3A_274], %broadcast_in_dim3A_22 {strides = array<i32>} : memref<16x1024xf32, #tpu.memory_space<vmem>>, vector<16xf32>,
        %mul3A_276 = arith.constant 16 : i32
        %mul3A_277 = arith.muli %scan3A_221, %mul3A_276 : i32
        %swap3A_278 = arith.constant 9 : i32
        %swap3A_279 = arith.index_cast %swap3A_278 : i32 to index
        %swap3A_280 = arith.index_cast %mul3A_277 : i32 to index
        %swap3A_281 = tpu.vector_load %arg23[%swap3A_279, %swap3A_280] {strides = array<i32>} : memref<16x1024xf32, #tpu.memory_space<vmem>>, vector<16xf32>,
        tpu.vector_store %arg23[%swap3A_279, %swap3A_280], %broadcast_in_dim3A_22 {strides = array<i32>} : memref<16x1024xf32, #tpu.memory_space<vmem>>, vector<16xf32>,
        %mul3A_282 = arith.constant 16 : i32
        %mul3A_283 = arith.muli %scan3A_221, %mul3A_282 : i32
        %swap3A_284 = arith.constant 10 : i32
        %swap3A_285 = arith.index_cast %swap3A_284 : i32 to index
        %swap3A_286 = arith.index_cast %mul3A_283 : i32 to index
        %swap3A_287 = tpu.vector_load %arg23[%swap3A_285, %swap3A_286] {strides = array<i32>} : memref<16x1024xf32, #tpu.memory_space<vmem>>, vector<16xf32>,
        tpu.vector_store %arg23[%swap3A_285, %swap3A_286], %broadcast_in_dim3A_22 {strides = array<i32>} : memref<16x1024xf32, #tpu.memory_space<vmem>>, vector<16xf32>,
        %mul3A_288 = arith.constant 16 : i32
        %mul3A_289 = arith.muli %scan3A_221, %mul3A_288 : i32
        %swap3A_290 = arith.constant 11 : i32
        %swap3A_291 = arith.index_cast %swap3A_290 : i32 to index
        %swap3A_292 = arith.index_cast %mul3A_289 : i32 to index
        %swap3A_293 = tpu.vector_load %arg23[%swap3A_291, %swap3A_292] {strides = array<i32>} : memref<16x1024xf32, #tpu.memory_space<vmem>>, vector<16xf32>,
        tpu.vector_store %arg23[%swap3A_291, %swap3A_292], %broadcast_in_dim3A_22 {strides = array<i32>} : memref<16x1024xf32, #tpu.memory_space<vmem>>, vector<16xf32>,
        %mul3A_294 = arith.constant 16 : i32
        %mul3A_295 = arith.muli %scan3A_221, %mul3A_294 : i32
        %swap3A_296 = arith.constant 12 : i32
        %swap3A_297 = arith.index_cast %swap3A_296 : i32 to index
        %swap3A_298 = arith.index_cast %mul3A_295 : i32 to index
        %swap3A_299 = tpu.vector_load %arg23[%swap3A_297, %swap3A_298] {strides = array<i32>} : memref<16x1024xf32, #tpu.memory_space<vmem>>, vector<16xf32>,
        tpu.vector_store %arg23[%swap3A_297, %swap3A_298], %broadcast_in_dim3A_22 {strides = array<i32>} : memref<16x1024xf32, #tpu.memory_space<vmem>>, vector<16xf32>,
        %mul3A_300 = arith.constant 16 : i32
        %mul3A_301 = arith.muli %scan3A_221, %mul3A_300 : i32
        %swap3A_302 = arith.constant 13 : i32
        %swap3A_303 = arith.index_cast %swap3A_302 : i32 to index
        %swap3A_304 = arith.index_cast %mul3A_301 : i32 to index
        %swap3A_305 = tpu.vector_load %arg23[%swap3A_303, %swap3A_304] {strides = array<i32>} : memref<16x1024xf32, #tpu.memory_space<vmem>>, vector<16xf32>,
        tpu.vector_store %arg23[%swap3A_303, %swap3A_304], %broadcast_in_dim3A_22 {strides = array<i32>} : memref<16x1024xf32, #tpu.memory_space<vmem>>, vector<16xf32>,
        %mul3A_306 = arith.constant 16 : i32
        %mul3A_307 = arith.muli %scan3A_221, %mul3A_306 : i32
        %swap3A_308 = arith.constant 14 : i32
        %swap3A_309 = arith.index_cast %swap3A_308 : i32 to index
        %swap3A_310 = arith.index_cast %mul3A_307 : i32 to index
        %swap3A_311 = tpu.vector_load %arg23[%swap3A_309, %swap3A_310] {strides = array<i32>} : memref<16x1024xf32, #tpu.memory_space<vmem>>, vector<16xf32>,
        tpu.vector_store %arg23[%swap3A_309, %swap3A_310], %broadcast_in_dim3A_22 {strides = array<i32>} : memref<16x1024xf32, #tpu.memory_space<vmem>>, vector<16xf32>,
        %mul3A_312 = arith.constant 16 : i32
        %mul3A_313 = arith.muli %scan3A_221, %mul3A_312 : i32
        %swap3A_314 = arith.constant 15 : i32
        %swap3A_315 = arith.index_cast %swap3A_314 : i32 to index
        %swap3A_316 = arith.index_cast %mul3A_313 : i32 to index
        %swap3A_317 = tpu.vector_load %arg23[%swap3A_315, %swap3A_316] {strides = array<i32>} : memref<16x1024xf32, #tpu.memory_space<vmem>>, vector<16xf32>,
        tpu.vector_store %arg23[%swap3A_315, %swap3A_316], %broadcast_in_dim3A_22 {strides = array<i32>} : memref<16x1024xf32, #tpu.memory_space<vmem>>, vector<16xf32>,
        %scan3A_318 = arith.constant 0 : i32
        scf.yield %scan3A_318 : i32
      }
      %scan3A_219 = arith.constant 64 : i32
      %cond3A_220 = arith.constant 0 : i32
      scf.yield %cond3A_220 : i32
    }
    %add3A_140 = arith.constant 30720 : i32
    %add3A_141 = arith.addi %multiple_of3A, %add3A_140 : i32
    %add3A_142 = arith.constant 16 : i32
    %add3A_143 = arith.addi %scan3A_41, %add3A_142 : i32
    %sub3A_144 = arith.constant 1 : i32
    %sub3A_145 = arith.subi %add3A_143, %sub3A_144 : i32
    %jit3A_146 = arith.constant 16 : i32
    %div3A_147 = arith.divsi %sub3A_145, %jit3A_146 : i32
    %sign3A_148 = arith.constant 0 : i32
    %sign3A_149 = arith.cmpi sgt, %sub3A_145, %sign3A_148 : i32
    %sign3A_150 = arith.extui %sign3A_149 : i1 to i32
    %sign3A_151 = arith.constant 0 : i32
    %sign3A_152 = arith.cmpi slt, %sub3A_145, %sign3A_151 : i32
    %sign3A_153 = arith.extui %sign3A_152 : i1 to i32
    %sign3A_154 = arith.subi %sign3A_150, %sign3A_153 : i32
    %sign3A_155 = arith.constant 0 : i32
    %sign3A_156 = arith.cmpi sgt, %jit3A_146, %sign3A_155 : i32
    %sign3A_157 = arith.extui %sign3A_156 : i1 to i32
    %sign3A_158 = arith.constant 0 : i32
    %sign3A_159 = arith.cmpi slt, %jit3A_146, %sign3A_158 : i32
    %sign3A_160 = arith.extui %sign3A_159 : i1 to i32
    %sign3A_161 = arith.subi %sign3A_157, %sign3A_160 : i32
    %ne3A_162 = arith.cmpi ne, %sign3A_154, %sign3A_161 : i32
    %rem3A_163 = arith.remsi %sub3A_145, %jit3A_146 : i32
    %ne3A_164 = arith.constant 0 : i32
    %ne3A_165 = arith.cmpi ne, %rem3A_163, %ne3A_164 : i32
    %and3A_166 = arith.andi %ne3A_162, %ne3A_165 : i1
    %sub3A_167 = arith.constant 1 : i32
    %sub3A_168 = arith.subi %div3A_147, %sub3A_167 : i32
    %select_n3A_169 = arith.select %and3A_166, %sub3A_168, %div3A_147 : i32
    %while3A_170 = arith.constant 0 : i32
    %while3A_171 = arith.constant 0 : i32
    %while3A_172 = arith.subi %select_n3A_169, %while3A_170 : i32
    %while3A_173 = arith.addi %while3A_170, %while3A_172 : i32
    %while3A_174 = arith.constant 1 : i32
    %while3A_175 = arith.divsi %while3A_172, %while3A_174 : i32
    %while3A_176 = arith.muli %while3A_175, %while3A_174 : i32
    %while3A_177 = arith.addi %while3A_170, %while3A_176 : i32
    %while3A_178 = arith.constant 1 : i32
    %while3A_179 = scf.for %while3A_213 = %while3A_170 to %while3A_177 step %while3A_178 iter_args(%while3A_214 = %while3A_171) -> (i32)  : i32 {
      %mul3A_215 = arith.constant 16 : i32
      %mul3A_216 = arith.muli %while3A_213, %mul3A_215 : i32
      %get3A = arith.index_cast %mul3A_216 : i32 to index
      %get3A_217 = tpu.vector_load %arg21[%get3A] {strides = array<i32>} : memref<1040xi32, #tpu.memory_space<vmem>>, vector<16xi32>,
      %ge3A = vector.broadcast %add3A_141 : i32 to vector<16xi32>
      %ge3A_218 = arith.cmpi sge, %get3A_217, %ge3A : vector<16xi32>
      %add3A_219 = arith.constant 1024 : i32
      %add3A_220 = arith.addi %add3A_141, %add3A_219 : i32
      %lt3A_221 = vector.broadcast %add3A_220 : i32 to vector<16xi32>
      %lt3A_222 = arith.cmpi slt, %get3A_217, %lt3A_221 : vector<16xi32>
      %and3A_223 = arith.andi %ge3A_218, %lt3A_222 : vector<16xi1>
      %all_reduce_population_count3A = tpu.all_reduce %and3A_223 {dim = 0 : i64, kind = #tpu.reduction_kind<sum>} : vector<16xi1> -> vector<16xi32>
      %slice3A = vector.extract_strided_slice %all_reduce_population_count3A {offsets = [0], sizes = [1], strides = [1]} : vector<16xi32> to vector<1xi32>
      %squeeze3A = vector.extract %slice3A[0] : i32 from vector<1xi32>
      %mul3A_224 = arith.constant 16 : i32
      %mul3A_225 = arith.muli %while3A_213, %mul3A_224 : i32
      %add3A_226 = vector.broadcast %mul3A_225 : i32 to vector<16xi32>
      %add3A_227 = arith.addi %iota3A, %add3A_226 : vector<16xi32>
      %swap3A = arith.index_cast %while3A_214 : i32 to index
      %swap3A_228 = tpu.vector_load %arg25[%swap3A] masked %and3A_223 {strides = array<i32>} : memref<1040xi32, #tpu.memory_space<vmem>>, vector<16xi32>, vector<16xi1>
      tpu.vector_store %arg25[%swap3A], %add3A_227 masked %and3A_223 {strides = array<i32>} : memref<1040xi32, #tpu.memory_space<vmem>>, vector<16xi32>, vector<16xi1>
      %swap3A_229 = arith.index_cast %while3A_214 : i32 to index
      %swap3A_230 = tpu.vector_load %arg26[%swap3A_229] masked %and3A_223 {strides = array<i32>} : memref<1040xi32, #tpu.memory_space<vmem>>, vector<16xi32>, vector<16xi1>
      tpu.vector_store %arg26[%swap3A_229], %get3A_217 masked %and3A_223 {strides = array<i32>} : memref<1040xi32, #tpu.memory_space<vmem>>, vector<16xi32>, vector<16xi1>
      %add3A_231 = arith.addi %while3A_214, %squeeze3A : i32
      scf.yield %add3A_231 : i32
    }
    %while3A_180 = arith.constant 1 : i32
    %while3A_181 = scf.for %while3A_213 = %while3A_177 to %while3A_173 step %while3A_180 iter_args(%while3A_214 = %while3A_179) -> (i32)  : i32 {
      %mul3A_215 = arith.constant 16 : i32
      %mul3A_216 = arith.muli %while3A_213, %mul3A_215 : i32
      %get3A = arith.index_cast %mul3A_216 : i32 to index
      %get3A_217 = tpu.vector_load %arg21[%get3A] {strides = array<i32>} : memref<1040xi32, #tpu.memory_space<vmem>>, vector<16xi32>,
      %ge3A = vector.broadcast %add3A_141 : i32 to vector<16xi32>
      %ge3A_218 = arith.cmpi sge, %get3A_217, %ge3A : vector<16xi32>
      %add3A_219 = arith.constant 1024 : i32
      %add3A_220 = arith.addi %add3A_141, %add3A_219 : i32
      %lt3A_221 = vector.broadcast %add3A_220 : i32 to vector<16xi32>
      %lt3A_222 = arith.cmpi slt, %get3A_217, %lt3A_221 : vector<16xi32>
      %and3A_223 = arith.andi %ge3A_218, %lt3A_222 : vector<16xi1>
      %all_reduce_population_count3A = tpu.all_reduce %and3A_223 {dim = 0 : i64, kind = #tpu.reduction_kind<sum>} : vector<16xi1> -> vector<16xi32>
      %slice3A = vector.extract_strided_slice %all_reduce_population_count3A {offsets = [0], sizes = [1], strides = [1]} : vector<16xi32> to vector<1xi32>
      %squeeze3A = vector.extract %slice3A[0] : i32 from vector<1xi32>
      %mul3A_224 = arith.constant 16 : i32
      %mul3A_225 = arith.muli %while3A_213, %mul3A_224 : i32
      %add3A_226 = vector.broadcast %mul3A_225 : i32 to vector<16xi32>
      %add3A_227 = arith.addi %iota3A, %add3A_226 : vector<16xi32>
      %swap3A = arith.index_cast %while3A_214 : i32 to index
      %swap3A_228 = tpu.vector_load %arg25[%swap3A] masked %and3A_223 {strides = array<i32>} : memref<1040xi32, #tpu.memory_space<vmem>>, vector<16xi32>, vector<16xi1>
      tpu.vector_store %arg25[%swap3A], %add3A_227 masked %and3A_223 {strides = array<i32>} : memref<1040xi32, #tpu.memory_space<vmem>>, vector<16xi32>, vector<16xi1>
      %swap3A_229 = arith.index_cast %while3A_214 : i32 to index
      %swap3A_230 = tpu.vector_load %arg26[%swap3A_229] masked %and3A_223 {strides = array<i32>} : memref<1040xi32, #tpu.memory_space<vmem>>, vector<16xi32>, vector<16xi1>
      tpu.vector_store %arg26[%swap3A_229], %get3A_217 masked %and3A_223 {strides = array<i32>} : memref<1040xi32, #tpu.memory_space<vmem>>, vector<16xi32>, vector<16xi1>
      %add3A_231 = arith.addi %while3A_214, %squeeze3A : i32
      scf.yield %add3A_231 : i32
    }
    %while3A_182 = arith.constant 0 : i32
    %while3A_183 = arith.constant 0 : i32
    %while3A_184 = arith.subi %while3A_181, %while3A_182 : i32
    %while3A_185 = arith.addi %while3A_182, %while3A_184 : i32
    %while3A_186 = arith.constant 1 : i32
    %while3A_187 = arith.divsi %while3A_184, %while3A_186 : i32
    %while3A_188 = arith.muli %while3A_187, %while3A_186 : i32
    %while3A_189 = arith.addi %while3A_182, %while3A_188 : i32
    %while3A_190 = arith.constant 1 : i32
    %while3A_191 = scf.for %while3A_213 = %while3A_182 to %while3A_189 step %while3A_190 iter_args(%while3A_214 = %while3A_183) -> (i32)  : i32 {
      %get3A = arith.index_cast %while3A_213 : i32 to index
      %get3A_215 = tpu.vector_load %arg25[%get3A] {strides = array<i32>} : memref<1040xi32, #tpu.memory_space<vmem>>, vector<16xi32>,
      %slice3A = vector.extract_strided_slice %get3A_215 {offsets = [0], sizes = [1], strides = [1]} : vector<16xi32> to vector<1xi32>
      %squeeze3A = vector.extract %slice3A[0] : i32 from vector<1xi32>
      %get3A_216 = arith.index_cast %while3A_213 : i32 to index
      %get3A_217 = tpu.vector_load %arg26[%get3A_216] {strides = array<i32>} : memref<1040xi32, #tpu.memory_space<vmem>>, vector<16xi32>,
      %slice3A_218 = vector.extract_strided_slice %get3A_217 {offsets = [0], sizes = [1], strides = [1]} : vector<16xi32> to vector<1xi32>
      %squeeze3A_219 = vector.extract %slice3A_218[0] : i32 from vector<1xi32>
      %sub3A_220 = arith.subi %squeeze3A_219, %add3A_141 : i32
      %mul3A_221 = arith.constant 1040 : i32
      %mul3A_222 = vector.broadcast %mul3A_221 : i32 to vector<16xi32>
      %mul3A_223 = arith.muli %iota3A, %mul3A_222 : vector<16xi32>
      %broadcast_in_dim3A_224 = vector.broadcast %squeeze3A : i32 to vector<16xi32>
      %add3A_225 = arith.addi %mul3A_223, %broadcast_in_dim3A_224 : vector<16xi32>
      %gather3A = tpu.vector_load_idx %arg22[%add3A_225] : memref<16640xf32, #tpu.memory_space<vmem>>[vector<16xi32>], vector<16xf32>,
      %broadcast_in_dim3A_226 = vector.broadcast %sub3A_220 : i32 to vector<16xi32>
      tpu.vector_store_idx %arg23[%iota3A, %broadcast_in_dim3A_226], %gather3A : memref<16x1024xf32, #tpu.memory_space<vmem>>[vector<16xi32>, vector<16xi32>], vector<16xf32>,
      %min3A_227 = arith.constant 63 : i32
      %min3A_228 = arith.minsi %while3A_214, %min3A_227 : i32
      %add3A_229 = arith.constant 0 : i32
      %add3A_230 = arith.addi %add3A_229, %min3A_228 : i32
      %broadcast_in_dim3A_231 = vector.broadcast %add3A_230 : i32 to vector<16xi32>
      %broadcast_in_dim3A_232 = vector.broadcast %sub3A_220 : i32 to vector<16xi32>
      tpu.vector_store_idx %arg27[%broadcast_in_dim3A_231], %broadcast_in_dim3A_232 masked %eq3A_21 : memref<144xi32, #tpu.memory_space<vmem>>[vector<16xi32>], vector<16xi32>, vector<16xi1>
      %add3A_233 = arith.constant 1 : i32
      %add3A_234 = arith.addi %while3A_214, %add3A_233 : i32
      scf.yield %add3A_234 : i32
    }
    %while3A_192 = arith.constant 1 : i32
    %while3A_193 = scf.for %while3A_213 = %while3A_189 to %while3A_185 step %while3A_192 iter_args(%while3A_214 = %while3A_191) -> (i32)  : i32 {
      %get3A = arith.index_cast %while3A_213 : i32 to index
      %get3A_215 = tpu.vector_load %arg25[%get3A] {strides = array<i32>} : memref<1040xi32, #tpu.memory_space<vmem>>, vector<16xi32>,
      %slice3A = vector.extract_strided_slice %get3A_215 {offsets = [0], sizes = [1], strides = [1]} : vector<16xi32> to vector<1xi32>
      %squeeze3A = vector.extract %slice3A[0] : i32 from vector<1xi32>
      %get3A_216 = arith.index_cast %while3A_213 : i32 to index
      %get3A_217 = tpu.vector_load %arg26[%get3A_216] {strides = array<i32>} : memref<1040xi32, #tpu.memory_space<vmem>>, vector<16xi32>,
      %slice3A_218 = vector.extract_strided_slice %get3A_217 {offsets = [0], sizes = [1], strides = [1]} : vector<16xi32> to vector<1xi32>
      %squeeze3A_219 = vector.extract %slice3A_218[0] : i32 from vector<1xi32>
      %sub3A_220 = arith.subi %squeeze3A_219, %add3A_141 : i32
      %mul3A_221 = arith.constant 1040 : i32
      %mul3A_222 = vector.broadcast %mul3A_221 : i32 to vector<16xi32>
      %mul3A_223 = arith.muli %iota3A, %mul3A_222 : vector<16xi32>
      %broadcast_in_dim3A_224 = vector.broadcast %squeeze3A : i32 to vector<16xi32>
      %add3A_225 = arith.addi %mul3A_223, %broadcast_in_dim3A_224 : vector<16xi32>
      %gather3A = tpu.vector_load_idx %arg22[%add3A_225] : memref<16640xf32, #tpu.memory_space<vmem>>[vector<16xi32>], vector<16xf32>,
      %broadcast_in_dim3A_226 = vector.broadcast %sub3A_220 : i32 to vector<16xi32>
      tpu.vector_store_idx %arg23[%iota3A, %broadcast_in_dim3A_226], %gather3A : memref<16x1024xf32, #tpu.memory_space<vmem>>[vector<16xi32>, vector<16xi32>], vector<16xf32>,
      %min3A_227 = arith.constant 63 : i32
      %min3A_228 = arith.minsi %while3A_214, %min3A_227 : i32
      %add3A_229 = arith.constant 0 : i32
      %add3A_230 = arith.addi %add3A_229, %min3A_228 : i32
      %broadcast_in_dim3A_231 = vector.broadcast %add3A_230 : i32 to vector<16xi32>
      %broadcast_in_dim3A_232 = vector.broadcast %sub3A_220 : i32 to vector<16xi32>
      tpu.vector_store_idx %arg27[%broadcast_in_dim3A_231], %broadcast_in_dim3A_232 masked %eq3A_21 : memref<144xi32, #tpu.memory_space<vmem>>[vector<16xi32>], vector<16xi32>, vector<16xi1>
      %add3A_233 = arith.constant 1 : i32
      %add3A_234 = arith.addi %while3A_214, %add3A_233 : i32
      scf.yield %add3A_234 : i32
    }
    %convert_element_type3A_194 = arith.extui %or3A : i1 to i32
    %cond3A_195 = arith.constant 0 : i32
    %cond3A_196 = arith.cmpi ne, %convert_element_type3A_194, %cond3A_195 : i32
    scf.if %cond3A_196 {
      %add3A_213 = arith.constant 30720 : i32
      %add3A_214 = arith.addi %multiple_of3A, %add3A_213 : i32
      %multiple_of3A_215 = tpu.assume_multiple %add3A_214, 128 : i32
      %dma_start3A = arith.constant 0 : i32
      %dma_start3A_216 = arith.constant 0 : i32
      %dma_start3A_217 = tpu.memref_slice %arg23[%dma_start3A, %dma_start3A_216] : memref<16x1024xf32, #tpu.memory_space<vmem>> -> memref<16x640xf32, #tpu.memory_space<vmem>>
      %dma_start3A_218 = arith.constant 0 : i32
      %dma_start3A_219 = tpu.memref_slice %arg18[%dma_start3A_218, %multiple_of3A_215] : memref<16x1000000xf32, #tpu.memory_space<hbm>> -> memref<16x640xf32, #tpu.memory_space<hbm>>
      %dma_start3A_220 = arith.constant 0 : i32
      %dma_start3A_221 = tpu.memref_slice %arg18[%dma_start3A_220, %multiple_of3A_215] : memref<16x1000000xf32, #tpu.memory_space<hbm>> -> memref<16x640xf32, #tpu.memory_space<hbm>>
      %dma_start3A_222 = arith.constant 0 : i32
      %dma_start3A_223 = arith.constant 0 : i32
      %dma_start3A_224 = tpu.memref_slice %arg23[%dma_start3A_222, %dma_start3A_223] : memref<16x1024xf32, #tpu.memory_space<vmem>> -> memref<16x640xf32, #tpu.memory_space<vmem>>
      tpu.enqueue_dma source(%dma_start3A_224 : memref<16x640xf32, #tpu.memory_space<vmem>>) target(%dma_start3A_221 : memref<16x640xf32, #tpu.memory_space<hbm>>) target_semaphore(%arg29 : memref<!tpu.dma_semaphore, #tpu.memory_space<semaphore_mem>>)
      %dma_wait3A_225 = arith.constant 0 : i32
      %dma_wait3A_226 = arith.constant 0 : i32
      %dma_wait3A_227 = tpu.memref_slice %arg23[%dma_wait3A_225, %dma_wait3A_226] : memref<16x1024xf32, #tpu.memory_space<vmem>> -> memref<16x640xf32, #tpu.memory_space<vmem>>
      %dma_wait3A_228 = arith.constant 0 : i32
      %dma_wait3A_229 = arith.constant 0 : i32
      %dma_wait3A_230 = tpu.memref_slice %arg18[%dma_wait3A_228, %dma_wait3A_229] : memref<16x1000000xf32, #tpu.memory_space<hbm>> -> memref<16x640xf32, #tpu.memory_space<hbm>>
      %dma_wait3A_231 = arith.constant 0 : i32
      %dma_wait3A_232 = arith.constant 0 : i32
      %dma_wait3A_233 = tpu.memref_slice %arg18[%dma_wait3A_231, %dma_wait3A_232] : memref<16x1000000xf32, #tpu.memory_space<hbm>> -> memref<16x640xf32, #tpu.memory_space<hbm>>
      %dma_wait3A_234 = arith.constant 0 : i32
      %dma_wait3A_235 = arith.constant 0 : i32
      %dma_wait3A_236 = tpu.memref_slice %arg23[%dma_wait3A_234, %dma_wait3A_235] : memref<16x1024xf32, #tpu.memory_space<vmem>> -> memref<16x640xf32, #tpu.memory_space<vmem>>
      tpu.wait_dma2 semaphore(%arg29 : memref<!tpu.dma_semaphore, #tpu.memory_space<semaphore_mem>>) src(%dma_wait3A_236 : memref<16x640xf32, #tpu.memory_space<vmem>>) dst(%dma_wait3A_233 : memref<16x640xf32, #tpu.memory_space<hbm>>)
    } else {
    }
    %not3A = arith.constant true
    %not3A_197 = arith.xori %or3A, %not3A : i1
    %convert_element_type3A_198 = arith.extui %not3A_197 : i1 to i32
    %cond3A_199 = arith.constant 0 : i32
    %cond3A_200 = arith.cmpi ne, %convert_element_type3A_198, %cond3A_199 : i32
    scf.if %cond3A_200 {
      %add3A_213 = arith.constant 30720 : i32
      %add3A_214 = arith.addi %multiple_of3A, %add3A_213 : i32
      %multiple_of3A_215 = tpu.assume_multiple %add3A_214, 128 : i32
      %dma_start3A = arith.constant 0 : i32
      %dma_start3A_216 = arith.constant 0 : i32
      %dma_start3A_217 = tpu.memref_slice %arg23[%dma_start3A, %dma_start3A_216] : memref<16x1024xf32, #tpu.memory_space<vmem>> -> memref<16x512xf32, #tpu.memory_space<vmem>>
      %dma_start3A_218 = arith.constant 0 : i32
      %dma_start3A_219 = tpu.memref_slice %arg18[%dma_start3A_218, %multiple_of3A_215] : memref<16x1000000xf32, #tpu.memory_space<hbm>> -> memref<16x512xf32, #tpu.memory_space<hbm>>
      %dma_start3A_220 = arith.constant 0 : i32
      %dma_start3A_221 = tpu.memref_slice %arg18[%dma_start3A_220, %multiple_of3A_215] : memref<16x1000000xf32, #tpu.memory_space<hbm>> -> memref<16x512xf32, #tpu.memory_space<hbm>>
      %dma_start3A_222 = arith.constant 0 : i32
      %dma_start3A_223 = arith.constant 0 : i32
      %dma_start3A_224 = tpu.memref_slice %arg23[%dma_start3A_222, %dma_start3A_223] : memref<16x1024xf32, #tpu.memory_space<vmem>> -> memref<16x512xf32, #tpu.memory_space<vmem>>
      tpu.enqueue_dma source(%dma_start3A_224 : memref<16x512xf32, #tpu.memory_space<vmem>>) target(%dma_start3A_221 : memref<16x512xf32, #tpu.memory_space<hbm>>) target_semaphore(%arg29 : memref<!tpu.dma_semaphore, #tpu.memory_space<semaphore_mem>>)
      %dma_wait3A_225 = arith.constant 0 : i32
      %dma_wait3A_226 = arith.constant 0 : i32
      %dma_wait3A_227 = tpu.memref_slice %arg23[%dma_wait3A_225, %dma_wait3A_226] : memref<16x1024xf32, #tpu.memory_space<vmem>> -> memref<16x512xf32, #tpu.memory_space<vmem>>
      %dma_wait3A_228 = arith.constant 0 : i32
      %dma_wait3A_229 = arith.constant 0 : i32
      %dma_wait3A_230 = tpu.memref_slice %arg18[%dma_wait3A_228, %dma_wait3A_229] : memref<16x1000000xf32, #tpu.memory_space<hbm>> -> memref<16x512xf32, #tpu.memory_space<hbm>>
      %dma_wait3A_231 = arith.constant 0 : i32
      %dma_wait3A_232 = arith.constant 0 : i32
      %dma_wait3A_233 = tpu.memref_slice %arg18[%dma_wait3A_231, %dma_wait3A_232] : memref<16x1000000xf32, #tpu.memory_space<hbm>> -> memref<16x512xf32, #tpu.memory_space<hbm>>
      %dma_wait3A_234 = arith.constant 0 : i32
      %dma_wait3A_235 = arith.constant 0 : i32
      %dma_wait3A_236 = tpu.memref_slice %arg23[%dma_wait3A_234, %dma_wait3A_235] : memref<16x1024xf32, #tpu.memory_space<vmem>> -> memref<16x512xf32, #tpu.memory_space<vmem>>
      tpu.wait_dma2 semaphore(%arg29 : memref<!tpu.dma_semaphore, #tpu.memory_space<semaphore_mem>>) src(%dma_wait3A_236 : memref<16x512xf32, #tpu.memory_space<vmem>>) dst(%dma_wait3A_233 : memref<16x512xf32, #tpu.memory_space<hbm>>)
    } else {
    }
    %dma_wait3A_201 = arith.constant 0 : i32
    %dma_wait3A_202 = arith.constant 0 : i32
    %dma_wait3A_203 = tpu.memref_slice %arg24[%dma_wait3A_201, %dma_wait3A_202] : memref<16x1024xf32, #tpu.memory_space<vmem>> -> memref<16x1024xf32, #tpu.memory_space<vmem>>
    %dma_wait3A_204 = arith.constant 0 : i32
    %dma_wait3A_205 = arith.constant 0 : i32
    %dma_wait3A_206 = tpu.memref_slice %arg18[%dma_wait3A_204, %dma_wait3A_205] : memref<16x1000000xf32, #tpu.memory_space<hbm>> -> memref<16x1024xf32, #tpu.memory_space<hbm>>
    %dma_wait3A_207 = arith.constant 0 : i32
    %dma_wait3A_208 = arith.constant 0 : i32
    %dma_wait3A_209 = tpu.memref_slice %arg18[%dma_wait3A_207, %dma_wait3A_208] : memref<16x1000000xf32, #tpu.memory_space<hbm>> -> memref<16x1024xf32, #tpu.memory_space<hbm>>
    %dma_wait3A_210 = arith.constant 0 : i32
    %dma_wait3A_211 = arith.constant 0 : i32
    %dma_wait3A_212 = tpu.memref_slice %arg24[%dma_wait3A_210, %dma_wait3A_211] : memref<16x1024xf32, #tpu.memory_space<vmem>> -> memref<16x1024xf32, #tpu.memory_space<vmem>>
    tpu.wait_dma2 semaphore(%arg30 : memref<!tpu.dma_semaphore, #tpu.memory_space<semaphore_mem>>) src(%dma_wait3A_212 : memref<16x1024xf32, #tpu.memory_space<vmem>>) dst(%dma_wait3A_209 : memref<16x1024xf32, #tpu.memory_space<hbm>>)
    return
  }
}

</mosaic_0001>

<sc_bundles>
// kernel: _scatter_table_t.3.cloned.1.call-start
scs
__scs_entry_jumppad:
0x0: {  	(pc) =	sbr.rel $0x88, $3  }
0x1: {  	(tag) =	ssettag $0x0;
	lr =	simm.s32 $0x1  }
0x2: {  	[smem:$0x3F91] =	sst lr;
	_ =	strace $0xD0000000  }
0x3: {  	_ = 	snop  }
0x4: {  	_ = 	snop  }
0x5: {  	_ = 	snop  }
0x6: {  	_ = 	snop  }
0x7: {  	_ = 	snop  }
__scs_overlays_trampoline_lowered:
0x8: {  	[smem:$0x3FA0] =	sst s0  }
0x9: {  	[smem:$0x3FA1] =	sst s1  }
0xa: {  	[smem:$0x3FA2] =	sst s2  }
0xb: {  	[smem:$0x3FA3] =	sst s3  }
0xc: {  	[smem:$0x3FA4] =	sst s4  }
0xd: {  	[smem:$0x3FA5] =	sst s5  }
0xe: {  	[smem:$0x3FA6] =	sst s6  }
0xf: {  	[smem:$0x3FA7] =	sst s7  }
0x10: {  	[smem:$0x3FA8] =	sst s8  }
0x11: {  	[smem:$0x3FA9] =	sst s9;
	s0 =	simm.s32 @!p0 $0x0  }
0x12: {  	s1 =	sld [smem:$0x3F8F];
	s0 =	simm.s32 @p0 $0x1  }
0x13: {  	[smem:$0x3FAA] =	sst s0;
	s0 =	simm.s32 @!p1 $0x0  }
0x14: {  	s2 =	sld [smem:$0x3F8E];
	s0 =	simm.s32 @p1 $0x1  }
0x15: {  	[smem:$0x3FAB] =	sst s0;
	s0 =	simm.s32 @!p2 $0x0  }
0x16: {  	s3 =	sld [smem:$0x3FDB];
	s0 =	simm.s32 @p2 $0x1  }
0x17: {  	s4 =	simm.s32 $0x1BF5;
	[smem:$0x3FAD] =	sst s0  }
0x18: {  	s0 =	sld [smem:$0x3F90];
	_ =	swait.ge [sflag:s4], $0x0  }
0x19: {  	s7 =	sld [smem:$0x3F91]  }
0x1a: {  	s8 =	sadd.s32 $0xFFFFE003, lr  }
0x1b: {  	s9 =	sadd.s32 $0xFFFFFEF7, lr;
	s5 =	simm.s32 $0xFFFFFFFF;
	p2 =	slt.u32 s8, $0xFFFFF086  }
0x1c: {  	p1 =	slt.u32 s9, $0xF7A;
	s5 =	simm.s32 @!p2 $0x0  }
0x1d: {  	s5 =	simm.s32 @p1 $0x1;
	p0 =	seq.s32 s7, s2  }
0x1e: {  	s7 =	smul.u32 @!p0 $0xF7A, s2;
	p2 =	seq.s32 @!p0 s5, $0x0  }
0x1f: {  	s9 =	smul.u32 $0xF7A, s1;
	s8 =	simm.s32 @!p0 $0x1BF5;
	p2 =	por !p2, p0  }
0x20: {  	[sflag:s8] =	ssyncset.s32 @!p0 $0xFFFFF086;
	s6 =	sadd.s32 @!p0 s3, s7;
	s7 =	simm.s32 @!p0 $0x108  }
0x21: {  	s3 =	sadd.s32 s3, s9;
	s6 =	sadd.s32 @!p0 $0x88, s6;
	s7 =	simm.s32 @p2 $0x1082  }
0x22: {  	[simem:s7], [sflag:s8] =	dma.local @!p0 [hbm:s6], $0xF7A  }
0x23: {  	s9 =	sor.u32 $0xD0000000, s2;
	s6 =	simm.s32 $0x108;
	_ =	swait.ge @!p0 [sflag:s8], $0x0  }
0x24: {  	s3 =	sadd.s32 $0x88, s3;
	s6 =	simm.s32 @!p1 $0x1082;
	[sflag:s4] =	ssyncset.s32 $0xFFFFF086  }
0x25: {  	[simem:s6], [sflag:s4] =	dma.local [hbm:s3], $0xF7A  }
0x26: {  	[smem:$0x3F91] =	sst s1;
	(tag) =	ssettag s2;
	_ =	strace s9  }
0x27: {  	s1 =	sld [smem:$0x3FA1]  }
0x28: {  	s2 =	sld [smem:$0x3FA2]  }
0x29: {  	s4 =	sld [smem:$0x3FA4]  }
0x2a: {  	p0 =	seq.s32 s5, $0x0;
	s5 =	sld [smem:$0x3FA5]  }
0x2b: {  	s6 =	sld [smem:$0x3FA6]  }
0x2c: {  	s7 =	sld [smem:$0x3FA7]  }
0x2d: {  	s3 =	simm.s32 $0x108;
	s8 =	sld [smem:$0x3FA8]  }
0x2e: {  	s3 =	simm.s32 @!p0 $0x1082;
	s9 =	sld [smem:$0x3FA9]  }
0x2f: {  	lr =	sadd.s32 s0, s3;
	s0 =	sld [smem:$0x3FA0]  }
0x30: {  	s3 =	sld [smem:$0x3FA3]  }
0x31: {  	[smem:$0x3FAC] =	sst s10  }
0x32: {  	s10 =	sld [smem:$0x3FAA];
	_ =	sdelay $0x3  }
0x33: {  	p0 =	seq.s32 s10, $0x1;
	s10 =	sld [smem:$0x3FAC];
	_ =	sdelay $0x3  }
0x34: {  	[smem:$0x3FAC] =	sst s10  }
0x35: {  	s10 =	sld [smem:$0x3FAB];
	_ =	sdelay $0x3  }
0x36: {  	p1 =	seq.s32 s10, $0x1;
	s10 =	sld [smem:$0x3FAC];
	_ =	sdelay $0x3  }
0x37: {  	[smem:$0x3FAC] =	sst s10  }
0x38: {  	s10 =	sld [smem:$0x3FAD]  }
0x39: {  	_ = 	snop;
	(pc) =	sbr.ind lr, $3  }
0x3a: {  	_ = 	snop  }
0x3b: {  	_ = 	snop  }
0x3c: {  	p2 =	seq.s32 s10, $0x1;
	s10 =	sld [smem:$0x3FAC]  }
0x3d: {  	_ =	shalt  }
0x3e: {  	_ =	shalt  }
0x3f: {  	_ =	shalt  }
0x40: {  	_ =	shalt  }
0x41: {  	_ =	shalt  }
0x42: {  	_ =	shalt  }
0x43: {  	_ =	shalt  }
0x44: {  	_ =	shalt  }
0x45: {  	_ =	shalt  }
0x46: {  	_ =	shalt  }
0x47: {  	_ =	shalt  }
0x48: {  	_ =	shalt  }
0x49: {  	_ =	shalt  }
0x4a: {  	_ =	shalt  }
0x4b: {  	_ =	shalt  }
0x4c: {  	_ =	shalt  }
0x4d: {  	_ =	shalt  }
0x4e: {  	_ =	shalt  }
0x4f: {  	_ =	shalt  }
0x50: {  	_ =	shalt  }
0x51: {  	_ =	shalt  }
0x52: {  	_ =	shalt  }
0x53: {  	_ =	shalt  }
0x54: {  	_ =	shalt  }
0x55: {  	_ =	shalt  }
0x56: {  	_ =	shalt  }
0x57: {  	_ =	shalt  }
0x58: {  	_ =	shalt  }
0x59: {  	_ =	shalt  }
0x5a: {  	_ =	shalt  }
0x5b: {  	_ =	shalt  }
0x5c: {  	_ =	shalt  }
0x5d: {  	_ =	shalt  }
0x5e: {  	_ =	shalt  }
0x5f: {  	_ =	shalt  }
0x60: {  	_ =	shalt  }
0x61: {  	_ =	shalt  }
0x62: {  	_ =	shalt  }
0x63: {  	_ =	shalt  }
0x64: {  	_ =	shalt  }
0x65: {  	_ =	shalt  }
0x66: {  	_ =	shalt  }
0x67: {  	_ =	shalt  }
0x68: {  	_ =	shalt  }
0x69: {  	_ =	shalt  }
0x6a: {  	_ =	shalt  }
0x6b: {  	_ =	shalt  }
0x6c: {  	_ =	shalt  }
0x6d: {  	_ =	shalt  }
0x6e: {  	_ =	shalt  }
0x6f: {  	_ =	shalt  }
0x70: {  	_ =	shalt  }
0x71: {  	_ =	shalt  }
0x72: {  	_ =	shalt  }
0x73: {  	_ =	shalt  }
0x74: {  	_ =	shalt  }
0x75: {  	_ =	shalt  }
0x76: {  	_ =	shalt  }
0x77: {  	_ =	shalt  }
0x78: {  	_ =	shalt  }
0x79: {  	_ =	shalt  }
0x7a: {  	_ =	shalt  }
0x7b: {  	_ =	shalt  }
0x7c: {  	_ =	shalt  }
0x7d: {  	_ =	shalt  }
0x7e: {  	_ =	shalt  }
0x7f: {  	_ =	shalt  }
0x80: {  	_ =	shalt  }
0x81: {  	_ =	shalt  }
0x82: {  	_ =	shalt  }
0x83: {  	_ =	shalt  }
0x84: {  	_ =	shalt  }
0x85: {  	_ =	shalt  }
0x86: {  	_ =	shalt  }
0x87: {  	_ =	shalt  }
.Lfunc_end0:
.L_simem_size_0:
called_computation_lowered:
.L_overlay_start_0:
0x88: {  	s2 =	sld [smem:$0x3FD9]  }
0x89: {  	s3 =	sld [smem:$0x3FFE];
	_ =	sdelay $0x1  }
0x8a: {  	s1 =	srdreg.scid  }
0x8b: {  	s0 =	sand.u32 $0x1, s1  }
0x8c: {  	s23 =	sshll.u32 s0, $0xA;
	s2 =	sadd.s32 s3, s2  }
0x8d: {  	s2 =	sadd.s32 s2, s23  }
0x8e: {  	[smem:$0x3FB8] =	sst s2  }
0x8f: {  	_ = 	snop  }
0x90: {  	s2 =	sld [smem:$0x3FC9]  }
0x91: {  	s3 =	sld [smem:$0x3FC8]  }
0x92: {  	s4 =	sld [smem:$0x3FC7]  }
0x93: {  	s5 =	sld [smem:$0x3FC6]  }
0x94: {  	s6 =	sld [smem:$0x3FC5]  }
0x95: {  	s7 =	sld [smem:$0x3FC4]  }
0x96: {  	s8 =	sld [smem:$0x3FC3]  }
0x97: {  	s9 =	sld [smem:$0x3FC2]  }
0x98: {  	s10 =	sld [smem:$0x3FC1]  }
0x99: {  	s11 =	sld [smem:$0x3FC0]  }
0x9a: {  	s12 =	sld [smem:$0x3FBF]  }
0x9b: {  	s13 =	sld [smem:$0x3FBE]  }
0x9c: {  	s14 =	sld [smem:$0x3FBD]  }
0x9d: {  	s15 =	sld [smem:$0x3FBC]  }
0x9e: {  	s17 =	sld [smem:$0x3FBB]  }
0x9f: {  	s18 =	sld [smem:$0x3FBA]  }
0xa0: {  	s19 =	sld [smem:$0x3FD0];
	(tm) =	ssettm $0x1  }
0xa1: {  	s16 =	sld [smem:$0x3FFB];
	_ =	sdelay $0x3  }
0xa2: {  	_ =	strace s16  }
0xa3: {  	s16 =	sld [smem:$0x3FFC];
	_ =	sdelay $0x3  }
0xa4: {  	_ =	strace s16  }
0xa5: {  	s16 =	sld [smem:$0x3FFD];
	_ =	sdelay $0x3  }
0xa6: {  	_ =	strace s16  }
0xa7: {  	_ =	strace $0x8FFFFFFF  }
0xa8: {  	s24 =	sld [smem:$0x3FDB];
	_ =	sdelay $0x1  }
0xa9: {  	s20 =	simm.s32 $_scs_section_size  }
0xaa: {  	s21 =	simm.s32 $_size__tile_task_arg_handler_lowered;
	s22 =	simm.s32 $_tile_task_arg_handler_lowered  }
0xab: {  	s28 =	simm.s32 $0x1BFF;
	s26 =	sshll.u32 s22, $0x1;
	s20 =	sadd.s32 s20, s24  }
0xac: {  	s25 =	sshll.u32 s21, $0x1;
	s23 =	simm.s32 $0x60;
	s21 =	sadd.s32 s26, s20  }
0xad: {  	[timem:s23], [sflag:s28] =	dma.local [hbm:s21], s25  }
0xae: {  	_ =	swait.ge [sflag:s28], s25  }
0xaf: {  	s29 =	simm.s32 $_tile_overlayer_lowered;
	s16 =	ssub.s32 $0x0, s25;
	[sflag:s28] =	ssyncset.done $0x0  }
0xb0: {  	s30 =	simm.s32 $_size__tile_overlayer_lowered;
	s21 =	sshll.u32 s29, $0x1;
	[sflag:s28] =	ssyncadd.s32 s16  }
0xb1: {  	s31 =	sshll.u32 s30, $0x1;
	s21 =	sadd.s32 s21, s20;
	s16 =	simm.s32 $0x0  }
0xb2: {  	[timem:s16], [sflag:s28] =	dma.local [hbm:s21], s31  }
0xb3: {  	_ =	swait.ge [sflag:s28], s31  }
0xb4: {  	s23 =	ssub.s32 $0x0, s31;
	[sflag:s28] =	ssyncset.done $0x0  }
0xb5: {  	[sflag:s28] =	ssyncadd.s32 s23;
	_ =	sdelay $0x1  }
0xb6: {  	s24 =	simm.s32 $0x1B8B  }
0xb7: {  	_ =	swait.ge [sflag:s24], $0x1  }
0xb8: {  	[sflag:s24] =	ssyncset.done $0x0  }
0xb9: {  	s25 =	simm.s32 $0x1B8E;
	[sflag:s24] =	ssyncadd.s32 $0xFFFFFFFF  }
0xba: {  	s26 =	simm.s32 $execute0_lowered;
	[smem:$0x3FD2] =	sst s25  }
0xbb: {  	s21 =	sshll.u32 s26, $0x1;
	_ =	strace $0x80000046;
	[dreg:$0x1] =	wrdreg $0xFFFFFFFF  }
0xbc: {  	s20 =	sadd.s32 s20, s21;
	s28 =	simm.s32 $_size_execute0_lowered;
	[dreg:$0x0] =	wrdreg $0x0  }
0xbd: {  	s21 =	sshll.u32 s28, $0x1;
	[dreg:$0x2] =	wrdreg s20  }
0xbe: {  	[dreg:$0x3] =	wrdreg s21  }
0xbf: {  	[dreg:$0x4] =	wrdreg $0xC0  }
0xc0: {  	_ =	task [dreg:s16], $0x5FFFF  }
0xc1: {  	[dreg:$0x1] =	wrdreg $0xFFFFFFFF  }
0xc2: {  	[dreg:$0x0] =	wrdreg $0x30  }
0xc3: {  	[dreg:$0x2] =	wrdreg $0x0  }
0xc4: {  	[dreg:$0x3] =	wrdreg s17  }
0xc5: {  	[dreg:$0x4] =	wrdreg s18  }
0xc6: {  	[dreg:$0x5] =	wrdreg s19  }
0xc7: {  	[dreg:$0x6] =	wrdreg $0x9  }
0xc8: {  	_ =	task [dreg:s16], $0x7FFFF  }
0xc9: {  	[dreg:$0x1] =	wrdreg $0xFFFFFFFF  }
0xca: {  	[dreg:$0x0] =	wrdreg $0x60  }
0xcb: {  	[dreg:$0x2] =	wrdreg s2  }
0xcc: {  	[dreg:$0x3] =	wrdreg s3  }
0xcd: {  	[dreg:$0x4] =	wrdreg s4  }
0xce: {  	[dreg:$0x5] =	wrdreg s5  }
0xcf: {  	[dreg:$0x6] =	wrdreg s6  }
0xd0: {  	[dreg:$0x7] =	wrdreg s7  }
0xd1: {  	[dreg:$0x8] =	wrdreg s8  }
0xd2: {  	[dreg:$0x9] =	wrdreg s9  }
0xd3: {  	[dreg:$0xa] =	wrdreg s10  }
0xd4: {  	[dreg:$0xb] =	wrdreg s11  }
0xd5: {  	[dreg:$0xc] =	wrdreg s12  }
0xd6: {  	[dreg:$0xd] =	wrdreg s13  }
0xd7: {  	[dreg:$0xe] =	wrdreg s14  }
0xd8: {  	[dreg:$0xf] =	wrdreg s15  }
0xd9: {  	_ =	task.clear_ibuf [dreg:s16], $0x10FFFF;
	_ =	strace $0x90000046  }
0xda: {  	s29 =	simm.s32 $0x9;
	_ =	strace $0x8000004B  }
0xdb: {  	_ =	swait.ge [sflag:s29], $0x1  }
0xdc: {  	[sflag:s29] =	ssyncadd.s32 $0xFFFFFFFF  }
0xdd: {  	_ =	strace $0x9000004B  }
0xde: {  	_ =	sfence  }
0xdf: {  	s30 =	sld [smem:$0x0];
	_ =	sdelay $0x2  }
0xe0: {  	s31 =	sshll.u32 s1, $0xD;
	s1 =	sshrl.u32 s1, $0x2  }
0xe1: {  	s3 =	sand.u32 $0x4000, s31;
	s1 =	sadd.s32 s1, s30  }
0xe2: {  	s0 =	sor.u32 s3, s0;
	s1 =	sshll.u32 s1, $0x11  }
0xe3: {  	s0 =	sor.u32 s1, s0  }
0xe4: {  	s0 =	sadd.s32 $0x8F2B, s0  }
0xe5: {  	[sflag:s0] =	ssyncadd.remote.s32 $0x1  }
0xe6: {  	_ =	sfence.sel $0xFFFF  }
0xe7: {  	[dreg:$0x0] =	wrdreg $0xFFFFFFFF;
	(pc) =	sbr.abs _section_cstart, $3  }
0xe8: {  	[dreg:$0x1] =	wrdreg $0xFFFFFFFF  }
0xe9: {  	_ =	task.clear_ibuf [dreg:s16], $0x2FFFF;
	_ =	strace $0x9FFFFFFF  }
0xea: {  	(tm) =	ssettm $0x7FFFFFFF  }
0xeb: {  	_ =	shalt  }
tec
_tile_task_arg_handler_lowered:
.L_overlay_start_1:
0x0: {  	(tag) =	ssettag $0x1  }
0x1: {  	s0 =	rddreg [dreg:$0x0]  }
0x2: {  	s1 =	rddreg [dreg:$0x1]  }
0x3: {  	s2 =	rddreg [dreg:$0x2]  }
0x4: {  	s3 =	rddreg [dreg:$0x3]  }
0x5: {  	s4 =	rddreg [dreg:$0x4]  }
0x6: {  	s5 =	rddreg [dreg:$0x5]  }
0x7: {  	s6 =	rddreg [dreg:$0x6]  }
0x8: {  	s7 =	rddreg [dreg:$0x7]  }
0x9: {  	s8 =	rddreg [dreg:$0x8]  }
0xa: {  	s9 =	rddreg [dreg:$0x9]  }
0xb: {  	s10 =	rddreg [dreg:$0xa]  }
0xc: {  	s11 =	rddreg [dreg:$0xb]  }
0xd: {  	s12 =	rddreg [dreg:$0xc]  }
0xe: {  	s13 =	rddreg [dreg:$0xd]  }
0xf: {  	[smem:s0] =	sst s1  }
0x10: {  	[smem:s0+$0x1] =	sst s2  }
0x11: {  	[smem:s0+$0x2] =	sst s3  }
0x12: {  	[smem:s0+$0x3] =	sst s4  }
0x13: {  	[smem:s0+$0x4] =	sst s5  }
0x14: {  	[smem:s0+$0x5] =	sst s6  }
0x15: {  	[smem:s0+$0x6] =	sst s7  }
0x16: {  	[smem:s0+$0x7] =	sst s8  }
0x17: {  	[smem:s0+$0x8] =	sst s9  }
0x18: {  	[smem:s0+$0x9] =	sst s10  }
0x19: {  	[smem:s0+$0xA] =	sst s11  }
0x1a: {  	[smem:s0+$0xB] =	sst s12  }
0x1b: {  	[smem:s0+$0xC] =	sst s13;
	_ =	shalt  }
.Lfunc_end2:
execute0_lowered:
.L_overlay_start_2:
0x1c: {  	(tag) =	ssettag $0x2  }
0x1d: {  	s12 =	rddreg [dreg:$0x9]  }
0x1e: {  	s13 =	rddreg [dreg:$0xa]  }
0x1f: {  	s25 =	rddreg [dreg:$0xb]  }
0x20: {  	s26 =	rddreg [dreg:$0xc]  }
0x21: {  	s16 =	rddreg [dreg:$0xd];
	s0 =	simm.s32 $0x0;
	v0 =	vimm.s32 $0x2380;
	vm0 =	vcmask $0x300  }
0x22: {  	s21 =	srdreg.scid;
	vm14 =	vcmask $0x704;
	[smem:$0x7FF] =	sst s0;
	v0 =	vsel vm0, $0x0, v0  }
0x23: {  	s5 =	stileid.u32;
	vm15 =	vcmask $0xB08;
	s31 =	simm.s32 $0x4900;
	s0 =	sld [smem:$0x0];
	v0 =	vsel vm14, $0x80, v0  }
0x24: {  	vm4 =	vcmask $0xF0C;
	s14 =	simm.s32 $0x8A00;
	s17 =	simm.s32 $0x11300;
	s28 =	simm.s32 $0x2000;
	v0 =	vsel vm15, $0x100, v0  }
0x25: {  	vm5 =	vcmask $0x1310;
	s29 =	simm.s32 $0x7A1400;
	s30 =	simm.s32 $0xCA00;
	s2 =	sld [smem:$0x3];
	v0 =	vsel vm4, $0x180, v0  }
0x26: {  	vm6 =	vcmask $0x1714;
	s1 =	sshll.u32 s5, $0x1;
	[dreg:$0xe] =	wrdreg s0;
	s0 =	sand.u32 $0x1, s21;
	v0 =	vsel vm5, $0x200, v0  }
0x27: {  	vm7 =	vcmask $0x1B18;
	s15 =	simm.s32 $0x3;
	s23 =	sld [smem:$0x1];
	s1 =	sor.u32 s0, s1;
	v1 =	vsel vm6, $0x280, v0  }
0x28: {  	vm8 =	vcmask $0x1F1C;
	vm9 =	vcmask $0x2320;
	p0 =	sgt.u32 s5, $0x1;
	s19 =	sld [smem:$0x2];
	s22 =	smul.u32 $0xF4, s1;
	v2 =	vsel vm7, $0x300, v1  }
0x29: {  	vm10 =	vcmask $0x2724;
	vm11 =	vcmask $0x2B28;
	[dreg:$0xf] =	wrdreg s2;
	s0 =	ssub.s32 $0x2, s0;
	s4 =	smin.u32 s1, $0x4;
	v3 =	vsel vm8, $0x380, v2  }
0x2a: {  	vm12 =	vcmask $0x2F2C;
	vm13 =	vcmask $0x3330;
	_ =	strace $0x80000047;
	s3 =	sshrl.u32 s0, $0x1;
	s2 =	sadd.s32 s4, s22;
	v4 =	vsel vm9, $0x2000, v3  }
0x2b: {  	vm14 =	vcmask $0x3734;
	vm15 =	vcmask $0x3B38;
	p1 =	sne.s32 s1, $0x1F;
	s4 =	simm.s32 $0x7A00;
	s20 =	sshll.u32 s2, $0x7;
	v5 =	vsel vm10, $0x2080, v4  }
.Ltmp0:
0x2c: {  	s0 =	ssub.s32 s0, s3;
	s4 =	simm.s32 @!p0 $0x7A80;
	v4 =	vlaneseq.u32;
	v2 =	vmov s20;
	v6 =	vsel vm11, $0x2100, v5;
	(pc) =	sbr.rel .LBB3_1-.Ltmp0, $4  }
0x2d: {  	s1 =	sadd.s32 s4, s20;
	s21 =	sadd.s32 $0x7800, s20;
	s2 =	sadd.s32 $0x7C00, s20;
	v5 =	vmul.u32 $0x8, v4;
	v9 =	vmul.u32 $0x410, v4;
	v7 =	vsel vm12, $0x2180, v6  }
0x2e: {  	s0 =	smax.u32 s0, $0x1;
	p0 =	por !p0, !p1;
	s1 =	simm.s32 @!p1 $0xF4240;
	v1 =	vmov s2;
	v3 =	vmov s21;
	v8 =	vsel vm13, $0x2200, v7  }
0x2f: {  	[dreg:$0x11] =	wrdreg s0;
	p0 =	por !p0, !p0;
	s24 =	sadd.s32 s19, s21;
	v6 =	vimm.f32 $1.700000000e+01;
	v0 =	vmov s1;
	v10 =	vsel vm14, $0x2280, v8  }
0x30: {  	s4 =	simm.s32 $0x0;
	[dreg:$0x10] =	wrdreg s24;
	s24 =	simm.s32 $0x1;
	v7 =	vimm.s32 $0xFFFFFFFF;
	v8 =	vimm.f32 $0.0e+00;
	v10 =	vsel vm15, $0x2300, v10  }
.LBB3_71:
0x31: {  	s4 =	rddreg [dreg:$0x12]  }
.LBB3_72:
0x32: {  	s1 =	simm.s32 @p0 $0x0;
	s2 =	simm.s32 @p0 $0x8A00;
	s0 =	rddreg [dreg:$0x10]  }
0x33: {  	[hbm4b:s0+s1] =	stream.linear.scatter @p0 [tilespmem:s2], [sflag:$0x2], $0x1000, $0x38;
	[tilespmem:$0x11400] =	vst v63  }
0x34: {  	s3 =	simm.s32 @p0 $0xAA00;
	s2 =	sadd.s32 $0xF4280, s0  }
0x35: {  	[hbm4b:s2+s1] =	stream.linear.scatter @p0 [tilespmem:s3], [sflag:$0x2], $0x1000, $0x38;
	[tilespmem:$0x11400] =	vst v63  }
0x36: {  	s1 =	simm.s32 @p0 $0x2  }
0x37: {  	_ =	swait.ge @p0 [sflag:s1], $0x2000  }
0x38: {  	[sflag:s1] =	ssyncset.done @p0 $0x0  }
0x39: {  	s3 =	simm.s32 @!p0 $0x8A00;
	[sflag:s1] =	ssyncadd.s32 @p0 $0xFFFFE000;
	s1 =	simm.s32 @!p0 $0x0  }
0x3a: {  	[hbm4b:s0+s1] =	stream.linear.scatter @!p0 [tilespmem:s3], [sflag:$0x2], $0x1400, $0x38;
	[tilespmem:$0x11400] =	vst v63  }
0x3b: {  	s3 =	simm.s32 @!p0 $0xAA00  }
0x3c: {  	[hbm4b:s2+s1] =	stream.linear.scatter @!p0 [tilespmem:s3], [sflag:$0x2], $0x1400, $0x38;
	[tilespmem:$0x11400] =	vst v63  }
0x3d: {  	s1 =	simm.s32 @!p0 $0x2  }
0x3e: {  	_ =	swait.ge @!p0 [sflag:s1], $0x2800  }
0x3f: {  	[sflag:s1] =	ssyncset.done @!p0 $0x0  }
0x40: {  	[sflag:s1] =	ssyncadd.s32 @!p0 $0xFFFFD800  }
0x41: {  	_ =	swait.ge [sflag:s15], $0x4000  }
0x42: {  	s4 =	sadd.s32 $0x1, s4;
	s22 =	rddreg [dreg:$0x11]  }
0x43: {  	p1 =	sne.s32 s4, s22  }
.Ltmp1:
0x44: {  	_ = 	snop;
	(pc) =	sbr.rel @!p1 .LBB3_73-.Ltmp1, $3  }
0x45: {  	_ =	sdelay $0x1  }
0x46: {  	[sflag:s15] =	ssyncset.done $0x0  }
0x47: {  	[sflag:s15] =	ssyncadd.s32 $0xFFFFC000  }
.LBB3_1:
0x48: {  	s2 =	simm.s32 $0x0  }
0x49: {  	s1 =	rddreg [dreg:$0x0];
	v11 =	vmov s2  }
0x4a: {  	[tilespmem:s2], [sflag:$0x1] =	stream.linear.gather [hbm4b:s1+s2], $0x4000, $0x38;
	v11 =	vshll.u32 v11, $0x3;
	[tilespmem:$0x11400] =	vst v63  }
0x4b: {  	s1 =	simm.s32 $0x4000;
	v11 =	vor.u32 v5, v11  }
0x4c: {  	s2 =	simm.s32 $0x4480;
	[tilespmem:s1+$0x0] =	vst v11  }
0x4d: {  	s3 =	simm.s32 $0x85F0;
	[tilespmem:s2+$0x0] =	vst v7  }
0x4e: {  	[dreg:$0x12] =	wrdreg s4;
	s4 =	simm.s32 $0x10;
	[tilespmem:s3+$0x0] =	vst v6  }
.LBB3_2:
0x4f: {  	v11 =	vmov s4;
	p1 =	sne.s32 s4, $0x400  }
.Ltmp2:
0x50: {  	v11 =	vshll.u32 v11, $0x3;
	(pc) =	sbr.rel @p1 .LBB3_2-.Ltmp2, $4  }
0x51: {  	s4 =	sadd.s32 $0x10, s4;
	s1 =	sadd.s32 $0x10, s1;
	v11 =	vor.u32 v5, v11  }
0x52: {  	s2 =	sadd.s32 $0x10, s2;
	[tilespmem:s1+$0x0] =	vst v11  }
0x53: {  	s3 =	sadd.s32 $0x10, s3;
	[tilespmem:s2+$0x0] =	vst v7  }
0x54: {  	[tilespmem:s3+$0x0] =	vst v6  }
0x55: {  	s1 =	simm.s32 $0x0  }
0x56: {  	s2 =	sand.u32 $0x70, s1;
	s3 =	sand.u32 $0x1C00, s1  }
0x57: {  	s2 =	sor.u32 s2, s3  }
0x58: {  	[tilespmem:s2+$0x8D00] =	vst v8  }
0x59: {  	[tilespmem:s2+$0xCD00] =	vst v8  }
0x5a: {  	[tilespmem:s2+$0xCC80] =	vst v8  }
0x5b: {  	[tilespmem:s2+$0x8C80] =	vst v8  }
0x5c: {  	[tilespmem:s2+$0xCC00] =	vst v8  }
0x5d: {  	[tilespmem:s2+$0xCB80] =	vst v8  }
0x5e: {  	[tilespmem:s2+$0x8C00] =	vst v8  }
0x5f: {  	[tilespmem:s2+$0xCB00] =	vst v8  }
0x60: {  	[tilespmem:s2+$0x8B00] =	vst v8  }
0x61: {  	[tilespmem:s2+$0xCA80] =	vst v8  }
0x62: {  	[tilespmem:s2+$0x8A80] =	vst v8  }
0x63: {  	[tilespmem:s2+$0xCA00] =	vst v8  }
0x64: {  	s1 =	sor.u32 s1, s1;
	[tilespmem:s2+$0x8B80] =	vst v8  }
0x65: {  	s22 =	sor.u32 $0x380, s1;
	[tilespmem:s2+$0x8A00] =	vst v8  }
0x66: {  	[tilespmem:s22+$0x8A00] =	vst v8  }
0x67: {  	[tilespmem:s22+$0xCA00] =	vst v8  }
0x68: {  	[tilespmem:s2+$0xED00] =	vst v8  }
0x69: {  	[tilespmem:s2+$0xAD00] =	vst v8  }
0x6a: {  	[tilespmem:s2+$0xAC80] =	vst v8  }
0x6b: {  	[tilespmem:s2+$0xEC80] =	vst v8  }
0x6c: {  	[tilespmem:s2+$0xEC00] =	vst v8  }
0x6d: {  	[tilespmem:s2+$0xAC00] =	vst v8  }
0x6e: {  	[tilespmem:s2+$0xEB80] =	vst v8  }
0x6f: {  	[tilespmem:s2+$0xAB00] =	vst v8  }
0x70: {  	[tilespmem:s2+$0xEA80] =	vst v8  }
0x71: {  	[tilespmem:s2+$0xAB80] =	vst v8  }
0x72: {  	[tilespmem:s2+$0xAA80] =	vst v8  }
0x73: {  	[tilespmem:s2+$0xEB00] =	vst v8  }
0x74: {  	[tilespmem:s2+$0xEA00] =	vst v8  }
0x75: {  	s5 =	simm.s32 $0x10;
	s4 =	sor.u32 $0x2380, s1;
	s1 =	simm.s32 $0x80;
	[tilespmem:s2+$0xAA00] =	vst v8  }
.LBB3_4:
0x76: {  	s3 =	sand.u32 $0x70, s5  }
0x77: {  	s6 =	sand.u32 $0x1C00, s1;
	[tilespmem:s4+$0x8A00] =	vst v8;
	s7 =	smov.u32 s5;
	s2 =	sadd.s32 $0x10, s5  }
0x78: {  	p1 =	sne.s32 s5, $0x3F0;
	s3 =	sor.u32 s3, s6;
	[tilespmem:s4+$0xCA00] =	vst v8  }
0x79: {  	[tilespmem:s3+$0x8D00] =	vst v8  }
0x7a: {  	[tilespmem:s3+$0xCD00] =	vst v8  }
0x7b: {  	[tilespmem:s3+$0xCC80] =	vst v8  }
0x7c: {  	[tilespmem:s3+$0x8C80] =	vst v8  }
0x7d: {  	[tilespmem:s3+$0xCC00] =	vst v8  }
0x7e: {  	[tilespmem:s3+$0xCB80] =	vst v8  }
0x7f: {  	[tilespmem:s3+$0x8C00] =	vst v8  }
0x80: {  	[tilespmem:s3+$0xCB00] =	vst v8  }
0x81: {  	[tilespmem:s3+$0x8B00] =	vst v8  }
0x82: {  	[tilespmem:s3+$0xCA80] =	vst v8  }
0x83: {  	[tilespmem:s3+$0x8A80] =	vst v8  }
0x84: {  	[tilespmem:s3+$0xCA00] =	vst v8  }
0x85: {  	s4 =	sor.u32 s7, s1;
	[tilespmem:s3+$0x8B80] =	vst v8  }
0x86: {  	s5 =	sor.u32 $0x380, s4;
	[tilespmem:s3+$0x8A00] =	vst v8  }
0x87: {  	[tilespmem:s5+$0x8A00] =	vst v8  }
0x88: {  	[tilespmem:s5+$0xCA00] =	vst v8  }
0x89: {  	[tilespmem:s3+$0xED00] =	vst v8  }
0x8a: {  	[tilespmem:s3+$0xAD00] =	vst v8  }
0x8b: {  	[tilespmem:s3+$0xAC80] =	vst v8  }
0x8c: {  	[tilespmem:s3+$0xEC80] =	vst v8  }
0x8d: {  	[tilespmem:s3+$0xEC00] =	vst v8  }
0x8e: {  	[tilespmem:s3+$0xAC00] =	vst v8  }
0x8f: {  	[tilespmem:s3+$0xEB80] =	vst v8  }
0x90: {  	[tilespmem:s3+$0xAB00] =	vst v8  }
0x91: {  	[tilespmem:s3+$0xEA80] =	vst v8  }
.Ltmp3:
0x92: {  	[tilespmem:s3+$0xAB80] =	vst v8;
	(pc) =	sbr.rel @p1 .LBB3_4-.Ltmp3, $4  }
0x93: {  	[tilespmem:s3+$0xAA80] =	vst v8  }
0x94: {  	[tilespmem:s3+$0xEB00] =	vst v8  }
0x95: {  	[tilespmem:s3+$0xEA00] =	vst v8  }
0x96: {  	s1 =	sadd.s32 $0x80, s1;
	s4 =	sor.u32 $0x2380, s4;
	s5 =	smov.u32 s2;
	[tilespmem:s3+$0xAA00] =	vst v8  }
0x97: {  	[tilespmem:s4+$0x8A00] =	vst v8  }
0x98: {  	[tilespmem:s4+$0xCA00] =	vst v8  }
0x99: {  	_ =	swait.ge [sflag:s24], $0x4000  }
0x9a: {  	[sflag:s24] =	ssyncset.done $0x0  }
0x9b: {  	[sflag:s24] =	ssyncadd.s32 $0xFFFFC000  }
0x9c: {  	s3 =	simm.s32 $0x10;
	_ =	strace $0x80000048  }
0x9d: {  	s1 =	simm.s32 $0x0;
	s4 =	simm.s32 $0x20;
	s2 =	simm.s32 $0x0;
	v11 =	vld [tilespmem:s3+$0xFFFFFFF0]  }
.LBB3_6:
0x9e: {  	p1 =	sne.s32 s4, $0x3FE0;
	_ =	sdelay $0x1  }
0x9f: {  	v12 =	vld [tilespmem:s3+$0x0];
	_ =	sdelay $0x1  }
0xa0: {  	vm0 =	vge.s32 v11, v2;
	vm1 =	vlt.s32 v11, v0  }
0xa1: {  	v13 =	vor.u32 s1, v4;
	vm0 =	vmand vm0, vm1  }
0xa2: {  	v14 =	vmpcnt.ones.xlane vm0;
	[tilespmem:s2+$0x4000] =	vst.msk vm0, v13  }
0xa3: {  	vm1 =	vge.s32 v12, v2;
	vm2 =	vlt.s32 v12, v0;
	[tilespmem:s2+$0x4480] =	vst.msk vm0, v11  }
0xa4: {  	vm0 =	vmand vm1, vm2;
	(v2sf) =	vpush v14, $0x0  }
0xa5: {  	v11 =	vmpcnt.ones.xlane vm0;
	_ =	sdelay $0x1  }
0xa6: {  	(v2sf) =	vpush v11, $0x0;
	_ =	sdelay $0xb  }
0xa7: {  	s5 =	spop (v2sf)  }
0xa8: {  	s5 =	sadd.s32 s2, s5  }
.Ltmp4:
0xa9: {  	s1 =	sadd.s32 $0x10, s1;
	p2 =	slt.s32 s5, $0x400;
	(pc) =	sbr.rel @p1 .LBB3_6-.Ltmp4, $4  }
0xaa: {  	v11 =	vor.u32 s1, v4;
	s1 =	smov.u32 s4;
	s5 =	simm.s32 @!p2 $0x400;
	s2 =	spop (v2sf)  }
0xab: {  	[tilespmem:s5+$0x4000] =	vst.msk vm0, v11;
	s2 =	sadd.s32 s2, s5  }
0xac: {  	s3 =	sadd.s32 $0x20, s3;
	[tilespmem:s5+$0x4480] =	vst.msk vm0, v12;
	p2 =	slt.s32 s2, $0x400  }
0xad: {  	s4 =	sadd.s32 $0x20, s4;
	v11 =	vld [tilespmem:s3+$0xFFFFFFF0];
	s2 =	simm.s32 @!p2 $0x400  }
0xae: {  	_ =	sdelay $0x2  }
0xaf: {  	v12 =	vld [tilespmem:s3+$0x0]  }
0xb0: {  	vm0 =	vge.s32 v11, v2;
	vm1 =	vlt.s32 v11, v0  }
0xb1: {  	vm0 =	vmand vm0, vm1  }
0xb2: {  	v13 =	vmpcnt.ones.xlane vm0;
	_ =	sdelay $0x1  }
0xb3: {  	vm15 =	vge.s32 v12, v2;
	vm2 =	vlt.s32 v12, v0;
	(v2sf) =	vpush v13, $0x0  }
0xb4: {  	vm1 =	vmand vm15, vm2  }
0xb5: {  	v62 =	vmpcnt.ones.xlane vm1;
	_ =	sdelay $0x1  }
0xb6: {  	(v2sf) =	vpush v62, $0x0;
	_ =	sdelay $0xa  }
0xb7: {  	s11 =	spop (v2sf)  }
0xb8: {  	v63 =	vor.u32 s1, v4;
	s3 =	sadd.s32 s2, s11  }
0xb9: {  	s18 =	sadd.s32 $0x10, s1;
	[tilespmem:s2+$0x4000] =	vst.msk vm0, v63;
	p1 =	slt.s32 s3, $0x400  }
0xba: {  	[tilespmem:s2+$0x4480] =	vst.msk vm0, v11;
	v11 =	vor.u32 s18, v4;
	s3 =	simm.s32 @!p1 $0x400  }
0xbb: {  	s22 =	spop (v2sf);
	[tilespmem:s3+$0x4000] =	vst.msk vm1, v11  }
0xbc: {  	s1 =	sadd.s32 s22, s3;
	[tilespmem:s3+$0x4480] =	vst.msk vm1, v12  }
0xbd: {  	p1 =	slt.s32 s1, $0x1;
	_ =	strace $0x90000048  }
0xbe: {  	s2 =	simm.s32 @!p1 $0x80;
	_ =	strace $0x80000049  }
0xbf: {  	s3 =	simm.s32 @!p1 $0x4000;
	s4 =	simm.s32 @!p1 $0x4900;
	s5 =	rddreg [dreg:$0x1]  }
0xc0: {  	[tilespmem:s4], [sflag:$0x1] =	stream.indirect.gather @!p1 [hbm4b:s5+s2], $0x1, s3, s2, $0x2000b8;
	[tilespmem:$0x11400] =	vst v63  }
0xc1: {  	s6 =	rddreg [dreg:$0x2];
	s4 =	simm.s32 @!p1 $0x4D10  }
0xc2: {  	[tilespmem:s4], [sflag:$0x1] =	stream.indirect.gather @!p1 [hbm4b:s6+s2], $0x1, s3, s2, $0x2000b8;
	[tilespmem:$0x11400] =	vst v63  }
0xc3: {  	s7 =	rddreg [dreg:$0x3];
	s4 =	simm.s32 @!p1 $0x5120  }
0xc4: {  	[tilespmem:s4], [sflag:$0x1] =	stream.indirect.gather @!p1 [hbm4b:s7+s2], $0x1, s3, s2, $0x2000b8;
	[tilespmem:$0x11400] =	vst v63  }
0xc5: {  	s8 =	rddreg [dreg:$0x4];
	s4 =	simm.s32 @!p1 $0x5530  }
0xc6: {  	[tilespmem:s4], [sflag:$0x1] =	stream.indirect.gather @!p1 [hbm4b:s8+s2], $0x1, s3, s2, $0x2000b8;
	[tilespmem:$0x11400] =	vst v63  }
0xc7: {  	s9 =	rddreg [dreg:$0x5];
	s4 =	simm.s32 @!p1 $0x5940  }
0xc8: {  	[tilespmem:s4], [sflag:$0x1] =	stream.indirect.gather @!p1 [hbm4b:s9+s2], $0x1, s3, s2, $0x2000b8;
	[tilespmem:$0x11400] =	vst v63  }
0xc9: {  	s10 =	rddreg [dreg:$0x6];
	s4 =	simm.s32 @!p1 $0x5D50  }
0xca: {  	[tilespmem:s4], [sflag:$0x1] =	stream.indirect.gather @!p1 [hbm4b:s10+s2], $0x1, s3, s2, $0x2000b8;
	[tilespmem:$0x11400] =	vst v63  }
0xcb: {  	s11 =	rddreg [dreg:$0x7];
	s4 =	simm.s32 @!p1 $0x6160  }
0xcc: {  	[tilespmem:s4], [sflag:$0x1] =	stream.indirect.gather @!p1 [hbm4b:s11+s2], $0x1, s3, s2, $0x2000b8;
	[tilespmem:$0x11400] =	vst v63  }
0xcd: {  	s22 =	rddreg [dreg:$0x8];
	s4 =	simm.s32 @!p1 $0x6570  }
0xce: {  	[tilespmem:s4], [sflag:$0x1] =	stream.indirect.gather @!p1 [hbm4b:s22+s2], $0x1, s3, s2, $0x2000b8;
	[tilespmem:$0x11400] =	vst v63  }
0xcf: {  	s4 =	simm.s32 @!p1 $0x6980  }
0xd0: {  	[tilespmem:s4], [sflag:$0x1] =	stream.indirect.gather @!p1 [hbm4b:s12+s2], $0x1, s3, s2, $0x2000b8;
	[tilespmem:$0x11400] =	vst v63  }
0xd1: {  	s4 =	simm.s32 @!p1 $0x6D90  }
0xd2: {  	[tilespmem:s4], [sflag:$0x1] =	stream.indirect.gather @!p1 [hbm4b:s13+s2], $0x1, s3, s2, $0x2000b8;
	[tilespmem:$0x11400] =	vst v63  }
0xd3: {  	s4 =	simm.s32 @!p1 $0x71A0  }
0xd4: {  	[tilespmem:s4], [sflag:$0x1] =	stream.indirect.gather @!p1 [hbm4b:s25+s2], $0x1, s3, s2, $0x2000b8;
	[tilespmem:$0x11400] =	vst v63  }
0xd5: {  	s4 =	simm.s32 @!p1 $0x75B0  }
0xd6: {  	[tilespmem:s4], [sflag:$0x1] =	stream.indirect.gather @!p1 [hbm4b:s26+s2], $0x1, s3, s2, $0x2000b8;
	[tilespmem:$0x11400] =	vst v63  }
0xd7: {  	s4 =	simm.s32 @!p1 $0x79C0  }
0xd8: {  	[tilespmem:s4], [sflag:$0x1] =	stream.indirect.gather @!p1 [hbm4b:s16+s2], $0x1, s3, s2, $0x2000b8;
	[tilespmem:$0x11400] =	vst v63  }
0xd9: {  	s18 =	rddreg [dreg:$0xe];
	s4 =	simm.s32 @!p1 $0x7DD0  }
0xda: {  	[tilespmem:s4], [sflag:$0x1] =	stream.indirect.gather @!p1 [hbm4b:s18+s2], $0x1, s3, s2, $0x2000b8;
	[tilespmem:$0x11400] =	vst v63  }
0xdb: {  	p2 =	slt.u32 @!p1 s1, $0x81;
	s4 =	simm.s32 @!p1 $0x81E0  }
0xdc: {  	[tilespmem:s4], [sflag:$0x1] =	stream.indirect.gather @!p1 [hbm4b:s23+s2], $0x1, s3, s2, $0x2000b8;
	[tilespmem:$0x11400] =	vst v63  }
0xdd: {  	p1 =	por p1, p2  }
0xde: {  	s2 =	simm.s32 @!p1 $0x80;
	s3 =	simm.s32 @!p1 $0x4080;
	s4 =	simm.s32 @!p1 $0x4980  }
0xdf: {  	[tilespmem:s4], [sflag:$0x1] =	stream.indirect.gather @!p1 [hbm4b:s5+s2], $0x1, s3, s2, $0x2000b8;
	[tilespmem:$0x11400] =	vst v63  }
0xe0: {  	s4 =	simm.s32 @!p1 $0x4D90  }
0xe1: {  	[tilespmem:s4], [sflag:$0x1] =	stream.indirect.gather @!p1 [hbm4b:s6+s2], $0x1, s3, s2, $0x2000b8;
	[tilespmem:$0x11400] =	vst v63  }
0xe2: {  	s4 =	simm.s32 @!p1 $0x51A0  }
0xe3: {  	[tilespmem:s4], [sflag:$0x1] =	stream.indirect.gather @!p1 [hbm4b:s7+s2], $0x1, s3, s2, $0x2000b8;
	[tilespmem:$0x11400] =	vst v63  }
0xe4: {  	s4 =	simm.s32 @!p1 $0x55B0  }
0xe5: {  	[tilespmem:s4], [sflag:$0x1] =	stream.indirect.gather @!p1 [hbm4b:s8+s2], $0x1, s3, s2, $0x2000b8;
	[tilespmem:$0x11400] =	vst v63  }
0xe6: {  	s4 =	simm.s32 @!p1 $0x59C0  }
0xe7: {  	[tilespmem:s4], [sflag:$0x1] =	stream.indirect.gather @!p1 [hbm4b:s9+s2], $0x1, s3, s2, $0x2000b8;
	[tilespmem:$0x11400] =	vst v63  }
0xe8: {  	s4 =	simm.s32 @!p1 $0x5DD0  }
0xe9: {  	[tilespmem:s4], [sflag:$0x1] =	stream.indirect.gather @!p1 [hbm4b:s10+s2], $0x1, s3, s2, $0x2000b8;
	[tilespmem:$0x11400] =	vst v63  }
0xea: {  	s4 =	simm.s32 @!p1 $0x61E0  }
0xeb: {  	[tilespmem:s4], [sflag:$0x1] =	stream.indirect.gather @!p1 [hbm4b:s11+s2], $0x1, s3, s2, $0x2000b8;
	[tilespmem:$0x11400] =	vst v63  }
0xec: {  	s4 =	simm.s32 @!p1 $0x65F0  }
0xed: {  	[tilespmem:s4], [sflag:$0x1] =	stream.indirect.gather @!p1 [hbm4b:s22+s2], $0x1, s3, s2, $0x2000b8;
	[tilespmem:$0x11400] =	vst v63  }
0xee: {  	s4 =	simm.s32 @!p1 $0x6A00  }
0xef: {  	[tilespmem:s4], [sflag:$0x1] =	stream.indirect.gather @!p1 [hbm4b:s12+s2], $0x1, s3, s2, $0x2000b8;
	[tilespmem:$0x11400] =	vst v63  }
0xf0: {  	s4 =	simm.s32 @!p1 $0x6E10  }
0xf1: {  	[tilespmem:s4], [sflag:$0x1] =	stream.indirect.gather @!p1 [hbm4b:s13+s2], $0x1, s3, s2, $0x2000b8;
	[tilespmem:$0x11400] =	vst v63  }
0xf2: {  	s4 =	simm.s32 @!p1 $0x7220  }
0xf3: {  	[tilespmem:s4], [sflag:$0x1] =	stream.indirect.gather @!p1 [hbm4b:s25+s2], $0x1, s3, s2, $0x2000b8;
	[tilespmem:$0x11400] =	vst v63  }
0xf4: {  	s4 =	simm.s32 @!p1 $0x7630  }
0xf5: {  	[tilespmem:s4], [sflag:$0x1] =	stream.indirect.gather @!p1 [hbm4b:s26+s2], $0x1, s3, s2, $0x2000b8;
	[tilespmem:$0x11400] =	vst v63  }
0xf6: {  	s4 =	simm.s32 @!p1 $0x7A40  }
0xf7: {  	[tilespmem:s4], [sflag:$0x1] =	stream.indirect.gather @!p1 [hbm4b:s16+s2], $0x1, s3, s2, $0x2000b8;
	[tilespmem:$0x11400] =	vst v63  }
0xf8: {  	s4 =	simm.s32 @!p1 $0x7E50  }
0xf9: {  	[tilespmem:s4], [sflag:$0x1] =	stream.indirect.gather @!p1 [hbm4b:s18+s2], $0x1, s3, s2, $0x2000b8;
	[tilespmem:$0x11400] =	vst v63  }
0xfa: {  	p2 =	slt.u32 @!p1 s1, $0x101;
	s4 =	simm.s32 @!p1 $0x8260  }
0xfb: {  	[tilespmem:s4], [sflag:$0x1] =	stream.indirect.gather @!p1 [hbm4b:s23+s2], $0x1, s3, s2, $0x2000b8;
	[tilespmem:$0x11400] =	vst v63  }
0xfc: {  	p1 =	por p1, p2  }
0xfd: {  	s2 =	simm.s32 @!p1 $0x80;
	s3 =	simm.s32 @!p1 $0x4100;
	s4 =	simm.s32 @!p1 $0x4A00  }
0xfe: {  	[tilespmem:s4], [sflag:$0x1] =	stream.indirect.gather @!p1 [hbm4b:s5+s2], $0x1, s3, s2, $0x2000b8;
	[tilespmem:$0x11400] =	vst v63  }
0xff: {  	s4 =	simm.s32 @!p1 $0x4E10  }
0x100: {  	[tilespmem:s4], [sflag:$0x1] =	stream.indirect.gather @!p1 [hbm4b:s6+s2], $0x1, s3, s2, $0x2000b8;
	[tilespmem:$0x11400] =	vst v63  }
0x101: {  	s4 =	simm.s32 @!p1 $0x5220  }
0x102: {  	[tilespmem:s4], [sflag:$0x1] =	stream.indirect.gather @!p1 [hbm4b:s7+s2], $0x1, s3, s2, $0x2000b8;
	[tilespmem:$0x11400] =	vst v63  }
0x103: {  	s4 =	simm.s32 @!p1 $0x5630  }
0x104: {  	[tilespmem:s4], [sflag:$0x1] =	stream.indirect.gather @!p1 [hbm4b:s8+s2], $0x1, s3, s2, $0x2000b8;
	[tilespmem:$0x11400] =	vst v63  }
0x105: {  	s4 =	simm.s32 @!p1 $0x5A40  }
0x106: {  	[tilespmem:s4], [sflag:$0x1] =	stream.indirect.gather @!p1 [hbm4b:s9+s2], $0x1, s3, s2, $0x2000b8;
	[tilespmem:$0x11400] =	vst v63  }
0x107: {  	s4 =	simm.s32 @!p1 $0x5E50  }
0x108: {  	[tilespmem:s4], [sflag:$0x1] =	stream.indirect.gather @!p1 [hbm4b:s10+s2], $0x1, s3, s2, $0x2000b8;
	[tilespmem:$0x11400] =	vst v63  }
0x109: {  	s4 =	simm.s32 @!p1 $0x6260  }
0x10a: {  	[tilespmem:s4], [sflag:$0x1] =	stream.indirect.gather @!p1 [hbm4b:s11+s2], $0x1, s3, s2, $0x2000b8;
	[tilespmem:$0x11400] =	vst v63  }
0x10b: {  	s4 =	simm.s32 @!p1 $0x6670  }
0x10c: {  	[tilespmem:s4], [sflag:$0x1] =	stream.indirect.gather @!p1 [hbm4b:s22+s2], $0x1, s3, s2, $0x2000b8;
	[tilespmem:$0x11400] =	vst v63  }
0x10d: {  	s4 =	simm.s32 @!p1 $0x6A80  }
0x10e: {  	[tilespmem:s4], [sflag:$0x1] =	stream.indirect.gather @!p1 [hbm4b:s12+s2], $0x1, s3, s2, $0x2000b8;
	[tilespmem:$0x11400] =	vst v63  }
0x10f: {  	s4 =	simm.s32 @!p1 $0x6E90  }
0x110: {  	[tilespmem:s4], [sflag:$0x1] =	stream.indirect.gather @!p1 [hbm4b:s13+s2], $0x1, s3, s2, $0x2000b8;
	[tilespmem:$0x11400] =	vst v63  }
0x111: {  	s4 =	simm.s32 @!p1 $0x72A0  }
0x112: {  	[tilespmem:s4], [sflag:$0x1] =	stream.indirect.gather @!p1 [hbm4b:s25+s2], $0x1, s3, s2, $0x2000b8;
	[tilespmem:$0x11400] =	vst v63  }
0x113: {  	s4 =	simm.s32 @!p1 $0x76B0  }
0x114: {  	[tilespmem:s4], [sflag:$0x1] =	stream.indirect.gather @!p1 [hbm4b:s26+s2], $0x1, s3, s2, $0x2000b8;
	[tilespmem:$0x11400] =	vst v63  }
0x115: {  	s4 =	simm.s32 @!p1 $0x7AC0  }
0x116: {  	[tilespmem:s4], [sflag:$0x1] =	stream.indirect.gather @!p1 [hbm4b:s16+s2], $0x1, s3, s2, $0x2000b8;
	[tilespmem:$0x11400] =	vst v63  }
0x117: {  	s4 =	simm.s32 @!p1 $0x7ED0  }
0x118: {  	[tilespmem:s4], [sflag:$0x1] =	stream.indirect.gather @!p1 [hbm4b:s18+s2], $0x1, s3, s2, $0x2000b8;
	[tilespmem:$0x11400] =	vst v63  }
0x119: {  	p2 =	slt.u32 @!p1 s1, $0x181;
	s4 =	simm.s32 @!p1 $0x82E0  }
0x11a: {  	[tilespmem:s4], [sflag:$0x1] =	stream.indirect.gather @!p1 [hbm4b:s23+s2], $0x1, s3, s2, $0x2000b8;
	[tilespmem:$0x11400] =	vst v63  }
0x11b: {  	p1 =	por p1, p2  }
0x11c: {  	s2 =	simm.s32 @!p1 $0x80;
	s3 =	simm.s32 @!p1 $0x4180;
	s4 =	simm.s32 @!p1 $0x4A80  }
0x11d: {  	[tilespmem:s4], [sflag:$0x1] =	stream.indirect.gather @!p1 [hbm4b:s5+s2], $0x1, s3, s2, $0x2000b8;
	[tilespmem:$0x11400] =	vst v63  }
0x11e: {  	s4 =	simm.s32 @!p1 $0x4E90  }
0x11f: {  	[tilespmem:s4], [sflag:$0x1] =	stream.indirect.gather @!p1 [hbm4b:s6+s2], $0x1, s3, s2, $0x2000b8;
	[tilespmem:$0x11400] =	vst v63  }
0x120: {  	s4 =	simm.s32 @!p1 $0x52A0  }
0x121: {  	[tilespmem:s4], [sflag:$0x1] =	stream.indirect.gather @!p1 [hbm4b:s7+s2], $0x1, s3, s2, $0x2000b8;
	[tilespmem:$0x11400] =	vst v63  }
0x122: {  	s4 =	simm.s32 @!p1 $0x56B0  }
0x123: {  	[tilespmem:s4], [sflag:$0x1] =	stream.indirect.gather @!p1 [hbm4b:s8+s2], $0x1, s3, s2, $0x2000b8;
	[tilespmem:$0x11400] =	vst v63  }
0x124: {  	s4 =	simm.s32 @!p1 $0x5AC0  }
0x125: {  	[tilespmem:s4], [sflag:$0x1] =	stream.indirect.gather @!p1 [hbm4b:s9+s2], $0x1, s3, s2, $0x2000b8;
	[tilespmem:$0x11400] =	vst v63  }
0x126: {  	s4 =	simm.s32 @!p1 $0x5ED0  }
0x127: {  	[tilespmem:s4], [sflag:$0x1] =	stream.indirect.gather @!p1 [hbm4b:s10+s2], $0x1, s3, s2, $0x2000b8;
	[tilespmem:$0x11400] =	vst v63  }
0x128: {  	s4 =	simm.s32 @!p1 $0x62E0  }
0x129: {  	[tilespmem:s4], [sflag:$0x1] =	stream.indirect.gather @!p1 [hbm4b:s11+s2], $0x1, s3, s2, $0x2000b8;
	[tilespmem:$0x11400] =	vst v63  }
0x12a: {  	s4 =	simm.s32 @!p1 $0x66F0  }
0x12b: {  	[tilespmem:s4], [sflag:$0x1] =	stream.indirect.gather @!p1 [hbm4b:s22+s2], $0x1, s3, s2, $0x2000b8;
	[tilespmem:$0x11400] =	vst v63  }
0x12c: {  	s4 =	simm.s32 @!p1 $0x6B00  }
0x12d: {  	[tilespmem:s4], [sflag:$0x1] =	stream.indirect.gather @!p1 [hbm4b:s12+s2], $0x1, s3, s2, $0x2000b8;
	[tilespmem:$0x11400] =	vst v63  }
0x12e: {  	s4 =	simm.s32 @!p1 $0x6F10  }
0x12f: {  	[tilespmem:s4], [sflag:$0x1] =	stream.indirect.gather @!p1 [hbm4b:s13+s2], $0x1, s3, s2, $0x2000b8;
	[tilespmem:$0x11400] =	vst v63  }
0x130: {  	s4 =	simm.s32 @!p1 $0x7320  }
0x131: {  	[tilespmem:s4], [sflag:$0x1] =	stream.indirect.gather @!p1 [hbm4b:s25+s2], $0x1, s3, s2, $0x2000b8;
	[tilespmem:$0x11400] =	vst v63  }
0x132: {  	s4 =	simm.s32 @!p1 $0x7730  }
0x133: {  	[tilespmem:s4], [sflag:$0x1] =	stream.indirect.gather @!p1 [hbm4b:s26+s2], $0x1, s3, s2, $0x2000b8;
	[tilespmem:$0x11400] =	vst v63  }
0x134: {  	s4 =	simm.s32 @!p1 $0x7B40  }
0x135: {  	[tilespmem:s4], [sflag:$0x1] =	stream.indirect.gather @!p1 [hbm4b:s16+s2], $0x1, s3, s2, $0x2000b8;
	[tilespmem:$0x11400] =	vst v63  }
0x136: {  	s4 =	simm.s32 @!p1 $0x7F50  }
0x137: {  	[tilespmem:s4], [sflag:$0x1] =	stream.indirect.gather @!p1 [hbm4b:s18+s2], $0x1, s3, s2, $0x2000b8;
	[tilespmem:$0x11400] =	vst v63  }
0x138: {  	p2 =	slt.u32 @!p1 s1, $0x201;
	s4 =	simm.s32 @!p1 $0x8360  }
0x139: {  	[tilespmem:s4], [sflag:$0x1] =	stream.indirect.gather @!p1 [hbm4b:s23+s2], $0x1, s3, s2, $0x2000b8;
	[tilespmem:$0x11400] =	vst v63  }
0x13a: {  	p1 =	por p1, p2  }
0x13b: {  	s2 =	simm.s32 @!p1 $0x80;
	s3 =	simm.s32 @!p1 $0x4200;
	s4 =	simm.s32 @!p1 $0x4B00  }
0x13c: {  	[tilespmem:s4], [sflag:$0x1] =	stream.indirect.gather @!p1 [hbm4b:s5+s2], $0x1, s3, s2, $0x2000b8;
	[tilespmem:$0x11400] =	vst v63  }
0x13d: {  	s4 =	simm.s32 @!p1 $0x4F10  }
0x13e: {  	[tilespmem:s4], [sflag:$0x1] =	stream.indirect.gather @!p1 [hbm4b:s6+s2], $0x1, s3, s2, $0x2000b8;
	[tilespmem:$0x11400] =	vst v63  }
0x13f: {  	s4 =	simm.s32 @!p1 $0x5320  }
0x140: {  	[tilespmem:s4], [sflag:$0x1] =	stream.indirect.gather @!p1 [hbm4b:s7+s2], $0x1, s3, s2, $0x2000b8;
	[tilespmem:$0x11400] =	vst v63  }
0x141: {  	s4 =	simm.s32 @!p1 $0x5730  }
0x142: {  	[tilespmem:s4], [sflag:$0x1] =	stream.indirect.gather @!p1 [hbm4b:s8+s2], $0x1, s3, s2, $0x2000b8;
	[tilespmem:$0x11400] =	vst v63  }
0x143: {  	s4 =	simm.s32 @!p1 $0x5B40  }
0x144: {  	[tilespmem:s4], [sflag:$0x1] =	stream.indirect.gather @!p1 [hbm4b:s9+s2], $0x1, s3, s2, $0x2000b8;
	[tilespmem:$0x11400] =	vst v63  }
0x145: {  	s4 =	simm.s32 @!p1 $0x5F50  }
0x146: {  	[tilespmem:s4], [sflag:$0x1] =	stream.indirect.gather @!p1 [hbm4b:s10+s2], $0x1, s3, s2, $0x2000b8;
	[tilespmem:$0x11400] =	vst v63  }
0x147: {  	s4 =	simm.s32 @!p1 $0x6360  }
0x148: {  	[tilespmem:s4], [sflag:$0x1] =	stream.indirect.gather @!p1 [hbm4b:s11+s2], $0x1, s3, s2, $0x2000b8;
	[tilespmem:$0x11400] =	vst v63  }
0x149: {  	s4 =	simm.s32 @!p1 $0x6770  }
0x14a: {  	[tilespmem:s4], [sflag:$0x1] =	stream.indirect.gather @!p1 [hbm4b:s22+s2], $0x1, s3, s2, $0x2000b8;
	[tilespmem:$0x11400] =	vst v63  }
0x14b: {  	s4 =	simm.s32 @!p1 $0x6B80  }
0x14c: {  	[tilespmem:s4], [sflag:$0x1] =	stream.indirect.gather @!p1 [hbm4b:s12+s2], $0x1, s3, s2, $0x2000b8;
	[tilespmem:$0x11400] =	vst v63  }
0x14d: {  	s4 =	simm.s32 @!p1 $0x6F90  }
0x14e: {  	[tilespmem:s4], [sflag:$0x1] =	stream.indirect.gather @!p1 [hbm4b:s13+s2], $0x1, s3, s2, $0x2000b8;
	[tilespmem:$0x11400] =	vst v63  }
0x14f: {  	s4 =	simm.s32 @!p1 $0x73A0  }
0x150: {  	[tilespmem:s4], [sflag:$0x1] =	stream.indirect.gather @!p1 [hbm4b:s25+s2], $0x1, s3, s2, $0x2000b8;
	[tilespmem:$0x11400] =	vst v63  }
0x151: {  	s4 =	simm.s32 @!p1 $0x77B0  }
0x152: {  	[tilespmem:s4], [sflag:$0x1] =	stream.indirect.gather @!p1 [hbm4b:s26+s2], $0x1, s3, s2, $0x2000b8;
	[tilespmem:$0x11400] =	vst v63  }
0x153: {  	s4 =	simm.s32 @!p1 $0x7BC0  }
0x154: {  	[tilespmem:s4], [sflag:$0x1] =	stream.indirect.gather @!p1 [hbm4b:s16+s2], $0x1, s3, s2, $0x2000b8;
	[tilespmem:$0x11400] =	vst v63  }
0x155: {  	s4 =	simm.s32 @!p1 $0x7FD0  }
0x156: {  	[tilespmem:s4], [sflag:$0x1] =	stream.indirect.gather @!p1 [hbm4b:s18+s2], $0x1, s3, s2, $0x2000b8;
	[tilespmem:$0x11400] =	vst v63  }
0x157: {  	p2 =	slt.u32 @!p1 s1, $0x281;
	s4 =	simm.s32 @!p1 $0x83E0  }
0x158: {  	[tilespmem:s4], [sflag:$0x1] =	stream.indirect.gather @!p1 [hbm4b:s23+s2], $0x1, s3, s2, $0x2000b8;
	[tilespmem:$0x11400] =	vst v63  }
0x159: {  	p1 =	por p1, p2  }
0x15a: {  	s2 =	simm.s32 @!p1 $0x80;
	s3 =	simm.s32 @!p1 $0x4280;
	s4 =	simm.s32 @!p1 $0x4B80  }
0x15b: {  	[tilespmem:s4], [sflag:$0x1] =	stream.indirect.gather @!p1 [hbm4b:s5+s2], $0x1, s3, s2, $0x2000b8;
	[tilespmem:$0x11400] =	vst v63  }
0x15c: {  	s4 =	simm.s32 @!p1 $0x4F90  }
0x15d: {  	[tilespmem:s4], [sflag:$0x1] =	stream.indirect.gather @!p1 [hbm4b:s6+s2], $0x1, s3, s2, $0x2000b8;
	[tilespmem:$0x11400] =	vst v63  }
0x15e: {  	s4 =	simm.s32 @!p1 $0x53A0  }
0x15f: {  	[tilespmem:s4], [sflag:$0x1] =	stream.indirect.gather @!p1 [hbm4b:s7+s2], $0x1, s3, s2, $0x2000b8;
	[tilespmem:$0x11400] =	vst v63  }
0x160: {  	s4 =	simm.s32 @!p1 $0x57B0  }
0x161: {  	[tilespmem:s4], [sflag:$0x1] =	stream.indirect.gather @!p1 [hbm4b:s8+s2], $0x1, s3, s2, $0x2000b8;
	[tilespmem:$0x11400] =	vst v63  }
0x162: {  	s4 =	simm.s32 @!p1 $0x5BC0  }
0x163: {  	[tilespmem:s4], [sflag:$0x1] =	stream.indirect.gather @!p1 [hbm4b:s9+s2], $0x1, s3, s2, $0x2000b8;
	[tilespmem:$0x11400] =	vst v63  }
0x164: {  	s4 =	simm.s32 @!p1 $0x5FD0  }
0x165: {  	[tilespmem:s4], [sflag:$0x1] =	stream.indirect.gather @!p1 [hbm4b:s10+s2], $0x1, s3, s2, $0x2000b8;
	[tilespmem:$0x11400] =	vst v63  }
0x166: {  	s4 =	simm.s32 @!p1 $0x63E0  }
0x167: {  	[tilespmem:s4], [sflag:$0x1] =	stream.indirect.gather @!p1 [hbm4b:s11+s2], $0x1, s3, s2, $0x2000b8;
	[tilespmem:$0x11400] =	vst v63  }
0x168: {  	s4 =	simm.s32 @!p1 $0x67F0  }
0x169: {  	[tilespmem:s4], [sflag:$0x1] =	stream.indirect.gather @!p1 [hbm4b:s22+s2], $0x1, s3, s2, $0x2000b8;
	[tilespmem:$0x11400] =	vst v63  }
0x16a: {  	s4 =	simm.s32 @!p1 $0x6C00  }
0x16b: {  	[tilespmem:s4], [sflag:$0x1] =	stream.indirect.gather @!p1 [hbm4b:s12+s2], $0x1, s3, s2, $0x2000b8;
	[tilespmem:$0x11400] =	vst v63  }
0x16c: {  	s4 =	simm.s32 @!p1 $0x7010  }
0x16d: {  	[tilespmem:s4], [sflag:$0x1] =	stream.indirect.gather @!p1 [hbm4b:s13+s2], $0x1, s3, s2, $0x2000b8;
	[tilespmem:$0x11400] =	vst v63  }
0x16e: {  	s4 =	simm.s32 @!p1 $0x7420  }
0x16f: {  	[tilespmem:s4], [sflag:$0x1] =	stream.indirect.gather @!p1 [hbm4b:s25+s2], $0x1, s3, s2, $0x2000b8;
	[tilespmem:$0x11400] =	vst v63  }
0x170: {  	s4 =	simm.s32 @!p1 $0x7830  }
0x171: {  	[tilespmem:s4], [sflag:$0x1] =	stream.indirect.gather @!p1 [hbm4b:s26+s2], $0x1, s3, s2, $0x2000b8;
	[tilespmem:$0x11400] =	vst v63  }
0x172: {  	s4 =	simm.s32 @!p1 $0x7C40  }
0x173: {  	[tilespmem:s4], [sflag:$0x1] =	stream.indirect.gather @!p1 [hbm4b:s16+s2], $0x1, s3, s2, $0x2000b8;
	[tilespmem:$0x11400] =	vst v63  }
0x174: {  	s4 =	simm.s32 @!p1 $0x8050  }
0x175: {  	[tilespmem:s4], [sflag:$0x1] =	stream.indirect.gather @!p1 [hbm4b:s18+s2], $0x1, s3, s2, $0x2000b8;
	[tilespmem:$0x11400] =	vst v63  }
0x176: {  	p2 =	slt.u32 @!p1 s1, $0x301;
	s4 =	simm.s32 @!p1 $0x8460  }
0x177: {  	[tilespmem:s4], [sflag:$0x1] =	stream.indirect.gather @!p1 [hbm4b:s23+s2], $0x1, s3, s2, $0x2000b8;
	[tilespmem:$0x11400] =	vst v63  }
0x178: {  	p1 =	por p1, p2  }
.Ltmp5:
0x179: {  	_ = 	snop;
	(pc) =	sbr.rel @p1 .LBB3_9-.Ltmp5, $3  }
0x17a: {  	_ =	sdelay $0x1  }
0x17b: {  	p2 =	slt.s32 s1, $0x400;
	s2 =	smov.u32 s1  }
0x17c: {  	s2 =	simm.s32 @!p2 $0x400  }
0x17d: {  	s6 =	rddreg [dreg:$0x1]  }
0x17e: {  	s4 =	simm.s32 $0x80;
	s5 =	simm.s32 $0x4300;
	s0 =	simm.s32 $0x4C00  }
0x17f: {  	[tilespmem:s0], [sflag:$0x1] =	stream.indirect.gather [hbm4b:s6+s4], $0x1, s5, s4, $0x2000b8;
	[tilespmem:$0x11400] =	vst v63  }
0x180: {  	s7 =	rddreg [dreg:$0x2];
	s10 =	simm.s32 $0x5010  }
0x181: {  	[tilespmem:s10], [sflag:$0x1] =	stream.indirect.gather [hbm4b:s7+s4], $0x1, s5, s4, $0x2000b8;
	[tilespmem:$0x11400] =	vst v63  }
0x182: {  	s8 =	rddreg [dreg:$0x3];
	s11 =	simm.s32 $0x5420  }
0x183: {  	[tilespmem:s11], [sflag:$0x1] =	stream.indirect.gather [hbm4b:s8+s4], $0x1, s5, s4, $0x2000b8;
	[tilespmem:$0x11400] =	vst v63  }
0x184: {  	s9 =	rddreg [dreg:$0x4];
	s18 =	simm.s32 $0x5830  }
0x185: {  	[tilespmem:s18], [sflag:$0x1] =	stream.indirect.gather [hbm4b:s9+s4], $0x1, s5, s4, $0x2000b8;
	[tilespmem:$0x11400] =	vst v63  }
0x186: {  	s22 =	simm.s32 $0x5C40;
	s10 =	rddreg [dreg:$0x5]  }
0x187: {  	[tilespmem:s22], [sflag:$0x1] =	stream.indirect.gather [hbm4b:s10+s4], $0x1, s5, s4, $0x2000b8;
	[tilespmem:$0x11400] =	vst v63  }
0x188: {  	s3 =	simm.s32 $0x6050;
	s11 =	rddreg [dreg:$0x6]  }
0x189: {  	[tilespmem:s3], [sflag:$0x1] =	stream.indirect.gather [hbm4b:s11+s4], $0x1, s5, s4, $0x2000b8;
	[tilespmem:$0x11400] =	vst v63  }
0x18a: {  	s18 =	simm.s32 $0x6460;
	s22 =	rddreg [dreg:$0x7]  }
0x18b: {  	[tilespmem:s18], [sflag:$0x1] =	stream.indirect.gather [hbm4b:s22+s4], $0x1, s5, s4, $0x2000b8;
	[tilespmem:$0x11400] =	vst v63  }
0x18c: {  	s3 =	simm.s32 $0x6870;
	s18 =	rddreg [dreg:$0x8]  }
0x18d: {  	[tilespmem:s3], [sflag:$0x1] =	stream.indirect.gather [hbm4b:s18+s4], $0x1, s5, s4, $0x2000b8;
	[tilespmem:$0x11400] =	vst v63  }
0x18e: {  	s3 =	simm.s32 $0x6C80  }
0x18f: {  	[tilespmem:s3], [sflag:$0x1] =	stream.indirect.gather [hbm4b:s12+s4], $0x1, s5, s4, $0x2000b8;
	[tilespmem:$0x11400] =	vst v63  }
0x190: {  	s3 =	simm.s32 $0x7090  }
0x191: {  	[tilespmem:s3], [sflag:$0x1] =	stream.indirect.gather [hbm4b:s13+s4], $0x1, s5, s4, $0x2000b8;
	[tilespmem:$0x11400] =	vst v63  }
0x192: {  	s3 =	simm.s32 $0x74A0  }
0x193: {  	[tilespmem:s3], [sflag:$0x1] =	stream.indirect.gather [hbm4b:s25+s4], $0x1, s5, s4, $0x2000b8;
	[tilespmem:$0x11400] =	vst v63  }
0x194: {  	s3 =	simm.s32 $0x78B0  }
0x195: {  	[tilespmem:s3], [sflag:$0x1] =	stream.indirect.gather [hbm4b:s26+s4], $0x1, s5, s4, $0x2000b8;
	[tilespmem:$0x11400] =	vst v63  }
0x196: {  	s3 =	simm.s32 $0x7CC0  }
0x197: {  	[tilespmem:s3], [sflag:$0x1] =	stream.indirect.gather [hbm4b:s16+s4], $0x1, s5, s4, $0x2000b8;
	[tilespmem:$0x11400] =	vst v63  }
0x198: {  	s0 =	smov.u32 s23;
	s23 =	rddreg [dreg:$0xe];
	s3 =	simm.s32 $0x80D0  }
0x199: {  	[tilespmem:s3], [sflag:$0x1] =	stream.indirect.gather [hbm4b:s23+s4], $0x1, s5, s4, $0x2000b8;
	[tilespmem:$0x11400] =	vst v63  }
0x19a: {  	p1 =	slt.u32 s1, $0x381;
	s3 =	simm.s32 $0x84E0  }
0x19b: {  	[tilespmem:s3], [sflag:$0x1] =	stream.indirect.gather [hbm4b:s0+s4], $0x1, s5, s4, $0x2000b8;
	[tilespmem:$0x11400] =	vst v63  }
0x19c: {  	s3 =	simm.s32 @!p1 $0x80;
	s4 =	simm.s32 @!p1 $0x4380;
	s5 =	simm.s32 @!p1 $0x4C80  }
0x19d: {  	[tilespmem:s5], [sflag:$0x1] =	stream.indirect.gather @!p1 [hbm4b:s6+s3], $0x1, s4, s3, $0x2000b8;
	[tilespmem:$0x11400] =	vst v63  }
0x19e: {  	s5 =	simm.s32 @!p1 $0x5090  }
0x19f: {  	[tilespmem:s5], [sflag:$0x1] =	stream.indirect.gather @!p1 [hbm4b:s7+s3], $0x1, s4, s3, $0x2000b8;
	[tilespmem:$0x11400] =	vst v63  }
0x1a0: {  	s5 =	simm.s32 @!p1 $0x54A0  }
0x1a1: {  	[tilespmem:s5], [sflag:$0x1] =	stream.indirect.gather @!p1 [hbm4b:s8+s3], $0x1, s4, s3, $0x2000b8;
	[tilespmem:$0x11400] =	vst v63  }
0x1a2: {  	s5 =	simm.s32 @!p1 $0x58B0  }
0x1a3: {  	[tilespmem:s5], [sflag:$0x1] =	stream.indirect.gather @!p1 [hbm4b:s9+s3], $0x1, s4, s3, $0x2000b8;
	[tilespmem:$0x11400] =	vst v63  }
0x1a4: {  	s5 =	simm.s32 @!p1 $0x5CC0  }
0x1a5: {  	[tilespmem:s5], [sflag:$0x1] =	stream.indirect.gather @!p1 [hbm4b:s10+s3], $0x1, s4, s3, $0x2000b8;
	[tilespmem:$0x11400] =	vst v63  }
0x1a6: {  	s5 =	simm.s32 @!p1 $0x60D0  }
0x1a7: {  	[tilespmem:s5], [sflag:$0x1] =	stream.indirect.gather @!p1 [hbm4b:s11+s3], $0x1, s4, s3, $0x2000b8;
	[tilespmem:$0x11400] =	vst v63  }
0x1a8: {  	s5 =	simm.s32 @!p1 $0x64E0  }
0x1a9: {  	[tilespmem:s5], [sflag:$0x1] =	stream.indirect.gather @!p1 [hbm4b:s22+s3], $0x1, s4, s3, $0x2000b8;
	[tilespmem:$0x11400] =	vst v63  }
0x1aa: {  	s5 =	simm.s32 @!p1 $0x68F0  }
0x1ab: {  	[tilespmem:s5], [sflag:$0x1] =	stream.indirect.gather @!p1 [hbm4b:s18+s3], $0x1, s4, s3, $0x2000b8;
	[tilespmem:$0x11400] =	vst v63  }
0x1ac: {  	s5 =	simm.s32 @!p1 $0x6D00  }
0x1ad: {  	[tilespmem:s5], [sflag:$0x1] =	stream.indirect.gather @!p1 [hbm4b:s12+s3], $0x1, s4, s3, $0x2000b8;
	[tilespmem:$0x11400] =	vst v63  }
0x1ae: {  	s5 =	simm.s32 @!p1 $0x7110  }
0x1af: {  	[tilespmem:s5], [sflag:$0x1] =	stream.indirect.gather @!p1 [hbm4b:s13+s3], $0x1, s4, s3, $0x2000b8;
	[tilespmem:$0x11400] =	vst v63  }
0x1b0: {  	s5 =	simm.s32 @!p1 $0x7520  }
0x1b1: {  	[tilespmem:s5], [sflag:$0x1] =	stream.indirect.gather @!p1 [hbm4b:s25+s3], $0x1, s4, s3, $0x2000b8;
	[tilespmem:$0x11400] =	vst v63  }
0x1b2: {  	s5 =	simm.s32 @!p1 $0x7930  }
0x1b3: {  	[tilespmem:s5], [sflag:$0x1] =	stream.indirect.gather @!p1 [hbm4b:s26+s3], $0x1, s4, s3, $0x2000b8;
	[tilespmem:$0x11400] =	vst v63  }
0x1b4: {  	s5 =	simm.s32 @!p1 $0x7D40  }
0x1b5: {  	[tilespmem:s5], [sflag:$0x1] =	stream.indirect.gather @!p1 [hbm4b:s16+s3], $0x1, s4, s3, $0x2000b8;
	[tilespmem:$0x11400] =	vst v63  }
0x1b6: {  	s5 =	simm.s32 @!p1 $0x8150  }
0x1b7: {  	[tilespmem:s5], [sflag:$0x1] =	stream.indirect.gather @!p1 [hbm4b:s23+s3], $0x1, s4, s3, $0x2000b8;
	[tilespmem:$0x11400] =	vst v63  }
0x1b8: {  	s23 =	smov.u32 s0;
	s5 =	simm.s32 @!p1 $0x8560  }
0x1b9: {  	[tilespmem:s5], [sflag:$0x1] =	stream.indirect.gather @!p1 [hbm4b:s0+s3], $0x1, s4, s3, $0x2000b8;
	[tilespmem:$0x11400] =	vst v63  }
.LBB3_9:
0x1ba: {  	s3 =	sadd.s32 $0x7F, s2  }
0x1bb: {  	s4 =	sand.u32 $0x7F, s3  }
0x1bc: {  	p1 =	slt.s32 s1, $0xFFFFFF82;
	s5 =	sshra.s32 s3, $0x1F;
	p2 =	sne.s32 s4, $0x0  }
0x1bd: {  	s22 =	sshrl.u32 s5, $0x19;
	p1 =	por !p1, !p2  }
0x1be: {  	s4 =	simm.s32 $0x1;
	s3 =	sadd.s32 s22, s3;
	p1 =	por !p1, !p1  }
0x1bf: {  	s3 =	sshra.s32 s3, $0x7;
	s4 =	simm.s32 @!p1 $0x0  }
0x1c0: {  	s3 =	ssub.s32 s3, s4  }
0x1c1: {  	p1 =	slt.s32 s3, $0x1  }
.Ltmp6:
0x1c2: {  	_ = 	snop;
	(pc) =	sbr.rel @p1 .LBB3_13-.Ltmp6, $2  }
0x1c3: {  	_ =	sdelay $0x2  }
0x1c4: {  	s0 =	simm.s32 $0x2  }
0x1c5: {  	s3 =	smul.u32 $0xF, s3;
	_ =	sdelay $0x1  }
0x1c6: {  	p1 =	sne.s32 s3, $0x1  }
.Ltmp7:
0x1c7: {  	_ = 	snop;
	(pc) =	sbr.rel @!p1 .LBB3_12-.Ltmp7, $3  }
0x1c8: {  	_ =	sdelay $0x1  }
0x1c9: {  	_ =	swait.ge [sflag:s24], $0x80  }
0x1ca: {  	[sflag:s24] =	ssyncset.done $0x0;
	s3 =	sadd.s32 $0xFFFFFFFF, s3  }
.LBB3_11:
0x1cb: {  	p1 =	sne.s32 s3, $0x1;
	s3 =	sadd.s32 $0xFFFFFFFF, s3;
	[sflag:s24] =	ssyncadd.s32 $0xFFFFFF80  }
.Ltmp8:
0x1cc: {  	(pc) =	sbr.rel @p1 .LBB3_11-.Ltmp8, $3  }
0x1cd: {  	_ =	sdelay $0x1  }
0x1ce: {  	_ =	swait.ge [sflag:s24], $0x80  }
0x1cf: {  	[sflag:s24] =	ssyncset.done $0x0  }
.LBB3_12:
0x1d0: {  	[sflag:s24] =	ssyncadd.s32 $0xFFFFFF80  }
.LBB3_13:
0x1d1: {  	s2 =	sadd.s32 $0xF, s2  }
0x1d2: {  	s3 =	sand.u32 $0xF, s2  }
0x1d3: {  	p1 =	slt.s32 s1, $0xFFFFFFF2;
	s4 =	sshra.s32 s2, $0x1F;
	p2 =	sne.s32 s3, $0x0  }
.Ltmp9:
0x1d4: {  	s22 =	sshrl.u32 s4, $0x1C;
	p1 =	por !p1, !p2;
	(pc) =	sbr.rel .LBB3_14-.Ltmp9, $4  }
0x1d5: {  	s1 =	sadd.s32 s22, s2;
	s2 =	simm.s32 $0x1;
	p1 =	por !p1, !p1  }
0x1d6: {  	_ =	strace $0x90000049;
	s1 =	sshra.s32 s1, $0x4;
	s2 =	simm.s32 @!p1 $0x0  }
0x1d7: {  	_ =	strace $0x8000004A;
	s3 =	simm.s32 $0x0;
	s22 =	ssub.s32 s1, s2  }
0x1d8: {  	s2 =	simm.s32 $0x0;
	s1 =	simm.s32 $0x0;
	p1 =	slt.s32 s22, $0x1  }
.LBB3_45:
0x1d9: {  	s3 =	simm.s32 $0x0  }
.LBB3_56:
0x1da: {  	s1 =	sadd.s32 $0x1, s1  }
0x1db: {  	p2 =	sne.s32 s1, $0xF  }
.Ltmp10:
0x1dc: {  	_ = 	snop;
	(pc) =	sbr.rel @!p2 .LBB3_57-.Ltmp10, $3  }
0x1dd: {  	_ =	sdelay $0x1  }
0x1de: {  	s4 =	sadd.s32 s19, s4  }
0x1df: {  	[hbm4b:s4+s28] =	stream.strided.scatter [tilespmem:s30], [sflag:$0x3], $0x4000, s29, s28, $0x200038;
	[tilespmem:$0x11400] =	vst v63  }
.LBB3_14:
0x1e0: {  	p2 =	seq.s32 s1, $0x0  }
.Ltmp11:
0x1e1: {  	_ = 	snop;
	(pc) =	sbr.rel @p2 .LBB3_23-.Ltmp11, $1  }
0x1e2: {  	_ =	sdelay $0x3  }
0x1e3: {  	p3 =	sgt.u32 s2, $0x40  }
.Ltmp12:
0x1e4: {  	_ = 	snop;
	(pc) =	sbr.rel @p3 .LBB3_20-.Ltmp12, $4  }
0x1e5: {  	_ = 	snop  }
0x1e6: {  	_ =	swait.ge [sflag:s0], $0x4000  }
0x1e7: {  	[sflag:s0] =	ssyncset.done $0x0  }
0x1e8: {  	s4 =	simm.s32 $0x0;
	[sflag:s0] =	ssyncadd.s32 $0xFFFFC000  }
0x1e9: {  	p3 =	seq.s32 s2, $0x0  }
.Ltmp13:
0x1ea: {  	_ = 	snop;
	(pc) =	sbr.rel @p3 .LBB3_23-.Ltmp13, $2  }
0x1eb: {  	_ =	sdelay $0x2  }
0x1ec: {  	s4 =	simm.s32 $0x11300  }
0x1ed: {  	p3 =	seq.s32 s2, $0x1  }
.Ltmp14:
0x1ee: {  	_ = 	snop;
	(pc) =	sbr.rel @p3 .LBB3_19-.Ltmp14, $2  }
0x1ef: {  	_ =	sdelay $0x2  }
0x1f0: {  	v11 =	vld.msk [tilespmem:s4+$0x0 ss:$0x0], $0xffff;
	s2 =	sadd.s32 $0xFFFFFFFF, s2  }
.LBB3_18:
0x1f1: {  	p3 =	seq.s32 s2, $0x1;
	_ =	sdelay $0x4  }
0x1f2: {  	v12 =	vshll.u32 v11, $0x3  }
0x1f3: {  	v11 =	vand.u32 $0x7F, v11;
	v12 =	vand.u32 $0xFFFFFC00, v12  }
0x1f4: {  	v11 =	vor.u32 v11, v12  }
0x1f5: {  	v11 =	vadd.s32 v10, v11;
	_ =	sdelay $0x1  }
.Ltmp15:
0x1f6: {  	(pc) =	sbr.rel @!p3 .LBB3_18-.Ltmp15, $3  }
0x1f7: {  	_ =	sdelay $0x1  }
0x1f8: {  	s4 =	sadd.s32 $0x1, s4;
	[tilespmem:v11+s14+$0x0] =	vst.idx.msk $0xffff, v8  }
0x1f9: {  	s2 =	sadd.s32 $0xFFFFFFFF, s2;
	v11 =	vld.msk [tilespmem:s4+$0x0 ss:$0x0], $0xffff  }
.LBB3_19:
0x1fa: {  	_ =	sdelay $0x3  }
0x1fb: {  	v12 =	vshll.u32 v11, $0x3  }
0x1fc: {  	v11 =	vand.u32 $0x7F, v11;
	v12 =	vand.u32 $0xFFFFFC00, v12  }
0x1fd: {  	v11 =	vor.u32 v11, v12  }
0x1fe: {  	v11 =	vadd.s32 v10, v11  }
.Ltmp16:
0x1ff: {  	_ = 	snop;
	(pc) =	sbr.rel .LBB3_23-.Ltmp16, $2  }
0x200: {  	_ =	sdelay $0x2  }
0x201: {  	[tilespmem:v11+s14+$0x0] =	vst.idx.msk $0xffff, v8  }
.LBB3_20:
0x202: {  	s2 =	sand.u32 $0x70, s4;
	s5 =	sand.u32 $0x1C00, s4  }
0x203: {  	s2 =	sor.u32 s2, s5  }
0x204: {  	[tilespmem:s2+$0x8A80] =	vst v8  }
0x205: {  	[tilespmem:s2+$0x8B00] =	vst v8  }
0x206: {  	[tilespmem:s2+$0x8B80] =	vst v8  }
0x207: {  	[tilespmem:s2+$0x8C00] =	vst v8  }
0x208: {  	[tilespmem:s2+$0x8C80] =	vst v8  }
0x209: {  	s6 =	sor.u32 s4, s4;
	s5 =	sadd.s32 $0x10, s4;
	[tilespmem:s2+$0x8D00] =	vst v8  }
.LBB3_21:
0x20a: {  	p3 =	sne.s32 s5, $0x3F0;
	[tilespmem:s2+$0x8A00] =	vst v8;
	s6 =	sor.u32 $0x380, s6  }
0x20b: {  	[tilespmem:s6+$0x8A00] =	vst v8  }
0x20c: {  	[tilespmem:s2+$0xAA00] =	vst v8  }
0x20d: {  	[tilespmem:s2+$0xAA80] =	vst v8  }
0x20e: {  	[tilespmem:s2+$0xAB00] =	vst v8  }
0x20f: {  	[tilespmem:s2+$0xAB80] =	vst v8  }
0x210: {  	[tilespmem:s2+$0xAC00] =	vst v8  }
0x211: {  	s4 =	sadd.s32 $0x80, s4;
	[tilespmem:s2+$0xAC80] =	vst v8  }
0x212: {  	s6 =	sand.u32 $0x70, s5;
	s7 =	sand.u32 $0x1C00, s4;
	[tilespmem:s2+$0xAD00] =	vst v8  }
0x213: {  	[tilespmem:s2+$0xAD80] =	vst v8;
	s2 =	sor.u32 s6, s7  }
0x214: {  	[tilespmem:s2+$0x8A80] =	vst v8  }
.Ltmp17:
0x215: {  	[tilespmem:s2+$0x8B00] =	vst v8;
	(pc) =	sbr.rel @p3 .LBB3_21-.Ltmp17, $4  }
0x216: {  	[tilespmem:s2+$0x8B80] =	vst v8  }
0x217: {  	[tilespmem:s2+$0x8C00] =	vst v8  }
0x218: {  	[tilespmem:s2+$0x8C80] =	vst v8  }
0x219: {  	s6 =	sor.u32 s4, s5;
	s5 =	sadd.s32 $0x10, s5;
	[tilespmem:s2+$0x8D00] =	vst v8  }
0x21a: {  	[tilespmem:s2+$0x8A00] =	vst v8;
	s4 =	sor.u32 $0x380, s6  }
0x21b: {  	[tilespmem:s4+$0x8A00] =	vst v8  }
0x21c: {  	[tilespmem:s2+$0xAA00] =	vst v8  }
0x21d: {  	[tilespmem:s2+$0xAA80] =	vst v8  }
0x21e: {  	[tilespmem:s2+$0xAB00] =	vst v8  }
0x21f: {  	[tilespmem:s2+$0xAB80] =	vst v8  }
0x220: {  	[tilespmem:s2+$0xAC00] =	vst v8  }
0x221: {  	[tilespmem:s2+$0xAC80] =	vst v8  }
0x222: {  	[tilespmem:s2+$0xAD00] =	vst v8  }
0x223: {  	[tilespmem:s2+$0xAD80] =	vst v8  }
.LBB3_23:
.Ltmp18:
0x224: {  	(pc) =	sbr.rel @p1 .LBB3_24-.Ltmp18, $3  }
0x225: {  	_ =	sdelay $0x1  }
0x226: {  	s4 =	sshll.u32 s1, $0xB  }
0x227: {  	s5 =	sadd.s32 s20, s4  }
0x228: {  	p4 =	seq.s32 s22, $0x1  }
.Ltmp19:
0x229: {  	_ = 	snop;
	(pc) =	sbr.rel @p4 .LBB3_28-.Ltmp19, $3  }
0x22a: {  	_ =	sdelay $0x1  }
0x22b: {  	s2 =	sadd.s32 $0x400, s5;
	s18 =	simm.s32 $0x4480  }
0x22c: {  	v11 =	vmov s5;
	s6 =	simm.s32 $0x0;
	p3 =	por $0x0, $0x0;
	v12 =	vmov s2;
	v13 =	vld [tilespmem:s18+$0x0];
	s2 =	sadd.s32 $0xFFFFFFFF, s22  }
0x22d: {  	_ =	sdelay $0x3  }
0x22e: {  	vm0 =	vge.s32 v13, v11;
	vm1 =	vlt.s32 v13, v12  }
0x22f: {  	vm0 =	vmand vm0, vm1  }
0x230: {  	v15 =	vmpcnt.ones.xlane vm0;
	_ =	sdelay $0x1  }
0x231: {  	(v2sf) =	vpush v15, $0x0;
	_ =	sdelay $0x1  }
0x232: {  	p4 =	seq.s32 s2, $0x1  }
.Ltmp20:
0x233: {  	_ = 	snop;
	(pc) =	sbr.rel @p4 .LBB3_30-.Ltmp20, $4  }
0x234: {  	v14 =	vor.u32 s6, v4  }
0x235: {  	[tilespmem:s6+$0x10A00] =	vst.msk vm0, v14  }
0x236: {  	s8 =	simm.s32 $0x4490;
	s9 =	sadd.s32 $0xFFFFFFFF, s2;
	[tilespmem:s6+$0x10E80] =	vst.msk vm0, v13  }
0x237: {  	p3 =	por $0x1, $0x1;
	s2 =	simm.s32 $0x0;
	s7 =	simm.s32 $0x0;
	v13 =	vld [tilespmem:s8+$0x0]  }
.LBB3_31:
0x238: {  	p4 =	seq.s32 s9, $0x1;
	_ =	sdelay $0x3  }
0x239: {  	vm0 =	vge.s32 v13, v11;
	vm1 =	vlt.s32 v13, v12  }
0x23a: {  	vm0 =	vmand vm0, vm1  }
0x23b: {  	v14 =	vmpcnt.ones.xlane vm0  }
0x23c: {  	s2 =	sadd.s32 $0x10, s2;
	s10 =	spop (v2sf)  }
0x23d: {  	v15 =	vor.u32 s2, v4;
	(v2sf) =	vpush v14, $0x0;
	s7 =	sadd.s32 s7, s10  }
0x23e: {  	[tilespmem:s7+$0x10A00] =	vst.msk vm0, v15  }
0x23f: {  	[tilespmem:s7+$0x10E80] =	vst.msk vm0, v13  }
.Ltmp21:
0x240: {  	(pc) =	sbr.rel @!p4 .LBB3_31-.Ltmp21, $3  }
0x241: {  	_ =	sdelay $0x1  }
0x242: {  	s8 =	sadd.s32 $0x10, s8  }
0x243: {  	s9 =	sadd.s32 $0xFFFFFFFF, s9;
	v13 =	vld [tilespmem:s8+$0x0]  }
.LBB3_32:
0x244: {  	_ =	sdelay $0x3  }
0x245: {  	vm0 =	vge.s32 v13, v11;
	vm1 =	vlt.s32 v13, v12  }
0x246: {  	vm0 =	vmand vm0, vm1  }
0x247: {  	v11 =	vmpcnt.ones.xlane vm0;
	_ =	sdelay $0x1  }
0x248: {  	(v2sf) =	vpush v11, $0x0;
	_ =	sdelay $0xb  }
0x249: {  	s2 =	sadd.s32 @p3 $0x10, s2;
	s9 =	simm.s32 $0x0;
	s8 =	spop @p3 (v2sf)  }
0x24a: {  	s9 =	smov.u32 @p3 s2;
	s2 =	sadd.s32 @p3 s7, s8  }
0x24b: {  	v11 =	vor.u32 s9, v4;
	s6 =	smov.u32 @p3 s2  }
0x24c: {  	[tilespmem:s6+$0x10A00] =	vst.msk vm0, v11;
	s7 =	spop (v2sf)  }
0x24d: {  	[tilespmem:s6+$0x10E80] =	vst.msk vm0, v13;
	s2 =	sadd.s32 s6, s7  }
0x24e: {  	p3 =	slt.s32 s2, $0x1  }
.Ltmp22:
0x24f: {  	_ = 	snop;
	(pc) =	sbr.rel @p3 .LBB3_26-.Ltmp22, $1  }
0x250: {  	_ =	sdelay $0x3  }
0x251: {  	s9 =	simm.s32 $0x10E80  }
0x252: {  	v11 =	vld [tilespmem:s9+$0x0];
	_ =	sdelay $0x4  }
0x253: {  	(v2sf) =	vpush v11, $0x0;
	_ =	sdelay $0x9  }
0x254: {  	s6 =	sadd.s32 s6, s7;
	s7 =	simm.s32 $0x10A00  }
0x255: {  	v11 =	vld.msk [tilespmem:s7+$0x0 ss:$0x0], $0xffff;
	_ =	sdelay $0x3  }
0x256: {  	s18 =	spop (v2sf)  }
0x257: {  	v11 =	vadd.s32 v9, v11;
	s9 =	ssub.s32 s18, s5  }
0x258: {  	v12 =	vmov s9  }
0x259: {  	v13 =	vshll.u32 v12, $0x3  }
0x25a: {  	v14 =	vand.u32 $0x7F, v12;
	v13 =	vand.u32 $0xFFFFFC00, v13  }
0x25b: {  	s8 =	simm.s32 $0x0;
	p3 =	por $0x1, $0x1;
	v13 =	vor.u32 v14, v13  }
0x25c: {  	s8 =	simm.s32 @!p3 $0x3F;
	v11 =	vld.idx.msk [tilespmem:v11+s31+$0x0], $0xffff;
	v13 =	vadd.s32 v10, v13  }
0x25d: {  	p3 =	sne.s32 s6, $0x1;
	v63 =	vmov s8  }
.Ltmp23:
0x25e: {  	_ = 	snop;
	(pc) =	sbr.rel @!p3 .LBB3_35-.Ltmp23, $3  }
0x25f: {  	_ =	sdelay $0x1  }
0x260: {  	[tilespmem:v13+s14+$0x0] =	vst.idx.msk $0xffff, v11  }
0x261: {  	s8 =	simm.s32 $0x1;
	s9 =	simm.s32 $0x10E81;
	[tilespmem:v63+s17+$0x0] =	vst.idx.msk $0x1, v12  }
.LBB3_34:
0x262: {  	v11 =	vld [tilespmem:s9+$0x0];
	s10 =	smov.u32 s8  }
0x263: {  	s8 =	sadd.s32 $0x1, s8  }
0x264: {  	p3 =	sne.s32 s6, s8;
	_ =	sdelay $0x2  }
0x265: {  	(v2sf) =	vpush v11, $0x0;
	_ =	sdelay $0x7  }
0x266: {  	s7 =	sadd.s32 $0x1, s7  }
0x267: {  	v11 =	vld.msk [tilespmem:s7+$0x0 ss:$0x0], $0xffff;
	_ =	sdelay $0x5  }
0x268: {  	v11 =	vadd.s32 v9, v11;
	s11 =	spop (v2sf)  }
0x269: {  	s11 =	ssub.s32 s11, s5  }
0x26a: {  	v12 =	vmov s11  }
0x26b: {  	v13 =	vshll.u32 v12, $0x3  }
0x26c: {  	v14 =	vand.u32 $0x7F, v12;
	v13 =	vand.u32 $0xFFFFFC00, v13  }
0x26d: {  	p4 =	slt.s32 s10, $0x3F;
	v11 =	vld.idx.msk [tilespmem:v11+s31+$0x0], $0xffff;
	v13 =	vor.u32 v14, v13  }
0x26e: {  	s10 =	simm.s32 @!p4 $0x3F;
	v13 =	vadd.s32 v10, v13  }
0x26f: {  	v14 =	vmov s10  }
.Ltmp24:
0x270: {  	(pc) =	sbr.rel @p3 .LBB3_34-.Ltmp24, $3  }
0x271: {  	_ =	sdelay $0x1  }
0x272: {  	[tilespmem:v13+s14+$0x0] =	vst.idx.msk $0xffff, v11  }
0x273: {  	s9 =	sadd.s32 $0x1, s9;
	[tilespmem:v14+s17+$0x0] =	vst.idx.msk $0x1, v12  }
.Ltmp25:
0x274: {  	_ = 	snop;
	(pc) =	sbr.rel .LBB3_35-.Ltmp25, $1  }
0x275: {  	_ =	sdelay $0x3  }
.LBB3_24:
.Ltmp26:
0x276: {  	(pc) =	sbr.rel .LBB3_35-.Ltmp26, $2  }
0x277: {  	_ =	sdelay $0x2  }
0x278: {  	s2 =	simm.s32 $0x0  }
.LBB3_26:
0x279: {  	s2 =	simm.s32 $0x0  }
.LBB3_35:
.Ltmp27:
0x27a: {  	(pc) =	sbr.rel @p2 .LBB3_44-.Ltmp27, $3  }
0x27b: {  	_ =	sdelay $0x1  }
0x27c: {  	s5 =	sadd.s32 s19, s5  }
0x27d: {  	[hbm4b:s5+s28] =	stream.strided.scatter [tilespmem:s14], [sflag:$0x2], $0x4000, s29, s28, $0x200038;
	[tilespmem:$0x11400] =	vst v63  }
0x27e: {  	p2 =	sgt.u32 s3, $0x40  }
.Ltmp28:
0x27f: {  	_ = 	snop;
	(pc) =	sbr.rel @p2 .LBB3_41-.Ltmp28, $4  }
0x280: {  	_ = 	snop  }
0x281: {  	_ =	swait.ge [sflag:s15], $0x4000  }
0x282: {  	[sflag:s15] =	ssyncset.done $0x0  }
0x283: {  	s5 =	simm.s32 $0x0;
	[sflag:s15] =	ssyncadd.s32 $0xFFFFC000  }
0x284: {  	p2 =	seq.s32 s3, $0x0  }
.Ltmp29:
0x285: {  	_ = 	snop;
	(pc) =	sbr.rel @p2 .LBB3_44-.Ltmp29, $2  }
0x286: {  	_ =	sdelay $0x2  }
0x287: {  	s5 =	simm.s32 $0x11340  }
0x288: {  	p2 =	seq.s32 s3, $0x1  }
.Ltmp30:
0x289: {  	_ = 	snop;
	(pc) =	sbr.rel @p2 .LBB3_40-.Ltmp30, $2  }
0x28a: {  	_ =	sdelay $0x2  }
0x28b: {  	v11 =	vld.msk [tilespmem:s5+$0x0 ss:$0x0], $0xffff;
	s3 =	sadd.s32 $0xFFFFFFFF, s3  }
.LBB3_39:
0x28c: {  	p2 =	seq.s32 s3, $0x1;
	_ =	sdelay $0x4  }
0x28d: {  	v12 =	vshll.u32 v11, $0x3  }
0x28e: {  	v11 =	vand.u32 $0x7F, v11;
	v12 =	vand.u32 $0xFFFFFC00, v12  }
0x28f: {  	v11 =	vor.u32 v11, v12  }
0x290: {  	v11 =	vadd.s32 v10, v11;
	_ =	sdelay $0x1  }
.Ltmp31:
0x291: {  	(pc) =	sbr.rel @!p2 .LBB3_39-.Ltmp31, $3  }
0x292: {  	_ =	sdelay $0x1  }
0x293: {  	s5 =	sadd.s32 $0x1, s5;
	[tilespmem:v11+s30+$0x0] =	vst.idx.msk $0xffff, v8  }
0x294: {  	s3 =	sadd.s32 $0xFFFFFFFF, s3;
	v11 =	vld.msk [tilespmem:s5+$0x0 ss:$0x0], $0xffff  }
.LBB3_40:
0x295: {  	_ =	sdelay $0x3  }
0x296: {  	v12 =	vshll.u32 v11, $0x3  }
0x297: {  	v11 =	vand.u32 $0x7F, v11;
	v12 =	vand.u32 $0xFFFFFC00, v12  }
0x298: {  	v11 =	vor.u32 v11, v12  }
0x299: {  	v11 =	vadd.s32 v10, v11  }
.Ltmp32:
0x29a: {  	_ = 	snop;
	(pc) =	sbr.rel .LBB3_44-.Ltmp32, $2  }
0x29b: {  	_ =	sdelay $0x2  }
0x29c: {  	[tilespmem:v11+s30+$0x0] =	vst.idx.msk $0xffff, v8  }
.LBB3_41:
0x29d: {  	s3 =	sand.u32 $0x70, s5;
	s6 =	sand.u32 $0x1C00, s5  }
0x29e: {  	s3 =	sor.u32 s3, s6  }
0x29f: {  	[tilespmem:s3+$0xCA80] =	vst v8  }
0x2a0: {  	[tilespmem:s3+$0xCB00] =	vst v8  }
0x2a1: {  	[tilespmem:s3+$0xCB80] =	vst v8  }
0x2a2: {  	[tilespmem:s3+$0xCC00] =	vst v8  }
0x2a3: {  	[tilespmem:s3+$0xCC80] =	vst v8  }
0x2a4: {  	s7 =	sor.u32 s5, s5;
	s6 =	sadd.s32 $0x10, s5;
	[tilespmem:s3+$0xCD00] =	vst v8  }
.LBB3_42:
0x2a5: {  	p2 =	sne.s32 s6, $0x3F0;
	[tilespmem:s3+$0xCA00] =	vst v8;
	s7 =	sor.u32 $0x380, s7  }
0x2a6: {  	[tilespmem:s7+$0xCA00] =	vst v8  }
0x2a7: {  	[tilespmem:s3+$0xEA00] =	vst v8  }
0x2a8: {  	[tilespmem:s3+$0xEA80] =	vst v8  }
0x2a9: {  	[tilespmem:s3+$0xEB00] =	vst v8  }
0x2aa: {  	[tilespmem:s3+$0xEB80] =	vst v8  }
0x2ab: {  	[tilespmem:s3+$0xEC00] =	vst v8  }
0x2ac: {  	s5 =	sadd.s32 $0x80, s5;
	[tilespmem:s3+$0xEC80] =	vst v8  }
0x2ad: {  	s7 =	sand.u32 $0x70, s6;
	s8 =	sand.u32 $0x1C00, s5;
	[tilespmem:s3+$0xED00] =	vst v8  }
0x2ae: {  	[tilespmem:s3+$0xED80] =	vst v8;
	s3 =	sor.u32 s7, s8  }
0x2af: {  	[tilespmem:s3+$0xCA80] =	vst v8  }
.Ltmp33:
0x2b0: {  	[tilespmem:s3+$0xCB00] =	vst v8;
	(pc) =	sbr.rel @p2 .LBB3_42-.Ltmp33, $4  }
0x2b1: {  	[tilespmem:s3+$0xCB80] =	vst v8  }
0x2b2: {  	[tilespmem:s3+$0xCC00] =	vst v8  }
0x2b3: {  	[tilespmem:s3+$0xCC80] =	vst v8  }
0x2b4: {  	s7 =	sor.u32 s5, s6;
	s6 =	sadd.s32 $0x10, s6;
	[tilespmem:s3+$0xCD00] =	vst v8  }
0x2b5: {  	[tilespmem:s3+$0xCA00] =	vst v8;
	s5 =	sor.u32 $0x380, s7  }
0x2b6: {  	[tilespmem:s5+$0xCA00] =	vst v8  }
0x2b7: {  	[tilespmem:s3+$0xEA00] =	vst v8  }
0x2b8: {  	[tilespmem:s3+$0xEA80] =	vst v8  }
0x2b9: {  	[tilespmem:s3+$0xEB00] =	vst v8  }
0x2ba: {  	[tilespmem:s3+$0xEB80] =	vst v8  }
0x2bb: {  	[tilespmem:s3+$0xEC00] =	vst v8  }
0x2bc: {  	[tilespmem:s3+$0xEC80] =	vst v8  }
0x2bd: {  	[tilespmem:s3+$0xED00] =	vst v8  }
0x2be: {  	[tilespmem:s3+$0xED80] =	vst v8  }
.LBB3_44:
.Ltmp34:
0x2bf: {  	(pc) =	sbr.rel @p1 .LBB3_45-.Ltmp34, $3  }
0x2c0: {  	_ =	sdelay $0x1  }
0x2c1: {  	s3 =	sor.u32 $0x400, s4  }
0x2c2: {  	s4 =	sadd.s32 s20, s3  }
0x2c3: {  	p3 =	seq.s32 s22, $0x1  }
.Ltmp35:
0x2c4: {  	_ = 	snop;
	(pc) =	sbr.rel @p3 .LBB3_49-.Ltmp35, $3  }
0x2c5: {  	_ =	sdelay $0x1  }
0x2c6: {  	s3 =	sadd.s32 $0x400, s4;
	s18 =	simm.s32 $0x4480  }
0x2c7: {  	v11 =	vmov s4;
	s5 =	simm.s32 $0x0;
	p2 =	por $0x0, $0x0;
	v12 =	vmov s3;
	v13 =	vld [tilespmem:s18+$0x0];
	s3 =	sadd.s32 $0xFFFFFFFF, s22  }
0x2c8: {  	_ =	sdelay $0x3  }
0x2c9: {  	vm0 =	vge.s32 v13, v11;
	vm1 =	vlt.s32 v13, v12  }
0x2ca: {  	vm0 =	vmand vm0, vm1  }
0x2cb: {  	v15 =	vmpcnt.ones.xlane vm0;
	_ =	sdelay $0x1  }
0x2cc: {  	(v2sf) =	vpush v15, $0x0;
	_ =	sdelay $0x1  }
0x2cd: {  	p3 =	seq.s32 s3, $0x1  }
.Ltmp36:
0x2ce: {  	_ = 	snop;
	(pc) =	sbr.rel @p3 .LBB3_51-.Ltmp36, $4  }
0x2cf: {  	v14 =	vor.u32 s5, v4  }
0x2d0: {  	[tilespmem:s5+$0x10A00] =	vst.msk vm0, v14  }
0x2d1: {  	s7 =	simm.s32 $0x4490;
	s8 =	sadd.s32 $0xFFFFFFFF, s3;
	[tilespmem:s5+$0x10E80] =	vst.msk vm0, v13  }
0x2d2: {  	p2 =	por $0x1, $0x1;
	s3 =	simm.s32 $0x0;
	s6 =	simm.s32 $0x0;
	v13 =	vld [tilespmem:s7+$0x0]  }
.LBB3_52:
0x2d3: {  	p3 =	seq.s32 s8, $0x1;
	_ =	sdelay $0x3  }
0x2d4: {  	vm0 =	vge.s32 v13, v11;
	vm1 =	vlt.s32 v13, v12  }
0x2d5: {  	vm0 =	vmand vm0, vm1  }
0x2d6: {  	v14 =	vmpcnt.ones.xlane vm0  }
0x2d7: {  	s3 =	sadd.s32 $0x10, s3;
	s9 =	spop (v2sf)  }
0x2d8: {  	v15 =	vor.u32 s3, v4;
	(v2sf) =	vpush v14, $0x0;
	s6 =	sadd.s32 s6, s9  }
0x2d9: {  	[tilespmem:s6+$0x10A00] =	vst.msk vm0, v15  }
0x2da: {  	[tilespmem:s6+$0x10E80] =	vst.msk vm0, v13  }
.Ltmp37:
0x2db: {  	(pc) =	sbr.rel @!p3 .LBB3_52-.Ltmp37, $3  }
0x2dc: {  	_ =	sdelay $0x1  }
0x2dd: {  	s7 =	sadd.s32 $0x10, s7  }
0x2de: {  	s8 =	sadd.s32 $0xFFFFFFFF, s8;
	v13 =	vld [tilespmem:s7+$0x0]  }
.LBB3_53:
0x2df: {  	_ =	sdelay $0x3  }
0x2e0: {  	vm0 =	vge.s32 v13, v11;
	vm1 =	vlt.s32 v13, v12  }
0x2e1: {  	vm0 =	vmand vm0, vm1  }
0x2e2: {  	v11 =	vmpcnt.ones.xlane vm0;
	_ =	sdelay $0x1  }
0x2e3: {  	(v2sf) =	vpush v11, $0x0;
	_ =	sdelay $0xb  }
0x2e4: {  	s3 =	sadd.s32 @p2 $0x10, s3;
	s8 =	simm.s32 $0x0;
	s7 =	spop @p2 (v2sf)  }
0x2e5: {  	s8 =	smov.u32 @p2 s3;
	s3 =	sadd.s32 @p2 s6, s7  }
0x2e6: {  	v11 =	vor.u32 s8, v4;
	s5 =	smov.u32 @p2 s3  }
0x2e7: {  	[tilespmem:s5+$0x10A00] =	vst.msk vm0, v11;
	s6 =	spop (v2sf)  }
0x2e8: {  	[tilespmem:s5+$0x10E80] =	vst.msk vm0, v13;
	s3 =	sadd.s32 s5, s6  }
0x2e9: {  	p2 =	slt.s32 s3, $0x1  }
.Ltmp38:
0x2ea: {  	_ = 	snop;
	(pc) =	sbr.rel @p2 .LBB3_47-.Ltmp38, $1  }
0x2eb: {  	_ =	sdelay $0x3  }
0x2ec: {  	s8 =	simm.s32 $0x10E80  }
0x2ed: {  	v11 =	vld [tilespmem:s8+$0x0];
	_ =	sdelay $0x4  }
0x2ee: {  	(v2sf) =	vpush v11, $0x0;
	_ =	sdelay $0x9  }
0x2ef: {  	s5 =	sadd.s32 s5, s6;
	s6 =	simm.s32 $0x10A00  }
0x2f0: {  	v11 =	vld.msk [tilespmem:s6+$0x0 ss:$0x0], $0xffff;
	_ =	sdelay $0x3  }
0x2f1: {  	s18 =	spop (v2sf)  }
0x2f2: {  	v11 =	vadd.s32 v9, v11;
	s8 =	ssub.s32 s18, s4  }
0x2f3: {  	v12 =	vmov s8  }
0x2f4: {  	v13 =	vshll.u32 v12, $0x3  }
0x2f5: {  	s7 =	simm.s32 $0x0;
	p2 =	por $0x1, $0x1;
	v14 =	vand.u32 $0x7F, v12;
	v13 =	vand.u32 $0xFFFFFC00, v13  }
0x2f6: {  	s7 =	simm.s32 @!p2 $0x3F;
	v13 =	vor.u32 v14, v13  }
0x2f7: {  	s7 =	sor.u32 $0x40, s7;
	v11 =	vld.idx.msk [tilespmem:v11+s31+$0x0], $0xffff;
	v13 =	vadd.s32 v10, v13  }
0x2f8: {  	p2 =	sne.s32 s5, $0x1;
	v63 =	vmov s7  }
.Ltmp39:
0x2f9: {  	_ = 	snop;
	(pc) =	sbr.rel @!p2 .LBB3_56-.Ltmp39, $3  }
0x2fa: {  	_ =	sdelay $0x1  }
0x2fb: {  	[tilespmem:v13+s30+$0x0] =	vst.idx.msk $0xffff, v11  }
0x2fc: {  	s7 =	simm.s32 $0x1;
	s8 =	simm.s32 $0x10E81;
	[tilespmem:v63+s17+$0x0] =	vst.idx.msk $0x1, v12  }
.LBB3_55:
0x2fd: {  	v11 =	vld [tilespmem:s8+$0x0];
	s9 =	smov.u32 s7  }
0x2fe: {  	s7 =	sadd.s32 $0x1, s7  }
0x2ff: {  	p2 =	sne.s32 s5, s7;
	_ =	sdelay $0x2  }
0x300: {  	(v2sf) =	vpush v11, $0x0;
	_ =	sdelay $0x7  }
0x301: {  	s6 =	sadd.s32 $0x1, s6  }
0x302: {  	v11 =	vld.msk [tilespmem:s6+$0x0 ss:$0x0], $0xffff;
	_ =	sdelay $0x5  }
0x303: {  	v11 =	vadd.s32 v9, v11;
	s10 =	spop (v2sf)  }
0x304: {  	s10 =	ssub.s32 s10, s4  }
0x305: {  	v12 =	vmov s10  }
0x306: {  	v13 =	vshll.u32 v12, $0x3  }
0x307: {  	p3 =	slt.s32 s9, $0x3F;
	v14 =	vand.u32 $0x7F, v12;
	v13 =	vand.u32 $0xFFFFFC00, v13  }
0x308: {  	s9 =	simm.s32 @!p3 $0x3F;
	v11 =	vld.idx.msk [tilespmem:v11+s31+$0x0], $0xffff;
	v13 =	vor.u32 v14, v13  }
0x309: {  	s9 =	sor.u32 $0x40, s9;
	v13 =	vadd.s32 v10, v13  }
0x30a: {  	v14 =	vmov s9  }
.Ltmp40:
0x30b: {  	(pc) =	sbr.rel @p2 .LBB3_55-.Ltmp40, $3  }
0x30c: {  	_ =	sdelay $0x1  }
0x30d: {  	[tilespmem:v13+s30+$0x0] =	vst.idx.msk $0xffff, v11  }
0x30e: {  	s8 =	sadd.s32 $0x1, s8;
	[tilespmem:v14+s17+$0x0] =	vst.idx.msk $0x1, v12  }
.Ltmp41:
0x30f: {  	_ = 	snop;
	(pc) =	sbr.rel .LBB3_56-.Ltmp41, $1  }
0x310: {  	_ =	sdelay $0x3  }
.LBB3_47:
.Ltmp42:
0x311: {  	(pc) =	sbr.rel .LBB3_56-.Ltmp42, $2  }
0x312: {  	_ =	sdelay $0x2  }
0x313: {  	s3 =	simm.s32 $0x0  }
.LBB3_28:
.Ltmp43:
0x314: {  	(pc) =	sbr.rel .LBB3_32-.Ltmp43, $2  }
0x315: {  	_ =	sdelay $0x2  }
0x316: {  	s2 =	simm.s32 $0x0;
	s7 =	simm.s32 $0x0  }
.LBB3_49:
.Ltmp44:
0x317: {  	(pc) =	sbr.rel .LBB3_53-.Ltmp44, $2  }
0x318: {  	_ =	sdelay $0x2  }
0x319: {  	s3 =	simm.s32 $0x0;
	s6 =	simm.s32 $0x0  }
.LBB3_30:
.Ltmp45:
0x31a: {  	(pc) =	sbr.rel .LBB3_32-.Ltmp45, $2  }
0x31b: {  	_ =	sdelay $0x2  }
0x31c: {  	s2 =	simm.s32 $0x0;
	s7 =	simm.s32 $0x0  }
.LBB3_51:
.Ltmp46:
0x31d: {  	(pc) =	sbr.rel .LBB3_53-.Ltmp46, $2  }
0x31e: {  	_ =	sdelay $0x2  }
0x31f: {  	s3 =	simm.s32 $0x0;
	s6 =	simm.s32 $0x0  }
.LBB3_57:
0x320: {  	p1 =	sgt.u32 s2, $0x40  }
.Ltmp47:
0x321: {  	_ = 	snop;
	(pc) =	sbr.rel @p1 .LBB3_62-.Ltmp47, $4  }
0x322: {  	_ =	strace $0x9000004A  }
0x323: {  	_ =	swait.ge [sflag:s0], $0x4000  }
0x324: {  	[sflag:s0] =	ssyncset.done $0x0  }
0x325: {  	s3 =	simm.s32 $0x0;
	[sflag:s0] =	ssyncadd.s32 $0xFFFFC000  }
0x326: {  	p1 =	seq.s32 s2, $0x0  }
.Ltmp48:
0x327: {  	_ = 	snop;
	(pc) =	sbr.rel @p1 .LBB3_65-.Ltmp48, $2  }
0x328: {  	_ =	sdelay $0x2  }
0x329: {  	s1 =	simm.s32 $0x11300  }
0x32a: {  	p1 =	seq.s32 s2, $0x1  }
.Ltmp49:
0x32b: {  	_ = 	snop;
	(pc) =	sbr.rel @p1 .LBB3_61-.Ltmp49, $2  }
0x32c: {  	_ =	sdelay $0x2  }
0x32d: {  	v11 =	vld.msk [tilespmem:s1+$0x0 ss:$0x0], $0xffff;
	s2 =	sadd.s32 $0xFFFFFFFF, s2  }
.LBB3_60:
0x32e: {  	p1 =	seq.s32 s2, $0x1;
	_ =	sdelay $0x4  }
0x32f: {  	v12 =	vshll.u32 v11, $0x3  }
0x330: {  	v11 =	vand.u32 $0x7F, v11;
	v12 =	vand.u32 $0xFFFFFC00, v12  }
0x331: {  	v11 =	vor.u32 v11, v12  }
0x332: {  	v11 =	vadd.s32 v10, v11;
	_ =	sdelay $0x1  }
.Ltmp50:
0x333: {  	(pc) =	sbr.rel @!p1 .LBB3_60-.Ltmp50, $3  }
0x334: {  	_ =	sdelay $0x1  }
0x335: {  	s1 =	sadd.s32 $0x1, s1;
	[tilespmem:v11+s14+$0x0] =	vst.idx.msk $0xffff, v8  }
0x336: {  	s2 =	sadd.s32 $0xFFFFFFFF, s2;
	v11 =	vld.msk [tilespmem:s1+$0x0 ss:$0x0], $0xffff  }
.LBB3_61:
0x337: {  	_ =	sdelay $0x3  }
0x338: {  	v12 =	vshll.u32 v11, $0x3  }
0x339: {  	v11 =	vand.u32 $0x7F, v11;
	v12 =	vand.u32 $0xFFFFFC00, v12  }
0x33a: {  	v11 =	vor.u32 v11, v12  }
0x33b: {  	v11 =	vadd.s32 v10, v11  }
.Ltmp51:
0x33c: {  	_ = 	snop;
	(pc) =	sbr.rel .LBB3_65-.Ltmp51, $2  }
0x33d: {  	_ =	sdelay $0x2  }
0x33e: {  	[tilespmem:v11+s14+$0x0] =	vst.idx.msk $0xffff, v8  }
.LBB3_62:
0x33f: {  	s1 =	sand.u32 $0x70, s3;
	s2 =	sand.u32 $0x1C00, s3  }
0x340: {  	s1 =	sor.u32 s1, s2  }
0x341: {  	[tilespmem:s1+$0x8A80] =	vst v8  }
0x342: {  	[tilespmem:s1+$0x8B00] =	vst v8  }
0x343: {  	[tilespmem:s1+$0x8B80] =	vst v8  }
0x344: {  	[tilespmem:s1+$0x8C00] =	vst v8  }
0x345: {  	[tilespmem:s1+$0x8C80] =	vst v8  }
0x346: {  	s4 =	sor.u32 s3, s3;
	s2 =	sadd.s32 $0x10, s3;
	[tilespmem:s1+$0x8D00] =	vst v8  }
.LBB3_63:
0x347: {  	p1 =	sne.s32 s2, $0x3F0;
	[tilespmem:s1+$0x8A00] =	vst v8;
	s4 =	sor.u32 $0x380, s4  }
0x348: {  	[tilespmem:s4+$0x8A00] =	vst v8  }
0x349: {  	[tilespmem:s1+$0xAA00] =	vst v8  }
0x34a: {  	[tilespmem:s1+$0xAA80] =	vst v8  }
0x34b: {  	[tilespmem:s1+$0xAB00] =	vst v8  }
0x34c: {  	[tilespmem:s1+$0xAB80] =	vst v8  }
0x34d: {  	[tilespmem:s1+$0xAC00] =	vst v8  }
0x34e: {  	s3 =	sadd.s32 $0x80, s3;
	[tilespmem:s1+$0xAC80] =	vst v8  }
0x34f: {  	s4 =	sand.u32 $0x70, s2;
	s5 =	sand.u32 $0x1C00, s3;
	[tilespmem:s1+$0xAD00] =	vst v8  }
0x350: {  	[tilespmem:s1+$0xAD80] =	vst v8;
	s1 =	sor.u32 s4, s5  }
0x351: {  	[tilespmem:s1+$0x8A80] =	vst v8  }
.Ltmp52:
0x352: {  	[tilespmem:s1+$0x8B00] =	vst v8;
	(pc) =	sbr.rel @p1 .LBB3_63-.Ltmp52, $4  }
0x353: {  	[tilespmem:s1+$0x8B80] =	vst v8  }
0x354: {  	[tilespmem:s1+$0x8C00] =	vst v8  }
0x355: {  	[tilespmem:s1+$0x8C80] =	vst v8  }
0x356: {  	s4 =	sor.u32 s3, s2;
	s2 =	sadd.s32 $0x10, s2;
	[tilespmem:s1+$0x8D00] =	vst v8  }
0x357: {  	[tilespmem:s1+$0x8A00] =	vst v8;
	s2 =	sor.u32 $0x380, s4  }
0x358: {  	[tilespmem:s2+$0x8A00] =	vst v8  }
0x359: {  	[tilespmem:s1+$0xAA00] =	vst v8  }
0x35a: {  	[tilespmem:s1+$0xAA80] =	vst v8  }
0x35b: {  	[tilespmem:s1+$0xAB00] =	vst v8  }
0x35c: {  	[tilespmem:s1+$0xAB80] =	vst v8  }
0x35d: {  	[tilespmem:s1+$0xAC00] =	vst v8  }
0x35e: {  	[tilespmem:s1+$0xAC80] =	vst v8  }
0x35f: {  	[tilespmem:s1+$0xAD00] =	vst v8  }
0x360: {  	[tilespmem:s1+$0xAD80] =	vst v8  }
.LBB3_65:
0x361: {  	p1 =	sgt.s32 s22, $0x0  }
.Ltmp53:
0x362: {  	_ = 	snop;
	(pc) =	sbr.rel @!p1 .LBB3_72-.Ltmp53, $2  }
0x363: {  	_ =	sdelay $0x2  }
0x364: {  	s4 =	rddreg [dreg:$0x12]  }
0x365: {  	p2 =	seq.s32 s22, $0x1  }
.Ltmp54:
0x366: {  	_ = 	snop;
	(pc) =	sbr.rel @p2 .LBB3_67-.Ltmp54, $3  }
0x367: {  	_ =	sdelay $0x1  }
0x368: {  	s2 =	simm.s32 $0x4480  }
0x369: {  	s1 =	simm.s32 $0x0;
	p1 =	por $0x0, $0x0;
	v11 =	vld [tilespmem:s2+$0x0];
	s2 =	sadd.s32 $0xFFFFFFFF, s22  }
0x36a: {  	_ =	sdelay $0x3  }
0x36b: {  	vm0 =	vge.s32 v11, v3;
	vm1 =	vlt.s32 v11, v1  }
0x36c: {  	vm0 =	vmand vm0, vm1  }
0x36d: {  	v13 =	vmpcnt.ones.xlane vm0;
	_ =	sdelay $0x1  }
0x36e: {  	(v2sf) =	vpush v13, $0x0;
	_ =	sdelay $0x1  }
0x36f: {  	p2 =	seq.s32 s2, $0x1  }
.Ltmp55:
0x370: {  	_ = 	snop;
	(pc) =	sbr.rel @p2 .LBB3_75-.Ltmp55, $4  }
0x371: {  	v12 =	vor.u32 s1, v4  }
0x372: {  	[tilespmem:s1+$0x10A00] =	vst.msk vm0, v12  }
0x373: {  	s4 =	simm.s32 $0x4490;
	s5 =	sadd.s32 $0xFFFFFFFF, s2;
	[tilespmem:s1+$0x10E80] =	vst.msk vm0, v11  }
0x374: {  	p1 =	por $0x1, $0x1;
	s2 =	simm.s32 $0x0;
	s3 =	simm.s32 $0x0;
	v11 =	vld [tilespmem:s4+$0x0]  }
.LBB3_76:
0x375: {  	p2 =	seq.s32 s5, $0x1;
	_ =	sdelay $0x3  }
0x376: {  	vm0 =	vge.s32 v11, v3;
	vm1 =	vlt.s32 v11, v1  }
0x377: {  	vm0 =	vmand vm0, vm1  }
0x378: {  	v12 =	vmpcnt.ones.xlane vm0  }
0x379: {  	s2 =	sadd.s32 $0x10, s2;
	s6 =	spop (v2sf)  }
0x37a: {  	v13 =	vor.u32 s2, v4;
	(v2sf) =	vpush v12, $0x0;
	s3 =	sadd.s32 s3, s6  }
0x37b: {  	[tilespmem:s3+$0x10A00] =	vst.msk vm0, v13  }
0x37c: {  	[tilespmem:s3+$0x10E80] =	vst.msk vm0, v11  }
.Ltmp56:
0x37d: {  	(pc) =	sbr.rel @!p2 .LBB3_76-.Ltmp56, $3  }
0x37e: {  	_ =	sdelay $0x1  }
0x37f: {  	s4 =	sadd.s32 $0x10, s4  }
0x380: {  	s5 =	sadd.s32 $0xFFFFFFFF, s5;
	v11 =	vld [tilespmem:s4+$0x0]  }
.LBB3_77:
0x381: {  	_ =	sdelay $0x3  }
0x382: {  	vm0 =	vge.s32 v11, v3;
	vm1 =	vlt.s32 v11, v1  }
0x383: {  	vm0 =	vmand vm0, vm1  }
0x384: {  	v12 =	vmpcnt.ones.xlane vm0;
	_ =	sdelay $0x1  }
0x385: {  	(v2sf) =	vpush v12, $0x0;
	_ =	sdelay $0xb  }
0x386: {  	s2 =	sadd.s32 @p1 $0x10, s2;
	s5 =	simm.s32 $0x0;
	s4 =	spop @p1 (v2sf)  }
0x387: {  	s5 =	smov.u32 @p1 s2;
	s2 =	sadd.s32 @p1 s3, s4  }
0x388: {  	v63 =	vor.u32 s5, v4;
	s1 =	smov.u32 @p1 s2  }
0x389: {  	[tilespmem:s1+$0x10A00] =	vst.msk vm0, v63;
	s22 =	spop (v2sf)  }
0x38a: {  	[tilespmem:s1+$0x10E80] =	vst.msk vm0, v11;
	s1 =	sadd.s32 s1, s22  }
0x38b: {  	p1 =	slt.s32 s1, $0x1  }
.Ltmp57:
0x38c: {  	_ = 	snop;
	(pc) =	sbr.rel @p1 .LBB3_72-.Ltmp57, $2  }
0x38d: {  	_ =	sdelay $0x2  }
0x38e: {  	s4 =	rddreg [dreg:$0x12]  }
0x38f: {  	s4 =	simm.s32 $0x10E80  }
0x390: {  	v11 =	vld [tilespmem:s4+$0x0];
	_ =	sdelay $0x4  }
0x391: {  	(v2sf) =	vpush v11, $0x0;
	_ =	sdelay $0x9  }
0x392: {  	s2 =	simm.s32 $0x10A00  }
0x393: {  	v11 =	vld.msk [tilespmem:s2+$0x0 ss:$0x0], $0xffff;
	_ =	sdelay $0x3  }
0x394: {  	s22 =	spop (v2sf)  }
0x395: {  	v11 =	vadd.s32 v9, v11;
	s4 =	ssub.s32 s22, s21  }
0x396: {  	v12 =	vmov s4  }
0x397: {  	v13 =	vshll.u32 v12, $0x3  }
0x398: {  	v14 =	vand.u32 $0x7F, v12;
	v13 =	vand.u32 $0xFFFFFC00, v13  }
0x399: {  	s3 =	simm.s32 $0x0;
	p1 =	por $0x1, $0x1;
	v13 =	vor.u32 v14, v13  }
0x39a: {  	s3 =	simm.s32 @!p1 $0x3F;
	v11 =	vld.idx.msk [tilespmem:v11+s31+$0x0], $0xffff;
	v13 =	vadd.s32 v10, v13  }
0x39b: {  	p1 =	sne.s32 s1, $0x1;
	v63 =	vmov s3  }
.Ltmp58:
0x39c: {  	_ = 	snop;
	(pc) =	sbr.rel @!p1 .LBB3_71-.Ltmp58, $3  }
0x39d: {  	_ =	sdelay $0x1  }
0x39e: {  	[tilespmem:v13+s14+$0x0] =	vst.idx.msk $0xffff, v11  }
0x39f: {  	s3 =	simm.s32 $0x1;
	s4 =	simm.s32 $0x10E81;
	[tilespmem:v63+s17+$0x0] =	vst.idx.msk $0x1, v12  }
.LBB3_70:
0x3a0: {  	v11 =	vld [tilespmem:s4+$0x0];
	s5 =	smov.u32 s3  }
0x3a1: {  	s3 =	sadd.s32 $0x1, s3  }
0x3a2: {  	p1 =	sne.s32 s1, s3;
	_ =	sdelay $0x2  }
0x3a3: {  	(v2sf) =	vpush v11, $0x0;
	_ =	sdelay $0x7  }
0x3a4: {  	s2 =	sadd.s32 $0x1, s2  }
0x3a5: {  	v11 =	vld.msk [tilespmem:s2+$0x0 ss:$0x0], $0xffff;
	_ =	sdelay $0x5  }
0x3a6: {  	v11 =	vadd.s32 v9, v11;
	s6 =	spop (v2sf)  }
0x3a7: {  	s6 =	ssub.s32 s6, s21  }
0x3a8: {  	v12 =	vmov s6  }
0x3a9: {  	v13 =	vshll.u32 v12, $0x3  }
0x3aa: {  	v14 =	vand.u32 $0x7F, v12;
	v13 =	vand.u32 $0xFFFFFC00, v13  }
0x3ab: {  	p2 =	slt.s32 s5, $0x3F;
	v11 =	vld.idx.msk [tilespmem:v11+s31+$0x0], $0xffff;
	v13 =	vor.u32 v14, v13  }
0x3ac: {  	s5 =	simm.s32 @!p2 $0x3F;
	v13 =	vadd.s32 v10, v13  }
0x3ad: {  	v14 =	vmov s5  }
.Ltmp59:
0x3ae: {  	(pc) =	sbr.rel @p1 .LBB3_70-.Ltmp59, $3  }
0x3af: {  	_ =	sdelay $0x1  }
0x3b0: {  	[tilespmem:v13+s14+$0x0] =	vst.idx.msk $0xffff, v11  }
0x3b1: {  	s4 =	sadd.s32 $0x1, s4;
	[tilespmem:v14+s17+$0x0] =	vst.idx.msk $0x1, v12  }
.Ltmp60:
0x3b2: {  	_ = 	snop;
	(pc) =	sbr.rel .LBB3_71-.Ltmp60, $1  }
0x3b3: {  	_ =	sdelay $0x3  }
.LBB3_67:
.Ltmp61:
0x3b4: {  	(pc) =	sbr.rel .LBB3_77-.Ltmp61, $2  }
0x3b5: {  	_ =	sdelay $0x2  }
0x3b6: {  	s2 =	simm.s32 $0x0;
	s3 =	simm.s32 $0x0  }
.LBB3_75:
.Ltmp62:
0x3b7: {  	(pc) =	sbr.rel .LBB3_77-.Ltmp62, $2  }
0x3b8: {  	_ =	sdelay $0x2  }
0x3b9: {  	s2 =	simm.s32 $0x0;
	s3 =	simm.s32 $0x0  }
.LBB3_73:
0x3ba: {  	_ =	sfence.sel $0x180000  }
0x3bb: {  	[bflag:$0x0] =	sbarrier.arrive $0xFFFF  }
0x3bc: {  	_ =	strace $0x90000047  }
0x3bd: {  	s0 =	stileid.u32;
	[bflag:$0x2] =	sbarrier.arrive $0xFFFF  }
0x3be: {  	p0 =	sne.s32 s0, $0x0;
	s0 =	rddreg [dreg:$0xf]  }
0x3bf: {  	s0 =	sadd.s32 @!p0 $0x100000, s0  }
0x3c0: {  	[sflag:s0] =	ssyncadd.tile.s32 @!p0 $0x1;
	_ =	shalt  }
.Lfunc_end3:
_tile_overlayer_lowered:
.L_overlay_start_3:
0x3c1: {  	(tag) =	ssettag $0x3  }
0x3c2: {  	s0 =	rddreg [dreg:$0x0];
	s2 =	stileid.u32  }
0x3c3: {  	s1 =	rddreg [dreg:$0x1];
	p0 =	sne.s32 s2, $0x0  }
0x3c4: {  	s3 =	rddreg [dreg:$0x2];
	[bflag:$0x3] =	sbarrier.arrive $0xFFFF;
	s2 =	simm.s32 @!p0 $0x1C04  }
0x3c5: {  	[timem:s3], [sflag:s2] =	dma.local @!p0 [hbm:s0], s1  }
0x3c6: {  	s0 =	simm.s32 @!p0 $0x4  }
0x3c7: {  	_ =	swait.ge @!p0 [sflag:s0], s1  }
0x3c8: {  	s1 =	ssub.s32 @!p0 $0x0, s1;
	[sflag:s0] =	ssyncset.done @!p0 $0x0  }
0x3c9: {  	[sflag:s0] =	ssyncadd.s32 @!p0 s1  }
0x3ca: {  	[bflag:$0x3] =	sbarrier.arrive $0xFFFF  }
0x3cb: {  	_ =	shalt  }

</sc_bundles>
